<compile_context>
chip_gen: v7x
topology: tpu7x:2x2x1
jax: 0.10.2.dev20260603
libtpu: 0.0.44.dev20260713+nightly
codegen_flags: <defaults>
</compile_context>

<pallas_src>
import functools

import jax
import jax.numpy as jnp
from jax import lax
from jax.experimental import pallas as pl
from jax.experimental.pallas import tpu as pltpu
from jax.experimental.pallas import tpu_sc as plsc

D = 2048
F = 1408
E = 16
SF = 5632
T = 2048

B = 256
NB = 32
NSLOTS = NB * B

NEG_INF = -1e30


def _router_body(x_ref, gw_ref, sgw_ref,
                 p0_ref, p1_ref, w0_ref, w1_ref, sig_ref, bexp_ref, valid_ref,
                 nv_ref):
    x = x_ref[...]
    logits = jnp.dot(x, gw_ref[...], preferred_element_type=jnp.float32)
    m = jnp.max(logits, axis=-1, keepdims=True)
    p = jnp.exp(logits - m)
    p = p / jnp.sum(p, axis=-1, keepdims=True)
    lane = lax.broadcasted_iota(jnp.int32, (T, E), 1)
    p1v = jnp.max(p, axis=-1, keepdims=True)
    e0 = jnp.min(jnp.where(p == p1v, lane, E), axis=-1, keepdims=True)
    pm = jnp.where(lane == e0, NEG_INF, p)
    p2v = jnp.max(pm, axis=-1, keepdims=True)
    e1 = jnp.min(jnp.where(pm == p2v, lane, E), axis=-1, keepdims=True)
    s = p1v + p2v
    w0_ref[...] = p1v / s
    w1_ref[...] = p2v / s

    mask = (jnp.where(lane == e0, 1.0, 0.0) + jnp.where(lane == e1, 1.0, 0.0))
    r_t = lax.broadcasted_iota(jnp.int32, (T, T), 0)
    c_t = lax.broadcasted_iota(jnp.int32, (T, T), 1)
    lt = jnp.where(c_t < r_t, 1.0, 0.0)
    ranks = jnp.dot(lt, mask, preferred_element_type=jnp.float32)

    counts = jnp.sum(mask, axis=0, keepdims=True)
    nb = jnp.floor((counts + (B - 1.0)) * (1.0 / B))
    laneE = lax.broadcasted_iota(jnp.int32, (1, E), 1)
    r_e = lax.broadcasted_iota(jnp.int32, (E, E), 0)
    c_e = lax.broadcasted_iota(jnp.int32, (E, E), 1)
    lt16 = jnp.where(r_e < c_e, 1.0, 0.0)
    bstart = jnp.dot(nb, lt16, preferred_element_type=jnp.float32)
    bend = bstart + nb
    off = bstart * float(B)

    sel0 = jnp.where(lane == e0, 1.0, 0.0)
    sel1 = jnp.where(lane == e1, 1.0, 0.0)
    p0 = jnp.sum(sel0 * (off + ranks), axis=-1, keepdims=True)
    p1 = jnp.sum(sel1 * (off + ranks), axis=-1, keepdims=True)
    p0_ref[...] = p0.astype(jnp.int32)
    p1_ref[...] = p1.astype(jnp.int32)

    bi = lax.broadcasted_iota(jnp.int32, (NB, E), 0)
    bend_i = bend.astype(jnp.int32)
    braw = jnp.sum(jnp.where(bi >= bend_i, 1, 0), axis=-1, keepdims=True)
    lastexp = jnp.max(jnp.where(nb > 0, laneE, 0))
    bexp_ref[...] = jnp.minimum(braw, lastexp)
    nbtot = jnp.sum(nb).astype(jnp.int32)
    bvec = lax.broadcasted_iota(jnp.int32, (NB, 1), 0)
    valid_ref[...] = jnp.where(bvec < nbtot, 1, 0).astype(jnp.int32)
    nv_ref[...] = jnp.full((1, 16), B, jnp.int32) * nbtot

    sig_ref[...] = jax.nn.sigmoid(
        jnp.dot(x, sgw_ref[...], preferred_element_type=jnp.float32))


def _router(x, gate_w, shared_gate_w):
    outs = pl.pallas_call(
        _router_body,
        out_shape=(
            jax.ShapeDtypeStruct((T, 1), jnp.int32),
            jax.ShapeDtypeStruct((T, 1), jnp.int32),
            jax.ShapeDtypeStruct((T, 1), jnp.float32),
            jax.ShapeDtypeStruct((T, 1), jnp.float32),
            jax.ShapeDtypeStruct((T, 1), jnp.float32),
            jax.ShapeDtypeStruct((NB, 1), jnp.int32),
            jax.ShapeDtypeStruct((NB, 1), jnp.int32),
            jax.ShapeDtypeStruct((1, 16), jnp.int32),
        ),
    )(x, gate_w, shared_gate_w)
    return outs


def _sc_mesh():
    return plsc.VectorSubcoreMesh(core_axis_name="c", subcore_axis_name="s")


NW = 32
SPT = NSLOTS // NW
GCH = 16
NCH = SPT // GCH


def _dispatch_body(p0_hbm, p1_hbm, x_hbm, nv_hbm, xg_hbm,
                   p0_v, p1_v, table_v, nv_v, rows_v, gsem, osem):
    wid = lax.axis_index("s") * 2 + lax.axis_index("c")
    pltpu.sync_copy(p0_hbm, p0_v)
    pltpu.sync_copy(p1_hbm, p1_v)
    pltpu.sync_copy(nv_hbm, nv_v)
    nvalid = jnp.max(nv_v[...])

    def zero_step(i, _):
        table_v[pl.ds(i * 16, 16)] = jnp.zeros((16,), jnp.int32)
        return 0

    lax.fori_loop(0, NSLOTS // 16, zero_step, 0)

    def scat0(j, _):
        idx = p0_v[pl.ds(j * 16, 16)]
        toks = lax.iota(jnp.int32, 16) + j * 16
        plsc.store_scatter(table_v, [idx], toks)
        return 0

    def scat1(j, _):
        idx = p1_v[pl.ds(j * 16, 16)]
        toks = lax.iota(jnp.int32, 16) + j * 16
        plsc.store_scatter(table_v, [idx], toks)
        return 0

    lax.fori_loop(0, T // 16, scat0, 0)
    lax.fori_loop(0, T // 16, scat1, 0)

    base0 = wid * SPT

    NBUF = 3

    def live(c):
        return (base0 + c * GCH) < nvalid

    def start_gather(c):
        b = c % NBUF
        idx = table_v[pl.ds(base0 + c * GCH, GCH)]
        pltpu.async_copy(x_hbm.at[idx], rows_v.at[b], gsem.at[b])

    for c0 in range(NBUF - 1):

        @pl.when(live(c0))
        def _(c0=c0):
            start_gather(c0)

    for c in range(NCH):
        b = c % NBUF
        g = c + NBUF - 1
        if g < NCH and g - NBUF >= 0:
            @pl.when(live(g - NBUF))
            def _(c=c, g=g):
                pltpu.make_async_copy(
                    rows_v.at[(g - NBUF) % NBUF],
                    xg_hbm.at[pl.ds(base0 + (g - NBUF) * GCH, GCH)],
                    osem.at[(g - NBUF) % NBUF]).wait()
        if g < NCH:

            @pl.when(live(g))
            def _(c=c, g=g):
                start_gather(g)

        @pl.when(live(c))
        def _(c=c):
            pltpu.make_async_copy(x_hbm.at[table_v[pl.ds(0, GCH)]],
                                  rows_v.at[b], gsem.at[b]).wait()
            pltpu.async_copy(rows_v.at[b],
                             xg_hbm.at[pl.ds(base0 + c * GCH, GCH)],
                             osem.at[b])

    for c in range(max(0, NCH - NBUF), NCH):

        @pl.when(live(c))
        def _(c=c):
            pltpu.make_async_copy(rows_v.at[c % NBUF],
                                  xg_hbm.at[pl.ds(base0 + c * GCH, GCH)],
                                  osem.at[c % NBUF]).wait()


def _dispatch_sc(p0, p1, x, nv):
    k = functools.partial(
        pl.kernel,
        out_type=jax.ShapeDtypeStruct((NSLOTS, D), jnp.float32),
        mesh=_sc_mesh(),
        scratch_types=[
            pltpu.VMEM((T,), jnp.int32),
            pltpu.VMEM((T,), jnp.int32),
            pltpu.VMEM((NSLOTS,), jnp.int32),
            pltpu.VMEM((16,), jnp.int32),
            pltpu.VMEM((3, GCH, D), jnp.float32),
            pltpu.SemaphoreType.DMA((3,)),
            pltpu.SemaphoreType.DMA((3,)),
        ],
        compiler_params=pltpu.CompilerParams(needs_layout_passes=False),
    )(_dispatch_body)
    return k(p0, p1, x, nv)


def _moe_h_body(bexp_ref, valid_ref, hdep_ref, xg_ref, w1_ref, w3_ref, h_ref):
    i = pl.program_id(0)

    @pl.when(valid_ref[i] == 1)
    def _():
        xb = xg_ref[...].astype(jnp.bfloat16)
        a1 = jnp.dot(xb, w1_ref[0].astype(jnp.bfloat16),
                     preferred_element_type=jnp.float32)
        a3 = jnp.dot(xb, w3_ref[0].astype(jnp.bfloat16),
                     preferred_element_type=jnp.float32)
        h_ref[...] = (jax.nn.silu(a1) * a3).astype(jnp.bfloat16)


def _moe_y_body(bexp_ref, valid_ref, h_ref, w2_ref, y_ref):
    i = pl.program_id(0)

    @pl.when(valid_ref[i] == 1)
    def _():
        y_ref[...] = jnp.dot(h_ref[...],
                             w2_ref[0].astype(jnp.bfloat16),
                             preferred_element_type=jnp.float32)


def _moe_gemm(bexp, valid, hdep, xg, W1, W3, W2):
    H = pl.pallas_call(
        _moe_h_body,
        grid_spec=pltpu.PrefetchScalarGridSpec(
            num_scalar_prefetch=2,
            grid=(NB,),
            in_specs=[
                pl.BlockSpec((16, 128), lambda i, be, va: (0, 0)),
                pl.BlockSpec((B, D), lambda i, be, va: (i, 0)),
                pl.BlockSpec((1, D, F), lambda i, be, va: (be[i], 0, 0)),
                pl.BlockSpec((1, D, F), lambda i, be, va: (be[i], 0, 0)),
            ],
            out_specs=pl.BlockSpec((B, F), lambda i, be, va: (i, 0)),
        ),
        out_shape=jax.ShapeDtypeStruct((NSLOTS, F), jnp.bfloat16),
        compiler_params=pltpu.CompilerParams(
            dimension_semantics=("arbitrary",),
            vmem_limit_bytes=63 * 1024 * 1024,
        ),
    )(bexp, valid, hdep, xg, W1, W3)
    y = pl.pallas_call(
        _moe_y_body,
        grid_spec=pltpu.PrefetchScalarGridSpec(
            num_scalar_prefetch=2,
            grid=(NB,),
            in_specs=[
                pl.BlockSpec((B, F), lambda i, be, va: (i, 0)),
                pl.BlockSpec((1, F, D), lambda i, be, va: (be[i], 0, 0)),
            ],
            out_specs=pl.BlockSpec((B, D), lambda i, be, va: (i, 0)),
        ),
        out_shape=jax.ShapeDtypeStruct((NSLOTS, D), jnp.float32),
        compiler_params=pltpu.CompilerParams(
            dimension_semantics=("arbitrary",),
            vmem_limit_bytes=63 * 1024 * 1024,
        ),
    )(bexp, valid, H, W2)
    return y


TPT = T // NW


def _combine_body(p0_hbm, p1_hbm, y_hbm, yg0_hbm, yg1_hbm,
                  p0s, p1s, rows_v, gsem, osem):
    wid = lax.axis_index("s") * 2 + lax.axis_index("c")
    tbase = wid * TPT
    pltpu.sync_copy(p0_hbm.at[pl.ds(tbase, TPT)], p0s)
    pltpu.sync_copy(p1_hbm.at[pl.ds(tbase, TPT)], p1s)

    nq = 2 * (TPT // GCH)

    def chunk(q):
        ps, yg = (p0s, yg0_hbm) if q < nq // 2 else (p1s, yg1_hbm)
        c = q % (nq // 2)
        return ps, yg, c * GCH

    def start_gather(q):
        ps, yg, o = chunk(q)
        b = q % 2
        idx = ps[pl.ds(o, GCH)]
        pltpu.async_copy(y_hbm.at[idx], rows_v.at[b], gsem.at[b])

    start_gather(0)
    for q in range(nq):
        b = q % 2
        if q >= 1:
            psp, ygp, op = chunk(q - 1)
            pltpu.make_async_copy(rows_v.at[1 - b],
                                  ygp.at[pl.ds(tbase + op, GCH)],
                                  osem.at[1 - b]).wait()
        if q + 1 < nq:
            start_gather(q + 1)
        ps, yg, o = chunk(q)
        pltpu.make_async_copy(y_hbm.at[ps[pl.ds(0, GCH)]],
                              rows_v.at[b], gsem.at[b]).wait()
        pltpu.async_copy(rows_v.at[b], yg.at[pl.ds(tbase + o, GCH)],
                         osem.at[b])
    psl, ygl, ol = chunk(nq - 1)
    pltpu.make_async_copy(rows_v.at[(nq - 1) % 2],
                          ygl.at[pl.ds(tbase + ol, GCH)],
                          osem.at[(nq - 1) % 2]).wait()


def _combine_sc(p0, p1, y):
    k = functools.partial(
        pl.kernel,
        out_type=(
            jax.ShapeDtypeStruct((T, D), jnp.float32),
            jax.ShapeDtypeStruct((T, D), jnp.float32),
        ),
        mesh=_sc_mesh(),
        scratch_types=[
            pltpu.VMEM((TPT,), jnp.int32),
            pltpu.VMEM((TPT,), jnp.int32),
            pltpu.VMEM((2, GCH, D), jnp.float32),
            pltpu.SemaphoreType.DMA((2,)),
            pltpu.SemaphoreType.DMA((2,)),
        ],
        compiler_params=pltpu.CompilerParams(needs_layout_passes=False),
    )(_combine_body)
    return k(p0, p1, y)


def _shared_h_body(x_ref, ws1_ref, ws3_ref, h_ref):
    x = x_ref[...].astype(jnp.bfloat16)
    a = jnp.dot(x, ws1_ref[...].astype(jnp.bfloat16),
                preferred_element_type=jnp.float32)
    b = jnp.dot(x, ws3_ref[...].astype(jnp.bfloat16),
                preferred_element_type=jnp.float32)
    h_ref[...] = (jax.nn.silu(a) * b).astype(jnp.bfloat16)


def _shared_acc_body(h_ref, ws2_ref, acc_ref):
    j = pl.program_id(1)
    part = jnp.dot(h_ref[...],
                   ws2_ref[...].astype(jnp.bfloat16),
                   preferred_element_type=jnp.float32)

    @pl.when(j == 0)
    def _():
        acc_ref[...] = part

    @pl.when(j != 0)
    def _():
        acc_ref[...] += part


def _final_body(acc_ref, sig_ref, w0_ref, w1_ref, yg0_ref, yg1_ref, out_ref):
    out_ref[...] = (sig_ref[...] * acc_ref[...]
                    + w0_ref[...] * yg0_ref[...]
                    + w1_ref[...] * yg1_ref[...])


FS = 512
NFS = SF // FS
NFA = 8


def _shared_h(x, Ws1, Ws3, start, n):
    Hs = pl.pallas_call(
        _shared_h_body,
        grid=(n,),
        in_specs=[
            pl.BlockSpec((T, D), lambda j: (0, 0)),
            pl.BlockSpec((D, FS), lambda j: (0, j + start)),
            pl.BlockSpec((D, FS), lambda j: (0, j + start)),
        ],
        out_specs=pl.BlockSpec((T, FS), lambda j: (0, j)),
        out_shape=jax.ShapeDtypeStruct((T, n * FS), jnp.bfloat16),
        compiler_params=pltpu.CompilerParams(
            dimension_semantics=("arbitrary",),
            vmem_limit_bytes=112 * 1024 * 1024,
        ),
    )(x, Ws1, Ws3)
    return Hs


def _shared_acc(Hs, Ws2):
    BT2 = 1024
    acc = pl.pallas_call(
        _shared_acc_body,
        grid=(T // BT2, NFS),
        in_specs=[
            pl.BlockSpec((BT2, FS), lambda t, j: (t, j)),
            pl.BlockSpec((FS, D), lambda t, j: (j, 0)),
        ],
        out_specs=pl.BlockSpec((BT2, D), lambda t, j: (t, 0)),
        out_shape=jax.ShapeDtypeStruct((T, D), jnp.float32),
        compiler_params=pltpu.CompilerParams(
            dimension_semantics=("arbitrary", "arbitrary"),
        ),
    )(Hs, Ws2)
    return acc


def _final_combine(acc, sig, w0, w1, yg0, yg1):
    BT2 = 512
    out = pl.pallas_call(
        _final_body,
        grid=(T // BT2,),
        in_specs=[
            pl.BlockSpec((BT2, D), lambda t: (t, 0)),
            pl.BlockSpec((BT2, 1), lambda t: (t, 0)),
            pl.BlockSpec((BT2, 1), lambda t: (t, 0)),
            pl.BlockSpec((BT2, 1), lambda t: (t, 0)),
            pl.BlockSpec((BT2, D), lambda t: (t, 0)),
            pl.BlockSpec((BT2, D), lambda t: (t, 0)),
        ],
        out_specs=pl.BlockSpec((BT2, D), lambda t: (t, 0)),
        out_shape=jax.ShapeDtypeStruct((T, D), jnp.float32),
        compiler_params=pltpu.CompilerParams(
            dimension_semantics=("arbitrary",),
        ),
    )(acc, sig, w0, w1, yg0, yg1)
    return out


def kernel(x, gate_w, shared_gate_w, Ws1, Ws3, Ws2, W1, W3, W2):
    p0, p1, w0, w1, sig, bexp, valid, nv = _router(x, gate_w, shared_gate_w)
    p0f = p0.reshape(T)
    p1f = p1.reshape(T)
    xg = _dispatch_sc(p0f, p1f, x, nv.reshape(16))
    Hs = _shared_h(x, Ws1, Ws3, 0, NFS)
    y = _moe_gemm(bexp.reshape(NB), valid.reshape(NB), Hs, xg, W1, W3, W2)
    acc = _shared_acc(Hs, Ws2)
    yg0, yg1 = _combine_sc(p0f, p1f, y)
    out = _final_combine(acc, sig, w0, w1, yg0, yg1)
    return out

# --- scband reference (transcript-rebuilt; emitter-appended) ---
"""Pipeline reference for scband-qwen2-hare-mo-e-56667798504235 (READ-ONLY COPY).

The authoritative reference and input builder live on the scoring server;
editing this copy changes nothing except your own understanding.
"""

import jax, jax.numpy as jnp
import numpy as np

D = 2048      # hidden_size
F = 1408      # moe_intermediate_size (per expert)
E = 16        # num_experts
K = 2         # num_experts_per_tok
SF = 5632     # shared_expert_intermediate_size
T = 2048      # tokens = batch(1) * seq_len(2048)


def setup_inputs(seed: int = 0) -> dict:
    key = jax.random.key(seed)
    ks = jax.random.split(key, 10)
    s = 0.02
    return {
        "x": jax.random.normal(ks[0], (T, D), dtype=jnp.float32),
        "gate_w": jax.random.normal(ks[1], (D, E), dtype=jnp.float32) * s,
        "shared_gate_w": jax.random.normal(ks[2], (D, 1), dtype=jnp.float32) * s,
        "Ws1": jax.random.normal(ks[3], (D, SF), dtype=jnp.float32) * s,
        "Ws3": jax.random.normal(ks[4], (D, SF), dtype=jnp.float32) * s,
        "Ws2": jax.random.normal(ks[5], (SF, D), dtype=jnp.float32) * s,
        "W1": jax.random.normal(ks[6], (E, D, F), dtype=jnp.float32) * s,
        "W3": jax.random.normal(ks[7], (E, D, F), dtype=jnp.float32) * s,
        "W2": jax.random.normal(ks[8], (E, F, D), dtype=jnp.float32) * s,
    }


def reference(x, gate_w, shared_gate_w, Ws1, Ws3, Ws2, W1, W3, W2):
    # shared expert (Qwen2MoeMLP: SwiGLU) gated by sigmoid(shared_expert_gate(x))
    shared = (jax.nn.silu(x @ Ws1) * (x @ Ws3)) @ Ws2
    shared = jax.nn.sigmoid(x @ shared_gate_w) * shared

    # router: softmax in fp32, top-k, renormalize
    gate_logits = x @ gate_w
    all_probs = jax.nn.softmax(gate_logits.astype(jnp.float32), axis=-1)
    weights, selected_experts = jax.lax.top_k(all_probs, K)
    weights = weights / jnp.sum(weights, axis=-1, keepdims=True)
    weights = weights.astype(x.dtype)

    # per-token per-expert combine weights [T, E]
    cw = jnp.sum(jax.nn.one_hot(selected_experts, E, dtype=x.dtype) * weights[..., None], axis=1)

    # expert SwiGLU MLPs; dense-equivalent of the block-sparse grouped GEMM
    # (sparse_gemm.ssd / dss + ops.scatter with routing weights)
    def body(acc, ews):
        w1, w3, w2, ce = ews
        y = (jax.nn.silu(x @ w1) * (x @ w3)) @ w2
        return acc + ce[:, None] * y, None

    init = jnp.zeros_like(x)
    moe_out, _ = jax.lax.scan(body, init, (W1, W3, W2, cw.T))

    out = moe_out + shared
    return out

if __name__ == "__main__":
    import jax
    _d = setup_inputs()
    print(jax.jit(kernel)(*tuple(_d.values())))

</pallas_src>

<mosaic_0001>
#map = affine_map<(d0, d1) -> (0)>
#map1 = affine_map<(d0, d1) -> (0, 0)>
module attributes {stable_mosaic.version = 14 : i64} {
  func.func @_combine_body(%arg0: i32, %arg1: i32, %arg2: memref<2048xi32, #tpu.memory_space<hbm>>, %arg3: memref<2048xi32, #tpu.memory_space<hbm>>, %arg4: memref<8192x2048xf32, #tpu.memory_space<hbm>>, %arg5: memref<2048x2048xf32, #tpu.memory_space<hbm>>, %arg6: memref<2048x2048xf32, #tpu.memory_space<hbm>>, %arg7: memref<64xi32, #tpu.memory_space<vmem>>, %arg8: memref<64xi32, #tpu.memory_space<vmem>>, %arg9: memref<2x16x2048xf32, #tpu.memory_space<vmem>>, %arg10: memref<2x!tpu.dma_semaphore, #tpu.memory_space<semaphore_mem>>, %arg11: memref<2x!tpu.dma_semaphore, #tpu.memory_space<semaphore_mem>>) attributes {dimension_semantics = [#tpu.dimension_semantics<core_parallel>, #tpu.dimension_semantics<subcore_parallel>], iteration_bounds = array<i64: 2, 16>, scalar_prefetch = 0 : i64, scratch_operands = 5 : i64, tpu.core_type = #tpu.core_type<sc_vector_subcore>, window_params = [{transform_indices = #map}, {transform_indices = #map}, {transform_indices = #map1}, {transform_indices = #map1}, {transform_indices = #map1}]} {
    %mul3A = arith.constant 2 : i32
    %mul3A_0 = arith.muli %arg1, %mul3A : i32
    %add3A = arith.addi %mul3A_0, %arg0 : i32
    %mul3A_1 = arith.constant 64 : i32
    %mul3A_2 = arith.muli %add3A, %mul3A_1 : i32
    "tpu.region"() ({
      %run_scoped3A = tpu.sem_alloc : memref<!tpu.dma_semaphore, #tpu.memory_space<semaphore_mem>>
      %dma_start3A_496 = tpu.memref_slice %arg2[%mul3A_2] : memref<2048xi32, #tpu.memory_space<hbm>> -> memref<64xi32, #tpu.memory_space<hbm>>
      %dma_start3A_497 = tpu.memref_slice %arg2[%mul3A_2] : memref<2048xi32, #tpu.memory_space<hbm>> -> memref<64xi32, #tpu.memory_space<hbm>>
      tpu.enqueue_dma source(%dma_start3A_497 : memref<64xi32, #tpu.memory_space<hbm>>) target(%arg7 : memref<64xi32, #tpu.memory_space<vmem>>) target_semaphore(%run_scoped3A : memref<!tpu.dma_semaphore, #tpu.memory_space<semaphore_mem>>)
      %dma_wait3A_498 = tpu.memref_slice %arg2[%mul3A_2] : memref<2048xi32, #tpu.memory_space<hbm>> -> memref<64xi32, #tpu.memory_space<hbm>>
      %dma_wait3A_499 = tpu.memref_slice %arg2[%mul3A_2] : memref<2048xi32, #tpu.memory_space<hbm>> -> memref<64xi32, #tpu.memory_space<hbm>>
      tpu.wait_dma2 semaphore(%run_scoped3A : memref<!tpu.dma_semaphore, #tpu.memory_space<semaphore_mem>>) src(%dma_wait3A_499 : memref<64xi32, #tpu.memory_space<hbm>>) dst(%arg7 : memref<64xi32, #tpu.memory_space<vmem>>)
      tpu.yield
    }) : () -> ()
    "tpu.region"() ({
      %run_scoped3A = tpu.sem_alloc : memref<!tpu.dma_semaphore, #tpu.memory_space<semaphore_mem>>
      %dma_start3A_496 = tpu.memref_slice %arg3[%mul3A_2] : memref<2048xi32, #tpu.memory_space<hbm>> -> memref<64xi32, #tpu.memory_space<hbm>>
      %dma_start3A_497 = tpu.memref_slice %arg3[%mul3A_2] : memref<2048xi32, #tpu.memory_space<hbm>> -> memref<64xi32, #tpu.memory_space<hbm>>
      tpu.enqueue_dma source(%dma_start3A_497 : memref<64xi32, #tpu.memory_space<hbm>>) target(%arg8 : memref<64xi32, #tpu.memory_space<vmem>>) target_semaphore(%run_scoped3A : memref<!tpu.dma_semaphore, #tpu.memory_space<semaphore_mem>>)
      %dma_wait3A_498 = tpu.memref_slice %arg3[%mul3A_2] : memref<2048xi32, #tpu.memory_space<hbm>> -> memref<64xi32, #tpu.memory_space<hbm>>
      %dma_wait3A_499 = tpu.memref_slice %arg3[%mul3A_2] : memref<2048xi32, #tpu.memory_space<hbm>> -> memref<64xi32, #tpu.memory_space<hbm>>
      tpu.wait_dma2 semaphore(%run_scoped3A : memref<!tpu.dma_semaphore, #tpu.memory_space<semaphore_mem>>) src(%dma_wait3A_499 : memref<64xi32, #tpu.memory_space<hbm>>) dst(%arg8 : memref<64xi32, #tpu.memory_space<vmem>>)
      tpu.yield
    }) : () -> ()
    %get3A = arith.constant 0 : index
    %get3A_3 = tpu.vector_load %arg7[%get3A] {strides = array<i32>} : memref<64xi32, #tpu.memory_space<vmem>>, vector<16xi32>,
    %dma_start3A = arith.constant 0 : i32
    %dma_start3A_4 = arith.constant 0 : i32
    %dma_start3A_5 = arith.constant 0 : i32
    %dma_start3A_6 = arith.constant 0 : i32
    %dma_start3A_7 = tpu.memref_slice %arg9[%dma_start3A, %dma_start3A_5, %dma_start3A_6] : memref<2x16x2048xf32, #tpu.memory_space<vmem>> -> memref<1x16x2048xf32, #tpu.memory_space<vmem>>
    %dma_start3A_8 = tpu.memref_squeeze %dma_start3A_7 : memref<1x16x2048xf32, #tpu.memory_space<vmem>> -> memref<16x2048xf32, #tpu.memory_space<vmem>>
    %dma_start3A_9 = arith.constant 0 : i32
    %dma_start3A_10 = arith.constant 0 : i32
    %dma_start3A_11 = tpu.memref_slice %arg4[%dma_start3A_9, %dma_start3A_10] : memref<8192x2048xf32, #tpu.memory_space<hbm>> -> memref<8192x2048xf32, #tpu.memory_space<hbm>>
    %dma_start3A_12 = tpu.memref_slice %arg10[%dma_start3A_4] : memref<2x!tpu.dma_semaphore, #tpu.memory_space<semaphore_mem>> -> memref<1x!tpu.dma_semaphore, #tpu.memory_space<semaphore_mem>>
    %dma_start3A_13 = tpu.memref_squeeze %dma_start3A_12 : memref<1x!tpu.dma_semaphore, #tpu.memory_space<semaphore_mem>> -> memref<!tpu.dma_semaphore, #tpu.memory_space<semaphore_mem>>
    tpu.enqueue_indirect_dma source(%dma_start3A_11 : memref<8192x2048xf32, #tpu.memory_space<hbm>>) target(%dma_start3A_8 : memref<16x2048xf32, #tpu.memory_space<vmem>>) offsets(%get3A_3 : vector<16xi32>) semaphore(%dma_start3A_13 : memref<!tpu.dma_semaphore, #tpu.memory_space<semaphore_mem>>)
    %get3A_14 = arith.constant 16 : index
    %get3A_15 = tpu.vector_load %arg7[%get3A_14] {strides = array<i32>} : memref<64xi32, #tpu.memory_space<vmem>>, vector<16xi32>,
    %dma_start3A_16 = arith.constant 1 : i32
    %dma_start3A_17 = arith.constant 1 : i32
    %dma_start3A_18 = arith.constant 0 : i32
    %dma_start3A_19 = arith.constant 0 : i32
    %dma_start3A_20 = tpu.memref_slice %arg9[%dma_start3A_16, %dma_start3A_18, %dma_start3A_19] : memref<2x16x2048xf32, #tpu.memory_space<vmem>> -> memref<1x16x2048xf32, #tpu.memory_space<vmem>>
    %dma_start3A_21 = tpu.memref_squeeze %dma_start3A_20 : memref<1x16x2048xf32, #tpu.memory_space<vmem>> -> memref<16x2048xf32, #tpu.memory_space<vmem>>
    %dma_start3A_22 = arith.constant 0 : i32
    %dma_start3A_23 = arith.constant 0 : i32
    %dma_start3A_24 = tpu.memref_slice %arg4[%dma_start3A_22, %dma_start3A_23] : memref<8192x2048xf32, #tpu.memory_space<hbm>> -> memref<8192x2048xf32, #tpu.memory_space<hbm>>
    %dma_start3A_25 = tpu.memref_slice %arg10[%dma_start3A_17] : memref<2x!tpu.dma_semaphore, #tpu.memory_space<semaphore_mem>> -> memref<1x!tpu.dma_semaphore, #tpu.memory_space<semaphore_mem>>
    %dma_start3A_26 = tpu.memref_squeeze %dma_start3A_25 : memref<1x!tpu.dma_semaphore, #tpu.memory_space<semaphore_mem>> -> memref<!tpu.dma_semaphore, #tpu.memory_space<semaphore_mem>>
    tpu.enqueue_indirect_dma source(%dma_start3A_24 : memref<8192x2048xf32, #tpu.memory_space<hbm>>) target(%dma_start3A_21 : memref<16x2048xf32, #tpu.memory_space<vmem>>) offsets(%get3A_15 : vector<16xi32>) semaphore(%dma_start3A_26 : memref<!tpu.dma_semaphore, #tpu.memory_space<semaphore_mem>>)
    %get3A_27 = arith.constant 0 : index
    %get3A_28 = tpu.vector_load %arg7[%get3A_27] {strides = array<i32>} : memref<64xi32, #tpu.memory_space<vmem>>, vector<16xi32>,
    %dma_wait3A = arith.constant 0 : i32
    %dma_wait3A_29 = arith.constant 0 : i32
    %dma_wait3A_30 = arith.constant 0 : i32
    %dma_wait3A_31 = arith.constant 0 : i32
    %dma_wait3A_32 = tpu.memref_slice %arg9[%dma_wait3A, %dma_wait3A_30, %dma_wait3A_31] : memref<2x16x2048xf32, #tpu.memory_space<vmem>> -> memref<1x16x2048xf32, #tpu.memory_space<vmem>>
    %dma_wait3A_33 = tpu.memref_squeeze %dma_wait3A_32 : memref<1x16x2048xf32, #tpu.memory_space<vmem>> -> memref<16x2048xf32, #tpu.memory_space<vmem>>
    %dma_wait3A_34 = arith.constant 0 : i32
    %dma_wait3A_35 = arith.constant 0 : i32
    %dma_wait3A_36 = tpu.memref_slice %arg4[%dma_wait3A_34, %dma_wait3A_35] : memref<8192x2048xf32, #tpu.memory_space<hbm>> -> memref<8192x2048xf32, #tpu.memory_space<hbm>>
    %dma_wait3A_37 = tpu.memref_slice %arg10[%dma_wait3A_29] : memref<2x!tpu.dma_semaphore, #tpu.memory_space<semaphore_mem>> -> memref<1x!tpu.dma_semaphore, #tpu.memory_space<semaphore_mem>>
    %dma_wait3A_38 = tpu.memref_squeeze %dma_wait3A_37 : memref<1x!tpu.dma_semaphore, #tpu.memory_space<semaphore_mem>> -> memref<!tpu.dma_semaphore, #tpu.memory_space<semaphore_mem>>
    tpu.wait_indirect_dma semaphore(%dma_wait3A_38 : memref<!tpu.dma_semaphore, #tpu.memory_space<semaphore_mem>>) src(%dma_wait3A_36 : memref<8192x2048xf32, #tpu.memory_space<hbm>>) dst(%dma_wait3A_33 : memref<16x2048xf32, #tpu.memory_space<vmem>>)
    %add3A_39 = arith.constant 0 : i32
    %add3A_40 = arith.addi %mul3A_2, %add3A_39 : i32
    %dma_start3A_41 = arith.constant 0 : i32
    %dma_start3A_42 = arith.constant 0 : i32
    %dma_start3A_43 = arith.constant 0 : i32
    %dma_start3A_44 = arith.constant 0 : i32
    %dma_start3A_45 = tpu.memref_slice %arg9[%dma_start3A_41, %dma_start3A_43, %dma_start3A_44] : memref<2x16x2048xf32, #tpu.memory_space<vmem>> -> memref<1x16x2048xf32, #tpu.memory_space<vmem>>
    %dma_start3A_46 = tpu.memref_squeeze %dma_start3A_45 : memref<1x16x2048xf32, #tpu.memory_space<vmem>> -> memref<16x2048xf32, #tpu.memory_space<vmem>>
    %dma_start3A_47 = arith.constant 0 : i32
    %dma_start3A_48 = tpu.memref_slice %arg5[%add3A_40, %dma_start3A_47] : memref<2048x2048xf32, #tpu.memory_space<hbm>> -> memref<16x2048xf32, #tpu.memory_space<hbm>>
    %dma_start3A_49 = tpu.memref_slice %arg11[%dma_start3A_42] : memref<2x!tpu.dma_semaphore, #tpu.memory_space<semaphore_mem>> -> memref<1x!tpu.dma_semaphore, #tpu.memory_space<semaphore_mem>>
    %dma_start3A_50 = tpu.memref_squeeze %dma_start3A_49 : memref<1x!tpu.dma_semaphore, #tpu.memory_space<semaphore_mem>> -> memref<!tpu.dma_semaphore, #tpu.memory_space<semaphore_mem>>
    %dma_start3A_51 = arith.constant 0 : i32
    %dma_start3A_52 = tpu.memref_slice %arg5[%add3A_40, %dma_start3A_51] : memref<2048x2048xf32, #tpu.memory_space<hbm>> -> memref<16x2048xf32, #tpu.memory_space<hbm>>
    %dma_start3A_53 = arith.constant 0 : i32
    %dma_start3A_54 = arith.constant 0 : i32
    %dma_start3A_55 = tpu.memref_slice %arg9[%dma_start3A_41, %dma_start3A_53, %dma_start3A_54] : memref<2x16x2048xf32, #tpu.memory_space<vmem>> -> memref<1x16x2048xf32, #tpu.memory_space<vmem>>
    %dma_start3A_56 = tpu.memref_squeeze %dma_start3A_55 : memref<1x16x2048xf32, #tpu.memory_space<vmem>> -> memref<16x2048xf32, #tpu.memory_space<vmem>>
    tpu.enqueue_dma source(%dma_start3A_56 : memref<16x2048xf32, #tpu.memory_space<vmem>>) target(%dma_start3A_52 : memref<16x2048xf32, #tpu.memory_space<hbm>>) target_semaphore(%dma_start3A_50 : memref<!tpu.dma_semaphore, #tpu.memory_space<semaphore_mem>>)
    %add3A_57 = arith.constant 0 : i32
    %add3A_58 = arith.addi %mul3A_2, %add3A_57 : i32
    %dma_wait3A_59 = arith.constant 0 : i32
    %dma_wait3A_60 = arith.constant 0 : i32
    %dma_wait3A_61 = arith.constant 0 : i32
    %dma_wait3A_62 = arith.constant 0 : i32
    %dma_wait3A_63 = tpu.memref_slice %arg9[%dma_wait3A_59, %dma_wait3A_61, %dma_wait3A_62] : memref<2x16x2048xf32, #tpu.memory_space<vmem>> -> memref<1x16x2048xf32, #tpu.memory_space<vmem>>
    %dma_wait3A_64 = tpu.memref_squeeze %dma_wait3A_63 : memref<1x16x2048xf32, #tpu.memory_space<vmem>> -> memref<16x2048xf32, #tpu.memory_space<vmem>>
    %dma_wait3A_65 = arith.constant 0 : i32
    %dma_wait3A_66 = tpu.memref_slice %arg5[%add3A_58, %dma_wait3A_65] : memref<2048x2048xf32, #tpu.memory_space<hbm>> -> memref<16x2048xf32, #tpu.memory_space<hbm>>
    %dma_wait3A_67 = tpu.memref_slice %arg11[%dma_wait3A_60] : memref<2x!tpu.dma_semaphore, #tpu.memory_space<semaphore_mem>> -> memref<1x!tpu.dma_semaphore, #tpu.memory_space<semaphore_mem>>
    %dma_wait3A_68 = tpu.memref_squeeze %dma_wait3A_67 : memref<1x!tpu.dma_semaphore, #tpu.memory_space<semaphore_mem>> -> memref<!tpu.dma_semaphore, #tpu.memory_space<semaphore_mem>>
    %dma_wait3A_69 = arith.constant 0 : i32
    %dma_wait3A_70 = tpu.memref_slice %arg5[%add3A_58, %dma_wait3A_69] : memref<2048x2048xf32, #tpu.memory_space<hbm>> -> memref<16x2048xf32, #tpu.memory_space<hbm>>
    %dma_wait3A_71 = arith.constant 0 : i32
    %dma_wait3A_72 = arith.constant 0 : i32
    %dma_wait3A_73 = tpu.memref_slice %arg9[%dma_wait3A_59, %dma_wait3A_71, %dma_wait3A_72] : memref<2x16x2048xf32, #tpu.memory_space<vmem>> -> memref<1x16x2048xf32, #tpu.memory_space<vmem>>
    %dma_wait3A_74 = tpu.memref_squeeze %dma_wait3A_73 : memref<1x16x2048xf32, #tpu.memory_space<vmem>> -> memref<16x2048xf32, #tpu.memory_space<vmem>>
    tpu.wait_dma2 semaphore(%dma_wait3A_68 : memref<!tpu.dma_semaphore, #tpu.memory_space<semaphore_mem>>) src(%dma_wait3A_74 : memref<16x2048xf32, #tpu.memory_space<vmem>>) dst(%dma_wait3A_70 : memref<16x2048xf32, #tpu.memory_space<hbm>>)
    %get3A_75 = arith.constant 32 : index
    %get3A_76 = tpu.vector_load %arg7[%get3A_75] {strides = array<i32>} : memref<64xi32, #tpu.memory_space<vmem>>, vector<16xi32>,
    %dma_start3A_77 = arith.constant 0 : i32
    %dma_start3A_78 = arith.constant 0 : i32
    %dma_start3A_79 = arith.constant 0 : i32
    %dma_start3A_80 = arith.constant 0 : i32
    %dma_start3A_81 = tpu.memref_slice %arg9[%dma_start3A_77, %dma_start3A_79, %dma_start3A_80] : memref<2x16x2048xf32, #tpu.memory_space<vmem>> -> memref<1x16x2048xf32, #tpu.memory_space<vmem>>
    %dma_start3A_82 = tpu.memref_squeeze %dma_start3A_81 : memref<1x16x2048xf32, #tpu.memory_space<vmem>> -> memref<16x2048xf32, #tpu.memory_space<vmem>>
    %dma_start3A_83 = arith.constant 0 : i32
    %dma_start3A_84 = arith.constant 0 : i32
    %dma_start3A_85 = tpu.memref_slice %arg4[%dma_start3A_83, %dma_start3A_84] : memref<8192x2048xf32, #tpu.memory_space<hbm>> -> memref<8192x2048xf32, #tpu.memory_space<hbm>>
    %dma_start3A_86 = tpu.memref_slice %arg10[%dma_start3A_78] : memref<2x!tpu.dma_semaphore, #tpu.memory_space<semaphore_mem>> -> memref<1x!tpu.dma_semaphore, #tpu.memory_space<semaphore_mem>>
    %dma_start3A_87 = tpu.memref_squeeze %dma_start3A_86 : memref<1x!tpu.dma_semaphore, #tpu.memory_space<semaphore_mem>> -> memref<!tpu.dma_semaphore, #tpu.memory_space<semaphore_mem>>
    tpu.enqueue_indirect_dma source(%dma_start3A_85 : memref<8192x2048xf32, #tpu.memory_space<hbm>>) target(%dma_start3A_82 : memref<16x2048xf32, #tpu.memory_space<vmem>>) offsets(%get3A_76 : vector<16xi32>) semaphore(%dma_start3A_87 : memref<!tpu.dma_semaphore, #tpu.memory_space<semaphore_mem>>)
    %get3A_88 = arith.constant 0 : index
    %get3A_89 = tpu.vector_load %arg7[%get3A_88] {strides = array<i32>} : memref<64xi32, #tpu.memory_space<vmem>>, vector<16xi32>,
    %dma_wait3A_90 = arith.constant 1 : i32
    %dma_wait3A_91 = arith.constant 1 : i32
    %dma_wait3A_92 = arith.constant 0 : i32
    %dma_wait3A_93 = arith.constant 0 : i32
    %dma_wait3A_94 = tpu.memref_slice %arg9[%dma_wait3A_90, %dma_wait3A_92, %dma_wait3A_93] : memref<2x16x2048xf32, #tpu.memory_space<vmem>> -> memref<1x16x2048xf32, #tpu.memory_space<vmem>>
    %dma_wait3A_95 = tpu.memref_squeeze %dma_wait3A_94 : memref<1x16x2048xf32, #tpu.memory_space<vmem>> -> memref<16x2048xf32, #tpu.memory_space<vmem>>
    %dma_wait3A_96 = arith.constant 0 : i32
    %dma_wait3A_97 = arith.constant 0 : i32
    %dma_wait3A_98 = tpu.memref_slice %arg4[%dma_wait3A_96, %dma_wait3A_97] : memref<8192x2048xf32, #tpu.memory_space<hbm>> -> memref<8192x2048xf32, #tpu.memory_space<hbm>>
    %dma_wait3A_99 = tpu.memref_slice %arg10[%dma_wait3A_91] : memref<2x!tpu.dma_semaphore, #tpu.memory_space<semaphore_mem>> -> memref<1x!tpu.dma_semaphore, #tpu.memory_space<semaphore_mem>>
    %dma_wait3A_100 = tpu.memref_squeeze %dma_wait3A_99 : memref<1x!tpu.dma_semaphore, #tpu.memory_space<semaphore_mem>> -> memref<!tpu.dma_semaphore, #tpu.memory_space<semaphore_mem>>
    tpu.wait_indirect_dma semaphore(%dma_wait3A_100 : memref<!tpu.dma_semaphore, #tpu.memory_space<semaphore_mem>>) src(%dma_wait3A_98 : memref<8192x2048xf32, #tpu.memory_space<hbm>>) dst(%dma_wait3A_95 : memref<16x2048xf32, #tpu.memory_space<vmem>>)
    %add3A_101 = arith.constant 16 : i32
    %add3A_102 = arith.addi %mul3A_2, %add3A_101 : i32
    %dma_start3A_103 = arith.constant 1 : i32
    %dma_start3A_104 = arith.constant 1 : i32
    %dma_start3A_105 = arith.constant 0 : i32
    %dma_start3A_106 = arith.constant 0 : i32
    %dma_start3A_107 = tpu.memref_slice %arg9[%dma_start3A_103, %dma_start3A_105, %dma_start3A_106] : memref<2x16x2048xf32, #tpu.memory_space<vmem>> -> memref<1x16x2048xf32, #tpu.memory_space<vmem>>
    %dma_start3A_108 = tpu.memref_squeeze %dma_start3A_107 : memref<1x16x2048xf32, #tpu.memory_space<vmem>> -> memref<16x2048xf32, #tpu.memory_space<vmem>>
    %dma_start3A_109 = arith.constant 0 : i32
    %dma_start3A_110 = tpu.memref_slice %arg5[%add3A_102, %dma_start3A_109] : memref<2048x2048xf32, #tpu.memory_space<hbm>> -> memref<16x2048xf32, #tpu.memory_space<hbm>>
    %dma_start3A_111 = tpu.memref_slice %arg11[%dma_start3A_104] : memref<2x!tpu.dma_semaphore, #tpu.memory_space<semaphore_mem>> -> memref<1x!tpu.dma_semaphore, #tpu.memory_space<semaphore_mem>>
    %dma_start3A_112 = tpu.memref_squeeze %dma_start3A_111 : memref<1x!tpu.dma_semaphore, #tpu.memory_space<semaphore_mem>> -> memref<!tpu.dma_semaphore, #tpu.memory_space<semaphore_mem>>
    %dma_start3A_113 = arith.constant 0 : i32
    %dma_start3A_114 = tpu.memref_slice %arg5[%add3A_102, %dma_start3A_113] : memref<2048x2048xf32, #tpu.memory_space<hbm>> -> memref<16x2048xf32, #tpu.memory_space<hbm>>
    %dma_start3A_115 = arith.constant 0 : i32
    %dma_start3A_116 = arith.constant 0 : i32
    %dma_start3A_117 = tpu.memref_slice %arg9[%dma_start3A_103, %dma_start3A_115, %dma_start3A_116] : memref<2x16x2048xf32, #tpu.memory_space<vmem>> -> memref<1x16x2048xf32, #tpu.memory_space<vmem>>
    %dma_start3A_118 = tpu.memref_squeeze %dma_start3A_117 : memref<1x16x2048xf32, #tpu.memory_space<vmem>> -> memref<16x2048xf32, #tpu.memory_space<vmem>>
    tpu.enqueue_dma source(%dma_start3A_118 : memref<16x2048xf32, #tpu.memory_space<vmem>>) target(%dma_start3A_114 : memref<16x2048xf32, #tpu.memory_space<hbm>>) target_semaphore(%dma_start3A_112 : memref<!tpu.dma_semaphore, #tpu.memory_space<semaphore_mem>>)
    %add3A_119 = arith.constant 16 : i32
    %add3A_120 = arith.addi %mul3A_2, %add3A_119 : i32
    %dma_wait3A_121 = arith.constant 1 : i32
    %dma_wait3A_122 = arith.constant 1 : i32
    %dma_wait3A_123 = arith.constant 0 : i32
    %dma_wait3A_124 = arith.constant 0 : i32
    %dma_wait3A_125 = tpu.memref_slice %arg9[%dma_wait3A_121, %dma_wait3A_123, %dma_wait3A_124] : memref<2x16x2048xf32, #tpu.memory_space<vmem>> -> memref<1x16x2048xf32, #tpu.memory_space<vmem>>
    %dma_wait3A_126 = tpu.memref_squeeze %dma_wait3A_125 : memref<1x16x2048xf32, #tpu.memory_space<vmem>> -> memref<16x2048xf32, #tpu.memory_space<vmem>>
    %dma_wait3A_127 = arith.constant 0 : i32
    %dma_wait3A_128 = tpu.memref_slice %arg5[%add3A_120, %dma_wait3A_127] : memref<2048x2048xf32, #tpu.memory_space<hbm>> -> memref<16x2048xf32, #tpu.memory_space<hbm>>
    %dma_wait3A_129 = tpu.memref_slice %arg11[%dma_wait3A_122] : memref<2x!tpu.dma_semaphore, #tpu.memory_space<semaphore_mem>> -> memref<1x!tpu.dma_semaphore, #tpu.memory_space<semaphore_mem>>
    %dma_wait3A_130 = tpu.memref_squeeze %dma_wait3A_129 : memref<1x!tpu.dma_semaphore, #tpu.memory_space<semaphore_mem>> -> memref<!tpu.dma_semaphore, #tpu.memory_space<semaphore_mem>>
    %dma_wait3A_131 = arith.constant 0 : i32
    %dma_wait3A_132 = tpu.memref_slice %arg5[%add3A_120, %dma_wait3A_131] : memref<2048x2048xf32, #tpu.memory_space<hbm>> -> memref<16x2048xf32, #tpu.memory_space<hbm>>
    %dma_wait3A_133 = arith.constant 0 : i32
    %dma_wait3A_134 = arith.constant 0 : i32
    %dma_wait3A_135 = tpu.memref_slice %arg9[%dma_wait3A_121, %dma_wait3A_133, %dma_wait3A_134] : memref<2x16x2048xf32, #tpu.memory_space<vmem>> -> memref<1x16x2048xf32, #tpu.memory_space<vmem>>
    %dma_wait3A_136 = tpu.memref_squeeze %dma_wait3A_135 : memref<1x16x2048xf32, #tpu.memory_space<vmem>> -> memref<16x2048xf32, #tpu.memory_space<vmem>>
    tpu.wait_dma2 semaphore(%dma_wait3A_130 : memref<!tpu.dma_semaphore, #tpu.memory_space<semaphore_mem>>) src(%dma_wait3A_136 : memref<16x2048xf32, #tpu.memory_space<vmem>>) dst(%dma_wait3A_132 : memref<16x2048xf32, #tpu.memory_space<hbm>>)
    %get3A_137 = arith.constant 48 : index
    %get3A_138 = tpu.vector_load %arg7[%get3A_137] {strides = array<i32>} : memref<64xi32, #tpu.memory_space<vmem>>, vector<16xi32>,
    %dma_start3A_139 = arith.constant 1 : i32
    %dma_start3A_140 = arith.constant 1 : i32
    %dma_start3A_141 = arith.constant 0 : i32
    %dma_start3A_142 = arith.constant 0 : i32
    %dma_start3A_143 = tpu.memref_slice %arg9[%dma_start3A_139, %dma_start3A_141, %dma_start3A_142] : memref<2x16x2048xf32, #tpu.memory_space<vmem>> -> memref<1x16x2048xf32, #tpu.memory_space<vmem>>
    %dma_start3A_144 = tpu.memref_squeeze %dma_start3A_143 : memref<1x16x2048xf32, #tpu.memory_space<vmem>> -> memref<16x2048xf32, #tpu.memory_space<vmem>>
    %dma_start3A_145 = arith.constant 0 : i32
    %dma_start3A_146 = arith.constant 0 : i32
    %dma_start3A_147 = tpu.memref_slice %arg4[%dma_start3A_145, %dma_start3A_146] : memref<8192x2048xf32, #tpu.memory_space<hbm>> -> memref<8192x2048xf32, #tpu.memory_space<hbm>>
    %dma_start3A_148 = tpu.memref_slice %arg10[%dma_start3A_140] : memref<2x!tpu.dma_semaphore, #tpu.memory_space<semaphore_mem>> -> memref<1x!tpu.dma_semaphore, #tpu.memory_space<semaphore_mem>>
    %dma_start3A_149 = tpu.memref_squeeze %dma_start3A_148 : memref<1x!tpu.dma_semaphore, #tpu.memory_space<semaphore_mem>> -> memref<!tpu.dma_semaphore, #tpu.memory_space<semaphore_mem>>
    tpu.enqueue_indirect_dma source(%dma_start3A_147 : memref<8192x2048xf32, #tpu.memory_space<hbm>>) target(%dma_start3A_144 : memref<16x2048xf32, #tpu.memory_space<vmem>>) offsets(%get3A_138 : vector<16xi32>) semaphore(%dma_start3A_149 : memref<!tpu.dma_semaphore, #tpu.memory_space<semaphore_mem>>)
    %get3A_150 = arith.constant 0 : index
    %get3A_151 = tpu.vector_load %arg7[%get3A_150] {strides = array<i32>} : memref<64xi32, #tpu.memory_space<vmem>>, vector<16xi32>,
    %dma_wait3A_152 = arith.constant 0 : i32
    %dma_wait3A_153 = arith.constant 0 : i32
    %dma_wait3A_154 = arith.constant 0 : i32
    %dma_wait3A_155 = arith.constant 0 : i32
    %dma_wait3A_156 = tpu.memref_slice %arg9[%dma_wait3A_152, %dma_wait3A_154, %dma_wait3A_155] : memref<2x16x2048xf32, #tpu.memory_space<vmem>> -> memref<1x16x2048xf32, #tpu.memory_space<vmem>>
    %dma_wait3A_157 = tpu.memref_squeeze %dma_wait3A_156 : memref<1x16x2048xf32, #tpu.memory_space<vmem>> -> memref<16x2048xf32, #tpu.memory_space<vmem>>
    %dma_wait3A_158 = arith.constant 0 : i32
    %dma_wait3A_159 = arith.constant 0 : i32
    %dma_wait3A_160 = tpu.memref_slice %arg4[%dma_wait3A_158, %dma_wait3A_159] : memref<8192x2048xf32, #tpu.memory_space<hbm>> -> memref<8192x2048xf32, #tpu.memory_space<hbm>>
    %dma_wait3A_161 = tpu.memref_slice %arg10[%dma_wait3A_153] : memref<2x!tpu.dma_semaphore, #tpu.memory_space<semaphore_mem>> -> memref<1x!tpu.dma_semaphore, #tpu.memory_space<semaphore_mem>>
    %dma_wait3A_162 = tpu.memref_squeeze %dma_wait3A_161 : memref<1x!tpu.dma_semaphore, #tpu.memory_space<semaphore_mem>> -> memref<!tpu.dma_semaphore, #tpu.memory_space<semaphore_mem>>
    tpu.wait_indirect_dma semaphore(%dma_wait3A_162 : memref<!tpu.dma_semaphore, #tpu.memory_space<semaphore_mem>>) src(%dma_wait3A_160 : memref<8192x2048xf32, #tpu.memory_space<hbm>>) dst(%dma_wait3A_157 : memref<16x2048xf32, #tpu.memory_space<vmem>>)
    %add3A_163 = arith.constant 32 : i32
    %add3A_164 = arith.addi %mul3A_2, %add3A_163 : i32
    %dma_start3A_165 = arith.constant 0 : i32
    %dma_start3A_166 = arith.constant 0 : i32
    %dma_start3A_167 = arith.constant 0 : i32
    %dma_start3A_168 = arith.constant 0 : i32
    %dma_start3A_169 = tpu.memref_slice %arg9[%dma_start3A_165, %dma_start3A_167, %dma_start3A_168] : memref<2x16x2048xf32, #tpu.memory_space<vmem>> -> memref<1x16x2048xf32, #tpu.memory_space<vmem>>
    %dma_start3A_170 = tpu.memref_squeeze %dma_start3A_169 : memref<1x16x2048xf32, #tpu.memory_space<vmem>> -> memref<16x2048xf32, #tpu.memory_space<vmem>>
    %dma_start3A_171 = arith.constant 0 : i32
    %dma_start3A_172 = tpu.memref_slice %arg5[%add3A_164, %dma_start3A_171] : memref<2048x2048xf32, #tpu.memory_space<hbm>> -> memref<16x2048xf32, #tpu.memory_space<hbm>>
    %dma_start3A_173 = tpu.memref_slice %arg11[%dma_start3A_166] : memref<2x!tpu.dma_semaphore, #tpu.memory_space<semaphore_mem>> -> memref<1x!tpu.dma_semaphore, #tpu.memory_space<semaphore_mem>>
    %dma_start3A_174 = tpu.memref_squeeze %dma_start3A_173 : memref<1x!tpu.dma_semaphore, #tpu.memory_space<semaphore_mem>> -> memref<!tpu.dma_semaphore, #tpu.memory_space<semaphore_mem>>
    %dma_start3A_175 = arith.constant 0 : i32
    %dma_start3A_176 = tpu.memref_slice %arg5[%add3A_164, %dma_start3A_175] : memref<2048x2048xf32, #tpu.memory_space<hbm>> -> memref<16x2048xf32, #tpu.memory_space<hbm>>
    %dma_start3A_177 = arith.constant 0 : i32
    %dma_start3A_178 = arith.constant 0 : i32
    %dma_start3A_179 = tpu.memref_slice %arg9[%dma_start3A_165, %dma_start3A_177, %dma_start3A_178] : memref<2x16x2048xf32, #tpu.memory_space<vmem>> -> memref<1x16x2048xf32, #tpu.memory_space<vmem>>
    %dma_start3A_180 = tpu.memref_squeeze %dma_start3A_179 : memref<1x16x2048xf32, #tpu.memory_space<vmem>> -> memref<16x2048xf32, #tpu.memory_space<vmem>>
    tpu.enqueue_dma source(%dma_start3A_180 : memref<16x2048xf32, #tpu.memory_space<vmem>>) target(%dma_start3A_176 : memref<16x2048xf32, #tpu.memory_space<hbm>>) target_semaphore(%dma_start3A_174 : memref<!tpu.dma_semaphore, #tpu.memory_space<semaphore_mem>>)
    %add3A_181 = arith.constant 32 : i32
    %add3A_182 = arith.addi %mul3A_2, %add3A_181 : i32
    %dma_wait3A_183 = arith.constant 0 : i32
    %dma_wait3A_184 = arith.constant 0 : i32
    %dma_wait3A_185 = arith.constant 0 : i32
    %dma_wait3A_186 = arith.constant 0 : i32
    %dma_wait3A_187 = tpu.memref_slice %arg9[%dma_wait3A_183, %dma_wait3A_185, %dma_wait3A_186] : memref<2x16x2048xf32, #tpu.memory_space<vmem>> -> memref<1x16x2048xf32, #tpu.memory_space<vmem>>
    %dma_wait3A_188 = tpu.memref_squeeze %dma_wait3A_187 : memref<1x16x2048xf32, #tpu.memory_space<vmem>> -> memref<16x2048xf32, #tpu.memory_space<vmem>>
    %dma_wait3A_189 = arith.constant 0 : i32
    %dma_wait3A_190 = tpu.memref_slice %arg5[%add3A_182, %dma_wait3A_189] : memref<2048x2048xf32, #tpu.memory_space<hbm>> -> memref<16x2048xf32, #tpu.memory_space<hbm>>
    %dma_wait3A_191 = tpu.memref_slice %arg11[%dma_wait3A_184] : memref<2x!tpu.dma_semaphore, #tpu.memory_space<semaphore_mem>> -> memref<1x!tpu.dma_semaphore, #tpu.memory_space<semaphore_mem>>
    %dma_wait3A_192 = tpu.memref_squeeze %dma_wait3A_191 : memref<1x!tpu.dma_semaphore, #tpu.memory_space<semaphore_mem>> -> memref<!tpu.dma_semaphore, #tpu.memory_space<semaphore_mem>>
    %dma_wait3A_193 = arith.constant 0 : i32
    %dma_wait3A_194 = tpu.memref_slice %arg5[%add3A_182, %dma_wait3A_193] : memref<2048x2048xf32, #tpu.memory_space<hbm>> -> memref<16x2048xf32, #tpu.memory_space<hbm>>
    %dma_wait3A_195 = arith.constant 0 : i32
    %dma_wait3A_196 = arith.constant 0 : i32
    %dma_wait3A_197 = tpu.memref_slice %arg9[%dma_wait3A_183, %dma_wait3A_195, %dma_wait3A_196] : memref<2x16x2048xf32, #tpu.memory_space<vmem>> -> memref<1x16x2048xf32, #tpu.memory_space<vmem>>
    %dma_wait3A_198 = tpu.memref_squeeze %dma_wait3A_197 : memref<1x16x2048xf32, #tpu.memory_space<vmem>> -> memref<16x2048xf32, #tpu.memory_space<vmem>>
    tpu.wait_dma2 semaphore(%dma_wait3A_192 : memref<!tpu.dma_semaphore, #tpu.memory_space<semaphore_mem>>) src(%dma_wait3A_198 : memref<16x2048xf32, #tpu.memory_space<vmem>>) dst(%dma_wait3A_194 : memref<16x2048xf32, #tpu.memory_space<hbm>>)
    %get3A_199 = arith.constant 0 : index
    %get3A_200 = tpu.vector_load %arg8[%get3A_199] {strides = array<i32>} : memref<64xi32, #tpu.memory_space<vmem>>, vector<16xi32>,
    %dma_start3A_201 = arith.constant 0 : i32
    %dma_start3A_202 = arith.constant 0 : i32
    %dma_start3A_203 = arith.constant 0 : i32
    %dma_start3A_204 = arith.constant 0 : i32
    %dma_start3A_205 = tpu.memref_slice %arg9[%dma_start3A_201, %dma_start3A_203, %dma_start3A_204] : memref<2x16x2048xf32, #tpu.memory_space<vmem>> -> memref<1x16x2048xf32, #tpu.memory_space<vmem>>
    %dma_start3A_206 = tpu.memref_squeeze %dma_start3A_205 : memref<1x16x2048xf32, #tpu.memory_space<vmem>> -> memref<16x2048xf32, #tpu.memory_space<vmem>>
    %dma_start3A_207 = arith.constant 0 : i32
    %dma_start3A_208 = arith.constant 0 : i32
    %dma_start3A_209 = tpu.memref_slice %arg4[%dma_start3A_207, %dma_start3A_208] : memref<8192x2048xf32, #tpu.memory_space<hbm>> -> memref<8192x2048xf32, #tpu.memory_space<hbm>>
    %dma_start3A_210 = tpu.memref_slice %arg10[%dma_start3A_202] : memref<2x!tpu.dma_semaphore, #tpu.memory_space<semaphore_mem>> -> memref<1x!tpu.dma_semaphore, #tpu.memory_space<semaphore_mem>>
    %dma_start3A_211 = tpu.memref_squeeze %dma_start3A_210 : memref<1x!tpu.dma_semaphore, #tpu.memory_space<semaphore_mem>> -> memref<!tpu.dma_semaphore, #tpu.memory_space<semaphore_mem>>
    tpu.enqueue_indirect_dma source(%dma_start3A_209 : memref<8192x2048xf32, #tpu.memory_space<hbm>>) target(%dma_start3A_206 : memref<16x2048xf32, #tpu.memory_space<vmem>>) offsets(%get3A_200 : vector<16xi32>) semaphore(%dma_start3A_211 : memref<!tpu.dma_semaphore, #tpu.memory_space<semaphore_mem>>)
    %get3A_212 = arith.constant 0 : index
    %get3A_213 = tpu.vector_load %arg7[%get3A_212] {strides = array<i32>} : memref<64xi32, #tpu.memory_space<vmem>>, vector<16xi32>,
    %dma_wait3A_214 = arith.constant 1 : i32
    %dma_wait3A_215 = arith.constant 1 : i32
    %dma_wait3A_216 = arith.constant 0 : i32
    %dma_wait3A_217 = arith.constant 0 : i32
    %dma_wait3A_218 = tpu.memref_slice %arg9[%dma_wait3A_214, %dma_wait3A_216, %dma_wait3A_217] : memref<2x16x2048xf32, #tpu.memory_space<vmem>> -> memref<1x16x2048xf32, #tpu.memory_space<vmem>>
    %dma_wait3A_219 = tpu.memref_squeeze %dma_wait3A_218 : memref<1x16x2048xf32, #tpu.memory_space<vmem>> -> memref<16x2048xf32, #tpu.memory_space<vmem>>
    %dma_wait3A_220 = arith.constant 0 : i32
    %dma_wait3A_221 = arith.constant 0 : i32
    %dma_wait3A_222 = tpu.memref_slice %arg4[%dma_wait3A_220, %dma_wait3A_221] : memref<8192x2048xf32, #tpu.memory_space<hbm>> -> memref<8192x2048xf32, #tpu.memory_space<hbm>>
    %dma_wait3A_223 = tpu.memref_slice %arg10[%dma_wait3A_215] : memref<2x!tpu.dma_semaphore, #tpu.memory_space<semaphore_mem>> -> memref<1x!tpu.dma_semaphore, #tpu.memory_space<semaphore_mem>>
    %dma_wait3A_224 = tpu.memref_squeeze %dma_wait3A_223 : memref<1x!tpu.dma_semaphore, #tpu.memory_space<semaphore_mem>> -> memref<!tpu.dma_semaphore, #tpu.memory_space<semaphore_mem>>
    tpu.wait_indirect_dma semaphore(%dma_wait3A_224 : memref<!tpu.dma_semaphore, #tpu.memory_space<semaphore_mem>>) src(%dma_wait3A_222 : memref<8192x2048xf32, #tpu.memory_space<hbm>>) dst(%dma_wait3A_219 : memref<16x2048xf32, #tpu.memory_space<vmem>>)
    %add3A_225 = arith.constant 48 : i32
    %add3A_226 = arith.addi %mul3A_2, %add3A_225 : i32
    %dma_start3A_227 = arith.constant 1 : i32
    %dma_start3A_228 = arith.constant 1 : i32
    %dma_start3A_229 = arith.constant 0 : i32
    %dma_start3A_230 = arith.constant 0 : i32
    %dma_start3A_231 = tpu.memref_slice %arg9[%dma_start3A_227, %dma_start3A_229, %dma_start3A_230] : memref<2x16x2048xf32, #tpu.memory_space<vmem>> -> memref<1x16x2048xf32, #tpu.memory_space<vmem>>
    %dma_start3A_232 = tpu.memref_squeeze %dma_start3A_231 : memref<1x16x2048xf32, #tpu.memory_space<vmem>> -> memref<16x2048xf32, #tpu.memory_space<vmem>>
    %dma_start3A_233 = arith.constant 0 : i32
    %dma_start3A_234 = tpu.memref_slice %arg5[%add3A_226, %dma_start3A_233] : memref<2048x2048xf32, #tpu.memory_space<hbm>> -> memref<16x2048xf32, #tpu.memory_space<hbm>>
    %dma_start3A_235 = tpu.memref_slice %arg11[%dma_start3A_228] : memref<2x!tpu.dma_semaphore, #tpu.memory_space<semaphore_mem>> -> memref<1x!tpu.dma_semaphore, #tpu.memory_space<semaphore_mem>>
    %dma_start3A_236 = tpu.memref_squeeze %dma_start3A_235 : memref<1x!tpu.dma_semaphore, #tpu.memory_space<semaphore_mem>> -> memref<!tpu.dma_semaphore, #tpu.memory_space<semaphore_mem>>
    %dma_start3A_237 = arith.constant 0 : i32
    %dma_start3A_238 = tpu.memref_slice %arg5[%add3A_226, %dma_start3A_237] : memref<2048x2048xf32, #tpu.memory_space<hbm>> -> memref<16x2048xf32, #tpu.memory_space<hbm>>
    %dma_start3A_239 = arith.constant 0 : i32
    %dma_start3A_240 = arith.constant 0 : i32
    %dma_start3A_241 = tpu.memref_slice %arg9[%dma_start3A_227, %dma_start3A_239, %dma_start3A_240] : memref<2x16x2048xf32, #tpu.memory_space<vmem>> -> memref<1x16x2048xf32, #tpu.memory_space<vmem>>
    %dma_start3A_242 = tpu.memref_squeeze %dma_start3A_241 : memref<1x16x2048xf32, #tpu.memory_space<vmem>> -> memref<16x2048xf32, #tpu.memory_space<vmem>>
    tpu.enqueue_dma source(%dma_start3A_242 : memref<16x2048xf32, #tpu.memory_space<vmem>>) target(%dma_start3A_238 : memref<16x2048xf32, #tpu.memory_space<hbm>>) target_semaphore(%dma_start3A_236 : memref<!tpu.dma_semaphore, #tpu.memory_space<semaphore_mem>>)
    %add3A_243 = arith.constant 48 : i32
    %add3A_244 = arith.addi %mul3A_2, %add3A_243 : i32
    %dma_wait3A_245 = arith.constant 1 : i32
    %dma_wait3A_246 = arith.constant 1 : i32
    %dma_wait3A_247 = arith.constant 0 : i32
    %dma_wait3A_248 = arith.constant 0 : i32
    %dma_wait3A_249 = tpu.memref_slice %arg9[%dma_wait3A_245, %dma_wait3A_247, %dma_wait3A_248] : memref<2x16x2048xf32, #tpu.memory_space<vmem>> -> memref<1x16x2048xf32, #tpu.memory_space<vmem>>
    %dma_wait3A_250 = tpu.memref_squeeze %dma_wait3A_249 : memref<1x16x2048xf32, #tpu.memory_space<vmem>> -> memref<16x2048xf32, #tpu.memory_space<vmem>>
    %dma_wait3A_251 = arith.constant 0 : i32
    %dma_wait3A_252 = tpu.memref_slice %arg5[%add3A_244, %dma_wait3A_251] : memref<2048x2048xf32, #tpu.memory_space<hbm>> -> memref<16x2048xf32, #tpu.memory_space<hbm>>
    %dma_wait3A_253 = tpu.memref_slice %arg11[%dma_wait3A_246] : memref<2x!tpu.dma_semaphore, #tpu.memory_space<semaphore_mem>> -> memref<1x!tpu.dma_semaphore, #tpu.memory_space<semaphore_mem>>
    %dma_wait3A_254 = tpu.memref_squeeze %dma_wait3A_253 : memref<1x!tpu.dma_semaphore, #tpu.memory_space<semaphore_mem>> -> memref<!tpu.dma_semaphore, #tpu.memory_space<semaphore_mem>>
    %dma_wait3A_255 = arith.constant 0 : i32
    %dma_wait3A_256 = tpu.memref_slice %arg5[%add3A_244, %dma_wait3A_255] : memref<2048x2048xf32, #tpu.memory_space<hbm>> -> memref<16x2048xf32, #tpu.memory_space<hbm>>
    %dma_wait3A_257 = arith.constant 0 : i32
    %dma_wait3A_258 = arith.constant 0 : i32
    %dma_wait3A_259 = tpu.memref_slice %arg9[%dma_wait3A_245, %dma_wait3A_257, %dma_wait3A_258] : memref<2x16x2048xf32, #tpu.memory_space<vmem>> -> memref<1x16x2048xf32, #tpu.memory_space<vmem>>
    %dma_wait3A_260 = tpu.memref_squeeze %dma_wait3A_259 : memref<1x16x2048xf32, #tpu.memory_space<vmem>> -> memref<16x2048xf32, #tpu.memory_space<vmem>>
    tpu.wait_dma2 semaphore(%dma_wait3A_254 : memref<!tpu.dma_semaphore, #tpu.memory_space<semaphore_mem>>) src(%dma_wait3A_260 : memref<16x2048xf32, #tpu.memory_space<vmem>>) dst(%dma_wait3A_256 : memref<16x2048xf32, #tpu.memory_space<hbm>>)
    %get3A_261 = arith.constant 16 : index
    %get3A_262 = tpu.vector_load %arg8[%get3A_261] {strides = array<i32>} : memref<64xi32, #tpu.memory_space<vmem>>, vector<16xi32>,
    %dma_start3A_263 = arith.constant 1 : i32
    %dma_start3A_264 = arith.constant 1 : i32
    %dma_start3A_265 = arith.constant 0 : i32
    %dma_start3A_266 = arith.constant 0 : i32
    %dma_start3A_267 = tpu.memref_slice %arg9[%dma_start3A_263, %dma_start3A_265, %dma_start3A_266] : memref<2x16x2048xf32, #tpu.memory_space<vmem>> -> memref<1x16x2048xf32, #tpu.memory_space<vmem>>
    %dma_start3A_268 = tpu.memref_squeeze %dma_start3A_267 : memref<1x16x2048xf32, #tpu.memory_space<vmem>> -> memref<16x2048xf32, #tpu.memory_space<vmem>>
    %dma_start3A_269 = arith.constant 0 : i32
    %dma_start3A_270 = arith.constant 0 : i32
    %dma_start3A_271 = tpu.memref_slice %arg4[%dma_start3A_269, %dma_start3A_270] : memref<8192x2048xf32, #tpu.memory_space<hbm>> -> memref<8192x2048xf32, #tpu.memory_space<hbm>>
    %dma_start3A_272 = tpu.memref_slice %arg10[%dma_start3A_264] : memref<2x!tpu.dma_semaphore, #tpu.memory_space<semaphore_mem>> -> memref<1x!tpu.dma_semaphore, #tpu.memory_space<semaphore_mem>>
    %dma_start3A_273 = tpu.memref_squeeze %dma_start3A_272 : memref<1x!tpu.dma_semaphore, #tpu.memory_space<semaphore_mem>> -> memref<!tpu.dma_semaphore, #tpu.memory_space<semaphore_mem>>
    tpu.enqueue_indirect_dma source(%dma_start3A_271 : memref<8192x2048xf32, #tpu.memory_space<hbm>>) target(%dma_start3A_268 : memref<16x2048xf32, #tpu.memory_space<vmem>>) offsets(%get3A_262 : vector<16xi32>) semaphore(%dma_start3A_273 : memref<!tpu.dma_semaphore, #tpu.memory_space<semaphore_mem>>)
    %get3A_274 = arith.constant 0 : index
    %get3A_275 = tpu.vector_load %arg8[%get3A_274] {strides = array<i32>} : memref<64xi32, #tpu.memory_space<vmem>>, vector<16xi32>,
    %dma_wait3A_276 = arith.constant 0 : i32
    %dma_wait3A_277 = arith.constant 0 : i32
    %dma_wait3A_278 = arith.constant 0 : i32
    %dma_wait3A_279 = arith.constant 0 : i32
    %dma_wait3A_280 = tpu.memref_slice %arg9[%dma_wait3A_276, %dma_wait3A_278, %dma_wait3A_279] : memref<2x16x2048xf32, #tpu.memory_space<vmem>> -> memref<1x16x2048xf32, #tpu.memory_space<vmem>>
    %dma_wait3A_281 = tpu.memref_squeeze %dma_wait3A_280 : memref<1x16x2048xf32, #tpu.memory_space<vmem>> -> memref<16x2048xf32, #tpu.memory_space<vmem>>
    %dma_wait3A_282 = arith.constant 0 : i32
    %dma_wait3A_283 = arith.constant 0 : i32
    %dma_wait3A_284 = tpu.memref_slice %arg4[%dma_wait3A_282, %dma_wait3A_283] : memref<8192x2048xf32, #tpu.memory_space<hbm>> -> memref<8192x2048xf32, #tpu.memory_space<hbm>>
    %dma_wait3A_285 = tpu.memref_slice %arg10[%dma_wait3A_277] : memref<2x!tpu.dma_semaphore, #tpu.memory_space<semaphore_mem>> -> memref<1x!tpu.dma_semaphore, #tpu.memory_space<semaphore_mem>>
    %dma_wait3A_286 = tpu.memref_squeeze %dma_wait3A_285 : memref<1x!tpu.dma_semaphore, #tpu.memory_space<semaphore_mem>> -> memref<!tpu.dma_semaphore, #tpu.memory_space<semaphore_mem>>
    tpu.wait_indirect_dma semaphore(%dma_wait3A_286 : memref<!tpu.dma_semaphore, #tpu.memory_space<semaphore_mem>>) src(%dma_wait3A_284 : memref<8192x2048xf32, #tpu.memory_space<hbm>>) dst(%dma_wait3A_281 : memref<16x2048xf32, #tpu.memory_space<vmem>>)
    %add3A_287 = arith.constant 0 : i32
    %add3A_288 = arith.addi %mul3A_2, %add3A_287 : i32
    %dma_start3A_289 = arith.constant 0 : i32
    %dma_start3A_290 = arith.constant 0 : i32
    %dma_start3A_291 = arith.constant 0 : i32
    %dma_start3A_292 = arith.constant 0 : i32
    %dma_start3A_293 = tpu.memref_slice %arg9[%dma_start3A_289, %dma_start3A_291, %dma_start3A_292] : memref<2x16x2048xf32, #tpu.memory_space<vmem>> -> memref<1x16x2048xf32, #tpu.memory_space<vmem>>
    %dma_start3A_294 = tpu.memref_squeeze %dma_start3A_293 : memref<1x16x2048xf32, #tpu.memory_space<vmem>> -> memref<16x2048xf32, #tpu.memory_space<vmem>>
    %dma_start3A_295 = arith.constant 0 : i32
    %dma_start3A_296 = tpu.memref_slice %arg6[%add3A_288, %dma_start3A_295] : memref<2048x2048xf32, #tpu.memory_space<hbm>> -> memref<16x2048xf32, #tpu.memory_space<hbm>>
    %dma_start3A_297 = tpu.memref_slice %arg11[%dma_start3A_290] : memref<2x!tpu.dma_semaphore, #tpu.memory_space<semaphore_mem>> -> memref<1x!tpu.dma_semaphore, #tpu.memory_space<semaphore_mem>>
    %dma_start3A_298 = tpu.memref_squeeze %dma_start3A_297 : memref<1x!tpu.dma_semaphore, #tpu.memory_space<semaphore_mem>> -> memref<!tpu.dma_semaphore, #tpu.memory_space<semaphore_mem>>
    %dma_start3A_299 = arith.constant 0 : i32
    %dma_start3A_300 = tpu.memref_slice %arg6[%add3A_288, %dma_start3A_299] : memref<2048x2048xf32, #tpu.memory_space<hbm>> -> memref<16x2048xf32, #tpu.memory_space<hbm>>
    %dma_start3A_301 = arith.constant 0 : i32
    %dma_start3A_302 = arith.constant 0 : i32
    %dma_start3A_303 = tpu.memref_slice %arg9[%dma_start3A_289, %dma_start3A_301, %dma_start3A_302] : memref<2x16x2048xf32, #tpu.memory_space<vmem>> -> memref<1x16x2048xf32, #tpu.memory_space<vmem>>
    %dma_start3A_304 = tpu.memref_squeeze %dma_start3A_303 : memref<1x16x2048xf32, #tpu.memory_space<vmem>> -> memref<16x2048xf32, #tpu.memory_space<vmem>>
    tpu.enqueue_dma source(%dma_start3A_304 : memref<16x2048xf32, #tpu.memory_space<vmem>>) target(%dma_start3A_300 : memref<16x2048xf32, #tpu.memory_space<hbm>>) target_semaphore(%dma_start3A_298 : memref<!tpu.dma_semaphore, #tpu.memory_space<semaphore_mem>>)
    %add3A_305 = arith.constant 0 : i32
    %add3A_306 = arith.addi %mul3A_2, %add3A_305 : i32
    %dma_wait3A_307 = arith.constant 0 : i32
    %dma_wait3A_308 = arith.constant 0 : i32
    %dma_wait3A_309 = arith.constant 0 : i32
    %dma_wait3A_310 = arith.constant 0 : i32
    %dma_wait3A_311 = tpu.memref_slice %arg9[%dma_wait3A_307, %dma_wait3A_309, %dma_wait3A_310] : memref<2x16x2048xf32, #tpu.memory_space<vmem>> -> memref<1x16x2048xf32, #tpu.memory_space<vmem>>
    %dma_wait3A_312 = tpu.memref_squeeze %dma_wait3A_311 : memref<1x16x2048xf32, #tpu.memory_space<vmem>> -> memref<16x2048xf32, #tpu.memory_space<vmem>>
    %dma_wait3A_313 = arith.constant 0 : i32
    %dma_wait3A_314 = tpu.memref_slice %arg6[%add3A_306, %dma_wait3A_313] : memref<2048x2048xf32, #tpu.memory_space<hbm>> -> memref<16x2048xf32, #tpu.memory_space<hbm>>
    %dma_wait3A_315 = tpu.memref_slice %arg11[%dma_wait3A_308] : memref<2x!tpu.dma_semaphore, #tpu.memory_space<semaphore_mem>> -> memref<1x!tpu.dma_semaphore, #tpu.memory_space<semaphore_mem>>
    %dma_wait3A_316 = tpu.memref_squeeze %dma_wait3A_315 : memref<1x!tpu.dma_semaphore, #tpu.memory_space<semaphore_mem>> -> memref<!tpu.dma_semaphore, #tpu.memory_space<semaphore_mem>>
    %dma_wait3A_317 = arith.constant 0 : i32
    %dma_wait3A_318 = tpu.memref_slice %arg6[%add3A_306, %dma_wait3A_317] : memref<2048x2048xf32, #tpu.memory_space<hbm>> -> memref<16x2048xf32, #tpu.memory_space<hbm>>
    %dma_wait3A_319 = arith.constant 0 : i32
    %dma_wait3A_320 = arith.constant 0 : i32
    %dma_wait3A_321 = tpu.memref_slice %arg9[%dma_wait3A_307, %dma_wait3A_319, %dma_wait3A_320] : memref<2x16x2048xf32, #tpu.memory_space<vmem>> -> memref<1x16x2048xf32, #tpu.memory_space<vmem>>
    %dma_wait3A_322 = tpu.memref_squeeze %dma_wait3A_321 : memref<1x16x2048xf32, #tpu.memory_space<vmem>> -> memref<16x2048xf32, #tpu.memory_space<vmem>>
    tpu.wait_dma2 semaphore(%dma_wait3A_316 : memref<!tpu.dma_semaphore, #tpu.memory_space<semaphore_mem>>) src(%dma_wait3A_322 : memref<16x2048xf32, #tpu.memory_space<vmem>>) dst(%dma_wait3A_318 : memref<16x2048xf32, #tpu.memory_space<hbm>>)
    %get3A_323 = arith.constant 32 : index
    %get3A_324 = tpu.vector_load %arg8[%get3A_323] {strides = array<i32>} : memref<64xi32, #tpu.memory_space<vmem>>, vector<16xi32>,
    %dma_start3A_325 = arith.constant 0 : i32
    %dma_start3A_326 = arith.constant 0 : i32
    %dma_start3A_327 = arith.constant 0 : i32
    %dma_start3A_328 = arith.constant 0 : i32
    %dma_start3A_329 = tpu.memref_slice %arg9[%dma_start3A_325, %dma_start3A_327, %dma_start3A_328] : memref<2x16x2048xf32, #tpu.memory_space<vmem>> -> memref<1x16x2048xf32, #tpu.memory_space<vmem>>
    %dma_start3A_330 = tpu.memref_squeeze %dma_start3A_329 : memref<1x16x2048xf32, #tpu.memory_space<vmem>> -> memref<16x2048xf32, #tpu.memory_space<vmem>>
    %dma_start3A_331 = arith.constant 0 : i32
    %dma_start3A_332 = arith.constant 0 : i32
    %dma_start3A_333 = tpu.memref_slice %arg4[%dma_start3A_331, %dma_start3A_332] : memref<8192x2048xf32, #tpu.memory_space<hbm>> -> memref<8192x2048xf32, #tpu.memory_space<hbm>>
    %dma_start3A_334 = tpu.memref_slice %arg10[%dma_start3A_326] : memref<2x!tpu.dma_semaphore, #tpu.memory_space<semaphore_mem>> -> memref<1x!tpu.dma_semaphore, #tpu.memory_space<semaphore_mem>>
    %dma_start3A_335 = tpu.memref_squeeze %dma_start3A_334 : memref<1x!tpu.dma_semaphore, #tpu.memory_space<semaphore_mem>> -> memref<!tpu.dma_semaphore, #tpu.memory_space<semaphore_mem>>
    tpu.enqueue_indirect_dma source(%dma_start3A_333 : memref<8192x2048xf32, #tpu.memory_space<hbm>>) target(%dma_start3A_330 : memref<16x2048xf32, #tpu.memory_space<vmem>>) offsets(%get3A_324 : vector<16xi32>) semaphore(%dma_start3A_335 : memref<!tpu.dma_semaphore, #tpu.memory_space<semaphore_mem>>)
    %get3A_336 = arith.constant 0 : index
    %get3A_337 = tpu.vector_load %arg8[%get3A_336] {strides = array<i32>} : memref<64xi32, #tpu.memory_space<vmem>>, vector<16xi32>,
    %dma_wait3A_338 = arith.constant 1 : i32
    %dma_wait3A_339 = arith.constant 1 : i32
    %dma_wait3A_340 = arith.constant 0 : i32
    %dma_wait3A_341 = arith.constant 0 : i32
    %dma_wait3A_342 = tpu.memref_slice %arg9[%dma_wait3A_338, %dma_wait3A_340, %dma_wait3A_341] : memref<2x16x2048xf32, #tpu.memory_space<vmem>> -> memref<1x16x2048xf32, #tpu.memory_space<vmem>>
    %dma_wait3A_343 = tpu.memref_squeeze %dma_wait3A_342 : memref<1x16x2048xf32, #tpu.memory_space<vmem>> -> memref<16x2048xf32, #tpu.memory_space<vmem>>
    %dma_wait3A_344 = arith.constant 0 : i32
    %dma_wait3A_345 = arith.constant 0 : i32
    %dma_wait3A_346 = tpu.memref_slice %arg4[%dma_wait3A_344, %dma_wait3A_345] : memref<8192x2048xf32, #tpu.memory_space<hbm>> -> memref<8192x2048xf32, #tpu.memory_space<hbm>>
    %dma_wait3A_347 = tpu.memref_slice %arg10[%dma_wait3A_339] : memref<2x!tpu.dma_semaphore, #tpu.memory_space<semaphore_mem>> -> memref<1x!tpu.dma_semaphore, #tpu.memory_space<semaphore_mem>>
    %dma_wait3A_348 = tpu.memref_squeeze %dma_wait3A_347 : memref<1x!tpu.dma_semaphore, #tpu.memory_space<semaphore_mem>> -> memref<!tpu.dma_semaphore, #tpu.memory_space<semaphore_mem>>
    tpu.wait_indirect_dma semaphore(%dma_wait3A_348 : memref<!tpu.dma_semaphore, #tpu.memory_space<semaphore_mem>>) src(%dma_wait3A_346 : memref<8192x2048xf32, #tpu.memory_space<hbm>>) dst(%dma_wait3A_343 : memref<16x2048xf32, #tpu.memory_space<vmem>>)
    %add3A_349 = arith.constant 16 : i32
    %add3A_350 = arith.addi %mul3A_2, %add3A_349 : i32
    %dma_start3A_351 = arith.constant 1 : i32
    %dma_start3A_352 = arith.constant 1 : i32
    %dma_start3A_353 = arith.constant 0 : i32
    %dma_start3A_354 = arith.constant 0 : i32
    %dma_start3A_355 = tpu.memref_slice %arg9[%dma_start3A_351, %dma_start3A_353, %dma_start3A_354] : memref<2x16x2048xf32, #tpu.memory_space<vmem>> -> memref<1x16x2048xf32, #tpu.memory_space<vmem>>
    %dma_start3A_356 = tpu.memref_squeeze %dma_start3A_355 : memref<1x16x2048xf32, #tpu.memory_space<vmem>> -> memref<16x2048xf32, #tpu.memory_space<vmem>>
    %dma_start3A_357 = arith.constant 0 : i32
    %dma_start3A_358 = tpu.memref_slice %arg6[%add3A_350, %dma_start3A_357] : memref<2048x2048xf32, #tpu.memory_space<hbm>> -> memref<16x2048xf32, #tpu.memory_space<hbm>>
    %dma_start3A_359 = tpu.memref_slice %arg11[%dma_start3A_352] : memref<2x!tpu.dma_semaphore, #tpu.memory_space<semaphore_mem>> -> memref<1x!tpu.dma_semaphore, #tpu.memory_space<semaphore_mem>>
    %dma_start3A_360 = tpu.memref_squeeze %dma_start3A_359 : memref<1x!tpu.dma_semaphore, #tpu.memory_space<semaphore_mem>> -> memref<!tpu.dma_semaphore, #tpu.memory_space<semaphore_mem>>
    %dma_start3A_361 = arith.constant 0 : i32
    %dma_start3A_362 = tpu.memref_slice %arg6[%add3A_350, %dma_start3A_361] : memref<2048x2048xf32, #tpu.memory_space<hbm>> -> memref<16x2048xf32, #tpu.memory_space<hbm>>
    %dma_start3A_363 = arith.constant 0 : i32
    %dma_start3A_364 = arith.constant 0 : i32
    %dma_start3A_365 = tpu.memref_slice %arg9[%dma_start3A_351, %dma_start3A_363, %dma_start3A_364] : memref<2x16x2048xf32, #tpu.memory_space<vmem>> -> memref<1x16x2048xf32, #tpu.memory_space<vmem>>
    %dma_start3A_366 = tpu.memref_squeeze %dma_start3A_365 : memref<1x16x2048xf32, #tpu.memory_space<vmem>> -> memref<16x2048xf32, #tpu.memory_space<vmem>>
    tpu.enqueue_dma source(%dma_start3A_366 : memref<16x2048xf32, #tpu.memory_space<vmem>>) target(%dma_start3A_362 : memref<16x2048xf32, #tpu.memory_space<hbm>>) target_semaphore(%dma_start3A_360 : memref<!tpu.dma_semaphore, #tpu.memory_space<semaphore_mem>>)
    %add3A_367 = arith.constant 16 : i32
    %add3A_368 = arith.addi %mul3A_2, %add3A_367 : i32
    %dma_wait3A_369 = arith.constant 1 : i32
    %dma_wait3A_370 = arith.constant 1 : i32
    %dma_wait3A_371 = arith.constant 0 : i32
    %dma_wait3A_372 = arith.constant 0 : i32
    %dma_wait3A_373 = tpu.memref_slice %arg9[%dma_wait3A_369, %dma_wait3A_371, %dma_wait3A_372] : memref<2x16x2048xf32, #tpu.memory_space<vmem>> -> memref<1x16x2048xf32, #tpu.memory_space<vmem>>
    %dma_wait3A_374 = tpu.memref_squeeze %dma_wait3A_373 : memref<1x16x2048xf32, #tpu.memory_space<vmem>> -> memref<16x2048xf32, #tpu.memory_space<vmem>>
    %dma_wait3A_375 = arith.constant 0 : i32
    %dma_wait3A_376 = tpu.memref_slice %arg6[%add3A_368, %dma_wait3A_375] : memref<2048x2048xf32, #tpu.memory_space<hbm>> -> memref<16x2048xf32, #tpu.memory_space<hbm>>
    %dma_wait3A_377 = tpu.memref_slice %arg11[%dma_wait3A_370] : memref<2x!tpu.dma_semaphore, #tpu.memory_space<semaphore_mem>> -> memref<1x!tpu.dma_semaphore, #tpu.memory_space<semaphore_mem>>
    %dma_wait3A_378 = tpu.memref_squeeze %dma_wait3A_377 : memref<1x!tpu.dma_semaphore, #tpu.memory_space<semaphore_mem>> -> memref<!tpu.dma_semaphore, #tpu.memory_space<semaphore_mem>>
    %dma_wait3A_379 = arith.constant 0 : i32
    %dma_wait3A_380 = tpu.memref_slice %arg6[%add3A_368, %dma_wait3A_379] : memref<2048x2048xf32, #tpu.memory_space<hbm>> -> memref<16x2048xf32, #tpu.memory_space<hbm>>
    %dma_wait3A_381 = arith.constant 0 : i32
    %dma_wait3A_382 = arith.constant 0 : i32
    %dma_wait3A_383 = tpu.memref_slice %arg9[%dma_wait3A_369, %dma_wait3A_381, %dma_wait3A_382] : memref<2x16x2048xf32, #tpu.memory_space<vmem>> -> memref<1x16x2048xf32, #tpu.memory_space<vmem>>
    %dma_wait3A_384 = tpu.memref_squeeze %dma_wait3A_383 : memref<1x16x2048xf32, #tpu.memory_space<vmem>> -> memref<16x2048xf32, #tpu.memory_space<vmem>>
    tpu.wait_dma2 semaphore(%dma_wait3A_378 : memref<!tpu.dma_semaphore, #tpu.memory_space<semaphore_mem>>) src(%dma_wait3A_384 : memref<16x2048xf32, #tpu.memory_space<vmem>>) dst(%dma_wait3A_380 : memref<16x2048xf32, #tpu.memory_space<hbm>>)
    %get3A_385 = arith.constant 48 : index
    %get3A_386 = tpu.vector_load %arg8[%get3A_385] {strides = array<i32>} : memref<64xi32, #tpu.memory_space<vmem>>, vector<16xi32>,
    %dma_start3A_387 = arith.constant 1 : i32
    %dma_start3A_388 = arith.constant 1 : i32
    %dma_start3A_389 = arith.constant 0 : i32
    %dma_start3A_390 = arith.constant 0 : i32
    %dma_start3A_391 = tpu.memref_slice %arg9[%dma_start3A_387, %dma_start3A_389, %dma_start3A_390] : memref<2x16x2048xf32, #tpu.memory_space<vmem>> -> memref<1x16x2048xf32, #tpu.memory_space<vmem>>
    %dma_start3A_392 = tpu.memref_squeeze %dma_start3A_391 : memref<1x16x2048xf32, #tpu.memory_space<vmem>> -> memref<16x2048xf32, #tpu.memory_space<vmem>>
    %dma_start3A_393 = arith.constant 0 : i32
    %dma_start3A_394 = arith.constant 0 : i32
    %dma_start3A_395 = tpu.memref_slice %arg4[%dma_start3A_393, %dma_start3A_394] : memref<8192x2048xf32, #tpu.memory_space<hbm>> -> memref<8192x2048xf32, #tpu.memory_space<hbm>>
    %dma_start3A_396 = tpu.memref_slice %arg10[%dma_start3A_388] : memref<2x!tpu.dma_semaphore, #tpu.memory_space<semaphore_mem>> -> memref<1x!tpu.dma_semaphore, #tpu.memory_space<semaphore_mem>>
    %dma_start3A_397 = tpu.memref_squeeze %dma_start3A_396 : memref<1x!tpu.dma_semaphore, #tpu.memory_space<semaphore_mem>> -> memref<!tpu.dma_semaphore, #tpu.memory_space<semaphore_mem>>
    tpu.enqueue_indirect_dma source(%dma_start3A_395 : memref<8192x2048xf32, #tpu.memory_space<hbm>>) target(%dma_start3A_392 : memref<16x2048xf32, #tpu.memory_space<vmem>>) offsets(%get3A_386 : vector<16xi32>) semaphore(%dma_start3A_397 : memref<!tpu.dma_semaphore, #tpu.memory_space<semaphore_mem>>)
    %get3A_398 = arith.constant 0 : index
    %get3A_399 = tpu.vector_load %arg8[%get3A_398] {strides = array<i32>} : memref<64xi32, #tpu.memory_space<vmem>>, vector<16xi32>,
    %dma_wait3A_400 = arith.constant 0 : i32
    %dma_wait3A_401 = arith.constant 0 : i32
    %dma_wait3A_402 = arith.constant 0 : i32
    %dma_wait3A_403 = arith.constant 0 : i32
    %dma_wait3A_404 = tpu.memref_slice %arg9[%dma_wait3A_400, %dma_wait3A_402, %dma_wait3A_403] : memref<2x16x2048xf32, #tpu.memory_space<vmem>> -> memref<1x16x2048xf32, #tpu.memory_space<vmem>>
    %dma_wait3A_405 = tpu.memref_squeeze %dma_wait3A_404 : memref<1x16x2048xf32, #tpu.memory_space<vmem>> -> memref<16x2048xf32, #tpu.memory_space<vmem>>
    %dma_wait3A_406 = arith.constant 0 : i32
    %dma_wait3A_407 = arith.constant 0 : i32
    %dma_wait3A_408 = tpu.memref_slice %arg4[%dma_wait3A_406, %dma_wait3A_407] : memref<8192x2048xf32, #tpu.memory_space<hbm>> -> memref<8192x2048xf32, #tpu.memory_space<hbm>>
    %dma_wait3A_409 = tpu.memref_slice %arg10[%dma_wait3A_401] : memref<2x!tpu.dma_semaphore, #tpu.memory_space<semaphore_mem>> -> memref<1x!tpu.dma_semaphore, #tpu.memory_space<semaphore_mem>>
    %dma_wait3A_410 = tpu.memref_squeeze %dma_wait3A_409 : memref<1x!tpu.dma_semaphore, #tpu.memory_space<semaphore_mem>> -> memref<!tpu.dma_semaphore, #tpu.memory_space<semaphore_mem>>
    tpu.wait_indirect_dma semaphore(%dma_wait3A_410 : memref<!tpu.dma_semaphore, #tpu.memory_space<semaphore_mem>>) src(%dma_wait3A_408 : memref<8192x2048xf32, #tpu.memory_space<hbm>>) dst(%dma_wait3A_405 : memref<16x2048xf32, #tpu.memory_space<vmem>>)
    %add3A_411 = arith.constant 32 : i32
    %add3A_412 = arith.addi %mul3A_2, %add3A_411 : i32
    %dma_start3A_413 = arith.constant 0 : i32
    %dma_start3A_414 = arith.constant 0 : i32
    %dma_start3A_415 = arith.constant 0 : i32
    %dma_start3A_416 = arith.constant 0 : i32
    %dma_start3A_417 = tpu.memref_slice %arg9[%dma_start3A_413, %dma_start3A_415, %dma_start3A_416] : memref<2x16x2048xf32, #tpu.memory_space<vmem>> -> memref<1x16x2048xf32, #tpu.memory_space<vmem>>
    %dma_start3A_418 = tpu.memref_squeeze %dma_start3A_417 : memref<1x16x2048xf32, #tpu.memory_space<vmem>> -> memref<16x2048xf32, #tpu.memory_space<vmem>>
    %dma_start3A_419 = arith.constant 0 : i32
    %dma_start3A_420 = tpu.memref_slice %arg6[%add3A_412, %dma_start3A_419] : memref<2048x2048xf32, #tpu.memory_space<hbm>> -> memref<16x2048xf32, #tpu.memory_space<hbm>>
    %dma_start3A_421 = tpu.memref_slice %arg11[%dma_start3A_414] : memref<2x!tpu.dma_semaphore, #tpu.memory_space<semaphore_mem>> -> memref<1x!tpu.dma_semaphore, #tpu.memory_space<semaphore_mem>>
    %dma_start3A_422 = tpu.memref_squeeze %dma_start3A_421 : memref<1x!tpu.dma_semaphore, #tpu.memory_space<semaphore_mem>> -> memref<!tpu.dma_semaphore, #tpu.memory_space<semaphore_mem>>
    %dma_start3A_423 = arith.constant 0 : i32
    %dma_start3A_424 = tpu.memref_slice %arg6[%add3A_412, %dma_start3A_423] : memref<2048x2048xf32, #tpu.memory_space<hbm>> -> memref<16x2048xf32, #tpu.memory_space<hbm>>
    %dma_start3A_425 = arith.constant 0 : i32
    %dma_start3A_426 = arith.constant 0 : i32
    %dma_start3A_427 = tpu.memref_slice %arg9[%dma_start3A_413, %dma_start3A_425, %dma_start3A_426] : memref<2x16x2048xf32, #tpu.memory_space<vmem>> -> memref<1x16x2048xf32, #tpu.memory_space<vmem>>
    %dma_start3A_428 = tpu.memref_squeeze %dma_start3A_427 : memref<1x16x2048xf32, #tpu.memory_space<vmem>> -> memref<16x2048xf32, #tpu.memory_space<vmem>>
    tpu.enqueue_dma source(%dma_start3A_428 : memref<16x2048xf32, #tpu.memory_space<vmem>>) target(%dma_start3A_424 : memref<16x2048xf32, #tpu.memory_space<hbm>>) target_semaphore(%dma_start3A_422 : memref<!tpu.dma_semaphore, #tpu.memory_space<semaphore_mem>>)
    %add3A_429 = arith.constant 32 : i32
    %add3A_430 = arith.addi %mul3A_2, %add3A_429 : i32
    %dma_wait3A_431 = arith.constant 0 : i32
    %dma_wait3A_432 = arith.constant 0 : i32
    %dma_wait3A_433 = arith.constant 0 : i32
    %dma_wait3A_434 = arith.constant 0 : i32
    %dma_wait3A_435 = tpu.memref_slice %arg9[%dma_wait3A_431, %dma_wait3A_433, %dma_wait3A_434] : memref<2x16x2048xf32, #tpu.memory_space<vmem>> -> memref<1x16x2048xf32, #tpu.memory_space<vmem>>
    %dma_wait3A_436 = tpu.memref_squeeze %dma_wait3A_435 : memref<1x16x2048xf32, #tpu.memory_space<vmem>> -> memref<16x2048xf32, #tpu.memory_space<vmem>>
    %dma_wait3A_437 = arith.constant 0 : i32
    %dma_wait3A_438 = tpu.memref_slice %arg6[%add3A_430, %dma_wait3A_437] : memref<2048x2048xf32, #tpu.memory_space<hbm>> -> memref<16x2048xf32, #tpu.memory_space<hbm>>
    %dma_wait3A_439 = tpu.memref_slice %arg11[%dma_wait3A_432] : memref<2x!tpu.dma_semaphore, #tpu.memory_space<semaphore_mem>> -> memref<1x!tpu.dma_semaphore, #tpu.memory_space<semaphore_mem>>
    %dma_wait3A_440 = tpu.memref_squeeze %dma_wait3A_439 : memref<1x!tpu.dma_semaphore, #tpu.memory_space<semaphore_mem>> -> memref<!tpu.dma_semaphore, #tpu.memory_space<semaphore_mem>>
    %dma_wait3A_441 = arith.constant 0 : i32
    %dma_wait3A_442 = tpu.memref_slice %arg6[%add3A_430, %dma_wait3A_441] : memref<2048x2048xf32, #tpu.memory_space<hbm>> -> memref<16x2048xf32, #tpu.memory_space<hbm>>
    %dma_wait3A_443 = arith.constant 0 : i32
    %dma_wait3A_444 = arith.constant 0 : i32
    %dma_wait3A_445 = tpu.memref_slice %arg9[%dma_wait3A_431, %dma_wait3A_443, %dma_wait3A_444] : memref<2x16x2048xf32, #tpu.memory_space<vmem>> -> memref<1x16x2048xf32, #tpu.memory_space<vmem>>
    %dma_wait3A_446 = tpu.memref_squeeze %dma_wait3A_445 : memref<1x16x2048xf32, #tpu.memory_space<vmem>> -> memref<16x2048xf32, #tpu.memory_space<vmem>>
    tpu.wait_dma2 semaphore(%dma_wait3A_440 : memref<!tpu.dma_semaphore, #tpu.memory_space<semaphore_mem>>) src(%dma_wait3A_446 : memref<16x2048xf32, #tpu.memory_space<vmem>>) dst(%dma_wait3A_442 : memref<16x2048xf32, #tpu.memory_space<hbm>>)
    %get3A_447 = arith.constant 0 : index
    %get3A_448 = tpu.vector_load %arg8[%get3A_447] {strides = array<i32>} : memref<64xi32, #tpu.memory_space<vmem>>, vector<16xi32>,
    %dma_wait3A_449 = arith.constant 1 : i32
    %dma_wait3A_450 = arith.constant 1 : i32
    %dma_wait3A_451 = arith.constant 0 : i32
    %dma_wait3A_452 = arith.constant 0 : i32
    %dma_wait3A_453 = tpu.memref_slice %arg9[%dma_wait3A_449, %dma_wait3A_451, %dma_wait3A_452] : memref<2x16x2048xf32, #tpu.memory_space<vmem>> -> memref<1x16x2048xf32, #tpu.memory_space<vmem>>
    %dma_wait3A_454 = tpu.memref_squeeze %dma_wait3A_453 : memref<1x16x2048xf32, #tpu.memory_space<vmem>> -> memref<16x2048xf32, #tpu.memory_space<vmem>>
    %dma_wait3A_455 = arith.constant 0 : i32
    %dma_wait3A_456 = arith.constant 0 : i32
    %dma_wait3A_457 = tpu.memref_slice %arg4[%dma_wait3A_455, %dma_wait3A_456] : memref<8192x2048xf32, #tpu.memory_space<hbm>> -> memref<8192x2048xf32, #tpu.memory_space<hbm>>
    %dma_wait3A_458 = tpu.memref_slice %arg10[%dma_wait3A_450] : memref<2x!tpu.dma_semaphore, #tpu.memory_space<semaphore_mem>> -> memref<1x!tpu.dma_semaphore, #tpu.memory_space<semaphore_mem>>
    %dma_wait3A_459 = tpu.memref_squeeze %dma_wait3A_458 : memref<1x!tpu.dma_semaphore, #tpu.memory_space<semaphore_mem>> -> memref<!tpu.dma_semaphore, #tpu.memory_space<semaphore_mem>>
    tpu.wait_indirect_dma semaphore(%dma_wait3A_459 : memref<!tpu.dma_semaphore, #tpu.memory_space<semaphore_mem>>) src(%dma_wait3A_457 : memref<8192x2048xf32, #tpu.memory_space<hbm>>) dst(%dma_wait3A_454 : memref<16x2048xf32, #tpu.memory_space<vmem>>)
    %add3A_460 = arith.constant 48 : i32
    %add3A_461 = arith.addi %mul3A_2, %add3A_460 : i32
    %dma_start3A_462 = arith.constant 1 : i32
    %dma_start3A_463 = arith.constant 1 : i32
    %dma_start3A_464 = arith.constant 0 : i32
    %dma_start3A_465 = arith.constant 0 : i32
    %dma_start3A_466 = tpu.memref_slice %arg9[%dma_start3A_462, %dma_start3A_464, %dma_start3A_465] : memref<2x16x2048xf32, #tpu.memory_space<vmem>> -> memref<1x16x2048xf32, #tpu.memory_space<vmem>>
    %dma_start3A_467 = tpu.memref_squeeze %dma_start3A_466 : memref<1x16x2048xf32, #tpu.memory_space<vmem>> -> memref<16x2048xf32, #tpu.memory_space<vmem>>
    %dma_start3A_468 = arith.constant 0 : i32
    %dma_start3A_469 = tpu.memref_slice %arg6[%add3A_461, %dma_start3A_468] : memref<2048x2048xf32, #tpu.memory_space<hbm>> -> memref<16x2048xf32, #tpu.memory_space<hbm>>
    %dma_start3A_470 = tpu.memref_slice %arg11[%dma_start3A_463] : memref<2x!tpu.dma_semaphore, #tpu.memory_space<semaphore_mem>> -> memref<1x!tpu.dma_semaphore, #tpu.memory_space<semaphore_mem>>
    %dma_start3A_471 = tpu.memref_squeeze %dma_start3A_470 : memref<1x!tpu.dma_semaphore, #tpu.memory_space<semaphore_mem>> -> memref<!tpu.dma_semaphore, #tpu.memory_space<semaphore_mem>>
    %dma_start3A_472 = arith.constant 0 : i32
    %dma_start3A_473 = tpu.memref_slice %arg6[%add3A_461, %dma_start3A_472] : memref<2048x2048xf32, #tpu.memory_space<hbm>> -> memref<16x2048xf32, #tpu.memory_space<hbm>>
    %dma_start3A_474 = arith.constant 0 : i32
    %dma_start3A_475 = arith.constant 0 : i32
    %dma_start3A_476 = tpu.memref_slice %arg9[%dma_start3A_462, %dma_start3A_474, %dma_start3A_475] : memref<2x16x2048xf32, #tpu.memory_space<vmem>> -> memref<1x16x2048xf32, #tpu.memory_space<vmem>>
    %dma_start3A_477 = tpu.memref_squeeze %dma_start3A_476 : memref<1x16x2048xf32, #tpu.memory_space<vmem>> -> memref<16x2048xf32, #tpu.memory_space<vmem>>
    tpu.enqueue_dma source(%dma_start3A_477 : memref<16x2048xf32, #tpu.memory_space<vmem>>) target(%dma_start3A_473 : memref<16x2048xf32, #tpu.memory_space<hbm>>) target_semaphore(%dma_start3A_471 : memref<!tpu.dma_semaphore, #tpu.memory_space<semaphore_mem>>)
    %add3A_478 = arith.constant 48 : i32
    %add3A_479 = arith.addi %mul3A_2, %add3A_478 : i32
    %dma_wait3A_480 = arith.constant 1 : i32
    %dma_wait3A_481 = arith.constant 1 : i32
    %dma_wait3A_482 = arith.constant 0 : i32
    %dma_wait3A_483 = arith.constant 0 : i32
    %dma_wait3A_484 = tpu.memref_slice %arg9[%dma_wait3A_480, %dma_wait3A_482, %dma_wait3A_483] : memref<2x16x2048xf32, #tpu.memory_space<vmem>> -> memref<1x16x2048xf32, #tpu.memory_space<vmem>>
    %dma_wait3A_485 = tpu.memref_squeeze %dma_wait3A_484 : memref<1x16x2048xf32, #tpu.memory_space<vmem>> -> memref<16x2048xf32, #tpu.memory_space<vmem>>
    %dma_wait3A_486 = arith.constant 0 : i32
    %dma_wait3A_487 = tpu.memref_slice %arg6[%add3A_479, %dma_wait3A_486] : memref<2048x2048xf32, #tpu.memory_space<hbm>> -> memref<16x2048xf32, #tpu.memory_space<hbm>>
    %dma_wait3A_488 = tpu.memref_slice %arg11[%dma_wait3A_481] : memref<2x!tpu.dma_semaphore, #tpu.memory_space<semaphore_mem>> -> memref<1x!tpu.dma_semaphore, #tpu.memory_space<semaphore_mem>>
    %dma_wait3A_489 = tpu.memref_squeeze %dma_wait3A_488 : memref<1x!tpu.dma_semaphore, #tpu.memory_space<semaphore_mem>> -> memref<!tpu.dma_semaphore, #tpu.memory_space<semaphore_mem>>
    %dma_wait3A_490 = arith.constant 0 : i32
    %dma_wait3A_491 = tpu.memref_slice %arg6[%add3A_479, %dma_wait3A_490] : memref<2048x2048xf32, #tpu.memory_space<hbm>> -> memref<16x2048xf32, #tpu.memory_space<hbm>>
    %dma_wait3A_492 = arith.constant 0 : i32
    %dma_wait3A_493 = arith.constant 0 : i32
    %dma_wait3A_494 = tpu.memref_slice %arg9[%dma_wait3A_480, %dma_wait3A_492, %dma_wait3A_493] : memref<2x16x2048xf32, #tpu.memory_space<vmem>> -> memref<1x16x2048xf32, #tpu.memory_space<vmem>>
    %dma_wait3A_495 = tpu.memref_squeeze %dma_wait3A_494 : memref<1x16x2048xf32, #tpu.memory_space<vmem>> -> memref<16x2048xf32, #tpu.memory_space<vmem>>
    tpu.wait_dma2 semaphore(%dma_wait3A_489 : memref<!tpu.dma_semaphore, #tpu.memory_space<semaphore_mem>>) src(%dma_wait3A_495 : memref<16x2048xf32, #tpu.memory_space<vmem>>) dst(%dma_wait3A_491 : memref<16x2048xf32, #tpu.memory_space<hbm>>)
    return
  }
}

#map = affine_map<(d0, d1) -> (0)>
#map1 = affine_map<(d0, d1) -> (0, 0)>
module attributes {stable_mosaic.version = 14 : i64} {
  func.func @_dispatch_body(%arg0: i32, %arg1: i32, %arg2: memref<2048xi32, #tpu.memory_space<hbm>>, %arg3: memref<2048xi32, #tpu.memory_space<hbm>>, %arg4: memref<2048x2048xf32, #tpu.memory_space<hbm>>, %arg5: memref<16xi32, #tpu.memory_space<hbm>>, %arg6: memref<8192x2048xf32, #tpu.memory_space<hbm>>, %arg7: memref<2048xi32, #tpu.memory_space<vmem>>, %arg8: memref<2048xi32, #tpu.memory_space<vmem>>, %arg9: memref<8192xi32, #tpu.memory_space<vmem>>, %arg10: memref<16xi32, #tpu.memory_space<vmem>>, %arg11: memref<3x16x2048xf32, #tpu.memory_space<vmem>>, %arg12: memref<3x!tpu.dma_semaphore, #tpu.memory_space<semaphore_mem>>, %arg13: memref<3x!tpu.dma_semaphore, #tpu.memory_space<semaphore_mem>>) attributes {dimension_semantics = [#tpu.dimension_semantics<core_parallel>, #tpu.dimension_semantics<subcore_parallel>], iteration_bounds = array<i64: 2, 16>, scalar_prefetch = 0 : i64, scratch_operands = 7 : i64, tpu.core_type = #tpu.core_type<sc_vector_subcore>, window_params = [{transform_indices = #map}, {transform_indices = #map}, {transform_indices = #map1}, {transform_indices = #map}, {transform_indices = #map1}]} {
    %mul3A = arith.constant 2 : i32
    %mul3A_0 = arith.muli %arg1, %mul3A : i32
    %add3A = arith.addi %mul3A_0, %arg0 : i32
    "tpu.region"() ({
      %run_scoped3A = tpu.sem_alloc : memref<!tpu.dma_semaphore, #tpu.memory_space<semaphore_mem>>
      tpu.enqueue_dma source(%arg2 : memref<2048xi32, #tpu.memory_space<hbm>>) target(%arg7 : memref<2048xi32, #tpu.memory_space<vmem>>) target_semaphore(%run_scoped3A : memref<!tpu.dma_semaphore, #tpu.memory_space<semaphore_mem>>)
      tpu.wait_dma2 semaphore(%run_scoped3A : memref<!tpu.dma_semaphore, #tpu.memory_space<semaphore_mem>>) src(%arg2 : memref<2048xi32, #tpu.memory_space<hbm>>) dst(%arg7 : memref<2048xi32, #tpu.memory_space<vmem>>)
      tpu.yield
    }) : () -> ()
    "tpu.region"() ({
      %run_scoped3A = tpu.sem_alloc : memref<!tpu.dma_semaphore, #tpu.memory_space<semaphore_mem>>
      tpu.enqueue_dma source(%arg3 : memref<2048xi32, #tpu.memory_space<hbm>>) target(%arg8 : memref<2048xi32, #tpu.memory_space<vmem>>) target_semaphore(%run_scoped3A : memref<!tpu.dma_semaphore, #tpu.memory_space<semaphore_mem>>)
      tpu.wait_dma2 semaphore(%run_scoped3A : memref<!tpu.dma_semaphore, #tpu.memory_space<semaphore_mem>>) src(%arg3 : memref<2048xi32, #tpu.memory_space<hbm>>) dst(%arg8 : memref<2048xi32, #tpu.memory_space<vmem>>)
      tpu.yield
    }) : () -> ()
    "tpu.region"() ({
      %run_scoped3A = tpu.sem_alloc : memref<!tpu.dma_semaphore, #tpu.memory_space<semaphore_mem>>
      tpu.enqueue_dma source(%arg5 : memref<16xi32, #tpu.memory_space<hbm>>) target(%arg10 : memref<16xi32, #tpu.memory_space<vmem>>) target_semaphore(%run_scoped3A : memref<!tpu.dma_semaphore, #tpu.memory_space<semaphore_mem>>)
      tpu.wait_dma2 semaphore(%run_scoped3A : memref<!tpu.dma_semaphore, #tpu.memory_space<semaphore_mem>>) src(%arg5 : memref<16xi32, #tpu.memory_space<hbm>>) dst(%arg10 : memref<16xi32, #tpu.memory_space<vmem>>)
      tpu.yield
    }) : () -> ()
    %get3A = arith.constant 0 : index
    %get3A_1 = tpu.vector_load %arg10[%get3A] {strides = array<i32>} : memref<16xi32, #tpu.memory_space<vmem>>, vector<16xi32>,
    %reduce_max3A = arith.constant true
    %reduce_max3A_2 = vector.broadcast %reduce_max3A : i1 to vector<16xi1>
    %reduce_max3A_3 = arith.constant -2147483648 : i32
    %reduce_max3A_4 = vector.broadcast %reduce_max3A_3 : i32 to vector<16xi32>
    %reduce_max3A_5 = arith.xori %get3A_1, %reduce_max3A_4 : vector<16xi32>
    %reduce_max3A_6 = tpu.scan <max>, %reduce_max3A_5 masked %reduce_max3A_2 : vector<16xi32>, vector<16xi1> -> vector<16xi32>
    %reduce_max3A_7 = arith.xori %reduce_max3A_6, %reduce_max3A_4 : vector<16xi32>
    %reduce_max3A_8 = vector.extract %reduce_max3A_7[15] : i32 from vector<16xi32>
    %scan3A = arith.constant 0 : i32
    %scan3A_9 = arith.constant 0 : i32
    %scan3A_10 = arith.constant 512 : i32
    %scan3A_11 = arith.addi %scan3A_9, %scan3A_10 : i32
    %scan3A_12 = arith.constant 1 : i32
    %scan3A_13 = scf.for %scan3A_316 = %scan3A_9 to %scan3A_11 step %scan3A_12 iter_args(%scan3A_317 = %scan3A) -> (i32)  : i32 {
      %broadcast_in_dim3A = arith.constant 0 : i32
      %broadcast_in_dim3A_318 = vector.broadcast %broadcast_in_dim3A : i32 to vector<16xi32>
      %mul3A_319 = arith.constant 16 : i32
      %mul3A_320 = arith.muli %scan3A_316, %mul3A_319 : i32
      %swap3A = arith.index_cast %mul3A_320 : i32 to index
      %swap3A_321 = tpu.vector_load %arg9[%swap3A] {strides = array<i32>} : memref<8192xi32, #tpu.memory_space<vmem>>, vector<16xi32>,
      tpu.vector_store %arg9[%swap3A], %broadcast_in_dim3A_318 {strides = array<i32>} : memref<8192xi32, #tpu.memory_space<vmem>>, vector<16xi32>,
      %scan3A_322 = arith.constant 0 : i32
      scf.yield %scan3A_322 : i32
    }
    %scan3A_14 = arith.constant 512 : i32
    %scan3A_15 = arith.constant 0 : i32
    %scan3A_16 = arith.constant 0 : i32
    %scan3A_17 = arith.constant 128 : i32
    %scan3A_18 = arith.addi %scan3A_16, %scan3A_17 : i32
    %scan3A_19 = arith.constant 1 : i32
    %scan3A_20 = scf.for %scan3A_316 = %scan3A_16 to %scan3A_18 step %scan3A_19 iter_args(%scan3A_317 = %scan3A_15) -> (i32)  : i32 {
      %mul3A_318 = arith.constant 16 : i32
      %mul3A_319 = arith.muli %scan3A_316, %mul3A_318 : i32
      %get3A_320 = arith.index_cast %mul3A_319 : i32 to index
      %get3A_321 = tpu.vector_load %arg7[%get3A_320] {strides = array<i32>} : memref<2048xi32, #tpu.memory_space<vmem>>, vector<16xi32>,
      %iota3A = tpu.iota {dimensions = array<i32: 0>} : vector<16xi32>
      %mul3A_322 = arith.constant 16 : i32
      %mul3A_323 = arith.muli %scan3A_316, %mul3A_322 : i32
      %add3A_324 = vector.broadcast %mul3A_323 : i32 to vector<16xi32>
      %add3A_325 = arith.addi %iota3A, %add3A_324 : vector<16xi32>
      tpu.vector_store_idx %arg9[%get3A_321], %add3A_325 : memref<8192xi32, #tpu.memory_space<vmem>>[vector<16xi32>], vector<16xi32>,
      %scan3A_326 = arith.constant 0 : i32
      scf.yield %scan3A_326 : i32
    }
    %scan3A_21 = arith.constant 128 : i32
    %scan3A_22 = arith.constant 0 : i32
    %scan3A_23 = arith.constant 0 : i32
    %scan3A_24 = arith.constant 128 : i32
    %scan3A_25 = arith.addi %scan3A_23, %scan3A_24 : i32
    %scan3A_26 = arith.constant 1 : i32
    %scan3A_27 = scf.for %scan3A_316 = %scan3A_23 to %scan3A_25 step %scan3A_26 iter_args(%scan3A_317 = %scan3A_22) -> (i32)  : i32 {
      %mul3A_318 = arith.constant 16 : i32
      %mul3A_319 = arith.muli %scan3A_316, %mul3A_318 : i32
      %get3A_320 = arith.index_cast %mul3A_319 : i32 to index
      %get3A_321 = tpu.vector_load %arg8[%get3A_320] {strides = array<i32>} : memref<2048xi32, #tpu.memory_space<vmem>>, vector<16xi32>,
      %iota3A = tpu.iota {dimensions = array<i32: 0>} : vector<16xi32>
      %mul3A_322 = arith.constant 16 : i32
      %mul3A_323 = arith.muli %scan3A_316, %mul3A_322 : i32
      %add3A_324 = vector.broadcast %mul3A_323 : i32 to vector<16xi32>
      %add3A_325 = arith.addi %iota3A, %add3A_324 : vector<16xi32>
      tpu.vector_store_idx %arg9[%get3A_321], %add3A_325 : memref<8192xi32, #tpu.memory_space<vmem>>[vector<16xi32>], vector<16xi32>,
      %scan3A_326 = arith.constant 0 : i32
      scf.yield %scan3A_326 : i32
    }
    %scan3A_28 = arith.constant 128 : i32
    %mul3A_29 = arith.constant 256 : i32
    %mul3A_30 = arith.muli %add3A, %mul3A_29 : i32
    %add3A_31 = arith.constant 0 : i32
    %add3A_32 = arith.addi %mul3A_30, %add3A_31 : i32
    %lt3A = arith.cmpi slt, %add3A_32, %reduce_max3A_8 : i32
    %convert_element_type3A = arith.extui %lt3A : i1 to i32
    %cond3A = arith.constant 0 : i32
    %cond3A_33 = arith.cmpi ne, %convert_element_type3A, %cond3A : i32
    scf.if %cond3A_33 {
      %add3A_316 = arith.constant 0 : i32
      %add3A_317 = arith.addi %mul3A_30, %add3A_316 : i32
      %get3A_318 = arith.index_cast %add3A_317 : i32 to index
      %get3A_319 = tpu.vector_load %arg9[%get3A_318] {strides = array<i32>} : memref<8192xi32, #tpu.memory_space<vmem>>, vector<16xi32>,
      %dma_start3A = arith.constant 0 : i32
      %dma_start3A_320 = arith.constant 0 : i32
      %dma_start3A_321 = arith.constant 0 : i32
      %dma_start3A_322 = arith.constant 0 : i32
      %dma_start3A_323 = tpu.memref_slice %arg11[%dma_start3A, %dma_start3A_321, %dma_start3A_322] : memref<3x16x2048xf32, #tpu.memory_space<vmem>> -> memref<1x16x2048xf32, #tpu.memory_space<vmem>>
      %dma_start3A_324 = tpu.memref_squeeze %dma_start3A_323 : memref<1x16x2048xf32, #tpu.memory_space<vmem>> -> memref<16x2048xf32, #tpu.memory_space<vmem>>
      %dma_start3A_325 = arith.constant 0 : i32
      %dma_start3A_326 = arith.constant 0 : i32
      %dma_start3A_327 = tpu.memref_slice %arg4[%dma_start3A_325, %dma_start3A_326] : memref<2048x2048xf32, #tpu.memory_space<hbm>> -> memref<2048x2048xf32, #tpu.memory_space<hbm>>
      %dma_start3A_328 = tpu.memref_slice %arg12[%dma_start3A_320] : memref<3x!tpu.dma_semaphore, #tpu.memory_space<semaphore_mem>> -> memref<1x!tpu.dma_semaphore, #tpu.memory_space<semaphore_mem>>
      %dma_start3A_329 = tpu.memref_squeeze %dma_start3A_328 : memref<1x!tpu.dma_semaphore, #tpu.memory_space<semaphore_mem>> -> memref<!tpu.dma_semaphore, #tpu.memory_space<semaphore_mem>>
      tpu.enqueue_indirect_dma source(%dma_start3A_327 : memref<2048x2048xf32, #tpu.memory_space<hbm>>) target(%dma_start3A_324 : memref<16x2048xf32, #tpu.memory_space<vmem>>) offsets(%get3A_319 : vector<16xi32>) semaphore(%dma_start3A_329 : memref<!tpu.dma_semaphore, #tpu.memory_space<semaphore_mem>>)
    } else {
    }
    %add3A_34 = arith.constant 16 : i32
    %add3A_35 = arith.addi %mul3A_30, %add3A_34 : i32
    %lt3A_36 = arith.cmpi slt, %add3A_35, %reduce_max3A_8 : i32
    %convert_element_type3A_37 = arith.extui %lt3A_36 : i1 to i32
    %cond3A_38 = arith.constant 0 : i32
    %cond3A_39 = arith.cmpi ne, %convert_element_type3A_37, %cond3A_38 : i32
    scf.if %cond3A_39 {
      %add3A_316 = arith.constant 16 : i32
      %add3A_317 = arith.addi %mul3A_30, %add3A_316 : i32
      %get3A_318 = arith.index_cast %add3A_317 : i32 to index
      %get3A_319 = tpu.vector_load %arg9[%get3A_318] {strides = array<i32>} : memref<8192xi32, #tpu.memory_space<vmem>>, vector<16xi32>,
      %dma_start3A = arith.constant 1 : i32
      %dma_start3A_320 = arith.constant 1 : i32
      %dma_start3A_321 = arith.constant 0 : i32
      %dma_start3A_322 = arith.constant 0 : i32
      %dma_start3A_323 = tpu.memref_slice %arg11[%dma_start3A, %dma_start3A_321, %dma_start3A_322] : memref<3x16x2048xf32, #tpu.memory_space<vmem>> -> memref<1x16x2048xf32, #tpu.memory_space<vmem>>
      %dma_start3A_324 = tpu.memref_squeeze %dma_start3A_323 : memref<1x16x2048xf32, #tpu.memory_space<vmem>> -> memref<16x2048xf32, #tpu.memory_space<vmem>>
      %dma_start3A_325 = arith.constant 0 : i32
      %dma_start3A_326 = arith.constant 0 : i32
      %dma_start3A_327 = tpu.memref_slice %arg4[%dma_start3A_325, %dma_start3A_326] : memref<2048x2048xf32, #tpu.memory_space<hbm>> -> memref<2048x2048xf32, #tpu.memory_space<hbm>>
      %dma_start3A_328 = tpu.memref_slice %arg12[%dma_start3A_320] : memref<3x!tpu.dma_semaphore, #tpu.memory_space<semaphore_mem>> -> memref<1x!tpu.dma_semaphore, #tpu.memory_space<semaphore_mem>>
      %dma_start3A_329 = tpu.memref_squeeze %dma_start3A_328 : memref<1x!tpu.dma_semaphore, #tpu.memory_space<semaphore_mem>> -> memref<!tpu.dma_semaphore, #tpu.memory_space<semaphore_mem>>
      tpu.enqueue_indirect_dma source(%dma_start3A_327 : memref<2048x2048xf32, #tpu.memory_space<hbm>>) target(%dma_start3A_324 : memref<16x2048xf32, #tpu.memory_space<vmem>>) offsets(%get3A_319 : vector<16xi32>) semaphore(%dma_start3A_329 : memref<!tpu.dma_semaphore, #tpu.memory_space<semaphore_mem>>)
    } else {
    }
    %add3A_40 = arith.constant 32 : i32
    %add3A_41 = arith.addi %mul3A_30, %add3A_40 : i32
    %lt3A_42 = arith.cmpi slt, %add3A_41, %reduce_max3A_8 : i32
    %convert_element_type3A_43 = arith.extui %lt3A_42 : i1 to i32
    %cond3A_44 = arith.constant 0 : i32
    %cond3A_45 = arith.cmpi ne, %convert_element_type3A_43, %cond3A_44 : i32
    scf.if %cond3A_45 {
      %add3A_316 = arith.constant 32 : i32
      %add3A_317 = arith.addi %mul3A_30, %add3A_316 : i32
      %get3A_318 = arith.index_cast %add3A_317 : i32 to index
      %get3A_319 = tpu.vector_load %arg9[%get3A_318] {strides = array<i32>} : memref<8192xi32, #tpu.memory_space<vmem>>, vector<16xi32>,
      %dma_start3A = arith.constant 2 : i32
      %dma_start3A_320 = arith.constant 2 : i32
      %dma_start3A_321 = arith.constant 0 : i32
      %dma_start3A_322 = arith.constant 0 : i32
      %dma_start3A_323 = tpu.memref_slice %arg11[%dma_start3A, %dma_start3A_321, %dma_start3A_322] : memref<3x16x2048xf32, #tpu.memory_space<vmem>> -> memref<1x16x2048xf32, #tpu.memory_space<vmem>>
      %dma_start3A_324 = tpu.memref_squeeze %dma_start3A_323 : memref<1x16x2048xf32, #tpu.memory_space<vmem>> -> memref<16x2048xf32, #tpu.memory_space<vmem>>
      %dma_start3A_325 = arith.constant 0 : i32
      %dma_start3A_326 = arith.constant 0 : i32
      %dma_start3A_327 = tpu.memref_slice %arg4[%dma_start3A_325, %dma_start3A_326] : memref<2048x2048xf32, #tpu.memory_space<hbm>> -> memref<2048x2048xf32, #tpu.memory_space<hbm>>
      %dma_start3A_328 = tpu.memref_slice %arg12[%dma_start3A_320] : memref<3x!tpu.dma_semaphore, #tpu.memory_space<semaphore_mem>> -> memref<1x!tpu.dma_semaphore, #tpu.memory_space<semaphore_mem>>
      %dma_start3A_329 = tpu.memref_squeeze %dma_start3A_328 : memref<1x!tpu.dma_semaphore, #tpu.memory_space<semaphore_mem>> -> memref<!tpu.dma_semaphore, #tpu.memory_space<semaphore_mem>>
      tpu.enqueue_indirect_dma source(%dma_start3A_327 : memref<2048x2048xf32, #tpu.memory_space<hbm>>) target(%dma_start3A_324 : memref<16x2048xf32, #tpu.memory_space<vmem>>) offsets(%get3A_319 : vector<16xi32>) semaphore(%dma_start3A_329 : memref<!tpu.dma_semaphore, #tpu.memory_space<semaphore_mem>>)
    } else {
    }
    %add3A_46 = arith.constant 0 : i32
    %add3A_47 = arith.addi %mul3A_30, %add3A_46 : i32
    %lt3A_48 = arith.cmpi slt, %add3A_47, %reduce_max3A_8 : i32
    %convert_element_type3A_49 = arith.extui %lt3A_48 : i1 to i32
    %cond3A_50 = arith.constant 0 : i32
    %cond3A_51 = arith.cmpi ne, %convert_element_type3A_49, %cond3A_50 : i32
    scf.if %cond3A_51 {
      %get3A_316 = arith.constant 0 : index
      %get3A_317 = tpu.vector_load %arg9[%get3A_316] {strides = array<i32>} : memref<8192xi32, #tpu.memory_space<vmem>>, vector<16xi32>,
      %dma_wait3A = arith.constant 0 : i32
      %dma_wait3A_318 = arith.constant 0 : i32
      %dma_wait3A_319 = arith.constant 0 : i32
      %dma_wait3A_320 = arith.constant 0 : i32
      %dma_wait3A_321 = tpu.memref_slice %arg11[%dma_wait3A, %dma_wait3A_319, %dma_wait3A_320] : memref<3x16x2048xf32, #tpu.memory_space<vmem>> -> memref<1x16x2048xf32, #tpu.memory_space<vmem>>
      %dma_wait3A_322 = tpu.memref_squeeze %dma_wait3A_321 : memref<1x16x2048xf32, #tpu.memory_space<vmem>> -> memref<16x2048xf32, #tpu.memory_space<vmem>>
      %dma_wait3A_323 = arith.constant 0 : i32
      %dma_wait3A_324 = arith.constant 0 : i32
      %dma_wait3A_325 = tpu.memref_slice %arg4[%dma_wait3A_323, %dma_wait3A_324] : memref<2048x2048xf32, #tpu.memory_space<hbm>> -> memref<2048x2048xf32, #tpu.memory_space<hbm>>
      %dma_wait3A_326 = tpu.memref_slice %arg12[%dma_wait3A_318] : memref<3x!tpu.dma_semaphore, #tpu.memory_space<semaphore_mem>> -> memref<1x!tpu.dma_semaphore, #tpu.memory_space<semaphore_mem>>
      %dma_wait3A_327 = tpu.memref_squeeze %dma_wait3A_326 : memref<1x!tpu.dma_semaphore, #tpu.memory_space<semaphore_mem>> -> memref<!tpu.dma_semaphore, #tpu.memory_space<semaphore_mem>>
      tpu.wait_indirect_dma semaphore(%dma_wait3A_327 : memref<!tpu.dma_semaphore, #tpu.memory_space<semaphore_mem>>) src(%dma_wait3A_325 : memref<2048x2048xf32, #tpu.memory_space<hbm>>) dst(%dma_wait3A_322 : memref<16x2048xf32, #tpu.memory_space<vmem>>)
      %add3A_328 = arith.constant 0 : i32
      %add3A_329 = arith.addi %mul3A_30, %add3A_328 : i32
      %dma_start3A = arith.constant 0 : i32
      %dma_start3A_330 = arith.constant 0 : i32
      %dma_start3A_331 = arith.constant 0 : i32
      %dma_start3A_332 = arith.constant 0 : i32
      %dma_start3A_333 = tpu.memref_slice %arg11[%dma_start3A, %dma_start3A_331, %dma_start3A_332] : memref<3x16x2048xf32, #tpu.memory_space<vmem>> -> memref<1x16x2048xf32, #tpu.memory_space<vmem>>
      %dma_start3A_334 = tpu.memref_squeeze %dma_start3A_333 : memref<1x16x2048xf32, #tpu.memory_space<vmem>> -> memref<16x2048xf32, #tpu.memory_space<vmem>>
      %dma_start3A_335 = arith.constant 0 : i32
      %dma_start3A_336 = tpu.memref_slice %arg6[%add3A_329, %dma_start3A_335] : memref<8192x2048xf32, #tpu.memory_space<hbm>> -> memref<16x2048xf32, #tpu.memory_space<hbm>>
      %dma_start3A_337 = tpu.memref_slice %arg13[%dma_start3A_330] : memref<3x!tpu.dma_semaphore, #tpu.memory_space<semaphore_mem>> -> memref<1x!tpu.dma_semaphore, #tpu.memory_space<semaphore_mem>>
      %dma_start3A_338 = tpu.memref_squeeze %dma_start3A_337 : memref<1x!tpu.dma_semaphore, #tpu.memory_space<semaphore_mem>> -> memref<!tpu.dma_semaphore, #tpu.memory_space<semaphore_mem>>
      %dma_start3A_339 = arith.constant 0 : i32
      %dma_start3A_340 = tpu.memref_slice %arg6[%add3A_329, %dma_start3A_339] : memref<8192x2048xf32, #tpu.memory_space<hbm>> -> memref<16x2048xf32, #tpu.memory_space<hbm>>
      %dma_start3A_341 = arith.constant 0 : i32
      %dma_start3A_342 = arith.constant 0 : i32
      %dma_start3A_343 = tpu.memref_slice %arg11[%dma_start3A, %dma_start3A_341, %dma_start3A_342] : memref<3x16x2048xf32, #tpu.memory_space<vmem>> -> memref<1x16x2048xf32, #tpu.memory_space<vmem>>
      %dma_start3A_344 = tpu.memref_squeeze %dma_start3A_343 : memref<1x16x2048xf32, #tpu.memory_space<vmem>> -> memref<16x2048xf32, #tpu.memory_space<vmem>>
      tpu.enqueue_dma source(%dma_start3A_344 : memref<16x2048xf32, #tpu.memory_space<vmem>>) target(%dma_start3A_340 : memref<16x2048xf32, #tpu.memory_space<hbm>>) target_semaphore(%dma_start3A_338 : memref<!tpu.dma_semaphore, #tpu.memory_space<semaphore_mem>>)
    } else {
    }
    %add3A_52 = arith.constant 0 : i32
    %add3A_53 = arith.addi %mul3A_30, %add3A_52 : i32
    %lt3A_54 = arith.cmpi slt, %add3A_53, %reduce_max3A_8 : i32
    %convert_element_type3A_55 = arith.extui %lt3A_54 : i1 to i32
    %cond3A_56 = arith.constant 0 : i32
    %cond3A_57 = arith.cmpi ne, %convert_element_type3A_55, %cond3A_56 : i32
    scf.if %cond3A_57 {
      %add3A_316 = arith.constant 0 : i32
      %add3A_317 = arith.addi %mul3A_30, %add3A_316 : i32
      %dma_wait3A = arith.constant 0 : i32
      %dma_wait3A_318 = arith.constant 0 : i32
      %dma_wait3A_319 = arith.constant 0 : i32
      %dma_wait3A_320 = arith.constant 0 : i32
      %dma_wait3A_321 = tpu.memref_slice %arg11[%dma_wait3A, %dma_wait3A_319, %dma_wait3A_320] : memref<3x16x2048xf32, #tpu.memory_space<vmem>> -> memref<1x16x2048xf32, #tpu.memory_space<vmem>>
      %dma_wait3A_322 = tpu.memref_squeeze %dma_wait3A_321 : memref<1x16x2048xf32, #tpu.memory_space<vmem>> -> memref<16x2048xf32, #tpu.memory_space<vmem>>
      %dma_wait3A_323 = arith.constant 0 : i32
      %dma_wait3A_324 = tpu.memref_slice %arg6[%add3A_317, %dma_wait3A_323] : memref<8192x2048xf32, #tpu.memory_space<hbm>> -> memref<16x2048xf32, #tpu.memory_space<hbm>>
      %dma_wait3A_325 = tpu.memref_slice %arg13[%dma_wait3A_318] : memref<3x!tpu.dma_semaphore, #tpu.memory_space<semaphore_mem>> -> memref<1x!tpu.dma_semaphore, #tpu.memory_space<semaphore_mem>>
      %dma_wait3A_326 = tpu.memref_squeeze %dma_wait3A_325 : memref<1x!tpu.dma_semaphore, #tpu.memory_space<semaphore_mem>> -> memref<!tpu.dma_semaphore, #tpu.memory_space<semaphore_mem>>
      %dma_wait3A_327 = arith.constant 0 : i32
      %dma_wait3A_328 = tpu.memref_slice %arg6[%add3A_317, %dma_wait3A_327] : memref<8192x2048xf32, #tpu.memory_space<hbm>> -> memref<16x2048xf32, #tpu.memory_space<hbm>>
      %dma_wait3A_329 = arith.constant 0 : i32
      %dma_wait3A_330 = arith.constant 0 : i32
      %dma_wait3A_331 = tpu.memref_slice %arg11[%dma_wait3A, %dma_wait3A_329, %dma_wait3A_330] : memref<3x16x2048xf32, #tpu.memory_space<vmem>> -> memref<1x16x2048xf32, #tpu.memory_space<vmem>>
      %dma_wait3A_332 = tpu.memref_squeeze %dma_wait3A_331 : memref<1x16x2048xf32, #tpu.memory_space<vmem>> -> memref<16x2048xf32, #tpu.memory_space<vmem>>
      tpu.wait_dma2 semaphore(%dma_wait3A_326 : memref<!tpu.dma_semaphore, #tpu.memory_space<semaphore_mem>>) src(%dma_wait3A_332 : memref<16x2048xf32, #tpu.memory_space<vmem>>) dst(%dma_wait3A_328 : memref<16x2048xf32, #tpu.memory_space<hbm>>)
    } else {
    }
    %add3A_58 = arith.constant 48 : i32
    %add3A_59 = arith.addi %mul3A_30, %add3A_58 : i32
    %lt3A_60 = arith.cmpi slt, %add3A_59, %reduce_max3A_8 : i32
    %convert_element_type3A_61 = arith.extui %lt3A_60 : i1 to i32
    %cond3A_62 = arith.constant 0 : i32
    %cond3A_63 = arith.cmpi ne, %convert_element_type3A_61, %cond3A_62 : i32
    scf.if %cond3A_63 {
      %add3A_316 = arith.constant 48 : i32
      %add3A_317 = arith.addi %mul3A_30, %add3A_316 : i32
      %get3A_318 = arith.index_cast %add3A_317 : i32 to index
      %get3A_319 = tpu.vector_load %arg9[%get3A_318] {strides = array<i32>} : memref<8192xi32, #tpu.memory_space<vmem>>, vector<16xi32>,
      %dma_start3A = arith.constant 0 : i32
      %dma_start3A_320 = arith.constant 0 : i32
      %dma_start3A_321 = arith.constant 0 : i32
      %dma_start3A_322 = arith.constant 0 : i32
      %dma_start3A_323 = tpu.memref_slice %arg11[%dma_start3A, %dma_start3A_321, %dma_start3A_322] : memref<3x16x2048xf32, #tpu.memory_space<vmem>> -> memref<1x16x2048xf32, #tpu.memory_space<vmem>>
      %dma_start3A_324 = tpu.memref_squeeze %dma_start3A_323 : memref<1x16x2048xf32, #tpu.memory_space<vmem>> -> memref<16x2048xf32, #tpu.memory_space<vmem>>
      %dma_start3A_325 = arith.constant 0 : i32
      %dma_start3A_326 = arith.constant 0 : i32
      %dma_start3A_327 = tpu.memref_slice %arg4[%dma_start3A_325, %dma_start3A_326] : memref<2048x2048xf32, #tpu.memory_space<hbm>> -> memref<2048x2048xf32, #tpu.memory_space<hbm>>
      %dma_start3A_328 = tpu.memref_slice %arg12[%dma_start3A_320] : memref<3x!tpu.dma_semaphore, #tpu.memory_space<semaphore_mem>> -> memref<1x!tpu.dma_semaphore, #tpu.memory_space<semaphore_mem>>
      %dma_start3A_329 = tpu.memref_squeeze %dma_start3A_328 : memref<1x!tpu.dma_semaphore, #tpu.memory_space<semaphore_mem>> -> memref<!tpu.dma_semaphore, #tpu.memory_space<semaphore_mem>>
      tpu.enqueue_indirect_dma source(%dma_start3A_327 : memref<2048x2048xf32, #tpu.memory_space<hbm>>) target(%dma_start3A_324 : memref<16x2048xf32, #tpu.memory_space<vmem>>) offsets(%get3A_319 : vector<16xi32>) semaphore(%dma_start3A_329 : memref<!tpu.dma_semaphore, #tpu.memory_space<semaphore_mem>>)
    } else {
    }
    %add3A_64 = arith.constant 16 : i32
    %add3A_65 = arith.addi %mul3A_30, %add3A_64 : i32
    %lt3A_66 = arith.cmpi slt, %add3A_65, %reduce_max3A_8 : i32
    %convert_element_type3A_67 = arith.extui %lt3A_66 : i1 to i32
    %cond3A_68 = arith.constant 0 : i32
    %cond3A_69 = arith.cmpi ne, %convert_element_type3A_67, %cond3A_68 : i32
    scf.if %cond3A_69 {
      %get3A_316 = arith.constant 0 : index
      %get3A_317 = tpu.vector_load %arg9[%get3A_316] {strides = array<i32>} : memref<8192xi32, #tpu.memory_space<vmem>>, vector<16xi32>,
      %dma_wait3A = arith.constant 1 : i32
      %dma_wait3A_318 = arith.constant 1 : i32
      %dma_wait3A_319 = arith.constant 0 : i32
      %dma_wait3A_320 = arith.constant 0 : i32
      %dma_wait3A_321 = tpu.memref_slice %arg11[%dma_wait3A, %dma_wait3A_319, %dma_wait3A_320] : memref<3x16x2048xf32, #tpu.memory_space<vmem>> -> memref<1x16x2048xf32, #tpu.memory_space<vmem>>
      %dma_wait3A_322 = tpu.memref_squeeze %dma_wait3A_321 : memref<1x16x2048xf32, #tpu.memory_space<vmem>> -> memref<16x2048xf32, #tpu.memory_space<vmem>>
      %dma_wait3A_323 = arith.constant 0 : i32
      %dma_wait3A_324 = arith.constant 0 : i32
      %dma_wait3A_325 = tpu.memref_slice %arg4[%dma_wait3A_323, %dma_wait3A_324] : memref<2048x2048xf32, #tpu.memory_space<hbm>> -> memref<2048x2048xf32, #tpu.memory_space<hbm>>
      %dma_wait3A_326 = tpu.memref_slice %arg12[%dma_wait3A_318] : memref<3x!tpu.dma_semaphore, #tpu.memory_space<semaphore_mem>> -> memref<1x!tpu.dma_semaphore, #tpu.memory_space<semaphore_mem>>
      %dma_wait3A_327 = tpu.memref_squeeze %dma_wait3A_326 : memref<1x!tpu.dma_semaphore, #tpu.memory_space<semaphore_mem>> -> memref<!tpu.dma_semaphore, #tpu.memory_space<semaphore_mem>>
      tpu.wait_indirect_dma semaphore(%dma_wait3A_327 : memref<!tpu.dma_semaphore, #tpu.memory_space<semaphore_mem>>) src(%dma_wait3A_325 : memref<2048x2048xf32, #tpu.memory_space<hbm>>) dst(%dma_wait3A_322 : memref<16x2048xf32, #tpu.memory_space<vmem>>)
      %add3A_328 = arith.constant 16 : i32
      %add3A_329 = arith.addi %mul3A_30, %add3A_328 : i32
      %dma_start3A = arith.constant 1 : i32
      %dma_start3A_330 = arith.constant 1 : i32
      %dma_start3A_331 = arith.constant 0 : i32
      %dma_start3A_332 = arith.constant 0 : i32
      %dma_start3A_333 = tpu.memref_slice %arg11[%dma_start3A, %dma_start3A_331, %dma_start3A_332] : memref<3x16x2048xf32, #tpu.memory_space<vmem>> -> memref<1x16x2048xf32, #tpu.memory_space<vmem>>
      %dma_start3A_334 = tpu.memref_squeeze %dma_start3A_333 : memref<1x16x2048xf32, #tpu.memory_space<vmem>> -> memref<16x2048xf32, #tpu.memory_space<vmem>>
      %dma_start3A_335 = arith.constant 0 : i32
      %dma_start3A_336 = tpu.memref_slice %arg6[%add3A_329, %dma_start3A_335] : memref<8192x2048xf32, #tpu.memory_space<hbm>> -> memref<16x2048xf32, #tpu.memory_space<hbm>>
      %dma_start3A_337 = tpu.memref_slice %arg13[%dma_start3A_330] : memref<3x!tpu.dma_semaphore, #tpu.memory_space<semaphore_mem>> -> memref<1x!tpu.dma_semaphore, #tpu.memory_space<semaphore_mem>>
      %dma_start3A_338 = tpu.memref_squeeze %dma_start3A_337 : memref<1x!tpu.dma_semaphore, #tpu.memory_space<semaphore_mem>> -> memref<!tpu.dma_semaphore, #tpu.memory_space<semaphore_mem>>
      %dma_start3A_339 = arith.constant 0 : i32
      %dma_start3A_340 = tpu.memref_slice %arg6[%add3A_329, %dma_start3A_339] : memref<8192x2048xf32, #tpu.memory_space<hbm>> -> memref<16x2048xf32, #tpu.memory_space<hbm>>
      %dma_start3A_341 = arith.constant 0 : i32
      %dma_start3A_342 = arith.constant 0 : i32
      %dma_start3A_343 = tpu.memref_slice %arg11[%dma_start3A, %dma_start3A_341, %dma_start3A_342] : memref<3x16x2048xf32, #tpu.memory_space<vmem>> -> memref<1x16x2048xf32, #tpu.memory_space<vmem>>
      %dma_start3A_344 = tpu.memref_squeeze %dma_start3A_343 : memref<1x16x2048xf32, #tpu.memory_space<vmem>> -> memref<16x2048xf32, #tpu.memory_space<vmem>>
      tpu.enqueue_dma source(%dma_start3A_344 : memref<16x2048xf32, #tpu.memory_space<vmem>>) target(%dma_start3A_340 : memref<16x2048xf32, #tpu.memory_space<hbm>>) target_semaphore(%dma_start3A_338 : memref<!tpu.dma_semaphore, #tpu.memory_space<semaphore_mem>>)
    } else {
    }
    %add3A_70 = arith.constant 16 : i32
    %add3A_71 = arith.addi %mul3A_30, %add3A_70 : i32
    %lt3A_72 = arith.cmpi slt, %add3A_71, %reduce_max3A_8 : i32
    %convert_element_type3A_73 = arith.extui %lt3A_72 : i1 to i32
    %cond3A_74 = arith.constant 0 : i32
    %cond3A_75 = arith.cmpi ne, %convert_element_type3A_73, %cond3A_74 : i32
    scf.if %cond3A_75 {
      %add3A_316 = arith.constant 16 : i32
      %add3A_317 = arith.addi %mul3A_30, %add3A_316 : i32
      %dma_wait3A = arith.constant 1 : i32
      %dma_wait3A_318 = arith.constant 1 : i32
      %dma_wait3A_319 = arith.constant 0 : i32
      %dma_wait3A_320 = arith.constant 0 : i32
      %dma_wait3A_321 = tpu.memref_slice %arg11[%dma_wait3A, %dma_wait3A_319, %dma_wait3A_320] : memref<3x16x2048xf32, #tpu.memory_space<vmem>> -> memref<1x16x2048xf32, #tpu.memory_space<vmem>>
      %dma_wait3A_322 = tpu.memref_squeeze %dma_wait3A_321 : memref<1x16x2048xf32, #tpu.memory_space<vmem>> -> memref<16x2048xf32, #tpu.memory_space<vmem>>
      %dma_wait3A_323 = arith.constant 0 : i32
      %dma_wait3A_324 = tpu.memref_slice %arg6[%add3A_317, %dma_wait3A_323] : memref<8192x2048xf32, #tpu.memory_space<hbm>> -> memref<16x2048xf32, #tpu.memory_space<hbm>>
      %dma_wait3A_325 = tpu.memref_slice %arg13[%dma_wait3A_318] : memref<3x!tpu.dma_semaphore, #tpu.memory_space<semaphore_mem>> -> memref<1x!tpu.dma_semaphore, #tpu.memory_space<semaphore_mem>>
      %dma_wait3A_326 = tpu.memref_squeeze %dma_wait3A_325 : memref<1x!tpu.dma_semaphore, #tpu.memory_space<semaphore_mem>> -> memref<!tpu.dma_semaphore, #tpu.memory_space<semaphore_mem>>
      %dma_wait3A_327 = arith.constant 0 : i32
      %dma_wait3A_328 = tpu.memref_slice %arg6[%add3A_317, %dma_wait3A_327] : memref<8192x2048xf32, #tpu.memory_space<hbm>> -> memref<16x2048xf32, #tpu.memory_space<hbm>>
      %dma_wait3A_329 = arith.constant 0 : i32
      %dma_wait3A_330 = arith.constant 0 : i32
      %dma_wait3A_331 = tpu.memref_slice %arg11[%dma_wait3A, %dma_wait3A_329, %dma_wait3A_330] : memref<3x16x2048xf32, #tpu.memory_space<vmem>> -> memref<1x16x2048xf32, #tpu.memory_space<vmem>>
      %dma_wait3A_332 = tpu.memref_squeeze %dma_wait3A_331 : memref<1x16x2048xf32, #tpu.memory_space<vmem>> -> memref<16x2048xf32, #tpu.memory_space<vmem>>
      tpu.wait_dma2 semaphore(%dma_wait3A_326 : memref<!tpu.dma_semaphore, #tpu.memory_space<semaphore_mem>>) src(%dma_wait3A_332 : memref<16x2048xf32, #tpu.memory_space<vmem>>) dst(%dma_wait3A_328 : memref<16x2048xf32, #tpu.memory_space<hbm>>)
    } else {
    }
    %add3A_76 = arith.constant 64 : i32
    %add3A_77 = arith.addi %mul3A_30, %add3A_76 : i32
    %lt3A_78 = arith.cmpi slt, %add3A_77, %reduce_max3A_8 : i32
    %convert_element_type3A_79 = arith.extui %lt3A_78 : i1 to i32
    %cond3A_80 = arith.constant 0 : i32
    %cond3A_81 = arith.cmpi ne, %convert_element_type3A_79, %cond3A_80 : i32
    scf.if %cond3A_81 {
      %add3A_316 = arith.constant 64 : i32
      %add3A_317 = arith.addi %mul3A_30, %add3A_316 : i32
      %get3A_318 = arith.index_cast %add3A_317 : i32 to index
      %get3A_319 = tpu.vector_load %arg9[%get3A_318] {strides = array<i32>} : memref<8192xi32, #tpu.memory_space<vmem>>, vector<16xi32>,
      %dma_start3A = arith.constant 1 : i32
      %dma_start3A_320 = arith.constant 1 : i32
      %dma_start3A_321 = arith.constant 0 : i32
      %dma_start3A_322 = arith.constant 0 : i32
      %dma_start3A_323 = tpu.memref_slice %arg11[%dma_start3A, %dma_start3A_321, %dma_start3A_322] : memref<3x16x2048xf32, #tpu.memory_space<vmem>> -> memref<1x16x2048xf32, #tpu.memory_space<vmem>>
      %dma_start3A_324 = tpu.memref_squeeze %dma_start3A_323 : memref<1x16x2048xf32, #tpu.memory_space<vmem>> -> memref<16x2048xf32, #tpu.memory_space<vmem>>
      %dma_start3A_325 = arith.constant 0 : i32
      %dma_start3A_326 = arith.constant 0 : i32
      %dma_start3A_327 = tpu.memref_slice %arg4[%dma_start3A_325, %dma_start3A_326] : memref<2048x2048xf32, #tpu.memory_space<hbm>> -> memref<2048x2048xf32, #tpu.memory_space<hbm>>
      %dma_start3A_328 = tpu.memref_slice %arg12[%dma_start3A_320] : memref<3x!tpu.dma_semaphore, #tpu.memory_space<semaphore_mem>> -> memref<1x!tpu.dma_semaphore, #tpu.memory_space<semaphore_mem>>
      %dma_start3A_329 = tpu.memref_squeeze %dma_start3A_328 : memref<1x!tpu.dma_semaphore, #tpu.memory_space<semaphore_mem>> -> memref<!tpu.dma_semaphore, #tpu.memory_space<semaphore_mem>>
      tpu.enqueue_indirect_dma source(%dma_start3A_327 : memref<2048x2048xf32, #tpu.memory_space<hbm>>) target(%dma_start3A_324 : memref<16x2048xf32, #tpu.memory_space<vmem>>) offsets(%get3A_319 : vector<16xi32>) semaphore(%dma_start3A_329 : memref<!tpu.dma_semaphore, #tpu.memory_space<semaphore_mem>>)
    } else {
    }
    %add3A_82 = arith.constant 32 : i32
    %add3A_83 = arith.addi %mul3A_30, %add3A_82 : i32
    %lt3A_84 = arith.cmpi slt, %add3A_83, %reduce_max3A_8 : i32
    %convert_element_type3A_85 = arith.extui %lt3A_84 : i1 to i32
    %cond3A_86 = arith.constant 0 : i32
    %cond3A_87 = arith.cmpi ne, %convert_element_type3A_85, %cond3A_86 : i32
    scf.if %cond3A_87 {
      %get3A_316 = arith.constant 0 : index
      %get3A_317 = tpu.vector_load %arg9[%get3A_316] {strides = array<i32>} : memref<8192xi32, #tpu.memory_space<vmem>>, vector<16xi32>,
      %dma_wait3A = arith.constant 2 : i32
      %dma_wait3A_318 = arith.constant 2 : i32
      %dma_wait3A_319 = arith.constant 0 : i32
      %dma_wait3A_320 = arith.constant 0 : i32
      %dma_wait3A_321 = tpu.memref_slice %arg11[%dma_wait3A, %dma_wait3A_319, %dma_wait3A_320] : memref<3x16x2048xf32, #tpu.memory_space<vmem>> -> memref<1x16x2048xf32, #tpu.memory_space<vmem>>
      %dma_wait3A_322 = tpu.memref_squeeze %dma_wait3A_321 : memref<1x16x2048xf32, #tpu.memory_space<vmem>> -> memref<16x2048xf32, #tpu.memory_space<vmem>>
      %dma_wait3A_323 = arith.constant 0 : i32
      %dma_wait3A_324 = arith.constant 0 : i32
      %dma_wait3A_325 = tpu.memref_slice %arg4[%dma_wait3A_323, %dma_wait3A_324] : memref<2048x2048xf32, #tpu.memory_space<hbm>> -> memref<2048x2048xf32, #tpu.memory_space<hbm>>
      %dma_wait3A_326 = tpu.memref_slice %arg12[%dma_wait3A_318] : memref<3x!tpu.dma_semaphore, #tpu.memory_space<semaphore_mem>> -> memref<1x!tpu.dma_semaphore, #tpu.memory_space<semaphore_mem>>
      %dma_wait3A_327 = tpu.memref_squeeze %dma_wait3A_326 : memref<1x!tpu.dma_semaphore, #tpu.memory_space<semaphore_mem>> -> memref<!tpu.dma_semaphore, #tpu.memory_space<semaphore_mem>>
      tpu.wait_indirect_dma semaphore(%dma_wait3A_327 : memref<!tpu.dma_semaphore, #tpu.memory_space<semaphore_mem>>) src(%dma_wait3A_325 : memref<2048x2048xf32, #tpu.memory_space<hbm>>) dst(%dma_wait3A_322 : memref<16x2048xf32, #tpu.memory_space<vmem>>)
      %add3A_328 = arith.constant 32 : i32
      %add3A_329 = arith.addi %mul3A_30, %add3A_328 : i32
      %dma_start3A = arith.constant 2 : i32
      %dma_start3A_330 = arith.constant 2 : i32
      %dma_start3A_331 = arith.constant 0 : i32
      %dma_start3A_332 = arith.constant 0 : i32
      %dma_start3A_333 = tpu.memref_slice %arg11[%dma_start3A, %dma_start3A_331, %dma_start3A_332] : memref<3x16x2048xf32, #tpu.memory_space<vmem>> -> memref<1x16x2048xf32, #tpu.memory_space<vmem>>
      %dma_start3A_334 = tpu.memref_squeeze %dma_start3A_333 : memref<1x16x2048xf32, #tpu.memory_space<vmem>> -> memref<16x2048xf32, #tpu.memory_space<vmem>>
      %dma_start3A_335 = arith.constant 0 : i32
      %dma_start3A_336 = tpu.memref_slice %arg6[%add3A_329, %dma_start3A_335] : memref<8192x2048xf32, #tpu.memory_space<hbm>> -> memref<16x2048xf32, #tpu.memory_space<hbm>>
      %dma_start3A_337 = tpu.memref_slice %arg13[%dma_start3A_330] : memref<3x!tpu.dma_semaphore, #tpu.memory_space<semaphore_mem>> -> memref<1x!tpu.dma_semaphore, #tpu.memory_space<semaphore_mem>>
      %dma_start3A_338 = tpu.memref_squeeze %dma_start3A_337 : memref<1x!tpu.dma_semaphore, #tpu.memory_space<semaphore_mem>> -> memref<!tpu.dma_semaphore, #tpu.memory_space<semaphore_mem>>
      %dma_start3A_339 = arith.constant 0 : i32
      %dma_start3A_340 = tpu.memref_slice %arg6[%add3A_329, %dma_start3A_339] : memref<8192x2048xf32, #tpu.memory_space<hbm>> -> memref<16x2048xf32, #tpu.memory_space<hbm>>
      %dma_start3A_341 = arith.constant 0 : i32
      %dma_start3A_342 = arith.constant 0 : i32
      %dma_start3A_343 = tpu.memref_slice %arg11[%dma_start3A, %dma_start3A_341, %dma_start3A_342] : memref<3x16x2048xf32, #tpu.memory_space<vmem>> -> memref<1x16x2048xf32, #tpu.memory_space<vmem>>
      %dma_start3A_344 = tpu.memref_squeeze %dma_start3A_343 : memref<1x16x2048xf32, #tpu.memory_space<vmem>> -> memref<16x2048xf32, #tpu.memory_space<vmem>>
      tpu.enqueue_dma source(%dma_start3A_344 : memref<16x2048xf32, #tpu.memory_space<vmem>>) target(%dma_start3A_340 : memref<16x2048xf32, #tpu.memory_space<hbm>>) target_semaphore(%dma_start3A_338 : memref<!tpu.dma_semaphore, #tpu.memory_space<semaphore_mem>>)
    } else {
    }
    %add3A_88 = arith.constant 32 : i32
    %add3A_89 = arith.addi %mul3A_30, %add3A_88 : i32
    %lt3A_90 = arith.cmpi slt, %add3A_89, %reduce_max3A_8 : i32
    %convert_element_type3A_91 = arith.extui %lt3A_90 : i1 to i32
    %cond3A_92 = arith.constant 0 : i32
    %cond3A_93 = arith.cmpi ne, %convert_element_type3A_91, %cond3A_92 : i32
    scf.if %cond3A_93 {
      %add3A_316 = arith.constant 32 : i32
      %add3A_317 = arith.addi %mul3A_30, %add3A_316 : i32
      %dma_wait3A = arith.constant 2 : i32
      %dma_wait3A_318 = arith.constant 2 : i32
      %dma_wait3A_319 = arith.constant 0 : i32
      %dma_wait3A_320 = arith.constant 0 : i32
      %dma_wait3A_321 = tpu.memref_slice %arg11[%dma_wait3A, %dma_wait3A_319, %dma_wait3A_320] : memref<3x16x2048xf32, #tpu.memory_space<vmem>> -> memref<1x16x2048xf32, #tpu.memory_space<vmem>>
      %dma_wait3A_322 = tpu.memref_squeeze %dma_wait3A_321 : memref<1x16x2048xf32, #tpu.memory_space<vmem>> -> memref<16x2048xf32, #tpu.memory_space<vmem>>
      %dma_wait3A_323 = arith.constant 0 : i32
      %dma_wait3A_324 = tpu.memref_slice %arg6[%add3A_317, %dma_wait3A_323] : memref<8192x2048xf32, #tpu.memory_space<hbm>> -> memref<16x2048xf32, #tpu.memory_space<hbm>>
      %dma_wait3A_325 = tpu.memref_slice %arg13[%dma_wait3A_318] : memref<3x!tpu.dma_semaphore, #tpu.memory_space<semaphore_mem>> -> memref<1x!tpu.dma_semaphore, #tpu.memory_space<semaphore_mem>>
      %dma_wait3A_326 = tpu.memref_squeeze %dma_wait3A_325 : memref<1x!tpu.dma_semaphore, #tpu.memory_space<semaphore_mem>> -> memref<!tpu.dma_semaphore, #tpu.memory_space<semaphore_mem>>
      %dma_wait3A_327 = arith.constant 0 : i32
      %dma_wait3A_328 = tpu.memref_slice %arg6[%add3A_317, %dma_wait3A_327] : memref<8192x2048xf32, #tpu.memory_space<hbm>> -> memref<16x2048xf32, #tpu.memory_space<hbm>>
      %dma_wait3A_329 = arith.constant 0 : i32
      %dma_wait3A_330 = arith.constant 0 : i32
      %dma_wait3A_331 = tpu.memref_slice %arg11[%dma_wait3A, %dma_wait3A_329, %dma_wait3A_330] : memref<3x16x2048xf32, #tpu.memory_space<vmem>> -> memref<1x16x2048xf32, #tpu.memory_space<vmem>>
      %dma_wait3A_332 = tpu.memref_squeeze %dma_wait3A_331 : memref<1x16x2048xf32, #tpu.memory_space<vmem>> -> memref<16x2048xf32, #tpu.memory_space<vmem>>
      tpu.wait_dma2 semaphore(%dma_wait3A_326 : memref<!tpu.dma_semaphore, #tpu.memory_space<semaphore_mem>>) src(%dma_wait3A_332 : memref<16x2048xf32, #tpu.memory_space<vmem>>) dst(%dma_wait3A_328 : memref<16x2048xf32, #tpu.memory_space<hbm>>)
    } else {
    }
    %add3A_94 = arith.constant 80 : i32
    %add3A_95 = arith.addi %mul3A_30, %add3A_94 : i32
    %lt3A_96 = arith.cmpi slt, %add3A_95, %reduce_max3A_8 : i32
    %convert_element_type3A_97 = arith.extui %lt3A_96 : i1 to i32
    %cond3A_98 = arith.constant 0 : i32
    %cond3A_99 = arith.cmpi ne, %convert_element_type3A_97, %cond3A_98 : i32
    scf.if %cond3A_99 {
      %add3A_316 = arith.constant 80 : i32
      %add3A_317 = arith.addi %mul3A_30, %add3A_316 : i32
      %get3A_318 = arith.index_cast %add3A_317 : i32 to index
      %get3A_319 = tpu.vector_load %arg9[%get3A_318] {strides = array<i32>} : memref<8192xi32, #tpu.memory_space<vmem>>, vector<16xi32>,
      %dma_start3A = arith.constant 2 : i32
      %dma_start3A_320 = arith.constant 2 : i32
      %dma_start3A_321 = arith.constant 0 : i32
      %dma_start3A_322 = arith.constant 0 : i32
      %dma_start3A_323 = tpu.memref_slice %arg11[%dma_start3A, %dma_start3A_321, %dma_start3A_322] : memref<3x16x2048xf32, #tpu.memory_space<vmem>> -> memref<1x16x2048xf32, #tpu.memory_space<vmem>>
      %dma_start3A_324 = tpu.memref_squeeze %dma_start3A_323 : memref<1x16x2048xf32, #tpu.memory_space<vmem>> -> memref<16x2048xf32, #tpu.memory_space<vmem>>
      %dma_start3A_325 = arith.constant 0 : i32
      %dma_start3A_326 = arith.constant 0 : i32
      %dma_start3A_327 = tpu.memref_slice %arg4[%dma_start3A_325, %dma_start3A_326] : memref<2048x2048xf32, #tpu.memory_space<hbm>> -> memref<2048x2048xf32, #tpu.memory_space<hbm>>
      %dma_start3A_328 = tpu.memref_slice %arg12[%dma_start3A_320] : memref<3x!tpu.dma_semaphore, #tpu.memory_space<semaphore_mem>> -> memref<1x!tpu.dma_semaphore, #tpu.memory_space<semaphore_mem>>
      %dma_start3A_329 = tpu.memref_squeeze %dma_start3A_328 : memref<1x!tpu.dma_semaphore, #tpu.memory_space<semaphore_mem>> -> memref<!tpu.dma_semaphore, #tpu.memory_space<semaphore_mem>>
      tpu.enqueue_indirect_dma source(%dma_start3A_327 : memref<2048x2048xf32, #tpu.memory_space<hbm>>) target(%dma_start3A_324 : memref<16x2048xf32, #tpu.memory_space<vmem>>) offsets(%get3A_319 : vector<16xi32>) semaphore(%dma_start3A_329 : memref<!tpu.dma_semaphore, #tpu.memory_space<semaphore_mem>>)
    } else {
    }
    %add3A_100 = arith.constant 48 : i32
    %add3A_101 = arith.addi %mul3A_30, %add3A_100 : i32
    %lt3A_102 = arith.cmpi slt, %add3A_101, %reduce_max3A_8 : i32
    %convert_element_type3A_103 = arith.extui %lt3A_102 : i1 to i32
    %cond3A_104 = arith.constant 0 : i32
    %cond3A_105 = arith.cmpi ne, %convert_element_type3A_103, %cond3A_104 : i32
    scf.if %cond3A_105 {
      %get3A_316 = arith.constant 0 : index
      %get3A_317 = tpu.vector_load %arg9[%get3A_316] {strides = array<i32>} : memref<8192xi32, #tpu.memory_space<vmem>>, vector<16xi32>,
      %dma_wait3A = arith.constant 0 : i32
      %dma_wait3A_318 = arith.constant 0 : i32
      %dma_wait3A_319 = arith.constant 0 : i32
      %dma_wait3A_320 = arith.constant 0 : i32
      %dma_wait3A_321 = tpu.memref_slice %arg11[%dma_wait3A, %dma_wait3A_319, %dma_wait3A_320] : memref<3x16x2048xf32, #tpu.memory_space<vmem>> -> memref<1x16x2048xf32, #tpu.memory_space<vmem>>
      %dma_wait3A_322 = tpu.memref_squeeze %dma_wait3A_321 : memref<1x16x2048xf32, #tpu.memory_space<vmem>> -> memref<16x2048xf32, #tpu.memory_space<vmem>>
      %dma_wait3A_323 = arith.constant 0 : i32
      %dma_wait3A_324 = arith.constant 0 : i32
      %dma_wait3A_325 = tpu.memref_slice %arg4[%dma_wait3A_323, %dma_wait3A_324] : memref<2048x2048xf32, #tpu.memory_space<hbm>> -> memref<2048x2048xf32, #tpu.memory_space<hbm>>
      %dma_wait3A_326 = tpu.memref_slice %arg12[%dma_wait3A_318] : memref<3x!tpu.dma_semaphore, #tpu.memory_space<semaphore_mem>> -> memref<1x!tpu.dma_semaphore, #tpu.memory_space<semaphore_mem>>
      %dma_wait3A_327 = tpu.memref_squeeze %dma_wait3A_326 : memref<1x!tpu.dma_semaphore, #tpu.memory_space<semaphore_mem>> -> memref<!tpu.dma_semaphore, #tpu.memory_space<semaphore_mem>>
      tpu.wait_indirect_dma semaphore(%dma_wait3A_327 : memref<!tpu.dma_semaphore, #tpu.memory_space<semaphore_mem>>) src(%dma_wait3A_325 : memref<2048x2048xf32, #tpu.memory_space<hbm>>) dst(%dma_wait3A_322 : memref<16x2048xf32, #tpu.memory_space<vmem>>)
      %add3A_328 = arith.constant 48 : i32
      %add3A_329 = arith.addi %mul3A_30, %add3A_328 : i32
      %dma_start3A = arith.constant 0 : i32
      %dma_start3A_330 = arith.constant 0 : i32
      %dma_start3A_331 = arith.constant 0 : i32
      %dma_start3A_332 = arith.constant 0 : i32
      %dma_start3A_333 = tpu.memref_slice %arg11[%dma_start3A, %dma_start3A_331, %dma_start3A_332] : memref<3x16x2048xf32, #tpu.memory_space<vmem>> -> memref<1x16x2048xf32, #tpu.memory_space<vmem>>
      %dma_start3A_334 = tpu.memref_squeeze %dma_start3A_333 : memref<1x16x2048xf32, #tpu.memory_space<vmem>> -> memref<16x2048xf32, #tpu.memory_space<vmem>>
      %dma_start3A_335 = arith.constant 0 : i32
      %dma_start3A_336 = tpu.memref_slice %arg6[%add3A_329, %dma_start3A_335] : memref<8192x2048xf32, #tpu.memory_space<hbm>> -> memref<16x2048xf32, #tpu.memory_space<hbm>>
      %dma_start3A_337 = tpu.memref_slice %arg13[%dma_start3A_330] : memref<3x!tpu.dma_semaphore, #tpu.memory_space<semaphore_mem>> -> memref<1x!tpu.dma_semaphore, #tpu.memory_space<semaphore_mem>>
      %dma_start3A_338 = tpu.memref_squeeze %dma_start3A_337 : memref<1x!tpu.dma_semaphore, #tpu.memory_space<semaphore_mem>> -> memref<!tpu.dma_semaphore, #tpu.memory_space<semaphore_mem>>
      %dma_start3A_339 = arith.constant 0 : i32
      %dma_start3A_340 = tpu.memref_slice %arg6[%add3A_329, %dma_start3A_339] : memref<8192x2048xf32, #tpu.memory_space<hbm>> -> memref<16x2048xf32, #tpu.memory_space<hbm>>
      %dma_start3A_341 = arith.constant 0 : i32
      %dma_start3A_342 = arith.constant 0 : i32
      %dma_start3A_343 = tpu.memref_slice %arg11[%dma_start3A, %dma_start3A_341, %dma_start3A_342] : memref<3x16x2048xf32, #tpu.memory_space<vmem>> -> memref<1x16x2048xf32, #tpu.memory_space<vmem>>
      %dma_start3A_344 = tpu.memref_squeeze %dma_start3A_343 : memref<1x16x2048xf32, #tpu.memory_space<vmem>> -> memref<16x2048xf32, #tpu.memory_space<vmem>>
      tpu.enqueue_dma source(%dma_start3A_344 : memref<16x2048xf32, #tpu.memory_space<vmem>>) target(%dma_start3A_340 : memref<16x2048xf32, #tpu.memory_space<hbm>>) target_semaphore(%dma_start3A_338 : memref<!tpu.dma_semaphore, #tpu.memory_space<semaphore_mem>>)
    } else {
    }
    %add3A_106 = arith.constant 48 : i32
    %add3A_107 = arith.addi %mul3A_30, %add3A_106 : i32
    %lt3A_108 = arith.cmpi slt, %add3A_107, %reduce_max3A_8 : i32
    %convert_element_type3A_109 = arith.extui %lt3A_108 : i1 to i32
    %cond3A_110 = arith.constant 0 : i32
    %cond3A_111 = arith.cmpi ne, %convert_element_type3A_109, %cond3A_110 : i32
    scf.if %cond3A_111 {
      %add3A_316 = arith.constant 48 : i32
      %add3A_317 = arith.addi %mul3A_30, %add3A_316 : i32
      %dma_wait3A = arith.constant 0 : i32
      %dma_wait3A_318 = arith.constant 0 : i32
      %dma_wait3A_319 = arith.constant 0 : i32
      %dma_wait3A_320 = arith.constant 0 : i32
      %dma_wait3A_321 = tpu.memref_slice %arg11[%dma_wait3A, %dma_wait3A_319, %dma_wait3A_320] : memref<3x16x2048xf32, #tpu.memory_space<vmem>> -> memref<1x16x2048xf32, #tpu.memory_space<vmem>>
      %dma_wait3A_322 = tpu.memref_squeeze %dma_wait3A_321 : memref<1x16x2048xf32, #tpu.memory_space<vmem>> -> memref<16x2048xf32, #tpu.memory_space<vmem>>
      %dma_wait3A_323 = arith.constant 0 : i32
      %dma_wait3A_324 = tpu.memref_slice %arg6[%add3A_317, %dma_wait3A_323] : memref<8192x2048xf32, #tpu.memory_space<hbm>> -> memref<16x2048xf32, #tpu.memory_space<hbm>>
      %dma_wait3A_325 = tpu.memref_slice %arg13[%dma_wait3A_318] : memref<3x!tpu.dma_semaphore, #tpu.memory_space<semaphore_mem>> -> memref<1x!tpu.dma_semaphore, #tpu.memory_space<semaphore_mem>>
      %dma_wait3A_326 = tpu.memref_squeeze %dma_wait3A_325 : memref<1x!tpu.dma_semaphore, #tpu.memory_space<semaphore_mem>> -> memref<!tpu.dma_semaphore, #tpu.memory_space<semaphore_mem>>
      %dma_wait3A_327 = arith.constant 0 : i32
      %dma_wait3A_328 = tpu.memref_slice %arg6[%add3A_317, %dma_wait3A_327] : memref<8192x2048xf32, #tpu.memory_space<hbm>> -> memref<16x2048xf32, #tpu.memory_space<hbm>>
      %dma_wait3A_329 = arith.constant 0 : i32
      %dma_wait3A_330 = arith.constant 0 : i32
      %dma_wait3A_331 = tpu.memref_slice %arg11[%dma_wait3A, %dma_wait3A_329, %dma_wait3A_330] : memref<3x16x2048xf32, #tpu.memory_space<vmem>> -> memref<1x16x2048xf32, #tpu.memory_space<vmem>>
      %dma_wait3A_332 = tpu.memref_squeeze %dma_wait3A_331 : memref<1x16x2048xf32, #tpu.memory_space<vmem>> -> memref<16x2048xf32, #tpu.memory_space<vmem>>
      tpu.wait_dma2 semaphore(%dma_wait3A_326 : memref<!tpu.dma_semaphore, #tpu.memory_space<semaphore_mem>>) src(%dma_wait3A_332 : memref<16x2048xf32, #tpu.memory_space<vmem>>) dst(%dma_wait3A_328 : memref<16x2048xf32, #tpu.memory_space<hbm>>)
    } else {
    }
    %add3A_112 = arith.constant 96 : i32
    %add3A_113 = arith.addi %mul3A_30, %add3A_112 : i32
    %lt3A_114 = arith.cmpi slt, %add3A_113, %reduce_max3A_8 : i32
    %convert_element_type3A_115 = arith.extui %lt3A_114 : i1 to i32
    %cond3A_116 = arith.constant 0 : i32
    %cond3A_117 = arith.cmpi ne, %convert_element_type3A_115, %cond3A_116 : i32
    scf.if %cond3A_117 {
      %add3A_316 = arith.constant 96 : i32
      %add3A_317 = arith.addi %mul3A_30, %add3A_316 : i32
      %get3A_318 = arith.index_cast %add3A_317 : i32 to index
      %get3A_319 = tpu.vector_load %arg9[%get3A_318] {strides = array<i32>} : memref<8192xi32, #tpu.memory_space<vmem>>, vector<16xi32>,
      %dma_start3A = arith.constant 0 : i32
      %dma_start3A_320 = arith.constant 0 : i32
      %dma_start3A_321 = arith.constant 0 : i32
      %dma_start3A_322 = arith.constant 0 : i32
      %dma_start3A_323 = tpu.memref_slice %arg11[%dma_start3A, %dma_start3A_321, %dma_start3A_322] : memref<3x16x2048xf32, #tpu.memory_space<vmem>> -> memref<1x16x2048xf32, #tpu.memory_space<vmem>>
      %dma_start3A_324 = tpu.memref_squeeze %dma_start3A_323 : memref<1x16x2048xf32, #tpu.memory_space<vmem>> -> memref<16x2048xf32, #tpu.memory_space<vmem>>
      %dma_start3A_325 = arith.constant 0 : i32
      %dma_start3A_326 = arith.constant 0 : i32
      %dma_start3A_327 = tpu.memref_slice %arg4[%dma_start3A_325, %dma_start3A_326] : memref<2048x2048xf32, #tpu.memory_space<hbm>> -> memref<2048x2048xf32, #tpu.memory_space<hbm>>
      %dma_start3A_328 = tpu.memref_slice %arg12[%dma_start3A_320] : memref<3x!tpu.dma_semaphore, #tpu.memory_space<semaphore_mem>> -> memref<1x!tpu.dma_semaphore, #tpu.memory_space<semaphore_mem>>
      %dma_start3A_329 = tpu.memref_squeeze %dma_start3A_328 : memref<1x!tpu.dma_semaphore, #tpu.memory_space<semaphore_mem>> -> memref<!tpu.dma_semaphore, #tpu.memory_space<semaphore_mem>>
      tpu.enqueue_indirect_dma source(%dma_start3A_327 : memref<2048x2048xf32, #tpu.memory_space<hbm>>) target(%dma_start3A_324 : memref<16x2048xf32, #tpu.memory_space<vmem>>) offsets(%get3A_319 : vector<16xi32>) semaphore(%dma_start3A_329 : memref<!tpu.dma_semaphore, #tpu.memory_space<semaphore_mem>>)
    } else {
    }
    %add3A_118 = arith.constant 64 : i32
    %add3A_119 = arith.addi %mul3A_30, %add3A_118 : i32
    %lt3A_120 = arith.cmpi slt, %add3A_119, %reduce_max3A_8 : i32
    %convert_element_type3A_121 = arith.extui %lt3A_120 : i1 to i32
    %cond3A_122 = arith.constant 0 : i32
    %cond3A_123 = arith.cmpi ne, %convert_element_type3A_121, %cond3A_122 : i32
    scf.if %cond3A_123 {
      %get3A_316 = arith.constant 0 : index
      %get3A_317 = tpu.vector_load %arg9[%get3A_316] {strides = array<i32>} : memref<8192xi32, #tpu.memory_space<vmem>>, vector<16xi32>,
      %dma_wait3A = arith.constant 1 : i32
      %dma_wait3A_318 = arith.constant 1 : i32
      %dma_wait3A_319 = arith.constant 0 : i32
      %dma_wait3A_320 = arith.constant 0 : i32
      %dma_wait3A_321 = tpu.memref_slice %arg11[%dma_wait3A, %dma_wait3A_319, %dma_wait3A_320] : memref<3x16x2048xf32, #tpu.memory_space<vmem>> -> memref<1x16x2048xf32, #tpu.memory_space<vmem>>
      %dma_wait3A_322 = tpu.memref_squeeze %dma_wait3A_321 : memref<1x16x2048xf32, #tpu.memory_space<vmem>> -> memref<16x2048xf32, #tpu.memory_space<vmem>>
      %dma_wait3A_323 = arith.constant 0 : i32
      %dma_wait3A_324 = arith.constant 0 : i32
      %dma_wait3A_325 = tpu.memref_slice %arg4[%dma_wait3A_323, %dma_wait3A_324] : memref<2048x2048xf32, #tpu.memory_space<hbm>> -> memref<2048x2048xf32, #tpu.memory_space<hbm>>
      %dma_wait3A_326 = tpu.memref_slice %arg12[%dma_wait3A_318] : memref<3x!tpu.dma_semaphore, #tpu.memory_space<semaphore_mem>> -> memref<1x!tpu.dma_semaphore, #tpu.memory_space<semaphore_mem>>
      %dma_wait3A_327 = tpu.memref_squeeze %dma_wait3A_326 : memref<1x!tpu.dma_semaphore, #tpu.memory_space<semaphore_mem>> -> memref<!tpu.dma_semaphore, #tpu.memory_space<semaphore_mem>>
      tpu.wait_indirect_dma semaphore(%dma_wait3A_327 : memref<!tpu.dma_semaphore, #tpu.memory_space<semaphore_mem>>) src(%dma_wait3A_325 : memref<2048x2048xf32, #tpu.memory_space<hbm>>) dst(%dma_wait3A_322 : memref<16x2048xf32, #tpu.memory_space<vmem>>)
      %add3A_328 = arith.constant 64 : i32
      %add3A_329 = arith.addi %mul3A_30, %add3A_328 : i32
      %dma_start3A = arith.constant 1 : i32
      %dma_start3A_330 = arith.constant 1 : i32
      %dma_start3A_331 = arith.constant 0 : i32
      %dma_start3A_332 = arith.constant 0 : i32
      %dma_start3A_333 = tpu.memref_slice %arg11[%dma_start3A, %dma_start3A_331, %dma_start3A_332] : memref<3x16x2048xf32, #tpu.memory_space<vmem>> -> memref<1x16x2048xf32, #tpu.memory_space<vmem>>
      %dma_start3A_334 = tpu.memref_squeeze %dma_start3A_333 : memref<1x16x2048xf32, #tpu.memory_space<vmem>> -> memref<16x2048xf32, #tpu.memory_space<vmem>>
      %dma_start3A_335 = arith.constant 0 : i32
      %dma_start3A_336 = tpu.memref_slice %arg6[%add3A_329, %dma_start3A_335] : memref<8192x2048xf32, #tpu.memory_space<hbm>> -> memref<16x2048xf32, #tpu.memory_space<hbm>>
      %dma_start3A_337 = tpu.memref_slice %arg13[%dma_start3A_330] : memref<3x!tpu.dma_semaphore, #tpu.memory_space<semaphore_mem>> -> memref<1x!tpu.dma_semaphore, #tpu.memory_space<semaphore_mem>>
      %dma_start3A_338 = tpu.memref_squeeze %dma_start3A_337 : memref<1x!tpu.dma_semaphore, #tpu.memory_space<semaphore_mem>> -> memref<!tpu.dma_semaphore, #tpu.memory_space<semaphore_mem>>
      %dma_start3A_339 = arith.constant 0 : i32
      %dma_start3A_340 = tpu.memref_slice %arg6[%add3A_329, %dma_start3A_339] : memref<8192x2048xf32, #tpu.memory_space<hbm>> -> memref<16x2048xf32, #tpu.memory_space<hbm>>
      %dma_start3A_341 = arith.constant 0 : i32
      %dma_start3A_342 = arith.constant 0 : i32
      %dma_start3A_343 = tpu.memref_slice %arg11[%dma_start3A, %dma_start3A_341, %dma_start3A_342] : memref<3x16x2048xf32, #tpu.memory_space<vmem>> -> memref<1x16x2048xf32, #tpu.memory_space<vmem>>
      %dma_start3A_344 = tpu.memref_squeeze %dma_start3A_343 : memref<1x16x2048xf32, #tpu.memory_space<vmem>> -> memref<16x2048xf32, #tpu.memory_space<vmem>>
      tpu.enqueue_dma source(%dma_start3A_344 : memref<16x2048xf32, #tpu.memory_space<vmem>>) target(%dma_start3A_340 : memref<16x2048xf32, #tpu.memory_space<hbm>>) target_semaphore(%dma_start3A_338 : memref<!tpu.dma_semaphore, #tpu.memory_space<semaphore_mem>>)
    } else {
    }
    %add3A_124 = arith.constant 64 : i32
    %add3A_125 = arith.addi %mul3A_30, %add3A_124 : i32
    %lt3A_126 = arith.cmpi slt, %add3A_125, %reduce_max3A_8 : i32
    %convert_element_type3A_127 = arith.extui %lt3A_126 : i1 to i32
    %cond3A_128 = arith.constant 0 : i32
    %cond3A_129 = arith.cmpi ne, %convert_element_type3A_127, %cond3A_128 : i32
    scf.if %cond3A_129 {
      %add3A_316 = arith.constant 64 : i32
      %add3A_317 = arith.addi %mul3A_30, %add3A_316 : i32
      %dma_wait3A = arith.constant 1 : i32
      %dma_wait3A_318 = arith.constant 1 : i32
      %dma_wait3A_319 = arith.constant 0 : i32
      %dma_wait3A_320 = arith.constant 0 : i32
      %dma_wait3A_321 = tpu.memref_slice %arg11[%dma_wait3A, %dma_wait3A_319, %dma_wait3A_320] : memref<3x16x2048xf32, #tpu.memory_space<vmem>> -> memref<1x16x2048xf32, #tpu.memory_space<vmem>>
      %dma_wait3A_322 = tpu.memref_squeeze %dma_wait3A_321 : memref<1x16x2048xf32, #tpu.memory_space<vmem>> -> memref<16x2048xf32, #tpu.memory_space<vmem>>
      %dma_wait3A_323 = arith.constant 0 : i32
      %dma_wait3A_324 = tpu.memref_slice %arg6[%add3A_317, %dma_wait3A_323] : memref<8192x2048xf32, #tpu.memory_space<hbm>> -> memref<16x2048xf32, #tpu.memory_space<hbm>>
      %dma_wait3A_325 = tpu.memref_slice %arg13[%dma_wait3A_318] : memref<3x!tpu.dma_semaphore, #tpu.memory_space<semaphore_mem>> -> memref<1x!tpu.dma_semaphore, #tpu.memory_space<semaphore_mem>>
      %dma_wait3A_326 = tpu.memref_squeeze %dma_wait3A_325 : memref<1x!tpu.dma_semaphore, #tpu.memory_space<semaphore_mem>> -> memref<!tpu.dma_semaphore, #tpu.memory_space<semaphore_mem>>
      %dma_wait3A_327 = arith.constant 0 : i32
      %dma_wait3A_328 = tpu.memref_slice %arg6[%add3A_317, %dma_wait3A_327] : memref<8192x2048xf32, #tpu.memory_space<hbm>> -> memref<16x2048xf32, #tpu.memory_space<hbm>>
      %dma_wait3A_329 = arith.constant 0 : i32
      %dma_wait3A_330 = arith.constant 0 : i32
      %dma_wait3A_331 = tpu.memref_slice %arg11[%dma_wait3A, %dma_wait3A_329, %dma_wait3A_330] : memref<3x16x2048xf32, #tpu.memory_space<vmem>> -> memref<1x16x2048xf32, #tpu.memory_space<vmem>>
      %dma_wait3A_332 = tpu.memref_squeeze %dma_wait3A_331 : memref<1x16x2048xf32, #tpu.memory_space<vmem>> -> memref<16x2048xf32, #tpu.memory_space<vmem>>
      tpu.wait_dma2 semaphore(%dma_wait3A_326 : memref<!tpu.dma_semaphore, #tpu.memory_space<semaphore_mem>>) src(%dma_wait3A_332 : memref<16x2048xf32, #tpu.memory_space<vmem>>) dst(%dma_wait3A_328 : memref<16x2048xf32, #tpu.memory_space<hbm>>)
    } else {
    }
    %add3A_130 = arith.constant 112 : i32
    %add3A_131 = arith.addi %mul3A_30, %add3A_130 : i32
    %lt3A_132 = arith.cmpi slt, %add3A_131, %reduce_max3A_8 : i32
    %convert_element_type3A_133 = arith.extui %lt3A_132 : i1 to i32
    %cond3A_134 = arith.constant 0 : i32
    %cond3A_135 = arith.cmpi ne, %convert_element_type3A_133, %cond3A_134 : i32
    scf.if %cond3A_135 {
      %add3A_316 = arith.constant 112 : i32
      %add3A_317 = arith.addi %mul3A_30, %add3A_316 : i32
      %get3A_318 = arith.index_cast %add3A_317 : i32 to index
      %get3A_319 = tpu.vector_load %arg9[%get3A_318] {strides = array<i32>} : memref<8192xi32, #tpu.memory_space<vmem>>, vector<16xi32>,
      %dma_start3A = arith.constant 1 : i32
      %dma_start3A_320 = arith.constant 1 : i32
      %dma_start3A_321 = arith.constant 0 : i32
      %dma_start3A_322 = arith.constant 0 : i32
      %dma_start3A_323 = tpu.memref_slice %arg11[%dma_start3A, %dma_start3A_321, %dma_start3A_322] : memref<3x16x2048xf32, #tpu.memory_space<vmem>> -> memref<1x16x2048xf32, #tpu.memory_space<vmem>>
      %dma_start3A_324 = tpu.memref_squeeze %dma_start3A_323 : memref<1x16x2048xf32, #tpu.memory_space<vmem>> -> memref<16x2048xf32, #tpu.memory_space<vmem>>
      %dma_start3A_325 = arith.constant 0 : i32
      %dma_start3A_326 = arith.constant 0 : i32
      %dma_start3A_327 = tpu.memref_slice %arg4[%dma_start3A_325, %dma_start3A_326] : memref<2048x2048xf32, #tpu.memory_space<hbm>> -> memref<2048x2048xf32, #tpu.memory_space<hbm>>
      %dma_start3A_328 = tpu.memref_slice %arg12[%dma_start3A_320] : memref<3x!tpu.dma_semaphore, #tpu.memory_space<semaphore_mem>> -> memref<1x!tpu.dma_semaphore, #tpu.memory_space<semaphore_mem>>
      %dma_start3A_329 = tpu.memref_squeeze %dma_start3A_328 : memref<1x!tpu.dma_semaphore, #tpu.memory_space<semaphore_mem>> -> memref<!tpu.dma_semaphore, #tpu.memory_space<semaphore_mem>>
      tpu.enqueue_indirect_dma source(%dma_start3A_327 : memref<2048x2048xf32, #tpu.memory_space<hbm>>) target(%dma_start3A_324 : memref<16x2048xf32, #tpu.memory_space<vmem>>) offsets(%get3A_319 : vector<16xi32>) semaphore(%dma_start3A_329 : memref<!tpu.dma_semaphore, #tpu.memory_space<semaphore_mem>>)
    } else {
    }
    %add3A_136 = arith.constant 80 : i32
    %add3A_137 = arith.addi %mul3A_30, %add3A_136 : i32
    %lt3A_138 = arith.cmpi slt, %add3A_137, %reduce_max3A_8 : i32
    %convert_element_type3A_139 = arith.extui %lt3A_138 : i1 to i32
    %cond3A_140 = arith.constant 0 : i32
    %cond3A_141 = arith.cmpi ne, %convert_element_type3A_139, %cond3A_140 : i32
    scf.if %cond3A_141 {
      %get3A_316 = arith.constant 0 : index
      %get3A_317 = tpu.vector_load %arg9[%get3A_316] {strides = array<i32>} : memref<8192xi32, #tpu.memory_space<vmem>>, vector<16xi32>,
      %dma_wait3A = arith.constant 2 : i32
      %dma_wait3A_318 = arith.constant 2 : i32
      %dma_wait3A_319 = arith.constant 0 : i32
      %dma_wait3A_320 = arith.constant 0 : i32
      %dma_wait3A_321 = tpu.memref_slice %arg11[%dma_wait3A, %dma_wait3A_319, %dma_wait3A_320] : memref<3x16x2048xf32, #tpu.memory_space<vmem>> -> memref<1x16x2048xf32, #tpu.memory_space<vmem>>
      %dma_wait3A_322 = tpu.memref_squeeze %dma_wait3A_321 : memref<1x16x2048xf32, #tpu.memory_space<vmem>> -> memref<16x2048xf32, #tpu.memory_space<vmem>>
      %dma_wait3A_323 = arith.constant 0 : i32
      %dma_wait3A_324 = arith.constant 0 : i32
      %dma_wait3A_325 = tpu.memref_slice %arg4[%dma_wait3A_323, %dma_wait3A_324] : memref<2048x2048xf32, #tpu.memory_space<hbm>> -> memref<2048x2048xf32, #tpu.memory_space<hbm>>
      %dma_wait3A_326 = tpu.memref_slice %arg12[%dma_wait3A_318] : memref<3x!tpu.dma_semaphore, #tpu.memory_space<semaphore_mem>> -> memref<1x!tpu.dma_semaphore, #tpu.memory_space<semaphore_mem>>
      %dma_wait3A_327 = tpu.memref_squeeze %dma_wait3A_326 : memref<1x!tpu.dma_semaphore, #tpu.memory_space<semaphore_mem>> -> memref<!tpu.dma_semaphore, #tpu.memory_space<semaphore_mem>>
      tpu.wait_indirect_dma semaphore(%dma_wait3A_327 : memref<!tpu.dma_semaphore, #tpu.memory_space<semaphore_mem>>) src(%dma_wait3A_325 : memref<2048x2048xf32, #tpu.memory_space<hbm>>) dst(%dma_wait3A_322 : memref<16x2048xf32, #tpu.memory_space<vmem>>)
      %add3A_328 = arith.constant 80 : i32
      %add3A_329 = arith.addi %mul3A_30, %add3A_328 : i32
      %dma_start3A = arith.constant 2 : i32
      %dma_start3A_330 = arith.constant 2 : i32
      %dma_start3A_331 = arith.constant 0 : i32
      %dma_start3A_332 = arith.constant 0 : i32
      %dma_start3A_333 = tpu.memref_slice %arg11[%dma_start3A, %dma_start3A_331, %dma_start3A_332] : memref<3x16x2048xf32, #tpu.memory_space<vmem>> -> memref<1x16x2048xf32, #tpu.memory_space<vmem>>
      %dma_start3A_334 = tpu.memref_squeeze %dma_start3A_333 : memref<1x16x2048xf32, #tpu.memory_space<vmem>> -> memref<16x2048xf32, #tpu.memory_space<vmem>>
      %dma_start3A_335 = arith.constant 0 : i32
      %dma_start3A_336 = tpu.memref_slice %arg6[%add3A_329, %dma_start3A_335] : memref<8192x2048xf32, #tpu.memory_space<hbm>> -> memref<16x2048xf32, #tpu.memory_space<hbm>>
      %dma_start3A_337 = tpu.memref_slice %arg13[%dma_start3A_330] : memref<3x!tpu.dma_semaphore, #tpu.memory_space<semaphore_mem>> -> memref<1x!tpu.dma_semaphore, #tpu.memory_space<semaphore_mem>>
      %dma_start3A_338 = tpu.memref_squeeze %dma_start3A_337 : memref<1x!tpu.dma_semaphore, #tpu.memory_space<semaphore_mem>> -> memref<!tpu.dma_semaphore, #tpu.memory_space<semaphore_mem>>
      %dma_start3A_339 = arith.constant 0 : i32
      %dma_start3A_340 = tpu.memref_slice %arg6[%add3A_329, %dma_start3A_339] : memref<8192x2048xf32, #tpu.memory_space<hbm>> -> memref<16x2048xf32, #tpu.memory_space<hbm>>
      %dma_start3A_341 = arith.constant 0 : i32
      %dma_start3A_342 = arith.constant 0 : i32
      %dma_start3A_343 = tpu.memref_slice %arg11[%dma_start3A, %dma_start3A_341, %dma_start3A_342] : memref<3x16x2048xf32, #tpu.memory_space<vmem>> -> memref<1x16x2048xf32, #tpu.memory_space<vmem>>
      %dma_start3A_344 = tpu.memref_squeeze %dma_start3A_343 : memref<1x16x2048xf32, #tpu.memory_space<vmem>> -> memref<16x2048xf32, #tpu.memory_space<vmem>>
      tpu.enqueue_dma source(%dma_start3A_344 : memref<16x2048xf32, #tpu.memory_space<vmem>>) target(%dma_start3A_340 : memref<16x2048xf32, #tpu.memory_space<hbm>>) target_semaphore(%dma_start3A_338 : memref<!tpu.dma_semaphore, #tpu.memory_space<semaphore_mem>>)
    } else {
    }
    %add3A_142 = arith.constant 80 : i32
    %add3A_143 = arith.addi %mul3A_30, %add3A_142 : i32
    %lt3A_144 = arith.cmpi slt, %add3A_143, %reduce_max3A_8 : i32
    %convert_element_type3A_145 = arith.extui %lt3A_144 : i1 to i32
    %cond3A_146 = arith.constant 0 : i32
    %cond3A_147 = arith.cmpi ne, %convert_element_type3A_145, %cond3A_146 : i32
    scf.if %cond3A_147 {
      %add3A_316 = arith.constant 80 : i32
      %add3A_317 = arith.addi %mul3A_30, %add3A_316 : i32
      %dma_wait3A = arith.constant 2 : i32
      %dma_wait3A_318 = arith.constant 2 : i32
      %dma_wait3A_319 = arith.constant 0 : i32
      %dma_wait3A_320 = arith.constant 0 : i32
      %dma_wait3A_321 = tpu.memref_slice %arg11[%dma_wait3A, %dma_wait3A_319, %dma_wait3A_320] : memref<3x16x2048xf32, #tpu.memory_space<vmem>> -> memref<1x16x2048xf32, #tpu.memory_space<vmem>>
      %dma_wait3A_322 = tpu.memref_squeeze %dma_wait3A_321 : memref<1x16x2048xf32, #tpu.memory_space<vmem>> -> memref<16x2048xf32, #tpu.memory_space<vmem>>
      %dma_wait3A_323 = arith.constant 0 : i32
      %dma_wait3A_324 = tpu.memref_slice %arg6[%add3A_317, %dma_wait3A_323] : memref<8192x2048xf32, #tpu.memory_space<hbm>> -> memref<16x2048xf32, #tpu.memory_space<hbm>>
      %dma_wait3A_325 = tpu.memref_slice %arg13[%dma_wait3A_318] : memref<3x!tpu.dma_semaphore, #tpu.memory_space<semaphore_mem>> -> memref<1x!tpu.dma_semaphore, #tpu.memory_space<semaphore_mem>>
      %dma_wait3A_326 = tpu.memref_squeeze %dma_wait3A_325 : memref<1x!tpu.dma_semaphore, #tpu.memory_space<semaphore_mem>> -> memref<!tpu.dma_semaphore, #tpu.memory_space<semaphore_mem>>
      %dma_wait3A_327 = arith.constant 0 : i32
      %dma_wait3A_328 = tpu.memref_slice %arg6[%add3A_317, %dma_wait3A_327] : memref<8192x2048xf32, #tpu.memory_space<hbm>> -> memref<16x2048xf32, #tpu.memory_space<hbm>>
      %dma_wait3A_329 = arith.constant 0 : i32
      %dma_wait3A_330 = arith.constant 0 : i32
      %dma_wait3A_331 = tpu.memref_slice %arg11[%dma_wait3A, %dma_wait3A_329, %dma_wait3A_330] : memref<3x16x2048xf32, #tpu.memory_space<vmem>> -> memref<1x16x2048xf32, #tpu.memory_space<vmem>>
      %dma_wait3A_332 = tpu.memref_squeeze %dma_wait3A_331 : memref<1x16x2048xf32, #tpu.memory_space<vmem>> -> memref<16x2048xf32, #tpu.memory_space<vmem>>
      tpu.wait_dma2 semaphore(%dma_wait3A_326 : memref<!tpu.dma_semaphore, #tpu.memory_space<semaphore_mem>>) src(%dma_wait3A_332 : memref<16x2048xf32, #tpu.memory_space<vmem>>) dst(%dma_wait3A_328 : memref<16x2048xf32, #tpu.memory_space<hbm>>)
    } else {
    }
    %add3A_148 = arith.constant 128 : i32
    %add3A_149 = arith.addi %mul3A_30, %add3A_148 : i32
    %lt3A_150 = arith.cmpi slt, %add3A_149, %reduce_max3A_8 : i32
    %convert_element_type3A_151 = arith.extui %lt3A_150 : i1 to i32
    %cond3A_152 = arith.constant 0 : i32
    %cond3A_153 = arith.cmpi ne, %convert_element_type3A_151, %cond3A_152 : i32
    scf.if %cond3A_153 {
      %add3A_316 = arith.constant 128 : i32
      %add3A_317 = arith.addi %mul3A_30, %add3A_316 : i32
      %get3A_318 = arith.index_cast %add3A_317 : i32 to index
      %get3A_319 = tpu.vector_load %arg9[%get3A_318] {strides = array<i32>} : memref<8192xi32, #tpu.memory_space<vmem>>, vector<16xi32>,
      %dma_start3A = arith.constant 2 : i32
      %dma_start3A_320 = arith.constant 2 : i32
      %dma_start3A_321 = arith.constant 0 : i32
      %dma_start3A_322 = arith.constant 0 : i32
      %dma_start3A_323 = tpu.memref_slice %arg11[%dma_start3A, %dma_start3A_321, %dma_start3A_322] : memref<3x16x2048xf32, #tpu.memory_space<vmem>> -> memref<1x16x2048xf32, #tpu.memory_space<vmem>>
      %dma_start3A_324 = tpu.memref_squeeze %dma_start3A_323 : memref<1x16x2048xf32, #tpu.memory_space<vmem>> -> memref<16x2048xf32, #tpu.memory_space<vmem>>
      %dma_start3A_325 = arith.constant 0 : i32
      %dma_start3A_326 = arith.constant 0 : i32
      %dma_start3A_327 = tpu.memref_slice %arg4[%dma_start3A_325, %dma_start3A_326] : memref<2048x2048xf32, #tpu.memory_space<hbm>> -> memref<2048x2048xf32, #tpu.memory_space<hbm>>
      %dma_start3A_328 = tpu.memref_slice %arg12[%dma_start3A_320] : memref<3x!tpu.dma_semaphore, #tpu.memory_space<semaphore_mem>> -> memref<1x!tpu.dma_semaphore, #tpu.memory_space<semaphore_mem>>
      %dma_start3A_329 = tpu.memref_squeeze %dma_start3A_328 : memref<1x!tpu.dma_semaphore, #tpu.memory_space<semaphore_mem>> -> memref<!tpu.dma_semaphore, #tpu.memory_space<semaphore_mem>>
      tpu.enqueue_indirect_dma source(%dma_start3A_327 : memref<2048x2048xf32, #tpu.memory_space<hbm>>) target(%dma_start3A_324 : memref<16x2048xf32, #tpu.memory_space<vmem>>) offsets(%get3A_319 : vector<16xi32>) semaphore(%dma_start3A_329 : memref<!tpu.dma_semaphore, #tpu.memory_space<semaphore_mem>>)
    } else {
    }
    %add3A_154 = arith.constant 96 : i32
    %add3A_155 = arith.addi %mul3A_30, %add3A_154 : i32
    %lt3A_156 = arith.cmpi slt, %add3A_155, %reduce_max3A_8 : i32
    %convert_element_type3A_157 = arith.extui %lt3A_156 : i1 to i32
    %cond3A_158 = arith.constant 0 : i32
    %cond3A_159 = arith.cmpi ne, %convert_element_type3A_157, %cond3A_158 : i32
    scf.if %cond3A_159 {
      %get3A_316 = arith.constant 0 : index
      %get3A_317 = tpu.vector_load %arg9[%get3A_316] {strides = array<i32>} : memref<8192xi32, #tpu.memory_space<vmem>>, vector<16xi32>,
      %dma_wait3A = arith.constant 0 : i32
      %dma_wait3A_318 = arith.constant 0 : i32
      %dma_wait3A_319 = arith.constant 0 : i32
      %dma_wait3A_320 = arith.constant 0 : i32
      %dma_wait3A_321 = tpu.memref_slice %arg11[%dma_wait3A, %dma_wait3A_319, %dma_wait3A_320] : memref<3x16x2048xf32, #tpu.memory_space<vmem>> -> memref<1x16x2048xf32, #tpu.memory_space<vmem>>
      %dma_wait3A_322 = tpu.memref_squeeze %dma_wait3A_321 : memref<1x16x2048xf32, #tpu.memory_space<vmem>> -> memref<16x2048xf32, #tpu.memory_space<vmem>>
      %dma_wait3A_323 = arith.constant 0 : i32
      %dma_wait3A_324 = arith.constant 0 : i32
      %dma_wait3A_325 = tpu.memref_slice %arg4[%dma_wait3A_323, %dma_wait3A_324] : memref<2048x2048xf32, #tpu.memory_space<hbm>> -> memref<2048x2048xf32, #tpu.memory_space<hbm>>
      %dma_wait3A_326 = tpu.memref_slice %arg12[%dma_wait3A_318] : memref<3x!tpu.dma_semaphore, #tpu.memory_space<semaphore_mem>> -> memref<1x!tpu.dma_semaphore, #tpu.memory_space<semaphore_mem>>
      %dma_wait3A_327 = tpu.memref_squeeze %dma_wait3A_326 : memref<1x!tpu.dma_semaphore, #tpu.memory_space<semaphore_mem>> -> memref<!tpu.dma_semaphore, #tpu.memory_space<semaphore_mem>>
      tpu.wait_indirect_dma semaphore(%dma_wait3A_327 : memref<!tpu.dma_semaphore, #tpu.memory_space<semaphore_mem>>) src(%dma_wait3A_325 : memref<2048x2048xf32, #tpu.memory_space<hbm>>) dst(%dma_wait3A_322 : memref<16x2048xf32, #tpu.memory_space<vmem>>)
      %add3A_328 = arith.constant 96 : i32
      %add3A_329 = arith.addi %mul3A_30, %add3A_328 : i32
      %dma_start3A = arith.constant 0 : i32
      %dma_start3A_330 = arith.constant 0 : i32
      %dma_start3A_331 = arith.constant 0 : i32
      %dma_start3A_332 = arith.constant 0 : i32
      %dma_start3A_333 = tpu.memref_slice %arg11[%dma_start3A, %dma_start3A_331, %dma_start3A_332] : memref<3x16x2048xf32, #tpu.memory_space<vmem>> -> memref<1x16x2048xf32, #tpu.memory_space<vmem>>
      %dma_start3A_334 = tpu.memref_squeeze %dma_start3A_333 : memref<1x16x2048xf32, #tpu.memory_space<vmem>> -> memref<16x2048xf32, #tpu.memory_space<vmem>>
      %dma_start3A_335 = arith.constant 0 : i32
      %dma_start3A_336 = tpu.memref_slice %arg6[%add3A_329, %dma_start3A_335] : memref<8192x2048xf32, #tpu.memory_space<hbm>> -> memref<16x2048xf32, #tpu.memory_space<hbm>>
      %dma_start3A_337 = tpu.memref_slice %arg13[%dma_start3A_330] : memref<3x!tpu.dma_semaphore, #tpu.memory_space<semaphore_mem>> -> memref<1x!tpu.dma_semaphore, #tpu.memory_space<semaphore_mem>>
      %dma_start3A_338 = tpu.memref_squeeze %dma_start3A_337 : memref<1x!tpu.dma_semaphore, #tpu.memory_space<semaphore_mem>> -> memref<!tpu.dma_semaphore, #tpu.memory_space<semaphore_mem>>
      %dma_start3A_339 = arith.constant 0 : i32
      %dma_start3A_340 = tpu.memref_slice %arg6[%add3A_329, %dma_start3A_339] : memref<8192x2048xf32, #tpu.memory_space<hbm>> -> memref<16x2048xf32, #tpu.memory_space<hbm>>
      %dma_start3A_341 = arith.constant 0 : i32
      %dma_start3A_342 = arith.constant 0 : i32
      %dma_start3A_343 = tpu.memref_slice %arg11[%dma_start3A, %dma_start3A_341, %dma_start3A_342] : memref<3x16x2048xf32, #tpu.memory_space<vmem>> -> memref<1x16x2048xf32, #tpu.memory_space<vmem>>
      %dma_start3A_344 = tpu.memref_squeeze %dma_start3A_343 : memref<1x16x2048xf32, #tpu.memory_space<vmem>> -> memref<16x2048xf32, #tpu.memory_space<vmem>>
      tpu.enqueue_dma source(%dma_start3A_344 : memref<16x2048xf32, #tpu.memory_space<vmem>>) target(%dma_start3A_340 : memref<16x2048xf32, #tpu.memory_space<hbm>>) target_semaphore(%dma_start3A_338 : memref<!tpu.dma_semaphore, #tpu.memory_space<semaphore_mem>>)
    } else {
    }
    %add3A_160 = arith.constant 96 : i32
    %add3A_161 = arith.addi %mul3A_30, %add3A_160 : i32
    %lt3A_162 = arith.cmpi slt, %add3A_161, %reduce_max3A_8 : i32
    %convert_element_type3A_163 = arith.extui %lt3A_162 : i1 to i32
    %cond3A_164 = arith.constant 0 : i32
    %cond3A_165 = arith.cmpi ne, %convert_element_type3A_163, %cond3A_164 : i32
    scf.if %cond3A_165 {
      %add3A_316 = arith.constant 96 : i32
      %add3A_317 = arith.addi %mul3A_30, %add3A_316 : i32
      %dma_wait3A = arith.constant 0 : i32
      %dma_wait3A_318 = arith.constant 0 : i32
      %dma_wait3A_319 = arith.constant 0 : i32
      %dma_wait3A_320 = arith.constant 0 : i32
      %dma_wait3A_321 = tpu.memref_slice %arg11[%dma_wait3A, %dma_wait3A_319, %dma_wait3A_320] : memref<3x16x2048xf32, #tpu.memory_space<vmem>> -> memref<1x16x2048xf32, #tpu.memory_space<vmem>>
      %dma_wait3A_322 = tpu.memref_squeeze %dma_wait3A_321 : memref<1x16x2048xf32, #tpu.memory_space<vmem>> -> memref<16x2048xf32, #tpu.memory_space<vmem>>
      %dma_wait3A_323 = arith.constant 0 : i32
      %dma_wait3A_324 = tpu.memref_slice %arg6[%add3A_317, %dma_wait3A_323] : memref<8192x2048xf32, #tpu.memory_space<hbm>> -> memref<16x2048xf32, #tpu.memory_space<hbm>>
      %dma_wait3A_325 = tpu.memref_slice %arg13[%dma_wait3A_318] : memref<3x!tpu.dma_semaphore, #tpu.memory_space<semaphore_mem>> -> memref<1x!tpu.dma_semaphore, #tpu.memory_space<semaphore_mem>>
      %dma_wait3A_326 = tpu.memref_squeeze %dma_wait3A_325 : memref<1x!tpu.dma_semaphore, #tpu.memory_space<semaphore_mem>> -> memref<!tpu.dma_semaphore, #tpu.memory_space<semaphore_mem>>
      %dma_wait3A_327 = arith.constant 0 : i32
      %dma_wait3A_328 = tpu.memref_slice %arg6[%add3A_317, %dma_wait3A_327] : memref<8192x2048xf32, #tpu.memory_space<hbm>> -> memref<16x2048xf32, #tpu.memory_space<hbm>>
      %dma_wait3A_329 = arith.constant 0 : i32
      %dma_wait3A_330 = arith.constant 0 : i32
      %dma_wait3A_331 = tpu.memref_slice %arg11[%dma_wait3A, %dma_wait3A_329, %dma_wait3A_330] : memref<3x16x2048xf32, #tpu.memory_space<vmem>> -> memref<1x16x2048xf32, #tpu.memory_space<vmem>>
      %dma_wait3A_332 = tpu.memref_squeeze %dma_wait3A_331 : memref<1x16x2048xf32, #tpu.memory_space<vmem>> -> memref<16x2048xf32, #tpu.memory_space<vmem>>
      tpu.wait_dma2 semaphore(%dma_wait3A_326 : memref<!tpu.dma_semaphore, #tpu.memory_space<semaphore_mem>>) src(%dma_wait3A_332 : memref<16x2048xf32, #tpu.memory_space<vmem>>) dst(%dma_wait3A_328 : memref<16x2048xf32, #tpu.memory_space<hbm>>)
    } else {
    }
    %add3A_166 = arith.constant 144 : i32
    %add3A_167 = arith.addi %mul3A_30, %add3A_166 : i32
    %lt3A_168 = arith.cmpi slt, %add3A_167, %reduce_max3A_8 : i32
    %convert_element_type3A_169 = arith.extui %lt3A_168 : i1 to i32
    %cond3A_170 = arith.constant 0 : i32
    %cond3A_171 = arith.cmpi ne, %convert_element_type3A_169, %cond3A_170 : i32
    scf.if %cond3A_171 {
      %add3A_316 = arith.constant 144 : i32
      %add3A_317 = arith.addi %mul3A_30, %add3A_316 : i32
      %get3A_318 = arith.index_cast %add3A_317 : i32 to index
      %get3A_319 = tpu.vector_load %arg9[%get3A_318] {strides = array<i32>} : memref<8192xi32, #tpu.memory_space<vmem>>, vector<16xi32>,
      %dma_start3A = arith.constant 0 : i32
      %dma_start3A_320 = arith.constant 0 : i32
      %dma_start3A_321 = arith.constant 0 : i32
      %dma_start3A_322 = arith.constant 0 : i32
      %dma_start3A_323 = tpu.memref_slice %arg11[%dma_start3A, %dma_start3A_321, %dma_start3A_322] : memref<3x16x2048xf32, #tpu.memory_space<vmem>> -> memref<1x16x2048xf32, #tpu.memory_space<vmem>>
      %dma_start3A_324 = tpu.memref_squeeze %dma_start3A_323 : memref<1x16x2048xf32, #tpu.memory_space<vmem>> -> memref<16x2048xf32, #tpu.memory_space<vmem>>
      %dma_start3A_325 = arith.constant 0 : i32
      %dma_start3A_326 = arith.constant 0 : i32
      %dma_start3A_327 = tpu.memref_slice %arg4[%dma_start3A_325, %dma_start3A_326] : memref<2048x2048xf32, #tpu.memory_space<hbm>> -> memref<2048x2048xf32, #tpu.memory_space<hbm>>
      %dma_start3A_328 = tpu.memref_slice %arg12[%dma_start3A_320] : memref<3x!tpu.dma_semaphore, #tpu.memory_space<semaphore_mem>> -> memref<1x!tpu.dma_semaphore, #tpu.memory_space<semaphore_mem>>
      %dma_start3A_329 = tpu.memref_squeeze %dma_start3A_328 : memref<1x!tpu.dma_semaphore, #tpu.memory_space<semaphore_mem>> -> memref<!tpu.dma_semaphore, #tpu.memory_space<semaphore_mem>>
      tpu.enqueue_indirect_dma source(%dma_start3A_327 : memref<2048x2048xf32, #tpu.memory_space<hbm>>) target(%dma_start3A_324 : memref<16x2048xf32, #tpu.memory_space<vmem>>) offsets(%get3A_319 : vector<16xi32>) semaphore(%dma_start3A_329 : memref<!tpu.dma_semaphore, #tpu.memory_space<semaphore_mem>>)
    } else {
    }
    %add3A_172 = arith.constant 112 : i32
    %add3A_173 = arith.addi %mul3A_30, %add3A_172 : i32
    %lt3A_174 = arith.cmpi slt, %add3A_173, %reduce_max3A_8 : i32
    %convert_element_type3A_175 = arith.extui %lt3A_174 : i1 to i32
    %cond3A_176 = arith.constant 0 : i32
    %cond3A_177 = arith.cmpi ne, %convert_element_type3A_175, %cond3A_176 : i32
    scf.if %cond3A_177 {
      %get3A_316 = arith.constant 0 : index
      %get3A_317 = tpu.vector_load %arg9[%get3A_316] {strides = array<i32>} : memref<8192xi32, #tpu.memory_space<vmem>>, vector<16xi32>,
      %dma_wait3A = arith.constant 1 : i32
      %dma_wait3A_318 = arith.constant 1 : i32
      %dma_wait3A_319 = arith.constant 0 : i32
      %dma_wait3A_320 = arith.constant 0 : i32
      %dma_wait3A_321 = tpu.memref_slice %arg11[%dma_wait3A, %dma_wait3A_319, %dma_wait3A_320] : memref<3x16x2048xf32, #tpu.memory_space<vmem>> -> memref<1x16x2048xf32, #tpu.memory_space<vmem>>
      %dma_wait3A_322 = tpu.memref_squeeze %dma_wait3A_321 : memref<1x16x2048xf32, #tpu.memory_space<vmem>> -> memref<16x2048xf32, #tpu.memory_space<vmem>>
      %dma_wait3A_323 = arith.constant 0 : i32
      %dma_wait3A_324 = arith.constant 0 : i32
      %dma_wait3A_325 = tpu.memref_slice %arg4[%dma_wait3A_323, %dma_wait3A_324] : memref<2048x2048xf32, #tpu.memory_space<hbm>> -> memref<2048x2048xf32, #tpu.memory_space<hbm>>
      %dma_wait3A_326 = tpu.memref_slice %arg12[%dma_wait3A_318] : memref<3x!tpu.dma_semaphore, #tpu.memory_space<semaphore_mem>> -> memref<1x!tpu.dma_semaphore, #tpu.memory_space<semaphore_mem>>
      %dma_wait3A_327 = tpu.memref_squeeze %dma_wait3A_326 : memref<1x!tpu.dma_semaphore, #tpu.memory_space<semaphore_mem>> -> memref<!tpu.dma_semaphore, #tpu.memory_space<semaphore_mem>>
      tpu.wait_indirect_dma semaphore(%dma_wait3A_327 : memref<!tpu.dma_semaphore, #tpu.memory_space<semaphore_mem>>) src(%dma_wait3A_325 : memref<2048x2048xf32, #tpu.memory_space<hbm>>) dst(%dma_wait3A_322 : memref<16x2048xf32, #tpu.memory_space<vmem>>)
      %add3A_328 = arith.constant 112 : i32
      %add3A_329 = arith.addi %mul3A_30, %add3A_328 : i32
      %dma_start3A = arith.constant 1 : i32
      %dma_start3A_330 = arith.constant 1 : i32
      %dma_start3A_331 = arith.constant 0 : i32
      %dma_start3A_332 = arith.constant 0 : i32
      %dma_start3A_333 = tpu.memref_slice %arg11[%dma_start3A, %dma_start3A_331, %dma_start3A_332] : memref<3x16x2048xf32, #tpu.memory_space<vmem>> -> memref<1x16x2048xf32, #tpu.memory_space<vmem>>
      %dma_start3A_334 = tpu.memref_squeeze %dma_start3A_333 : memref<1x16x2048xf32, #tpu.memory_space<vmem>> -> memref<16x2048xf32, #tpu.memory_space<vmem>>
      %dma_start3A_335 = arith.constant 0 : i32
      %dma_start3A_336 = tpu.memref_slice %arg6[%add3A_329, %dma_start3A_335] : memref<8192x2048xf32, #tpu.memory_space<hbm>> -> memref<16x2048xf32, #tpu.memory_space<hbm>>
      %dma_start3A_337 = tpu.memref_slice %arg13[%dma_start3A_330] : memref<3x!tpu.dma_semaphore, #tpu.memory_space<semaphore_mem>> -> memref<1x!tpu.dma_semaphore, #tpu.memory_space<semaphore_mem>>
      %dma_start3A_338 = tpu.memref_squeeze %dma_start3A_337 : memref<1x!tpu.dma_semaphore, #tpu.memory_space<semaphore_mem>> -> memref<!tpu.dma_semaphore, #tpu.memory_space<semaphore_mem>>
      %dma_start3A_339 = arith.constant 0 : i32
      %dma_start3A_340 = tpu.memref_slice %arg6[%add3A_329, %dma_start3A_339] : memref<8192x2048xf32, #tpu.memory_space<hbm>> -> memref<16x2048xf32, #tpu.memory_space<hbm>>
      %dma_start3A_341 = arith.constant 0 : i32
      %dma_start3A_342 = arith.constant 0 : i32
      %dma_start3A_343 = tpu.memref_slice %arg11[%dma_start3A, %dma_start3A_341, %dma_start3A_342] : memref<3x16x2048xf32, #tpu.memory_space<vmem>> -> memref<1x16x2048xf32, #tpu.memory_space<vmem>>
      %dma_start3A_344 = tpu.memref_squeeze %dma_start3A_343 : memref<1x16x2048xf32, #tpu.memory_space<vmem>> -> memref<16x2048xf32, #tpu.memory_space<vmem>>
      tpu.enqueue_dma source(%dma_start3A_344 : memref<16x2048xf32, #tpu.memory_space<vmem>>) target(%dma_start3A_340 : memref<16x2048xf32, #tpu.memory_space<hbm>>) target_semaphore(%dma_start3A_338 : memref<!tpu.dma_semaphore, #tpu.memory_space<semaphore_mem>>)
    } else {
    }
    %add3A_178 = arith.constant 112 : i32
    %add3A_179 = arith.addi %mul3A_30, %add3A_178 : i32
    %lt3A_180 = arith.cmpi slt, %add3A_179, %reduce_max3A_8 : i32
    %convert_element_type3A_181 = arith.extui %lt3A_180 : i1 to i32
    %cond3A_182 = arith.constant 0 : i32
    %cond3A_183 = arith.cmpi ne, %convert_element_type3A_181, %cond3A_182 : i32
    scf.if %cond3A_183 {
      %add3A_316 = arith.constant 112 : i32
      %add3A_317 = arith.addi %mul3A_30, %add3A_316 : i32
      %dma_wait3A = arith.constant 1 : i32
      %dma_wait3A_318 = arith.constant 1 : i32
      %dma_wait3A_319 = arith.constant 0 : i32
      %dma_wait3A_320 = arith.constant 0 : i32
      %dma_wait3A_321 = tpu.memref_slice %arg11[%dma_wait3A, %dma_wait3A_319, %dma_wait3A_320] : memref<3x16x2048xf32, #tpu.memory_space<vmem>> -> memref<1x16x2048xf32, #tpu.memory_space<vmem>>
      %dma_wait3A_322 = tpu.memref_squeeze %dma_wait3A_321 : memref<1x16x2048xf32, #tpu.memory_space<vmem>> -> memref<16x2048xf32, #tpu.memory_space<vmem>>
      %dma_wait3A_323 = arith.constant 0 : i32
      %dma_wait3A_324 = tpu.memref_slice %arg6[%add3A_317, %dma_wait3A_323] : memref<8192x2048xf32, #tpu.memory_space<hbm>> -> memref<16x2048xf32, #tpu.memory_space<hbm>>
      %dma_wait3A_325 = tpu.memref_slice %arg13[%dma_wait3A_318] : memref<3x!tpu.dma_semaphore, #tpu.memory_space<semaphore_mem>> -> memref<1x!tpu.dma_semaphore, #tpu.memory_space<semaphore_mem>>
      %dma_wait3A_326 = tpu.memref_squeeze %dma_wait3A_325 : memref<1x!tpu.dma_semaphore, #tpu.memory_space<semaphore_mem>> -> memref<!tpu.dma_semaphore, #tpu.memory_space<semaphore_mem>>
      %dma_wait3A_327 = arith.constant 0 : i32
      %dma_wait3A_328 = tpu.memref_slice %arg6[%add3A_317, %dma_wait3A_327] : memref<8192x2048xf32, #tpu.memory_space<hbm>> -> memref<16x2048xf32, #tpu.memory_space<hbm>>
      %dma_wait3A_329 = arith.constant 0 : i32
      %dma_wait3A_330 = arith.constant 0 : i32
      %dma_wait3A_331 = tpu.memref_slice %arg11[%dma_wait3A, %dma_wait3A_329, %dma_wait3A_330] : memref<3x16x2048xf32, #tpu.memory_space<vmem>> -> memref<1x16x2048xf32, #tpu.memory_space<vmem>>
      %dma_wait3A_332 = tpu.memref_squeeze %dma_wait3A_331 : memref<1x16x2048xf32, #tpu.memory_space<vmem>> -> memref<16x2048xf32, #tpu.memory_space<vmem>>
      tpu.wait_dma2 semaphore(%dma_wait3A_326 : memref<!tpu.dma_semaphore, #tpu.memory_space<semaphore_mem>>) src(%dma_wait3A_332 : memref<16x2048xf32, #tpu.memory_space<vmem>>) dst(%dma_wait3A_328 : memref<16x2048xf32, #tpu.memory_space<hbm>>)
    } else {
    }
    %add3A_184 = arith.constant 160 : i32
    %add3A_185 = arith.addi %mul3A_30, %add3A_184 : i32
    %lt3A_186 = arith.cmpi slt, %add3A_185, %reduce_max3A_8 : i32
    %convert_element_type3A_187 = arith.extui %lt3A_186 : i1 to i32
    %cond3A_188 = arith.constant 0 : i32
    %cond3A_189 = arith.cmpi ne, %convert_element_type3A_187, %cond3A_188 : i32
    scf.if %cond3A_189 {
      %add3A_316 = arith.constant 160 : i32
      %add3A_317 = arith.addi %mul3A_30, %add3A_316 : i32
      %get3A_318 = arith.index_cast %add3A_317 : i32 to index
      %get3A_319 = tpu.vector_load %arg9[%get3A_318] {strides = array<i32>} : memref<8192xi32, #tpu.memory_space<vmem>>, vector<16xi32>,
      %dma_start3A = arith.constant 1 : i32
      %dma_start3A_320 = arith.constant 1 : i32
      %dma_start3A_321 = arith.constant 0 : i32
      %dma_start3A_322 = arith.constant 0 : i32
      %dma_start3A_323 = tpu.memref_slice %arg11[%dma_start3A, %dma_start3A_321, %dma_start3A_322] : memref<3x16x2048xf32, #tpu.memory_space<vmem>> -> memref<1x16x2048xf32, #tpu.memory_space<vmem>>
      %dma_start3A_324 = tpu.memref_squeeze %dma_start3A_323 : memref<1x16x2048xf32, #tpu.memory_space<vmem>> -> memref<16x2048xf32, #tpu.memory_space<vmem>>
      %dma_start3A_325 = arith.constant 0 : i32
      %dma_start3A_326 = arith.constant 0 : i32
      %dma_start3A_327 = tpu.memref_slice %arg4[%dma_start3A_325, %dma_start3A_326] : memref<2048x2048xf32, #tpu.memory_space<hbm>> -> memref<2048x2048xf32, #tpu.memory_space<hbm>>
      %dma_start3A_328 = tpu.memref_slice %arg12[%dma_start3A_320] : memref<3x!tpu.dma_semaphore, #tpu.memory_space<semaphore_mem>> -> memref<1x!tpu.dma_semaphore, #tpu.memory_space<semaphore_mem>>
      %dma_start3A_329 = tpu.memref_squeeze %dma_start3A_328 : memref<1x!tpu.dma_semaphore, #tpu.memory_space<semaphore_mem>> -> memref<!tpu.dma_semaphore, #tpu.memory_space<semaphore_mem>>
      tpu.enqueue_indirect_dma source(%dma_start3A_327 : memref<2048x2048xf32, #tpu.memory_space<hbm>>) target(%dma_start3A_324 : memref<16x2048xf32, #tpu.memory_space<vmem>>) offsets(%get3A_319 : vector<16xi32>) semaphore(%dma_start3A_329 : memref<!tpu.dma_semaphore, #tpu.memory_space<semaphore_mem>>)
    } else {
    }
    %add3A_190 = arith.constant 128 : i32
    %add3A_191 = arith.addi %mul3A_30, %add3A_190 : i32
    %lt3A_192 = arith.cmpi slt, %add3A_191, %reduce_max3A_8 : i32
    %convert_element_type3A_193 = arith.extui %lt3A_192 : i1 to i32
    %cond3A_194 = arith.constant 0 : i32
    %cond3A_195 = arith.cmpi ne, %convert_element_type3A_193, %cond3A_194 : i32
    scf.if %cond3A_195 {
      %get3A_316 = arith.constant 0 : index
      %get3A_317 = tpu.vector_load %arg9[%get3A_316] {strides = array<i32>} : memref<8192xi32, #tpu.memory_space<vmem>>, vector<16xi32>,
      %dma_wait3A = arith.constant 2 : i32
      %dma_wait3A_318 = arith.constant 2 : i32
      %dma_wait3A_319 = arith.constant 0 : i32
      %dma_wait3A_320 = arith.constant 0 : i32
      %dma_wait3A_321 = tpu.memref_slice %arg11[%dma_wait3A, %dma_wait3A_319, %dma_wait3A_320] : memref<3x16x2048xf32, #tpu.memory_space<vmem>> -> memref<1x16x2048xf32, #tpu.memory_space<vmem>>
      %dma_wait3A_322 = tpu.memref_squeeze %dma_wait3A_321 : memref<1x16x2048xf32, #tpu.memory_space<vmem>> -> memref<16x2048xf32, #tpu.memory_space<vmem>>
      %dma_wait3A_323 = arith.constant 0 : i32
      %dma_wait3A_324 = arith.constant 0 : i32
      %dma_wait3A_325 = tpu.memref_slice %arg4[%dma_wait3A_323, %dma_wait3A_324] : memref<2048x2048xf32, #tpu.memory_space<hbm>> -> memref<2048x2048xf32, #tpu.memory_space<hbm>>
      %dma_wait3A_326 = tpu.memref_slice %arg12[%dma_wait3A_318] : memref<3x!tpu.dma_semaphore, #tpu.memory_space<semaphore_mem>> -> memref<1x!tpu.dma_semaphore, #tpu.memory_space<semaphore_mem>>
      %dma_wait3A_327 = tpu.memref_squeeze %dma_wait3A_326 : memref<1x!tpu.dma_semaphore, #tpu.memory_space<semaphore_mem>> -> memref<!tpu.dma_semaphore, #tpu.memory_space<semaphore_mem>>
      tpu.wait_indirect_dma semaphore(%dma_wait3A_327 : memref<!tpu.dma_semaphore, #tpu.memory_space<semaphore_mem>>) src(%dma_wait3A_325 : memref<2048x2048xf32, #tpu.memory_space<hbm>>) dst(%dma_wait3A_322 : memref<16x2048xf32, #tpu.memory_space<vmem>>)
      %add3A_328 = arith.constant 128 : i32
      %add3A_329 = arith.addi %mul3A_30, %add3A_328 : i32
      %dma_start3A = arith.constant 2 : i32
      %dma_start3A_330 = arith.constant 2 : i32
      %dma_start3A_331 = arith.constant 0 : i32
      %dma_start3A_332 = arith.constant 0 : i32
      %dma_start3A_333 = tpu.memref_slice %arg11[%dma_start3A, %dma_start3A_331, %dma_start3A_332] : memref<3x16x2048xf32, #tpu.memory_space<vmem>> -> memref<1x16x2048xf32, #tpu.memory_space<vmem>>
      %dma_start3A_334 = tpu.memref_squeeze %dma_start3A_333 : memref<1x16x2048xf32, #tpu.memory_space<vmem>> -> memref<16x2048xf32, #tpu.memory_space<vmem>>
      %dma_start3A_335 = arith.constant 0 : i32
      %dma_start3A_336 = tpu.memref_slice %arg6[%add3A_329, %dma_start3A_335] : memref<8192x2048xf32, #tpu.memory_space<hbm>> -> memref<16x2048xf32, #tpu.memory_space<hbm>>
      %dma_start3A_337 = tpu.memref_slice %arg13[%dma_start3A_330] : memref<3x!tpu.dma_semaphore, #tpu.memory_space<semaphore_mem>> -> memref<1x!tpu.dma_semaphore, #tpu.memory_space<semaphore_mem>>
      %dma_start3A_338 = tpu.memref_squeeze %dma_start3A_337 : memref<1x!tpu.dma_semaphore, #tpu.memory_space<semaphore_mem>> -> memref<!tpu.dma_semaphore, #tpu.memory_space<semaphore_mem>>
      %dma_start3A_339 = arith.constant 0 : i32
      %dma_start3A_340 = tpu.memref_slice %arg6[%add3A_329, %dma_start3A_339] : memref<8192x2048xf32, #tpu.memory_space<hbm>> -> memref<16x2048xf32, #tpu.memory_space<hbm>>
      %dma_start3A_341 = arith.constant 0 : i32
      %dma_start3A_342 = arith.constant 0 : i32
      %dma_start3A_343 = tpu.memref_slice %arg11[%dma_start3A, %dma_start3A_341, %dma_start3A_342] : memref<3x16x2048xf32, #tpu.memory_space<vmem>> -> memref<1x16x2048xf32, #tpu.memory_space<vmem>>
      %dma_start3A_344 = tpu.memref_squeeze %dma_start3A_343 : memref<1x16x2048xf32, #tpu.memory_space<vmem>> -> memref<16x2048xf32, #tpu.memory_space<vmem>>
      tpu.enqueue_dma source(%dma_start3A_344 : memref<16x2048xf32, #tpu.memory_space<vmem>>) target(%dma_start3A_340 : memref<16x2048xf32, #tpu.memory_space<hbm>>) target_semaphore(%dma_start3A_338 : memref<!tpu.dma_semaphore, #tpu.memory_space<semaphore_mem>>)
    } else {
    }
    %add3A_196 = arith.constant 128 : i32
    %add3A_197 = arith.addi %mul3A_30, %add3A_196 : i32
    %lt3A_198 = arith.cmpi slt, %add3A_197, %reduce_max3A_8 : i32
    %convert_element_type3A_199 = arith.extui %lt3A_198 : i1 to i32
    %cond3A_200 = arith.constant 0 : i32
    %cond3A_201 = arith.cmpi ne, %convert_element_type3A_199, %cond3A_200 : i32
    scf.if %cond3A_201 {
      %add3A_316 = arith.constant 128 : i32
      %add3A_317 = arith.addi %mul3A_30, %add3A_316 : i32
      %dma_wait3A = arith.constant 2 : i32
      %dma_wait3A_318 = arith.constant 2 : i32
      %dma_wait3A_319 = arith.constant 0 : i32
      %dma_wait3A_320 = arith.constant 0 : i32
      %dma_wait3A_321 = tpu.memref_slice %arg11[%dma_wait3A, %dma_wait3A_319, %dma_wait3A_320] : memref<3x16x2048xf32, #tpu.memory_space<vmem>> -> memref<1x16x2048xf32, #tpu.memory_space<vmem>>
      %dma_wait3A_322 = tpu.memref_squeeze %dma_wait3A_321 : memref<1x16x2048xf32, #tpu.memory_space<vmem>> -> memref<16x2048xf32, #tpu.memory_space<vmem>>
      %dma_wait3A_323 = arith.constant 0 : i32
      %dma_wait3A_324 = tpu.memref_slice %arg6[%add3A_317, %dma_wait3A_323] : memref<8192x2048xf32, #tpu.memory_space<hbm>> -> memref<16x2048xf32, #tpu.memory_space<hbm>>
      %dma_wait3A_325 = tpu.memref_slice %arg13[%dma_wait3A_318] : memref<3x!tpu.dma_semaphore, #tpu.memory_space<semaphore_mem>> -> memref<1x!tpu.dma_semaphore, #tpu.memory_space<semaphore_mem>>
      %dma_wait3A_326 = tpu.memref_squeeze %dma_wait3A_325 : memref<1x!tpu.dma_semaphore, #tpu.memory_space<semaphore_mem>> -> memref<!tpu.dma_semaphore, #tpu.memory_space<semaphore_mem>>
      %dma_wait3A_327 = arith.constant 0 : i32
      %dma_wait3A_328 = tpu.memref_slice %arg6[%add3A_317, %dma_wait3A_327] : memref<8192x2048xf32, #tpu.memory_space<hbm>> -> memref<16x2048xf32, #tpu.memory_space<hbm>>
      %dma_wait3A_329 = arith.constant 0 : i32
      %dma_wait3A_330 = arith.constant 0 : i32
      %dma_wait3A_331 = tpu.memref_slice %arg11[%dma_wait3A, %dma_wait3A_329, %dma_wait3A_330] : memref<3x16x2048xf32, #tpu.memory_space<vmem>> -> memref<1x16x2048xf32, #tpu.memory_space<vmem>>
      %dma_wait3A_332 = tpu.memref_squeeze %dma_wait3A_331 : memref<1x16x2048xf32, #tpu.memory_space<vmem>> -> memref<16x2048xf32, #tpu.memory_space<vmem>>
      tpu.wait_dma2 semaphore(%dma_wait3A_326 : memref<!tpu.dma_semaphore, #tpu.memory_space<semaphore_mem>>) src(%dma_wait3A_332 : memref<16x2048xf32, #tpu.memory_space<vmem>>) dst(%dma_wait3A_328 : memref<16x2048xf32, #tpu.memory_space<hbm>>)
    } else {
    }
    %add3A_202 = arith.constant 176 : i32
    %add3A_203 = arith.addi %mul3A_30, %add3A_202 : i32
    %lt3A_204 = arith.cmpi slt, %add3A_203, %reduce_max3A_8 : i32
    %convert_element_type3A_205 = arith.extui %lt3A_204 : i1 to i32
    %cond3A_206 = arith.constant 0 : i32
    %cond3A_207 = arith.cmpi ne, %convert_element_type3A_205, %cond3A_206 : i32
    scf.if %cond3A_207 {
      %add3A_316 = arith.constant 176 : i32
      %add3A_317 = arith.addi %mul3A_30, %add3A_316 : i32
      %get3A_318 = arith.index_cast %add3A_317 : i32 to index
      %get3A_319 = tpu.vector_load %arg9[%get3A_318] {strides = array<i32>} : memref<8192xi32, #tpu.memory_space<vmem>>, vector<16xi32>,
      %dma_start3A = arith.constant 2 : i32
      %dma_start3A_320 = arith.constant 2 : i32
      %dma_start3A_321 = arith.constant 0 : i32
      %dma_start3A_322 = arith.constant 0 : i32
      %dma_start3A_323 = tpu.memref_slice %arg11[%dma_start3A, %dma_start3A_321, %dma_start3A_322] : memref<3x16x2048xf32, #tpu.memory_space<vmem>> -> memref<1x16x2048xf32, #tpu.memory_space<vmem>>
      %dma_start3A_324 = tpu.memref_squeeze %dma_start3A_323 : memref<1x16x2048xf32, #tpu.memory_space<vmem>> -> memref<16x2048xf32, #tpu.memory_space<vmem>>
      %dma_start3A_325 = arith.constant 0 : i32
      %dma_start3A_326 = arith.constant 0 : i32
      %dma_start3A_327 = tpu.memref_slice %arg4[%dma_start3A_325, %dma_start3A_326] : memref<2048x2048xf32, #tpu.memory_space<hbm>> -> memref<2048x2048xf32, #tpu.memory_space<hbm>>
      %dma_start3A_328 = tpu.memref_slice %arg12[%dma_start3A_320] : memref<3x!tpu.dma_semaphore, #tpu.memory_space<semaphore_mem>> -> memref<1x!tpu.dma_semaphore, #tpu.memory_space<semaphore_mem>>
      %dma_start3A_329 = tpu.memref_squeeze %dma_start3A_328 : memref<1x!tpu.dma_semaphore, #tpu.memory_space<semaphore_mem>> -> memref<!tpu.dma_semaphore, #tpu.memory_space<semaphore_mem>>
      tpu.enqueue_indirect_dma source(%dma_start3A_327 : memref<2048x2048xf32, #tpu.memory_space<hbm>>) target(%dma_start3A_324 : memref<16x2048xf32, #tpu.memory_space<vmem>>) offsets(%get3A_319 : vector<16xi32>) semaphore(%dma_start3A_329 : memref<!tpu.dma_semaphore, #tpu.memory_space<semaphore_mem>>)
    } else {
    }
    %add3A_208 = arith.constant 144 : i32
    %add3A_209 = arith.addi %mul3A_30, %add3A_208 : i32
    %lt3A_210 = arith.cmpi slt, %add3A_209, %reduce_max3A_8 : i32
    %convert_element_type3A_211 = arith.extui %lt3A_210 : i1 to i32
    %cond3A_212 = arith.constant 0 : i32
    %cond3A_213 = arith.cmpi ne, %convert_element_type3A_211, %cond3A_212 : i32
    scf.if %cond3A_213 {
      %get3A_316 = arith.constant 0 : index
      %get3A_317 = tpu.vector_load %arg9[%get3A_316] {strides = array<i32>} : memref<8192xi32, #tpu.memory_space<vmem>>, vector<16xi32>,
      %dma_wait3A = arith.constant 0 : i32
      %dma_wait3A_318 = arith.constant 0 : i32
      %dma_wait3A_319 = arith.constant 0 : i32
      %dma_wait3A_320 = arith.constant 0 : i32
      %dma_wait3A_321 = tpu.memref_slice %arg11[%dma_wait3A, %dma_wait3A_319, %dma_wait3A_320] : memref<3x16x2048xf32, #tpu.memory_space<vmem>> -> memref<1x16x2048xf32, #tpu.memory_space<vmem>>
      %dma_wait3A_322 = tpu.memref_squeeze %dma_wait3A_321 : memref<1x16x2048xf32, #tpu.memory_space<vmem>> -> memref<16x2048xf32, #tpu.memory_space<vmem>>
      %dma_wait3A_323 = arith.constant 0 : i32
      %dma_wait3A_324 = arith.constant 0 : i32
      %dma_wait3A_325 = tpu.memref_slice %arg4[%dma_wait3A_323, %dma_wait3A_324] : memref<2048x2048xf32, #tpu.memory_space<hbm>> -> memref<2048x2048xf32, #tpu.memory_space<hbm>>
      %dma_wait3A_326 = tpu.memref_slice %arg12[%dma_wait3A_318] : memref<3x!tpu.dma_semaphore, #tpu.memory_space<semaphore_mem>> -> memref<1x!tpu.dma_semaphore, #tpu.memory_space<semaphore_mem>>
      %dma_wait3A_327 = tpu.memref_squeeze %dma_wait3A_326 : memref<1x!tpu.dma_semaphore, #tpu.memory_space<semaphore_mem>> -> memref<!tpu.dma_semaphore, #tpu.memory_space<semaphore_mem>>
      tpu.wait_indirect_dma semaphore(%dma_wait3A_327 : memref<!tpu.dma_semaphore, #tpu.memory_space<semaphore_mem>>) src(%dma_wait3A_325 : memref<2048x2048xf32, #tpu.memory_space<hbm>>) dst(%dma_wait3A_322 : memref<16x2048xf32, #tpu.memory_space<vmem>>)
      %add3A_328 = arith.constant 144 : i32
      %add3A_329 = arith.addi %mul3A_30, %add3A_328 : i32
      %dma_start3A = arith.constant 0 : i32
      %dma_start3A_330 = arith.constant 0 : i32
      %dma_start3A_331 = arith.constant 0 : i32
      %dma_start3A_332 = arith.constant 0 : i32
      %dma_start3A_333 = tpu.memref_slice %arg11[%dma_start3A, %dma_start3A_331, %dma_start3A_332] : memref<3x16x2048xf32, #tpu.memory_space<vmem>> -> memref<1x16x2048xf32, #tpu.memory_space<vmem>>
      %dma_start3A_334 = tpu.memref_squeeze %dma_start3A_333 : memref<1x16x2048xf32, #tpu.memory_space<vmem>> -> memref<16x2048xf32, #tpu.memory_space<vmem>>
      %dma_start3A_335 = arith.constant 0 : i32
      %dma_start3A_336 = tpu.memref_slice %arg6[%add3A_329, %dma_start3A_335] : memref<8192x2048xf32, #tpu.memory_space<hbm>> -> memref<16x2048xf32, #tpu.memory_space<hbm>>
      %dma_start3A_337 = tpu.memref_slice %arg13[%dma_start3A_330] : memref<3x!tpu.dma_semaphore, #tpu.memory_space<semaphore_mem>> -> memref<1x!tpu.dma_semaphore, #tpu.memory_space<semaphore_mem>>
      %dma_start3A_338 = tpu.memref_squeeze %dma_start3A_337 : memref<1x!tpu.dma_semaphore, #tpu.memory_space<semaphore_mem>> -> memref<!tpu.dma_semaphore, #tpu.memory_space<semaphore_mem>>
      %dma_start3A_339 = arith.constant 0 : i32
      %dma_start3A_340 = tpu.memref_slice %arg6[%add3A_329, %dma_start3A_339] : memref<8192x2048xf32, #tpu.memory_space<hbm>> -> memref<16x2048xf32, #tpu.memory_space<hbm>>
      %dma_start3A_341 = arith.constant 0 : i32
      %dma_start3A_342 = arith.constant 0 : i32
      %dma_start3A_343 = tpu.memref_slice %arg11[%dma_start3A, %dma_start3A_341, %dma_start3A_342] : memref<3x16x2048xf32, #tpu.memory_space<vmem>> -> memref<1x16x2048xf32, #tpu.memory_space<vmem>>
      %dma_start3A_344 = tpu.memref_squeeze %dma_start3A_343 : memref<1x16x2048xf32, #tpu.memory_space<vmem>> -> memref<16x2048xf32, #tpu.memory_space<vmem>>
      tpu.enqueue_dma source(%dma_start3A_344 : memref<16x2048xf32, #tpu.memory_space<vmem>>) target(%dma_start3A_340 : memref<16x2048xf32, #tpu.memory_space<hbm>>) target_semaphore(%dma_start3A_338 : memref<!tpu.dma_semaphore, #tpu.memory_space<semaphore_mem>>)
    } else {
    }
    %add3A_214 = arith.constant 144 : i32
    %add3A_215 = arith.addi %mul3A_30, %add3A_214 : i32
    %lt3A_216 = arith.cmpi slt, %add3A_215, %reduce_max3A_8 : i32
    %convert_element_type3A_217 = arith.extui %lt3A_216 : i1 to i32
    %cond3A_218 = arith.constant 0 : i32
    %cond3A_219 = arith.cmpi ne, %convert_element_type3A_217, %cond3A_218 : i32
    scf.if %cond3A_219 {
      %add3A_316 = arith.constant 144 : i32
      %add3A_317 = arith.addi %mul3A_30, %add3A_316 : i32
      %dma_wait3A = arith.constant 0 : i32
      %dma_wait3A_318 = arith.constant 0 : i32
      %dma_wait3A_319 = arith.constant 0 : i32
      %dma_wait3A_320 = arith.constant 0 : i32
      %dma_wait3A_321 = tpu.memref_slice %arg11[%dma_wait3A, %dma_wait3A_319, %dma_wait3A_320] : memref<3x16x2048xf32, #tpu.memory_space<vmem>> -> memref<1x16x2048xf32, #tpu.memory_space<vmem>>
      %dma_wait3A_322 = tpu.memref_squeeze %dma_wait3A_321 : memref<1x16x2048xf32, #tpu.memory_space<vmem>> -> memref<16x2048xf32, #tpu.memory_space<vmem>>
      %dma_wait3A_323 = arith.constant 0 : i32
      %dma_wait3A_324 = tpu.memref_slice %arg6[%add3A_317, %dma_wait3A_323] : memref<8192x2048xf32, #tpu.memory_space<hbm>> -> memref<16x2048xf32, #tpu.memory_space<hbm>>
      %dma_wait3A_325 = tpu.memref_slice %arg13[%dma_wait3A_318] : memref<3x!tpu.dma_semaphore, #tpu.memory_space<semaphore_mem>> -> memref<1x!tpu.dma_semaphore, #tpu.memory_space<semaphore_mem>>
      %dma_wait3A_326 = tpu.memref_squeeze %dma_wait3A_325 : memref<1x!tpu.dma_semaphore, #tpu.memory_space<semaphore_mem>> -> memref<!tpu.dma_semaphore, #tpu.memory_space<semaphore_mem>>
      %dma_wait3A_327 = arith.constant 0 : i32
      %dma_wait3A_328 = tpu.memref_slice %arg6[%add3A_317, %dma_wait3A_327] : memref<8192x2048xf32, #tpu.memory_space<hbm>> -> memref<16x2048xf32, #tpu.memory_space<hbm>>
      %dma_wait3A_329 = arith.constant 0 : i32
      %dma_wait3A_330 = arith.constant 0 : i32
      %dma_wait3A_331 = tpu.memref_slice %arg11[%dma_wait3A, %dma_wait3A_329, %dma_wait3A_330] : memref<3x16x2048xf32, #tpu.memory_space<vmem>> -> memref<1x16x2048xf32, #tpu.memory_space<vmem>>
      %dma_wait3A_332 = tpu.memref_squeeze %dma_wait3A_331 : memref<1x16x2048xf32, #tpu.memory_space<vmem>> -> memref<16x2048xf32, #tpu.memory_space<vmem>>
      tpu.wait_dma2 semaphore(%dma_wait3A_326 : memref<!tpu.dma_semaphore, #tpu.memory_space<semaphore_mem>>) src(%dma_wait3A_332 : memref<16x2048xf32, #tpu.memory_space<vmem>>) dst(%dma_wait3A_328 : memref<16x2048xf32, #tpu.memory_space<hbm>>)
    } else {
    }
    %add3A_220 = arith.constant 192 : i32
    %add3A_221 = arith.addi %mul3A_30, %add3A_220 : i32
    %lt3A_222 = arith.cmpi slt, %add3A_221, %reduce_max3A_8 : i32
    %convert_element_type3A_223 = arith.extui %lt3A_222 : i1 to i32
    %cond3A_224 = arith.constant 0 : i32
    %cond3A_225 = arith.cmpi ne, %convert_element_type3A_223, %cond3A_224 : i32
    scf.if %cond3A_225 {
      %add3A_316 = arith.constant 192 : i32
      %add3A_317 = arith.addi %mul3A_30, %add3A_316 : i32
      %get3A_318 = arith.index_cast %add3A_317 : i32 to index
      %get3A_319 = tpu.vector_load %arg9[%get3A_318] {strides = array<i32>} : memref<8192xi32, #tpu.memory_space<vmem>>, vector<16xi32>,
      %dma_start3A = arith.constant 0 : i32
      %dma_start3A_320 = arith.constant 0 : i32
      %dma_start3A_321 = arith.constant 0 : i32
      %dma_start3A_322 = arith.constant 0 : i32
      %dma_start3A_323 = tpu.memref_slice %arg11[%dma_start3A, %dma_start3A_321, %dma_start3A_322] : memref<3x16x2048xf32, #tpu.memory_space<vmem>> -> memref<1x16x2048xf32, #tpu.memory_space<vmem>>
      %dma_start3A_324 = tpu.memref_squeeze %dma_start3A_323 : memref<1x16x2048xf32, #tpu.memory_space<vmem>> -> memref<16x2048xf32, #tpu.memory_space<vmem>>
      %dma_start3A_325 = arith.constant 0 : i32
      %dma_start3A_326 = arith.constant 0 : i32
      %dma_start3A_327 = tpu.memref_slice %arg4[%dma_start3A_325, %dma_start3A_326] : memref<2048x2048xf32, #tpu.memory_space<hbm>> -> memref<2048x2048xf32, #tpu.memory_space<hbm>>
      %dma_start3A_328 = tpu.memref_slice %arg12[%dma_start3A_320] : memref<3x!tpu.dma_semaphore, #tpu.memory_space<semaphore_mem>> -> memref<1x!tpu.dma_semaphore, #tpu.memory_space<semaphore_mem>>
      %dma_start3A_329 = tpu.memref_squeeze %dma_start3A_328 : memref<1x!tpu.dma_semaphore, #tpu.memory_space<semaphore_mem>> -> memref<!tpu.dma_semaphore, #tpu.memory_space<semaphore_mem>>
      tpu.enqueue_indirect_dma source(%dma_start3A_327 : memref<2048x2048xf32, #tpu.memory_space<hbm>>) target(%dma_start3A_324 : memref<16x2048xf32, #tpu.memory_space<vmem>>) offsets(%get3A_319 : vector<16xi32>) semaphore(%dma_start3A_329 : memref<!tpu.dma_semaphore, #tpu.memory_space<semaphore_mem>>)
    } else {
    }
    %add3A_226 = arith.constant 160 : i32
    %add3A_227 = arith.addi %mul3A_30, %add3A_226 : i32
    %lt3A_228 = arith.cmpi slt, %add3A_227, %reduce_max3A_8 : i32
    %convert_element_type3A_229 = arith.extui %lt3A_228 : i1 to i32
    %cond3A_230 = arith.constant 0 : i32
    %cond3A_231 = arith.cmpi ne, %convert_element_type3A_229, %cond3A_230 : i32
    scf.if %cond3A_231 {
      %get3A_316 = arith.constant 0 : index
      %get3A_317 = tpu.vector_load %arg9[%get3A_316] {strides = array<i32>} : memref<8192xi32, #tpu.memory_space<vmem>>, vector<16xi32>,
      %dma_wait3A = arith.constant 1 : i32
      %dma_wait3A_318 = arith.constant 1 : i32
      %dma_wait3A_319 = arith.constant 0 : i32
      %dma_wait3A_320 = arith.constant 0 : i32
      %dma_wait3A_321 = tpu.memref_slice %arg11[%dma_wait3A, %dma_wait3A_319, %dma_wait3A_320] : memref<3x16x2048xf32, #tpu.memory_space<vmem>> -> memref<1x16x2048xf32, #tpu.memory_space<vmem>>
      %dma_wait3A_322 = tpu.memref_squeeze %dma_wait3A_321 : memref<1x16x2048xf32, #tpu.memory_space<vmem>> -> memref<16x2048xf32, #tpu.memory_space<vmem>>
      %dma_wait3A_323 = arith.constant 0 : i32
      %dma_wait3A_324 = arith.constant 0 : i32
      %dma_wait3A_325 = tpu.memref_slice %arg4[%dma_wait3A_323, %dma_wait3A_324] : memref<2048x2048xf32, #tpu.memory_space<hbm>> -> memref<2048x2048xf32, #tpu.memory_space<hbm>>
      %dma_wait3A_326 = tpu.memref_slice %arg12[%dma_wait3A_318] : memref<3x!tpu.dma_semaphore, #tpu.memory_space<semaphore_mem>> -> memref<1x!tpu.dma_semaphore, #tpu.memory_space<semaphore_mem>>
      %dma_wait3A_327 = tpu.memref_squeeze %dma_wait3A_326 : memref<1x!tpu.dma_semaphore, #tpu.memory_space<semaphore_mem>> -> memref<!tpu.dma_semaphore, #tpu.memory_space<semaphore_mem>>
      tpu.wait_indirect_dma semaphore(%dma_wait3A_327 : memref<!tpu.dma_semaphore, #tpu.memory_space<semaphore_mem>>) src(%dma_wait3A_325 : memref<2048x2048xf32, #tpu.memory_space<hbm>>) dst(%dma_wait3A_322 : memref<16x2048xf32, #tpu.memory_space<vmem>>)
      %add3A_328 = arith.constant 160 : i32
      %add3A_329 = arith.addi %mul3A_30, %add3A_328 : i32
      %dma_start3A = arith.constant 1 : i32
      %dma_start3A_330 = arith.constant 1 : i32
      %dma_start3A_331 = arith.constant 0 : i32
      %dma_start3A_332 = arith.constant 0 : i32
      %dma_start3A_333 = tpu.memref_slice %arg11[%dma_start3A, %dma_start3A_331, %dma_start3A_332] : memref<3x16x2048xf32, #tpu.memory_space<vmem>> -> memref<1x16x2048xf32, #tpu.memory_space<vmem>>
      %dma_start3A_334 = tpu.memref_squeeze %dma_start3A_333 : memref<1x16x2048xf32, #tpu.memory_space<vmem>> -> memref<16x2048xf32, #tpu.memory_space<vmem>>
      %dma_start3A_335 = arith.constant 0 : i32
      %dma_start3A_336 = tpu.memref_slice %arg6[%add3A_329, %dma_start3A_335] : memref<8192x2048xf32, #tpu.memory_space<hbm>> -> memref<16x2048xf32, #tpu.memory_space<hbm>>
      %dma_start3A_337 = tpu.memref_slice %arg13[%dma_start3A_330] : memref<3x!tpu.dma_semaphore, #tpu.memory_space<semaphore_mem>> -> memref<1x!tpu.dma_semaphore, #tpu.memory_space<semaphore_mem>>
      %dma_start3A_338 = tpu.memref_squeeze %dma_start3A_337 : memref<1x!tpu.dma_semaphore, #tpu.memory_space<semaphore_mem>> -> memref<!tpu.dma_semaphore, #tpu.memory_space<semaphore_mem>>
      %dma_start3A_339 = arith.constant 0 : i32
      %dma_start3A_340 = tpu.memref_slice %arg6[%add3A_329, %dma_start3A_339] : memref<8192x2048xf32, #tpu.memory_space<hbm>> -> memref<16x2048xf32, #tpu.memory_space<hbm>>
      %dma_start3A_341 = arith.constant 0 : i32
      %dma_start3A_342 = arith.constant 0 : i32
      %dma_start3A_343 = tpu.memref_slice %arg11[%dma_start3A, %dma_start3A_341, %dma_start3A_342] : memref<3x16x2048xf32, #tpu.memory_space<vmem>> -> memref<1x16x2048xf32, #tpu.memory_space<vmem>>
      %dma_start3A_344 = tpu.memref_squeeze %dma_start3A_343 : memref<1x16x2048xf32, #tpu.memory_space<vmem>> -> memref<16x2048xf32, #tpu.memory_space<vmem>>
      tpu.enqueue_dma source(%dma_start3A_344 : memref<16x2048xf32, #tpu.memory_space<vmem>>) target(%dma_start3A_340 : memref<16x2048xf32, #tpu.memory_space<hbm>>) target_semaphore(%dma_start3A_338 : memref<!tpu.dma_semaphore, #tpu.memory_space<semaphore_mem>>)
    } else {
    }
    %add3A_232 = arith.constant 160 : i32
    %add3A_233 = arith.addi %mul3A_30, %add3A_232 : i32
    %lt3A_234 = arith.cmpi slt, %add3A_233, %reduce_max3A_8 : i32
    %convert_element_type3A_235 = arith.extui %lt3A_234 : i1 to i32
    %cond3A_236 = arith.constant 0 : i32
    %cond3A_237 = arith.cmpi ne, %convert_element_type3A_235, %cond3A_236 : i32
    scf.if %cond3A_237 {
      %add3A_316 = arith.constant 160 : i32
      %add3A_317 = arith.addi %mul3A_30, %add3A_316 : i32
      %dma_wait3A = arith.constant 1 : i32
      %dma_wait3A_318 = arith.constant 1 : i32
      %dma_wait3A_319 = arith.constant 0 : i32
      %dma_wait3A_320 = arith.constant 0 : i32
      %dma_wait3A_321 = tpu.memref_slice %arg11[%dma_wait3A, %dma_wait3A_319, %dma_wait3A_320] : memref<3x16x2048xf32, #tpu.memory_space<vmem>> -> memref<1x16x2048xf32, #tpu.memory_space<vmem>>
      %dma_wait3A_322 = tpu.memref_squeeze %dma_wait3A_321 : memref<1x16x2048xf32, #tpu.memory_space<vmem>> -> memref<16x2048xf32, #tpu.memory_space<vmem>>
      %dma_wait3A_323 = arith.constant 0 : i32
      %dma_wait3A_324 = tpu.memref_slice %arg6[%add3A_317, %dma_wait3A_323] : memref<8192x2048xf32, #tpu.memory_space<hbm>> -> memref<16x2048xf32, #tpu.memory_space<hbm>>
      %dma_wait3A_325 = tpu.memref_slice %arg13[%dma_wait3A_318] : memref<3x!tpu.dma_semaphore, #tpu.memory_space<semaphore_mem>> -> memref<1x!tpu.dma_semaphore, #tpu.memory_space<semaphore_mem>>
      %dma_wait3A_326 = tpu.memref_squeeze %dma_wait3A_325 : memref<1x!tpu.dma_semaphore, #tpu.memory_space<semaphore_mem>> -> memref<!tpu.dma_semaphore, #tpu.memory_space<semaphore_mem>>
      %dma_wait3A_327 = arith.constant 0 : i32
      %dma_wait3A_328 = tpu.memref_slice %arg6[%add3A_317, %dma_wait3A_327] : memref<8192x2048xf32, #tpu.memory_space<hbm>> -> memref<16x2048xf32, #tpu.memory_space<hbm>>
      %dma_wait3A_329 = arith.constant 0 : i32
      %dma_wait3A_330 = arith.constant 0 : i32
      %dma_wait3A_331 = tpu.memref_slice %arg11[%dma_wait3A, %dma_wait3A_329, %dma_wait3A_330] : memref<3x16x2048xf32, #tpu.memory_space<vmem>> -> memref<1x16x2048xf32, #tpu.memory_space<vmem>>
      %dma_wait3A_332 = tpu.memref_squeeze %dma_wait3A_331 : memref<1x16x2048xf32, #tpu.memory_space<vmem>> -> memref<16x2048xf32, #tpu.memory_space<vmem>>
      tpu.wait_dma2 semaphore(%dma_wait3A_326 : memref<!tpu.dma_semaphore, #tpu.memory_space<semaphore_mem>>) src(%dma_wait3A_332 : memref<16x2048xf32, #tpu.memory_space<vmem>>) dst(%dma_wait3A_328 : memref<16x2048xf32, #tpu.memory_space<hbm>>)
    } else {
    }
    %add3A_238 = arith.constant 208 : i32
    %add3A_239 = arith.addi %mul3A_30, %add3A_238 : i32
    %lt3A_240 = arith.cmpi slt, %add3A_239, %reduce_max3A_8 : i32
    %convert_element_type3A_241 = arith.extui %lt3A_240 : i1 to i32
    %cond3A_242 = arith.constant 0 : i32
    %cond3A_243 = arith.cmpi ne, %convert_element_type3A_241, %cond3A_242 : i32
    scf.if %cond3A_243 {
      %add3A_316 = arith.constant 208 : i32
      %add3A_317 = arith.addi %mul3A_30, %add3A_316 : i32
      %get3A_318 = arith.index_cast %add3A_317 : i32 to index
      %get3A_319 = tpu.vector_load %arg9[%get3A_318] {strides = array<i32>} : memref<8192xi32, #tpu.memory_space<vmem>>, vector<16xi32>,
      %dma_start3A = arith.constant 1 : i32
      %dma_start3A_320 = arith.constant 1 : i32
      %dma_start3A_321 = arith.constant 0 : i32
      %dma_start3A_322 = arith.constant 0 : i32
      %dma_start3A_323 = tpu.memref_slice %arg11[%dma_start3A, %dma_start3A_321, %dma_start3A_322] : memref<3x16x2048xf32, #tpu.memory_space<vmem>> -> memref<1x16x2048xf32, #tpu.memory_space<vmem>>
      %dma_start3A_324 = tpu.memref_squeeze %dma_start3A_323 : memref<1x16x2048xf32, #tpu.memory_space<vmem>> -> memref<16x2048xf32, #tpu.memory_space<vmem>>
      %dma_start3A_325 = arith.constant 0 : i32
      %dma_start3A_326 = arith.constant 0 : i32
      %dma_start3A_327 = tpu.memref_slice %arg4[%dma_start3A_325, %dma_start3A_326] : memref<2048x2048xf32, #tpu.memory_space<hbm>> -> memref<2048x2048xf32, #tpu.memory_space<hbm>>
      %dma_start3A_328 = tpu.memref_slice %arg12[%dma_start3A_320] : memref<3x!tpu.dma_semaphore, #tpu.memory_space<semaphore_mem>> -> memref<1x!tpu.dma_semaphore, #tpu.memory_space<semaphore_mem>>
      %dma_start3A_329 = tpu.memref_squeeze %dma_start3A_328 : memref<1x!tpu.dma_semaphore, #tpu.memory_space<semaphore_mem>> -> memref<!tpu.dma_semaphore, #tpu.memory_space<semaphore_mem>>
      tpu.enqueue_indirect_dma source(%dma_start3A_327 : memref<2048x2048xf32, #tpu.memory_space<hbm>>) target(%dma_start3A_324 : memref<16x2048xf32, #tpu.memory_space<vmem>>) offsets(%get3A_319 : vector<16xi32>) semaphore(%dma_start3A_329 : memref<!tpu.dma_semaphore, #tpu.memory_space<semaphore_mem>>)
    } else {
    }
    %add3A_244 = arith.constant 176 : i32
    %add3A_245 = arith.addi %mul3A_30, %add3A_244 : i32
    %lt3A_246 = arith.cmpi slt, %add3A_245, %reduce_max3A_8 : i32
    %convert_element_type3A_247 = arith.extui %lt3A_246 : i1 to i32
    %cond3A_248 = arith.constant 0 : i32
    %cond3A_249 = arith.cmpi ne, %convert_element_type3A_247, %cond3A_248 : i32
    scf.if %cond3A_249 {
      %get3A_316 = arith.constant 0 : index
      %get3A_317 = tpu.vector_load %arg9[%get3A_316] {strides = array<i32>} : memref<8192xi32, #tpu.memory_space<vmem>>, vector<16xi32>,
      %dma_wait3A = arith.constant 2 : i32
      %dma_wait3A_318 = arith.constant 2 : i32
      %dma_wait3A_319 = arith.constant 0 : i32
      %dma_wait3A_320 = arith.constant 0 : i32
      %dma_wait3A_321 = tpu.memref_slice %arg11[%dma_wait3A, %dma_wait3A_319, %dma_wait3A_320] : memref<3x16x2048xf32, #tpu.memory_space<vmem>> -> memref<1x16x2048xf32, #tpu.memory_space<vmem>>
      %dma_wait3A_322 = tpu.memref_squeeze %dma_wait3A_321 : memref<1x16x2048xf32, #tpu.memory_space<vmem>> -> memref<16x2048xf32, #tpu.memory_space<vmem>>
      %dma_wait3A_323 = arith.constant 0 : i32
      %dma_wait3A_324 = arith.constant 0 : i32
      %dma_wait3A_325 = tpu.memref_slice %arg4[%dma_wait3A_323, %dma_wait3A_324] : memref<2048x2048xf32, #tpu.memory_space<hbm>> -> memref<2048x2048xf32, #tpu.memory_space<hbm>>
      %dma_wait3A_326 = tpu.memref_slice %arg12[%dma_wait3A_318] : memref<3x!tpu.dma_semaphore, #tpu.memory_space<semaphore_mem>> -> memref<1x!tpu.dma_semaphore, #tpu.memory_space<semaphore_mem>>
      %dma_wait3A_327 = tpu.memref_squeeze %dma_wait3A_326 : memref<1x!tpu.dma_semaphore, #tpu.memory_space<semaphore_mem>> -> memref<!tpu.dma_semaphore, #tpu.memory_space<semaphore_mem>>
      tpu.wait_indirect_dma semaphore(%dma_wait3A_327 : memref<!tpu.dma_semaphore, #tpu.memory_space<semaphore_mem>>) src(%dma_wait3A_325 : memref<2048x2048xf32, #tpu.memory_space<hbm>>) dst(%dma_wait3A_322 : memref<16x2048xf32, #tpu.memory_space<vmem>>)
      %add3A_328 = arith.constant 176 : i32
      %add3A_329 = arith.addi %mul3A_30, %add3A_328 : i32
      %dma_start3A = arith.constant 2 : i32
      %dma_start3A_330 = arith.constant 2 : i32
      %dma_start3A_331 = arith.constant 0 : i32
      %dma_start3A_332 = arith.constant 0 : i32
      %dma_start3A_333 = tpu.memref_slice %arg11[%dma_start3A, %dma_start3A_331, %dma_start3A_332] : memref<3x16x2048xf32, #tpu.memory_space<vmem>> -> memref<1x16x2048xf32, #tpu.memory_space<vmem>>
      %dma_start3A_334 = tpu.memref_squeeze %dma_start3A_333 : memref<1x16x2048xf32, #tpu.memory_space<vmem>> -> memref<16x2048xf32, #tpu.memory_space<vmem>>
      %dma_start3A_335 = arith.constant 0 : i32
      %dma_start3A_336 = tpu.memref_slice %arg6[%add3A_329, %dma_start3A_335] : memref<8192x2048xf32, #tpu.memory_space<hbm>> -> memref<16x2048xf32, #tpu.memory_space<hbm>>
      %dma_start3A_337 = tpu.memref_slice %arg13[%dma_start3A_330] : memref<3x!tpu.dma_semaphore, #tpu.memory_space<semaphore_mem>> -> memref<1x!tpu.dma_semaphore, #tpu.memory_space<semaphore_mem>>
      %dma_start3A_338 = tpu.memref_squeeze %dma_start3A_337 : memref<1x!tpu.dma_semaphore, #tpu.memory_space<semaphore_mem>> -> memref<!tpu.dma_semaphore, #tpu.memory_space<semaphore_mem>>
      %dma_start3A_339 = arith.constant 0 : i32
      %dma_start3A_340 = tpu.memref_slice %arg6[%add3A_329, %dma_start3A_339] : memref<8192x2048xf32, #tpu.memory_space<hbm>> -> memref<16x2048xf32, #tpu.memory_space<hbm>>
      %dma_start3A_341 = arith.constant 0 : i32
      %dma_start3A_342 = arith.constant 0 : i32
      %dma_start3A_343 = tpu.memref_slice %arg11[%dma_start3A, %dma_start3A_341, %dma_start3A_342] : memref<3x16x2048xf32, #tpu.memory_space<vmem>> -> memref<1x16x2048xf32, #tpu.memory_space<vmem>>
      %dma_start3A_344 = tpu.memref_squeeze %dma_start3A_343 : memref<1x16x2048xf32, #tpu.memory_space<vmem>> -> memref<16x2048xf32, #tpu.memory_space<vmem>>
      tpu.enqueue_dma source(%dma_start3A_344 : memref<16x2048xf32, #tpu.memory_space<vmem>>) target(%dma_start3A_340 : memref<16x2048xf32, #tpu.memory_space<hbm>>) target_semaphore(%dma_start3A_338 : memref<!tpu.dma_semaphore, #tpu.memory_space<semaphore_mem>>)
    } else {
    }
    %add3A_250 = arith.constant 176 : i32
    %add3A_251 = arith.addi %mul3A_30, %add3A_250 : i32
    %lt3A_252 = arith.cmpi slt, %add3A_251, %reduce_max3A_8 : i32
    %convert_element_type3A_253 = arith.extui %lt3A_252 : i1 to i32
    %cond3A_254 = arith.constant 0 : i32
    %cond3A_255 = arith.cmpi ne, %convert_element_type3A_253, %cond3A_254 : i32
    scf.if %cond3A_255 {
      %add3A_316 = arith.constant 176 : i32
      %add3A_317 = arith.addi %mul3A_30, %add3A_316 : i32
      %dma_wait3A = arith.constant 2 : i32
      %dma_wait3A_318 = arith.constant 2 : i32
      %dma_wait3A_319 = arith.constant 0 : i32
      %dma_wait3A_320 = arith.constant 0 : i32
      %dma_wait3A_321 = tpu.memref_slice %arg11[%dma_wait3A, %dma_wait3A_319, %dma_wait3A_320] : memref<3x16x2048xf32, #tpu.memory_space<vmem>> -> memref<1x16x2048xf32, #tpu.memory_space<vmem>>
      %dma_wait3A_322 = tpu.memref_squeeze %dma_wait3A_321 : memref<1x16x2048xf32, #tpu.memory_space<vmem>> -> memref<16x2048xf32, #tpu.memory_space<vmem>>
      %dma_wait3A_323 = arith.constant 0 : i32
      %dma_wait3A_324 = tpu.memref_slice %arg6[%add3A_317, %dma_wait3A_323] : memref<8192x2048xf32, #tpu.memory_space<hbm>> -> memref<16x2048xf32, #tpu.memory_space<hbm>>
      %dma_wait3A_325 = tpu.memref_slice %arg13[%dma_wait3A_318] : memref<3x!tpu.dma_semaphore, #tpu.memory_space<semaphore_mem>> -> memref<1x!tpu.dma_semaphore, #tpu.memory_space<semaphore_mem>>
      %dma_wait3A_326 = tpu.memref_squeeze %dma_wait3A_325 : memref<1x!tpu.dma_semaphore, #tpu.memory_space<semaphore_mem>> -> memref<!tpu.dma_semaphore, #tpu.memory_space<semaphore_mem>>
      %dma_wait3A_327 = arith.constant 0 : i32
      %dma_wait3A_328 = tpu.memref_slice %arg6[%add3A_317, %dma_wait3A_327] : memref<8192x2048xf32, #tpu.memory_space<hbm>> -> memref<16x2048xf32, #tpu.memory_space<hbm>>
      %dma_wait3A_329 = arith.constant 0 : i32
      %dma_wait3A_330 = arith.constant 0 : i32
      %dma_wait3A_331 = tpu.memref_slice %arg11[%dma_wait3A, %dma_wait3A_329, %dma_wait3A_330] : memref<3x16x2048xf32, #tpu.memory_space<vmem>> -> memref<1x16x2048xf32, #tpu.memory_space<vmem>>
      %dma_wait3A_332 = tpu.memref_squeeze %dma_wait3A_331 : memref<1x16x2048xf32, #tpu.memory_space<vmem>> -> memref<16x2048xf32, #tpu.memory_space<vmem>>
      tpu.wait_dma2 semaphore(%dma_wait3A_326 : memref<!tpu.dma_semaphore, #tpu.memory_space<semaphore_mem>>) src(%dma_wait3A_332 : memref<16x2048xf32, #tpu.memory_space<vmem>>) dst(%dma_wait3A_328 : memref<16x2048xf32, #tpu.memory_space<hbm>>)
    } else {
    }
    %add3A_256 = arith.constant 224 : i32
    %add3A_257 = arith.addi %mul3A_30, %add3A_256 : i32
    %lt3A_258 = arith.cmpi slt, %add3A_257, %reduce_max3A_8 : i32
    %convert_element_type3A_259 = arith.extui %lt3A_258 : i1 to i32
    %cond3A_260 = arith.constant 0 : i32
    %cond3A_261 = arith.cmpi ne, %convert_element_type3A_259, %cond3A_260 : i32
    scf.if %cond3A_261 {
      %add3A_316 = arith.constant 224 : i32
      %add3A_317 = arith.addi %mul3A_30, %add3A_316 : i32
      %get3A_318 = arith.index_cast %add3A_317 : i32 to index
      %get3A_319 = tpu.vector_load %arg9[%get3A_318] {strides = array<i32>} : memref<8192xi32, #tpu.memory_space<vmem>>, vector<16xi32>,
      %dma_start3A = arith.constant 2 : i32
      %dma_start3A_320 = arith.constant 2 : i32
      %dma_start3A_321 = arith.constant 0 : i32
      %dma_start3A_322 = arith.constant 0 : i32
      %dma_start3A_323 = tpu.memref_slice %arg11[%dma_start3A, %dma_start3A_321, %dma_start3A_322] : memref<3x16x2048xf32, #tpu.memory_space<vmem>> -> memref<1x16x2048xf32, #tpu.memory_space<vmem>>
      %dma_start3A_324 = tpu.memref_squeeze %dma_start3A_323 : memref<1x16x2048xf32, #tpu.memory_space<vmem>> -> memref<16x2048xf32, #tpu.memory_space<vmem>>
      %dma_start3A_325 = arith.constant 0 : i32
      %dma_start3A_326 = arith.constant 0 : i32
      %dma_start3A_327 = tpu.memref_slice %arg4[%dma_start3A_325, %dma_start3A_326] : memref<2048x2048xf32, #tpu.memory_space<hbm>> -> memref<2048x2048xf32, #tpu.memory_space<hbm>>
      %dma_start3A_328 = tpu.memref_slice %arg12[%dma_start3A_320] : memref<3x!tpu.dma_semaphore, #tpu.memory_space<semaphore_mem>> -> memref<1x!tpu.dma_semaphore, #tpu.memory_space<semaphore_mem>>
      %dma_start3A_329 = tpu.memref_squeeze %dma_start3A_328 : memref<1x!tpu.dma_semaphore, #tpu.memory_space<semaphore_mem>> -> memref<!tpu.dma_semaphore, #tpu.memory_space<semaphore_mem>>
      tpu.enqueue_indirect_dma source(%dma_start3A_327 : memref<2048x2048xf32, #tpu.memory_space<hbm>>) target(%dma_start3A_324 : memref<16x2048xf32, #tpu.memory_space<vmem>>) offsets(%get3A_319 : vector<16xi32>) semaphore(%dma_start3A_329 : memref<!tpu.dma_semaphore, #tpu.memory_space<semaphore_mem>>)
    } else {
    }
    %add3A_262 = arith.constant 192 : i32
    %add3A_263 = arith.addi %mul3A_30, %add3A_262 : i32
    %lt3A_264 = arith.cmpi slt, %add3A_263, %reduce_max3A_8 : i32
    %convert_element_type3A_265 = arith.extui %lt3A_264 : i1 to i32
    %cond3A_266 = arith.constant 0 : i32
    %cond3A_267 = arith.cmpi ne, %convert_element_type3A_265, %cond3A_266 : i32
    scf.if %cond3A_267 {
      %get3A_316 = arith.constant 0 : index
      %get3A_317 = tpu.vector_load %arg9[%get3A_316] {strides = array<i32>} : memref<8192xi32, #tpu.memory_space<vmem>>, vector<16xi32>,
      %dma_wait3A = arith.constant 0 : i32
      %dma_wait3A_318 = arith.constant 0 : i32
      %dma_wait3A_319 = arith.constant 0 : i32
      %dma_wait3A_320 = arith.constant 0 : i32
      %dma_wait3A_321 = tpu.memref_slice %arg11[%dma_wait3A, %dma_wait3A_319, %dma_wait3A_320] : memref<3x16x2048xf32, #tpu.memory_space<vmem>> -> memref<1x16x2048xf32, #tpu.memory_space<vmem>>
      %dma_wait3A_322 = tpu.memref_squeeze %dma_wait3A_321 : memref<1x16x2048xf32, #tpu.memory_space<vmem>> -> memref<16x2048xf32, #tpu.memory_space<vmem>>
      %dma_wait3A_323 = arith.constant 0 : i32
      %dma_wait3A_324 = arith.constant 0 : i32
      %dma_wait3A_325 = tpu.memref_slice %arg4[%dma_wait3A_323, %dma_wait3A_324] : memref<2048x2048xf32, #tpu.memory_space<hbm>> -> memref<2048x2048xf32, #tpu.memory_space<hbm>>
      %dma_wait3A_326 = tpu.memref_slice %arg12[%dma_wait3A_318] : memref<3x!tpu.dma_semaphore, #tpu.memory_space<semaphore_mem>> -> memref<1x!tpu.dma_semaphore, #tpu.memory_space<semaphore_mem>>
      %dma_wait3A_327 = tpu.memref_squeeze %dma_wait3A_326 : memref<1x!tpu.dma_semaphore, #tpu.memory_space<semaphore_mem>> -> memref<!tpu.dma_semaphore, #tpu.memory_space<semaphore_mem>>
      tpu.wait_indirect_dma semaphore(%dma_wait3A_327 : memref<!tpu.dma_semaphore, #tpu.memory_space<semaphore_mem>>) src(%dma_wait3A_325 : memref<2048x2048xf32, #tpu.memory_space<hbm>>) dst(%dma_wait3A_322 : memref<16x2048xf32, #tpu.memory_space<vmem>>)
      %add3A_328 = arith.constant 192 : i32
      %add3A_329 = arith.addi %mul3A_30, %add3A_328 : i32
      %dma_start3A = arith.constant 0 : i32
      %dma_start3A_330 = arith.constant 0 : i32
      %dma_start3A_331 = arith.constant 0 : i32
      %dma_start3A_332 = arith.constant 0 : i32
      %dma_start3A_333 = tpu.memref_slice %arg11[%dma_start3A, %dma_start3A_331, %dma_start3A_332] : memref<3x16x2048xf32, #tpu.memory_space<vmem>> -> memref<1x16x2048xf32, #tpu.memory_space<vmem>>
      %dma_start3A_334 = tpu.memref_squeeze %dma_start3A_333 : memref<1x16x2048xf32, #tpu.memory_space<vmem>> -> memref<16x2048xf32, #tpu.memory_space<vmem>>
      %dma_start3A_335 = arith.constant 0 : i32
      %dma_start3A_336 = tpu.memref_slice %arg6[%add3A_329, %dma_start3A_335] : memref<8192x2048xf32, #tpu.memory_space<hbm>> -> memref<16x2048xf32, #tpu.memory_space<hbm>>
      %dma_start3A_337 = tpu.memref_slice %arg13[%dma_start3A_330] : memref<3x!tpu.dma_semaphore, #tpu.memory_space<semaphore_mem>> -> memref<1x!tpu.dma_semaphore, #tpu.memory_space<semaphore_mem>>
      %dma_start3A_338 = tpu.memref_squeeze %dma_start3A_337 : memref<1x!tpu.dma_semaphore, #tpu.memory_space<semaphore_mem>> -> memref<!tpu.dma_semaphore, #tpu.memory_space<semaphore_mem>>
      %dma_start3A_339 = arith.constant 0 : i32
      %dma_start3A_340 = tpu.memref_slice %arg6[%add3A_329, %dma_start3A_339] : memref<8192x2048xf32, #tpu.memory_space<hbm>> -> memref<16x2048xf32, #tpu.memory_space<hbm>>
      %dma_start3A_341 = arith.constant 0 : i32
      %dma_start3A_342 = arith.constant 0 : i32
      %dma_start3A_343 = tpu.memref_slice %arg11[%dma_start3A, %dma_start3A_341, %dma_start3A_342] : memref<3x16x2048xf32, #tpu.memory_space<vmem>> -> memref<1x16x2048xf32, #tpu.memory_space<vmem>>
      %dma_start3A_344 = tpu.memref_squeeze %dma_start3A_343 : memref<1x16x2048xf32, #tpu.memory_space<vmem>> -> memref<16x2048xf32, #tpu.memory_space<vmem>>
      tpu.enqueue_dma source(%dma_start3A_344 : memref<16x2048xf32, #tpu.memory_space<vmem>>) target(%dma_start3A_340 : memref<16x2048xf32, #tpu.memory_space<hbm>>) target_semaphore(%dma_start3A_338 : memref<!tpu.dma_semaphore, #tpu.memory_space<semaphore_mem>>)
    } else {
    }
    %add3A_268 = arith.constant 192 : i32
    %add3A_269 = arith.addi %mul3A_30, %add3A_268 : i32
    %lt3A_270 = arith.cmpi slt, %add3A_269, %reduce_max3A_8 : i32
    %convert_element_type3A_271 = arith.extui %lt3A_270 : i1 to i32
    %cond3A_272 = arith.constant 0 : i32
    %cond3A_273 = arith.cmpi ne, %convert_element_type3A_271, %cond3A_272 : i32
    scf.if %cond3A_273 {
      %add3A_316 = arith.constant 192 : i32
      %add3A_317 = arith.addi %mul3A_30, %add3A_316 : i32
      %dma_wait3A = arith.constant 0 : i32
      %dma_wait3A_318 = arith.constant 0 : i32
      %dma_wait3A_319 = arith.constant 0 : i32
      %dma_wait3A_320 = arith.constant 0 : i32
      %dma_wait3A_321 = tpu.memref_slice %arg11[%dma_wait3A, %dma_wait3A_319, %dma_wait3A_320] : memref<3x16x2048xf32, #tpu.memory_space<vmem>> -> memref<1x16x2048xf32, #tpu.memory_space<vmem>>
      %dma_wait3A_322 = tpu.memref_squeeze %dma_wait3A_321 : memref<1x16x2048xf32, #tpu.memory_space<vmem>> -> memref<16x2048xf32, #tpu.memory_space<vmem>>
      %dma_wait3A_323 = arith.constant 0 : i32
      %dma_wait3A_324 = tpu.memref_slice %arg6[%add3A_317, %dma_wait3A_323] : memref<8192x2048xf32, #tpu.memory_space<hbm>> -> memref<16x2048xf32, #tpu.memory_space<hbm>>
      %dma_wait3A_325 = tpu.memref_slice %arg13[%dma_wait3A_318] : memref<3x!tpu.dma_semaphore, #tpu.memory_space<semaphore_mem>> -> memref<1x!tpu.dma_semaphore, #tpu.memory_space<semaphore_mem>>
      %dma_wait3A_326 = tpu.memref_squeeze %dma_wait3A_325 : memref<1x!tpu.dma_semaphore, #tpu.memory_space<semaphore_mem>> -> memref<!tpu.dma_semaphore, #tpu.memory_space<semaphore_mem>>
      %dma_wait3A_327 = arith.constant 0 : i32
      %dma_wait3A_328 = tpu.memref_slice %arg6[%add3A_317, %dma_wait3A_327] : memref<8192x2048xf32, #tpu.memory_space<hbm>> -> memref<16x2048xf32, #tpu.memory_space<hbm>>
      %dma_wait3A_329 = arith.constant 0 : i32
      %dma_wait3A_330 = arith.constant 0 : i32
      %dma_wait3A_331 = tpu.memref_slice %arg11[%dma_wait3A, %dma_wait3A_329, %dma_wait3A_330] : memref<3x16x2048xf32, #tpu.memory_space<vmem>> -> memref<1x16x2048xf32, #tpu.memory_space<vmem>>
      %dma_wait3A_332 = tpu.memref_squeeze %dma_wait3A_331 : memref<1x16x2048xf32, #tpu.memory_space<vmem>> -> memref<16x2048xf32, #tpu.memory_space<vmem>>
      tpu.wait_dma2 semaphore(%dma_wait3A_326 : memref<!tpu.dma_semaphore, #tpu.memory_space<semaphore_mem>>) src(%dma_wait3A_332 : memref<16x2048xf32, #tpu.memory_space<vmem>>) dst(%dma_wait3A_328 : memref<16x2048xf32, #tpu.memory_space<hbm>>)
    } else {
    }
    %add3A_274 = arith.constant 240 : i32
    %add3A_275 = arith.addi %mul3A_30, %add3A_274 : i32
    %lt3A_276 = arith.cmpi slt, %add3A_275, %reduce_max3A_8 : i32
    %convert_element_type3A_277 = arith.extui %lt3A_276 : i1 to i32
    %cond3A_278 = arith.constant 0 : i32
    %cond3A_279 = arith.cmpi ne, %convert_element_type3A_277, %cond3A_278 : i32
    scf.if %cond3A_279 {
      %add3A_316 = arith.constant 240 : i32
      %add3A_317 = arith.addi %mul3A_30, %add3A_316 : i32
      %get3A_318 = arith.index_cast %add3A_317 : i32 to index
      %get3A_319 = tpu.vector_load %arg9[%get3A_318] {strides = array<i32>} : memref<8192xi32, #tpu.memory_space<vmem>>, vector<16xi32>,
      %dma_start3A = arith.constant 0 : i32
      %dma_start3A_320 = arith.constant 0 : i32
      %dma_start3A_321 = arith.constant 0 : i32
      %dma_start3A_322 = arith.constant 0 : i32
      %dma_start3A_323 = tpu.memref_slice %arg11[%dma_start3A, %dma_start3A_321, %dma_start3A_322] : memref<3x16x2048xf32, #tpu.memory_space<vmem>> -> memref<1x16x2048xf32, #tpu.memory_space<vmem>>
      %dma_start3A_324 = tpu.memref_squeeze %dma_start3A_323 : memref<1x16x2048xf32, #tpu.memory_space<vmem>> -> memref<16x2048xf32, #tpu.memory_space<vmem>>
      %dma_start3A_325 = arith.constant 0 : i32
      %dma_start3A_326 = arith.constant 0 : i32
      %dma_start3A_327 = tpu.memref_slice %arg4[%dma_start3A_325, %dma_start3A_326] : memref<2048x2048xf32, #tpu.memory_space<hbm>> -> memref<2048x2048xf32, #tpu.memory_space<hbm>>
      %dma_start3A_328 = tpu.memref_slice %arg12[%dma_start3A_320] : memref<3x!tpu.dma_semaphore, #tpu.memory_space<semaphore_mem>> -> memref<1x!tpu.dma_semaphore, #tpu.memory_space<semaphore_mem>>
      %dma_start3A_329 = tpu.memref_squeeze %dma_start3A_328 : memref<1x!tpu.dma_semaphore, #tpu.memory_space<semaphore_mem>> -> memref<!tpu.dma_semaphore, #tpu.memory_space<semaphore_mem>>
      tpu.enqueue_indirect_dma source(%dma_start3A_327 : memref<2048x2048xf32, #tpu.memory_space<hbm>>) target(%dma_start3A_324 : memref<16x2048xf32, #tpu.memory_space<vmem>>) offsets(%get3A_319 : vector<16xi32>) semaphore(%dma_start3A_329 : memref<!tpu.dma_semaphore, #tpu.memory_space<semaphore_mem>>)
    } else {
    }
    %add3A_280 = arith.constant 208 : i32
    %add3A_281 = arith.addi %mul3A_30, %add3A_280 : i32
    %lt3A_282 = arith.cmpi slt, %add3A_281, %reduce_max3A_8 : i32
    %convert_element_type3A_283 = arith.extui %lt3A_282 : i1 to i32
    %cond3A_284 = arith.constant 0 : i32
    %cond3A_285 = arith.cmpi ne, %convert_element_type3A_283, %cond3A_284 : i32
    scf.if %cond3A_285 {
      %get3A_316 = arith.constant 0 : index
      %get3A_317 = tpu.vector_load %arg9[%get3A_316] {strides = array<i32>} : memref<8192xi32, #tpu.memory_space<vmem>>, vector<16xi32>,
      %dma_wait3A = arith.constant 1 : i32
      %dma_wait3A_318 = arith.constant 1 : i32
      %dma_wait3A_319 = arith.constant 0 : i32
      %dma_wait3A_320 = arith.constant 0 : i32
      %dma_wait3A_321 = tpu.memref_slice %arg11[%dma_wait3A, %dma_wait3A_319, %dma_wait3A_320] : memref<3x16x2048xf32, #tpu.memory_space<vmem>> -> memref<1x16x2048xf32, #tpu.memory_space<vmem>>
      %dma_wait3A_322 = tpu.memref_squeeze %dma_wait3A_321 : memref<1x16x2048xf32, #tpu.memory_space<vmem>> -> memref<16x2048xf32, #tpu.memory_space<vmem>>
      %dma_wait3A_323 = arith.constant 0 : i32
      %dma_wait3A_324 = arith.constant 0 : i32
      %dma_wait3A_325 = tpu.memref_slice %arg4[%dma_wait3A_323, %dma_wait3A_324] : memref<2048x2048xf32, #tpu.memory_space<hbm>> -> memref<2048x2048xf32, #tpu.memory_space<hbm>>
      %dma_wait3A_326 = tpu.memref_slice %arg12[%dma_wait3A_318] : memref<3x!tpu.dma_semaphore, #tpu.memory_space<semaphore_mem>> -> memref<1x!tpu.dma_semaphore, #tpu.memory_space<semaphore_mem>>
      %dma_wait3A_327 = tpu.memref_squeeze %dma_wait3A_326 : memref<1x!tpu.dma_semaphore, #tpu.memory_space<semaphore_mem>> -> memref<!tpu.dma_semaphore, #tpu.memory_space<semaphore_mem>>
      tpu.wait_indirect_dma semaphore(%dma_wait3A_327 : memref<!tpu.dma_semaphore, #tpu.memory_space<semaphore_mem>>) src(%dma_wait3A_325 : memref<2048x2048xf32, #tpu.memory_space<hbm>>) dst(%dma_wait3A_322 : memref<16x2048xf32, #tpu.memory_space<vmem>>)
      %add3A_328 = arith.constant 208 : i32
      %add3A_329 = arith.addi %mul3A_30, %add3A_328 : i32
      %dma_start3A = arith.constant 1 : i32
      %dma_start3A_330 = arith.constant 1 : i32
      %dma_start3A_331 = arith.constant 0 : i32
      %dma_start3A_332 = arith.constant 0 : i32
      %dma_start3A_333 = tpu.memref_slice %arg11[%dma_start3A, %dma_start3A_331, %dma_start3A_332] : memref<3x16x2048xf32, #tpu.memory_space<vmem>> -> memref<1x16x2048xf32, #tpu.memory_space<vmem>>
      %dma_start3A_334 = tpu.memref_squeeze %dma_start3A_333 : memref<1x16x2048xf32, #tpu.memory_space<vmem>> -> memref<16x2048xf32, #tpu.memory_space<vmem>>
      %dma_start3A_335 = arith.constant 0 : i32
      %dma_start3A_336 = tpu.memref_slice %arg6[%add3A_329, %dma_start3A_335] : memref<8192x2048xf32, #tpu.memory_space<hbm>> -> memref<16x2048xf32, #tpu.memory_space<hbm>>
      %dma_start3A_337 = tpu.memref_slice %arg13[%dma_start3A_330] : memref<3x!tpu.dma_semaphore, #tpu.memory_space<semaphore_mem>> -> memref<1x!tpu.dma_semaphore, #tpu.memory_space<semaphore_mem>>
      %dma_start3A_338 = tpu.memref_squeeze %dma_start3A_337 : memref<1x!tpu.dma_semaphore, #tpu.memory_space<semaphore_mem>> -> memref<!tpu.dma_semaphore, #tpu.memory_space<semaphore_mem>>
      %dma_start3A_339 = arith.constant 0 : i32
      %dma_start3A_340 = tpu.memref_slice %arg6[%add3A_329, %dma_start3A_339] : memref<8192x2048xf32, #tpu.memory_space<hbm>> -> memref<16x2048xf32, #tpu.memory_space<hbm>>
      %dma_start3A_341 = arith.constant 0 : i32
      %dma_start3A_342 = arith.constant 0 : i32
      %dma_start3A_343 = tpu.memref_slice %arg11[%dma_start3A, %dma_start3A_341, %dma_start3A_342] : memref<3x16x2048xf32, #tpu.memory_space<vmem>> -> memref<1x16x2048xf32, #tpu.memory_space<vmem>>
      %dma_start3A_344 = tpu.memref_squeeze %dma_start3A_343 : memref<1x16x2048xf32, #tpu.memory_space<vmem>> -> memref<16x2048xf32, #tpu.memory_space<vmem>>
      tpu.enqueue_dma source(%dma_start3A_344 : memref<16x2048xf32, #tpu.memory_space<vmem>>) target(%dma_start3A_340 : memref<16x2048xf32, #tpu.memory_space<hbm>>) target_semaphore(%dma_start3A_338 : memref<!tpu.dma_semaphore, #tpu.memory_space<semaphore_mem>>)
    } else {
    }
    %add3A_286 = arith.constant 224 : i32
    %add3A_287 = arith.addi %mul3A_30, %add3A_286 : i32
    %lt3A_288 = arith.cmpi slt, %add3A_287, %reduce_max3A_8 : i32
    %convert_element_type3A_289 = arith.extui %lt3A_288 : i1 to i32
    %cond3A_290 = arith.constant 0 : i32
    %cond3A_291 = arith.cmpi ne, %convert_element_type3A_289, %cond3A_290 : i32
    scf.if %cond3A_291 {
      %get3A_316 = arith.constant 0 : index
      %get3A_317 = tpu.vector_load %arg9[%get3A_316] {strides = array<i32>} : memref<8192xi32, #tpu.memory_space<vmem>>, vector<16xi32>,
      %dma_wait3A = arith.constant 2 : i32
      %dma_wait3A_318 = arith.constant 2 : i32
      %dma_wait3A_319 = arith.constant 0 : i32
      %dma_wait3A_320 = arith.constant 0 : i32
      %dma_wait3A_321 = tpu.memref_slice %arg11[%dma_wait3A, %dma_wait3A_319, %dma_wait3A_320] : memref<3x16x2048xf32, #tpu.memory_space<vmem>> -> memref<1x16x2048xf32, #tpu.memory_space<vmem>>
      %dma_wait3A_322 = tpu.memref_squeeze %dma_wait3A_321 : memref<1x16x2048xf32, #tpu.memory_space<vmem>> -> memref<16x2048xf32, #tpu.memory_space<vmem>>
      %dma_wait3A_323 = arith.constant 0 : i32
      %dma_wait3A_324 = arith.constant 0 : i32
      %dma_wait3A_325 = tpu.memref_slice %arg4[%dma_wait3A_323, %dma_wait3A_324] : memref<2048x2048xf32, #tpu.memory_space<hbm>> -> memref<2048x2048xf32, #tpu.memory_space<hbm>>
      %dma_wait3A_326 = tpu.memref_slice %arg12[%dma_wait3A_318] : memref<3x!tpu.dma_semaphore, #tpu.memory_space<semaphore_mem>> -> memref<1x!tpu.dma_semaphore, #tpu.memory_space<semaphore_mem>>
      %dma_wait3A_327 = tpu.memref_squeeze %dma_wait3A_326 : memref<1x!tpu.dma_semaphore, #tpu.memory_space<semaphore_mem>> -> memref<!tpu.dma_semaphore, #tpu.memory_space<semaphore_mem>>
      tpu.wait_indirect_dma semaphore(%dma_wait3A_327 : memref<!tpu.dma_semaphore, #tpu.memory_space<semaphore_mem>>) src(%dma_wait3A_325 : memref<2048x2048xf32, #tpu.memory_space<hbm>>) dst(%dma_wait3A_322 : memref<16x2048xf32, #tpu.memory_space<vmem>>)
      %add3A_328 = arith.constant 224 : i32
      %add3A_329 = arith.addi %mul3A_30, %add3A_328 : i32
      %dma_start3A = arith.constant 2 : i32
      %dma_start3A_330 = arith.constant 2 : i32
      %dma_start3A_331 = arith.constant 0 : i32
      %dma_start3A_332 = arith.constant 0 : i32
      %dma_start3A_333 = tpu.memref_slice %arg11[%dma_start3A, %dma_start3A_331, %dma_start3A_332] : memref<3x16x2048xf32, #tpu.memory_space<vmem>> -> memref<1x16x2048xf32, #tpu.memory_space<vmem>>
      %dma_start3A_334 = tpu.memref_squeeze %dma_start3A_333 : memref<1x16x2048xf32, #tpu.memory_space<vmem>> -> memref<16x2048xf32, #tpu.memory_space<vmem>>
      %dma_start3A_335 = arith.constant 0 : i32
      %dma_start3A_336 = tpu.memref_slice %arg6[%add3A_329, %dma_start3A_335] : memref<8192x2048xf32, #tpu.memory_space<hbm>> -> memref<16x2048xf32, #tpu.memory_space<hbm>>
      %dma_start3A_337 = tpu.memref_slice %arg13[%dma_start3A_330] : memref<3x!tpu.dma_semaphore, #tpu.memory_space<semaphore_mem>> -> memref<1x!tpu.dma_semaphore, #tpu.memory_space<semaphore_mem>>
      %dma_start3A_338 = tpu.memref_squeeze %dma_start3A_337 : memref<1x!tpu.dma_semaphore, #tpu.memory_space<semaphore_mem>> -> memref<!tpu.dma_semaphore, #tpu.memory_space<semaphore_mem>>
      %dma_start3A_339 = arith.constant 0 : i32
      %dma_start3A_340 = tpu.memref_slice %arg6[%add3A_329, %dma_start3A_339] : memref<8192x2048xf32, #tpu.memory_space<hbm>> -> memref<16x2048xf32, #tpu.memory_space<hbm>>
      %dma_start3A_341 = arith.constant 0 : i32
      %dma_start3A_342 = arith.constant 0 : i32
      %dma_start3A_343 = tpu.memref_slice %arg11[%dma_start3A, %dma_start3A_341, %dma_start3A_342] : memref<3x16x2048xf32, #tpu.memory_space<vmem>> -> memref<1x16x2048xf32, #tpu.memory_space<vmem>>
      %dma_start3A_344 = tpu.memref_squeeze %dma_start3A_343 : memref<1x16x2048xf32, #tpu.memory_space<vmem>> -> memref<16x2048xf32, #tpu.memory_space<vmem>>
      tpu.enqueue_dma source(%dma_start3A_344 : memref<16x2048xf32, #tpu.memory_space<vmem>>) target(%dma_start3A_340 : memref<16x2048xf32, #tpu.memory_space<hbm>>) target_semaphore(%dma_start3A_338 : memref<!tpu.dma_semaphore, #tpu.memory_space<semaphore_mem>>)
    } else {
    }
    %add3A_292 = arith.constant 240 : i32
    %add3A_293 = arith.addi %mul3A_30, %add3A_292 : i32
    %lt3A_294 = arith.cmpi slt, %add3A_293, %reduce_max3A_8 : i32
    %convert_element_type3A_295 = arith.extui %lt3A_294 : i1 to i32
    %cond3A_296 = arith.constant 0 : i32
    %cond3A_297 = arith.cmpi ne, %convert_element_type3A_295, %cond3A_296 : i32
    scf.if %cond3A_297 {
      %get3A_316 = arith.constant 0 : index
      %get3A_317 = tpu.vector_load %arg9[%get3A_316] {strides = array<i32>} : memref<8192xi32, #tpu.memory_space<vmem>>, vector<16xi32>,
      %dma_wait3A = arith.constant 0 : i32
      %dma_wait3A_318 = arith.constant 0 : i32
      %dma_wait3A_319 = arith.constant 0 : i32
      %dma_wait3A_320 = arith.constant 0 : i32
      %dma_wait3A_321 = tpu.memref_slice %arg11[%dma_wait3A, %dma_wait3A_319, %dma_wait3A_320] : memref<3x16x2048xf32, #tpu.memory_space<vmem>> -> memref<1x16x2048xf32, #tpu.memory_space<vmem>>
      %dma_wait3A_322 = tpu.memref_squeeze %dma_wait3A_321 : memref<1x16x2048xf32, #tpu.memory_space<vmem>> -> memref<16x2048xf32, #tpu.memory_space<vmem>>
      %dma_wait3A_323 = arith.constant 0 : i32
      %dma_wait3A_324 = arith.constant 0 : i32
      %dma_wait3A_325 = tpu.memref_slice %arg4[%dma_wait3A_323, %dma_wait3A_324] : memref<2048x2048xf32, #tpu.memory_space<hbm>> -> memref<2048x2048xf32, #tpu.memory_space<hbm>>
      %dma_wait3A_326 = tpu.memref_slice %arg12[%dma_wait3A_318] : memref<3x!tpu.dma_semaphore, #tpu.memory_space<semaphore_mem>> -> memref<1x!tpu.dma_semaphore, #tpu.memory_space<semaphore_mem>>
      %dma_wait3A_327 = tpu.memref_squeeze %dma_wait3A_326 : memref<1x!tpu.dma_semaphore, #tpu.memory_space<semaphore_mem>> -> memref<!tpu.dma_semaphore, #tpu.memory_space<semaphore_mem>>
      tpu.wait_indirect_dma semaphore(%dma_wait3A_327 : memref<!tpu.dma_semaphore, #tpu.memory_space<semaphore_mem>>) src(%dma_wait3A_325 : memref<2048x2048xf32, #tpu.memory_space<hbm>>) dst(%dma_wait3A_322 : memref<16x2048xf32, #tpu.memory_space<vmem>>)
      %add3A_328 = arith.constant 240 : i32
      %add3A_329 = arith.addi %mul3A_30, %add3A_328 : i32
      %dma_start3A = arith.constant 0 : i32
      %dma_start3A_330 = arith.constant 0 : i32
      %dma_start3A_331 = arith.constant 0 : i32
      %dma_start3A_332 = arith.constant 0 : i32
      %dma_start3A_333 = tpu.memref_slice %arg11[%dma_start3A, %dma_start3A_331, %dma_start3A_332] : memref<3x16x2048xf32, #tpu.memory_space<vmem>> -> memref<1x16x2048xf32, #tpu.memory_space<vmem>>
      %dma_start3A_334 = tpu.memref_squeeze %dma_start3A_333 : memref<1x16x2048xf32, #tpu.memory_space<vmem>> -> memref<16x2048xf32, #tpu.memory_space<vmem>>
      %dma_start3A_335 = arith.constant 0 : i32
      %dma_start3A_336 = tpu.memref_slice %arg6[%add3A_329, %dma_start3A_335] : memref<8192x2048xf32, #tpu.memory_space<hbm>> -> memref<16x2048xf32, #tpu.memory_space<hbm>>
      %dma_start3A_337 = tpu.memref_slice %arg13[%dma_start3A_330] : memref<3x!tpu.dma_semaphore, #tpu.memory_space<semaphore_mem>> -> memref<1x!tpu.dma_semaphore, #tpu.memory_space<semaphore_mem>>
      %dma_start3A_338 = tpu.memref_squeeze %dma_start3A_337 : memref<1x!tpu.dma_semaphore, #tpu.memory_space<semaphore_mem>> -> memref<!tpu.dma_semaphore, #tpu.memory_space<semaphore_mem>>
      %dma_start3A_339 = arith.constant 0 : i32
      %dma_start3A_340 = tpu.memref_slice %arg6[%add3A_329, %dma_start3A_339] : memref<8192x2048xf32, #tpu.memory_space<hbm>> -> memref<16x2048xf32, #tpu.memory_space<hbm>>
      %dma_start3A_341 = arith.constant 0 : i32
      %dma_start3A_342 = arith.constant 0 : i32
      %dma_start3A_343 = tpu.memref_slice %arg11[%dma_start3A, %dma_start3A_341, %dma_start3A_342] : memref<3x16x2048xf32, #tpu.memory_space<vmem>> -> memref<1x16x2048xf32, #tpu.memory_space<vmem>>
      %dma_start3A_344 = tpu.memref_squeeze %dma_start3A_343 : memref<1x16x2048xf32, #tpu.memory_space<vmem>> -> memref<16x2048xf32, #tpu.memory_space<vmem>>
      tpu.enqueue_dma source(%dma_start3A_344 : memref<16x2048xf32, #tpu.memory_space<vmem>>) target(%dma_start3A_340 : memref<16x2048xf32, #tpu.memory_space<hbm>>) target_semaphore(%dma_start3A_338 : memref<!tpu.dma_semaphore, #tpu.memory_space<semaphore_mem>>)
    } else {
    }
    %add3A_298 = arith.constant 208 : i32
    %add3A_299 = arith.addi %mul3A_30, %add3A_298 : i32
    %lt3A_300 = arith.cmpi slt, %add3A_299, %reduce_max3A_8 : i32
    %convert_element_type3A_301 = arith.extui %lt3A_300 : i1 to i32
    %cond3A_302 = arith.constant 0 : i32
    %cond3A_303 = arith.cmpi ne, %convert_element_type3A_301, %cond3A_302 : i32
    scf.if %cond3A_303 {
      %add3A_316 = arith.constant 208 : i32
      %add3A_317 = arith.addi %mul3A_30, %add3A_316 : i32
      %dma_wait3A = arith.constant 1 : i32
      %dma_wait3A_318 = arith.constant 1 : i32
      %dma_wait3A_319 = arith.constant 0 : i32
      %dma_wait3A_320 = arith.constant 0 : i32
      %dma_wait3A_321 = tpu.memref_slice %arg11[%dma_wait3A, %dma_wait3A_319, %dma_wait3A_320] : memref<3x16x2048xf32, #tpu.memory_space<vmem>> -> memref<1x16x2048xf32, #tpu.memory_space<vmem>>
      %dma_wait3A_322 = tpu.memref_squeeze %dma_wait3A_321 : memref<1x16x2048xf32, #tpu.memory_space<vmem>> -> memref<16x2048xf32, #tpu.memory_space<vmem>>
      %dma_wait3A_323 = arith.constant 0 : i32
      %dma_wait3A_324 = tpu.memref_slice %arg6[%add3A_317, %dma_wait3A_323] : memref<8192x2048xf32, #tpu.memory_space<hbm>> -> memref<16x2048xf32, #tpu.memory_space<hbm>>
      %dma_wait3A_325 = tpu.memref_slice %arg13[%dma_wait3A_318] : memref<3x!tpu.dma_semaphore, #tpu.memory_space<semaphore_mem>> -> memref<1x!tpu.dma_semaphore, #tpu.memory_space<semaphore_mem>>
      %dma_wait3A_326 = tpu.memref_squeeze %dma_wait3A_325 : memref<1x!tpu.dma_semaphore, #tpu.memory_space<semaphore_mem>> -> memref<!tpu.dma_semaphore, #tpu.memory_space<semaphore_mem>>
      %dma_wait3A_327 = arith.constant 0 : i32
      %dma_wait3A_328 = tpu.memref_slice %arg6[%add3A_317, %dma_wait3A_327] : memref<8192x2048xf32, #tpu.memory_space<hbm>> -> memref<16x2048xf32, #tpu.memory_space<hbm>>
      %dma_wait3A_329 = arith.constant 0 : i32
      %dma_wait3A_330 = arith.constant 0 : i32
      %dma_wait3A_331 = tpu.memref_slice %arg11[%dma_wait3A, %dma_wait3A_329, %dma_wait3A_330] : memref<3x16x2048xf32, #tpu.memory_space<vmem>> -> memref<1x16x2048xf32, #tpu.memory_space<vmem>>
      %dma_wait3A_332 = tpu.memref_squeeze %dma_wait3A_331 : memref<1x16x2048xf32, #tpu.memory_space<vmem>> -> memref<16x2048xf32, #tpu.memory_space<vmem>>
      tpu.wait_dma2 semaphore(%dma_wait3A_326 : memref<!tpu.dma_semaphore, #tpu.memory_space<semaphore_mem>>) src(%dma_wait3A_332 : memref<16x2048xf32, #tpu.memory_space<vmem>>) dst(%dma_wait3A_328 : memref<16x2048xf32, #tpu.memory_space<hbm>>)
    } else {
    }
    %add3A_304 = arith.constant 224 : i32
    %add3A_305 = arith.addi %mul3A_30, %add3A_304 : i32
    %lt3A_306 = arith.cmpi slt, %add3A_305, %reduce_max3A_8 : i32
    %convert_element_type3A_307 = arith.extui %lt3A_306 : i1 to i32
    %cond3A_308 = arith.constant 0 : i32
    %cond3A_309 = arith.cmpi ne, %convert_element_type3A_307, %cond3A_308 : i32
    scf.if %cond3A_309 {
      %add3A_316 = arith.constant 224 : i32
      %add3A_317 = arith.addi %mul3A_30, %add3A_316 : i32
      %dma_wait3A = arith.constant 2 : i32
      %dma_wait3A_318 = arith.constant 2 : i32
      %dma_wait3A_319 = arith.constant 0 : i32
      %dma_wait3A_320 = arith.constant 0 : i32
      %dma_wait3A_321 = tpu.memref_slice %arg11[%dma_wait3A, %dma_wait3A_319, %dma_wait3A_320] : memref<3x16x2048xf32, #tpu.memory_space<vmem>> -> memref<1x16x2048xf32, #tpu.memory_space<vmem>>
      %dma_wait3A_322 = tpu.memref_squeeze %dma_wait3A_321 : memref<1x16x2048xf32, #tpu.memory_space<vmem>> -> memref<16x2048xf32, #tpu.memory_space<vmem>>
      %dma_wait3A_323 = arith.constant 0 : i32
      %dma_wait3A_324 = tpu.memref_slice %arg6[%add3A_317, %dma_wait3A_323] : memref<8192x2048xf32, #tpu.memory_space<hbm>> -> memref<16x2048xf32, #tpu.memory_space<hbm>>
      %dma_wait3A_325 = tpu.memref_slice %arg13[%dma_wait3A_318] : memref<3x!tpu.dma_semaphore, #tpu.memory_space<semaphore_mem>> -> memref<1x!tpu.dma_semaphore, #tpu.memory_space<semaphore_mem>>
      %dma_wait3A_326 = tpu.memref_squeeze %dma_wait3A_325 : memref<1x!tpu.dma_semaphore, #tpu.memory_space<semaphore_mem>> -> memref<!tpu.dma_semaphore, #tpu.memory_space<semaphore_mem>>
      %dma_wait3A_327 = arith.constant 0 : i32
      %dma_wait3A_328 = tpu.memref_slice %arg6[%add3A_317, %dma_wait3A_327] : memref<8192x2048xf32, #tpu.memory_space<hbm>> -> memref<16x2048xf32, #tpu.memory_space<hbm>>
      %dma_wait3A_329 = arith.constant 0 : i32
      %dma_wait3A_330 = arith.constant 0 : i32
      %dma_wait3A_331 = tpu.memref_slice %arg11[%dma_wait3A, %dma_wait3A_329, %dma_wait3A_330] : memref<3x16x2048xf32, #tpu.memory_space<vmem>> -> memref<1x16x2048xf32, #tpu.memory_space<vmem>>
      %dma_wait3A_332 = tpu.memref_squeeze %dma_wait3A_331 : memref<1x16x2048xf32, #tpu.memory_space<vmem>> -> memref<16x2048xf32, #tpu.memory_space<vmem>>
      tpu.wait_dma2 semaphore(%dma_wait3A_326 : memref<!tpu.dma_semaphore, #tpu.memory_space<semaphore_mem>>) src(%dma_wait3A_332 : memref<16x2048xf32, #tpu.memory_space<vmem>>) dst(%dma_wait3A_328 : memref<16x2048xf32, #tpu.memory_space<hbm>>)
    } else {
    }
    %add3A_310 = arith.constant 240 : i32
    %add3A_311 = arith.addi %mul3A_30, %add3A_310 : i32
    %lt3A_312 = arith.cmpi slt, %add3A_311, %reduce_max3A_8 : i32
    %convert_element_type3A_313 = arith.extui %lt3A_312 : i1 to i32
    %cond3A_314 = arith.constant 0 : i32
    %cond3A_315 = arith.cmpi ne, %convert_element_type3A_313, %cond3A_314 : i32
    scf.if %cond3A_315 {
      %add3A_316 = arith.constant 240 : i32
      %add3A_317 = arith.addi %mul3A_30, %add3A_316 : i32
      %dma_wait3A = arith.constant 0 : i32
      %dma_wait3A_318 = arith.constant 0 : i32
      %dma_wait3A_319 = arith.constant 0 : i32
      %dma_wait3A_320 = arith.constant 0 : i32
      %dma_wait3A_321 = tpu.memref_slice %arg11[%dma_wait3A, %dma_wait3A_319, %dma_wait3A_320] : memref<3x16x2048xf32, #tpu.memory_space<vmem>> -> memref<1x16x2048xf32, #tpu.memory_space<vmem>>
      %dma_wait3A_322 = tpu.memref_squeeze %dma_wait3A_321 : memref<1x16x2048xf32, #tpu.memory_space<vmem>> -> memref<16x2048xf32, #tpu.memory_space<vmem>>
      %dma_wait3A_323 = arith.constant 0 : i32
      %dma_wait3A_324 = tpu.memref_slice %arg6[%add3A_317, %dma_wait3A_323] : memref<8192x2048xf32, #tpu.memory_space<hbm>> -> memref<16x2048xf32, #tpu.memory_space<hbm>>
      %dma_wait3A_325 = tpu.memref_slice %arg13[%dma_wait3A_318] : memref<3x!tpu.dma_semaphore, #tpu.memory_space<semaphore_mem>> -> memref<1x!tpu.dma_semaphore, #tpu.memory_space<semaphore_mem>>
      %dma_wait3A_326 = tpu.memref_squeeze %dma_wait3A_325 : memref<1x!tpu.dma_semaphore, #tpu.memory_space<semaphore_mem>> -> memref<!tpu.dma_semaphore, #tpu.memory_space<semaphore_mem>>
      %dma_wait3A_327 = arith.constant 0 : i32
      %dma_wait3A_328 = tpu.memref_slice %arg6[%add3A_317, %dma_wait3A_327] : memref<8192x2048xf32, #tpu.memory_space<hbm>> -> memref<16x2048xf32, #tpu.memory_space<hbm>>
      %dma_wait3A_329 = arith.constant 0 : i32
      %dma_wait3A_330 = arith.constant 0 : i32
      %dma_wait3A_331 = tpu.memref_slice %arg11[%dma_wait3A, %dma_wait3A_329, %dma_wait3A_330] : memref<3x16x2048xf32, #tpu.memory_space<vmem>> -> memref<1x16x2048xf32, #tpu.memory_space<vmem>>
      %dma_wait3A_332 = tpu.memref_squeeze %dma_wait3A_331 : memref<1x16x2048xf32, #tpu.memory_space<vmem>> -> memref<16x2048xf32, #tpu.memory_space<vmem>>
      tpu.wait_dma2 semaphore(%dma_wait3A_326 : memref<!tpu.dma_semaphore, #tpu.memory_space<semaphore_mem>>) src(%dma_wait3A_332 : memref<16x2048xf32, #tpu.memory_space<vmem>>) dst(%dma_wait3A_328 : memref<16x2048xf32, #tpu.memory_space<hbm>>)
    } else {
    }
    return
  }
}

module attributes {stable_mosaic.version = 14 : i64} {
  func.func @_router_body(%arg0: memref<2048x2048xf32, #tpu.memory_space<vmem>>, %arg1: memref<2048x16xf32, #tpu.memory_space<vmem>>, %arg2: memref<2048x1xf32, #tpu.memory_space<vmem>>, %arg3: memref<2048x1xi32, #tpu.memory_space<vmem>>, %arg4: memref<2048x1xi32, #tpu.memory_space<vmem>>, %arg5: memref<2048x1xf32, #tpu.memory_space<vmem>>, %arg6: memref<2048x1xf32, #tpu.memory_space<vmem>>, %arg7: memref<2048x1xf32, #tpu.memory_space<vmem>>, %arg8: memref<32x1xi32, #tpu.memory_space<vmem>>, %arg9: memref<32x1xi32, #tpu.memory_space<vmem>>, %arg10: memref<1x16xi32, #tpu.memory_space<vmem>>) attributes {dimension_semantics = [], scalar_prefetch = 0 : i64, scratch_operands = 0 : i64, tpu.core_type = #tpu.core_type<tc>} {
    %get3A = arith.constant 0 : index
    %get3A_0 = arith.constant 0 : index
    %get3A_1 = vector.load %arg0[%get3A, %get3A_0] : memref<2048x2048xf32, #tpu.memory_space<vmem>>, vector<2048x2048xf32>
    %get3A_2 = arith.constant 0 : index
    %get3A_3 = arith.constant 0 : index
    %get3A_4 = vector.load %arg1[%get3A_2, %get3A_3] : memref<2048x16xf32, #tpu.memory_space<vmem>>, vector<2048x16xf32>
    %dot_general3A = arith.constant dense<0.000000e+00> : vector<2048x16xf32>
    %dot_general3A_5 = tpu.matmul %get3A_1, %get3A_4, %dot_general3A {dimension_numbers = #tpu.dot_dimension_numbers<[1], [0], [0], [1], [0, 0, 1, 1], [], []>, transpose_lhs_hint = false} : vector<2048x2048xf32>, vector<2048x16xf32>, vector<2048x16xf32> -> vector<2048x16xf32>
    %reduce_max3A = arith.constant dense<0xFF800000> : vector<2048xf32>
    %reduce_max3A_6 = vector.multi_reduction <maximumf>, %dot_general3A_5, %reduce_max3A [1] : vector<2048x16xf32> to vector<2048xf32>
    %broadcast_in_dim3A = vector.shape_cast %reduce_max3A_6 : vector<2048xf32> to vector<2048x1xf32>
    %sub3A = vector.broadcast %broadcast_in_dim3A : vector<2048x1xf32> to vector<2048x16xf32>
    %sub3A_7 = arith.subf %dot_general3A_5, %sub3A : vector<2048x16xf32>
    %exp3A = math.exp %sub3A_7 : vector<2048x16xf32>
    %reduce_sum3A = arith.constant dense<0.000000e+00> : vector<2048xf32>
    %reduce_sum3A_8 = vector.multi_reduction <add>, %exp3A, %reduce_sum3A [1] : vector<2048x16xf32> to vector<2048xf32>
    %broadcast_in_dim3A_9 = vector.shape_cast %reduce_sum3A_8 : vector<2048xf32> to vector<2048x1xf32>
    %div3A = vector.broadcast %broadcast_in_dim3A_9 : vector<2048x1xf32> to vector<2048x16xf32>
    %div3A_10 = arith.divf %exp3A, %div3A : vector<2048x16xf32>
    %iota3A = tpu.iota {dimensions = array<i32: 1>} : vector<2048x16xi32>
    %reduce_max3A_11 = arith.constant dense<0xFF800000> : vector<2048xf32>
    %reduce_max3A_12 = vector.multi_reduction <maximumf>, %div3A_10, %reduce_max3A_11 [1] : vector<2048x16xf32> to vector<2048xf32>
    %broadcast_in_dim3A_13 = vector.shape_cast %reduce_max3A_12 : vector<2048xf32> to vector<2048x1xf32>
    %eq3A = vector.broadcast %broadcast_in_dim3A_13 : vector<2048x1xf32> to vector<2048x16xf32>
    %eq3A_14 = arith.cmpf oeq, %div3A_10, %eq3A : vector<2048x16xf32>
    %jit3A = arith.constant 16 : i32
    %broadcast_in_dim3A_15 = vector.broadcast %jit3A : i32 to vector<2048x16xi32>
    %select_n3A = arith.select %eq3A_14, %iota3A, %broadcast_in_dim3A_15 : vector<2048x16xi1>, vector<2048x16xi32>
    %reduce_min3A = arith.constant dense<2147483647> : vector<2048xi32>
    %reduce_min3A_16 = vector.multi_reduction <minsi>, %select_n3A, %reduce_min3A [1] : vector<2048x16xi32> to vector<2048xi32>
    %broadcast_in_dim3A_17 = vector.shape_cast %reduce_min3A_16 : vector<2048xi32> to vector<2048x1xi32>
    %eq3A_18 = vector.broadcast %broadcast_in_dim3A_17 : vector<2048x1xi32> to vector<2048x16xi32>
    %eq3A_19 = arith.cmpi eq, %iota3A, %eq3A_18 : vector<2048x16xi32>
    %jit3A_20 = arith.constant -1.000000e+30 : f32
    %broadcast_in_dim3A_21 = vector.broadcast %jit3A_20 : f32 to vector<2048x16xf32>
    %select_n3A_22 = arith.select %eq3A_19, %broadcast_in_dim3A_21, %div3A_10 : vector<2048x16xi1>, vector<2048x16xf32>
    %reduce_max3A_23 = arith.constant dense<0xFF800000> : vector<2048xf32>
    %reduce_max3A_24 = vector.multi_reduction <maximumf>, %select_n3A_22, %reduce_max3A_23 [1] : vector<2048x16xf32> to vector<2048xf32>
    %broadcast_in_dim3A_25 = vector.shape_cast %reduce_max3A_24 : vector<2048xf32> to vector<2048x1xf32>
    %eq3A_26 = vector.broadcast %broadcast_in_dim3A_25 : vector<2048x1xf32> to vector<2048x16xf32>
    %eq3A_27 = arith.cmpf oeq, %select_n3A_22, %eq3A_26 : vector<2048x16xf32>
    %jit3A_28 = arith.constant 16 : i32
    %broadcast_in_dim3A_29 = vector.broadcast %jit3A_28 : i32 to vector<2048x16xi32>
    %select_n3A_30 = arith.select %eq3A_27, %iota3A, %broadcast_in_dim3A_29 : vector<2048x16xi1>, vector<2048x16xi32>
    %reduce_min3A_31 = arith.constant dense<2147483647> : vector<2048xi32>
    %reduce_min3A_32 = vector.multi_reduction <minsi>, %select_n3A_30, %reduce_min3A_31 [1] : vector<2048x16xi32> to vector<2048xi32>
    %broadcast_in_dim3A_33 = vector.shape_cast %reduce_min3A_32 : vector<2048xi32> to vector<2048x1xi32>
    %add3A = arith.addf %broadcast_in_dim3A_13, %broadcast_in_dim3A_25 : vector<2048x1xf32>
    %div3A_34 = arith.divf %broadcast_in_dim3A_13, %add3A : vector<2048x1xf32>
    %swap3A = arith.constant 0 : index
    %swap3A_35 = arith.constant 0 : index
    %swap3A_36 = vector.load %arg5[%swap3A, %swap3A_35] : memref<2048x1xf32, #tpu.memory_space<vmem>>, vector<2048x1xf32>
    tpu.vector_store %arg5[%swap3A, %swap3A_35], %div3A_34 {strides = array<i32>} : memref<2048x1xf32, #tpu.memory_space<vmem>>, vector<2048x1xf32>,
    %div3A_37 = arith.divf %broadcast_in_dim3A_25, %add3A : vector<2048x1xf32>
    %swap3A_38 = arith.constant 0 : index
    %swap3A_39 = arith.constant 0 : index
    %swap3A_40 = vector.load %arg6[%swap3A_38, %swap3A_39] : memref<2048x1xf32, #tpu.memory_space<vmem>>, vector<2048x1xf32>
    tpu.vector_store %arg6[%swap3A_38, %swap3A_39], %div3A_37 {strides = array<i32>} : memref<2048x1xf32, #tpu.memory_space<vmem>>, vector<2048x1xf32>,
    %eq3A_41 = vector.broadcast %broadcast_in_dim3A_17 : vector<2048x1xi32> to vector<2048x16xi32>
    %eq3A_42 = arith.cmpi eq, %iota3A, %eq3A_41 : vector<2048x16xi32>
    %jit3A_43 = arith.constant 1.000000e+00 : f32
    %jit3A_44 = arith.constant 0.000000e+00 : f32
    %broadcast_in_dim3A_45 = vector.broadcast %jit3A_43 : f32 to vector<2048x16xf32>
    %broadcast_in_dim3A_46 = vector.broadcast %jit3A_44 : f32 to vector<2048x16xf32>
    %select_n3A_47 = arith.select %eq3A_42, %broadcast_in_dim3A_45, %broadcast_in_dim3A_46 : vector<2048x16xi1>, vector<2048x16xf32>
    %eq3A_48 = vector.broadcast %broadcast_in_dim3A_33 : vector<2048x1xi32> to vector<2048x16xi32>
    %eq3A_49 = arith.cmpi eq, %iota3A, %eq3A_48 : vector<2048x16xi32>
    %jit3A_50 = arith.constant 1.000000e+00 : f32
    %jit3A_51 = arith.constant 0.000000e+00 : f32
    %broadcast_in_dim3A_52 = vector.broadcast %jit3A_50 : f32 to vector<2048x16xf32>
    %broadcast_in_dim3A_53 = vector.broadcast %jit3A_51 : f32 to vector<2048x16xf32>
    %select_n3A_54 = arith.select %eq3A_49, %broadcast_in_dim3A_52, %broadcast_in_dim3A_53 : vector<2048x16xi1>, vector<2048x16xf32>
    %add3A_55 = arith.addf %select_n3A_47, %select_n3A_54 : vector<2048x16xf32>
    %iota3A_56 = tpu.iota {dimensions = array<i32: 0>} : vector<2048x2048xi32>
    %iota3A_57 = tpu.iota {dimensions = array<i32: 1>} : vector<2048x2048xi32>
    %lt3A = arith.cmpi slt, %iota3A_57, %iota3A_56 : vector<2048x2048xi32>
    %jit3A_58 = arith.constant 1.000000e+00 : f32
    %jit3A_59 = arith.constant 0.000000e+00 : f32
    %broadcast_in_dim3A_60 = vector.broadcast %jit3A_58 : f32 to vector<2048x2048xf32>
    %broadcast_in_dim3A_61 = vector.broadcast %jit3A_59 : f32 to vector<2048x2048xf32>
    %select_n3A_62 = arith.select %lt3A, %broadcast_in_dim3A_60, %broadcast_in_dim3A_61 : vector<2048x2048xi1>, vector<2048x2048xf32>
    %dot_general3A_63 = arith.constant dense<0.000000e+00> : vector<2048x16xf32>
    %dot_general3A_64 = tpu.matmul %select_n3A_62, %add3A_55, %dot_general3A_63 {dimension_numbers = #tpu.dot_dimension_numbers<[1], [0], [0], [1], [0, 0, 1, 1], [], []>, transpose_lhs_hint = false} : vector<2048x2048xf32>, vector<2048x16xf32>, vector<2048x16xf32> -> vector<2048x16xf32>
    %reduce_sum3A_65 = arith.constant dense<0.000000e+00> : vector<16xf32>
    %reduce_sum3A_66 = vector.multi_reduction <add>, %add3A_55, %reduce_sum3A_65 [0] : vector<2048x16xf32> to vector<16xf32>
    %broadcast_in_dim3A_67 = vector.shape_cast %reduce_sum3A_66 : vector<16xf32> to vector<1x16xf32>
    %add3A_68 = arith.constant 2.550000e+02 : f32
    %add3A_69 = vector.broadcast %add3A_68 : f32 to vector<1x16xf32>
    %add3A_70 = arith.addf %broadcast_in_dim3A_67, %add3A_69 : vector<1x16xf32>
    %mul3A = arith.constant 3.906250e-03 : f32
    %mul3A_71 = vector.broadcast %mul3A : f32 to vector<1x16xf32>
    %mul3A_72 = arith.mulf %add3A_70, %mul3A_71 : vector<1x16xf32>
    %floor3A = math.floor %mul3A_72 : vector<1x16xf32>
    %iota3A_73 = tpu.iota {dimensions = array<i32: 1>} : vector<1x16xi32>
    %iota3A_74 = tpu.iota {dimensions = array<i32: 0>} : vector<16x16xi32>
    %iota3A_75 = tpu.iota {dimensions = array<i32: 1>} : vector<16x16xi32>
    %lt3A_76 = arith.cmpi slt, %iota3A_74, %iota3A_75 : vector<16x16xi32>
    %jit3A_77 = arith.constant 1.000000e+00 : f32
    %jit3A_78 = arith.constant 0.000000e+00 : f32
    %broadcast_in_dim3A_79 = vector.broadcast %jit3A_77 : f32 to vector<16x16xf32>
    %broadcast_in_dim3A_80 = vector.broadcast %jit3A_78 : f32 to vector<16x16xf32>
    %select_n3A_81 = arith.select %lt3A_76, %broadcast_in_dim3A_79, %broadcast_in_dim3A_80 : vector<16x16xi1>, vector<16x16xf32>
    %dot_general3A_82 = arith.constant dense<0.000000e+00> : vector<1x16xf32>
    %dot_general3A_83 = tpu.matmul %floor3A, %select_n3A_81, %dot_general3A_82 {dimension_numbers = #tpu.dot_dimension_numbers<[1], [0], [0], [1], [0, 0, 1, 1], [], []>, transpose_lhs_hint = false} : vector<1x16xf32>, vector<16x16xf32>, vector<1x16xf32> -> vector<1x16xf32>
    %add3A_84 = arith.addf %dot_general3A_83, %floor3A : vector<1x16xf32>
    %mul3A_85 = arith.constant 2.560000e+02 : f32
    %mul3A_86 = vector.broadcast %mul3A_85 : f32 to vector<1x16xf32>
    %mul3A_87 = arith.mulf %dot_general3A_83, %mul3A_86 : vector<1x16xf32>
    %eq3A_88 = vector.broadcast %broadcast_in_dim3A_17 : vector<2048x1xi32> to vector<2048x16xi32>
    %eq3A_89 = arith.cmpi eq, %iota3A, %eq3A_88 : vector<2048x16xi32>
    %jit3A_90 = arith.constant 1.000000e+00 : f32
    %jit3A_91 = arith.constant 0.000000e+00 : f32
    %broadcast_in_dim3A_92 = vector.broadcast %jit3A_90 : f32 to vector<2048x16xf32>
    %broadcast_in_dim3A_93 = vector.broadcast %jit3A_91 : f32 to vector<2048x16xf32>
    %select_n3A_94 = arith.select %eq3A_89, %broadcast_in_dim3A_92, %broadcast_in_dim3A_93 : vector<2048x16xi1>, vector<2048x16xf32>
    %eq3A_95 = vector.broadcast %broadcast_in_dim3A_33 : vector<2048x1xi32> to vector<2048x16xi32>
    %eq3A_96 = arith.cmpi eq, %iota3A, %eq3A_95 : vector<2048x16xi32>
    %jit3A_97 = arith.constant 1.000000e+00 : f32
    %jit3A_98 = arith.constant 0.000000e+00 : f32
    %broadcast_in_dim3A_99 = vector.broadcast %jit3A_97 : f32 to vector<2048x16xf32>
    %broadcast_in_dim3A_100 = vector.broadcast %jit3A_98 : f32 to vector<2048x16xf32>
    %select_n3A_101 = arith.select %eq3A_96, %broadcast_in_dim3A_99, %broadcast_in_dim3A_100 : vector<2048x16xi1>, vector<2048x16xf32>
    %add3A_102 = vector.broadcast %mul3A_87 : vector<1x16xf32> to vector<2048x16xf32>
    %add3A_103 = arith.addf %add3A_102, %dot_general3A_64 : vector<2048x16xf32>
    %mul3A_104 = arith.mulf %select_n3A_94, %add3A_103 : vector<2048x16xf32>
    %reduce_sum3A_105 = arith.constant dense<0.000000e+00> : vector<2048xf32>
    %reduce_sum3A_106 = vector.multi_reduction <add>, %mul3A_104, %reduce_sum3A_105 [1] : vector<2048x16xf32> to vector<2048xf32>
    %broadcast_in_dim3A_107 = vector.shape_cast %reduce_sum3A_106 : vector<2048xf32> to vector<2048x1xf32>
    %add3A_108 = vector.broadcast %mul3A_87 : vector<1x16xf32> to vector<2048x16xf32>
    %add3A_109 = arith.addf %add3A_108, %dot_general3A_64 : vector<2048x16xf32>
    %mul3A_110 = arith.mulf %select_n3A_101, %add3A_109 : vector<2048x16xf32>
    %reduce_sum3A_111 = arith.constant dense<0.000000e+00> : vector<2048xf32>
    %reduce_sum3A_112 = vector.multi_reduction <add>, %mul3A_110, %reduce_sum3A_111 [1] : vector<2048x16xf32> to vector<2048xf32>
    %broadcast_in_dim3A_113 = vector.shape_cast %reduce_sum3A_112 : vector<2048xf32> to vector<2048x1xf32>
    %convert_element_type3A = arith.fptosi %broadcast_in_dim3A_107 : vector<2048x1xf32> to vector<2048x1xi32>
    %swap3A_114 = arith.constant 0 : index
    %swap3A_115 = arith.constant 0 : index
    %swap3A_116 = vector.load %arg3[%swap3A_114, %swap3A_115] : memref<2048x1xi32, #tpu.memory_space<vmem>>, vector<2048x1xi32>
    tpu.vector_store %arg3[%swap3A_114, %swap3A_115], %convert_element_type3A {strides = array<i32>} : memref<2048x1xi32, #tpu.memory_space<vmem>>, vector<2048x1xi32>,
    %convert_element_type3A_117 = arith.fptosi %broadcast_in_dim3A_113 : vector<2048x1xf32> to vector<2048x1xi32>
    %swap3A_118 = arith.constant 0 : index
    %swap3A_119 = arith.constant 0 : index
    %swap3A_120 = vector.load %arg4[%swap3A_118, %swap3A_119] : memref<2048x1xi32, #tpu.memory_space<vmem>>, vector<2048x1xi32>
    tpu.vector_store %arg4[%swap3A_118, %swap3A_119], %convert_element_type3A_117 {strides = array<i32>} : memref<2048x1xi32, #tpu.memory_space<vmem>>, vector<2048x1xi32>,
    %iota3A_121 = tpu.iota {dimensions = array<i32: 0>} : vector<32x16xi32>
    %convert_element_type3A_122 = arith.fptosi %add3A_84 : vector<1x16xf32> to vector<1x16xi32>
    %ge3A = vector.broadcast %convert_element_type3A_122 : vector<1x16xi32> to vector<32x16xi32>
    %ge3A_123 = arith.cmpi sge, %iota3A_121, %ge3A : vector<32x16xi32>
    %jit3A_124 = arith.constant 1 : i32
    %jit3A_125 = arith.constant 0 : i32
    %broadcast_in_dim3A_126 = vector.broadcast %jit3A_124 : i32 to vector<32x16xi32>
    %broadcast_in_dim3A_127 = vector.broadcast %jit3A_125 : i32 to vector<32x16xi32>
    %select_n3A_128 = arith.select %ge3A_123, %broadcast_in_dim3A_126, %broadcast_in_dim3A_127 : vector<32x16xi1>, vector<32x16xi32>
    %reduce_sum3A_129 = arith.constant dense<0> : vector<32xi32>
    %reduce_sum3A_130 = vector.multi_reduction <add>, %select_n3A_128, %reduce_sum3A_129 [1] : vector<32x16xi32> to vector<32xi32>
    %broadcast_in_dim3A_131 = vector.shape_cast %reduce_sum3A_130 : vector<32xi32> to vector<32x1xi32>
    %gt3A = arith.constant 0.000000e+00 : f32
    %gt3A_132 = vector.broadcast %gt3A : f32 to vector<1x16xf32>
    %gt3A_133 = arith.cmpf ogt, %floor3A, %gt3A_132 : vector<1x16xf32>
    %jit3A_134 = arith.constant 0 : i32
    %broadcast_in_dim3A_135 = vector.broadcast %jit3A_134 : i32 to vector<1x16xi32>
    %select_n3A_136 = arith.select %gt3A_133, %iota3A_73, %broadcast_in_dim3A_135 : vector<1x16xi1>, vector<1x16xi32>
    %reduce_max3A_137 = vector.shape_cast %select_n3A_136 : vector<1x16xi32> to vector<1x1x16xi32>
    %reduce_max3A_138 = arith.constant dense<-2147483648> : vector<1xi32>
    %reduce_max3A_139 = vector.multi_reduction <maxsi>, %reduce_max3A_137, %reduce_max3A_138 [1, 2] : vector<1x1x16xi32> to vector<1xi32>
    %reduce_max3A_140 = vector.shape_cast %reduce_max3A_139 : vector<1xi32> to vector<1x1x1xi32>
    %reduce_max3A_141 = vector.extract %reduce_max3A_140[0, 0, 0] : i32 from vector<1x1x1xi32>
    %min3A = vector.broadcast %reduce_max3A_141 : i32 to vector<32x1xi32>
    %min3A_142 = arith.minsi %broadcast_in_dim3A_131, %min3A : vector<32x1xi32>
    %swap3A_143 = arith.constant 0 : index
    %swap3A_144 = arith.constant 0 : index
    %swap3A_145 = vector.load %arg8[%swap3A_143, %swap3A_144] : memref<32x1xi32, #tpu.memory_space<vmem>>, vector<32x1xi32>
    tpu.vector_store %arg8[%swap3A_143, %swap3A_144], %min3A_142 {strides = array<i32>} : memref<32x1xi32, #tpu.memory_space<vmem>>, vector<32x1xi32>,
    %reduce_sum3A_146 = vector.shape_cast %floor3A : vector<1x16xf32> to vector<1x1x16xf32>
    %reduce_sum3A_147 = arith.constant dense<0.000000e+00> : vector<1xf32>
    %reduce_sum3A_148 = vector.multi_reduction <add>, %reduce_sum3A_146, %reduce_sum3A_147 [1, 2] : vector<1x1x16xf32> to vector<1xf32>
    %reduce_sum3A_149 = vector.shape_cast %reduce_sum3A_148 : vector<1xf32> to vector<1x1x1xf32>
    %reduce_sum3A_150 = vector.extract %reduce_sum3A_149[0, 0, 0] : f32 from vector<1x1x1xf32>
    %convert_element_type3A_151 = arith.fptosi %reduce_sum3A_150 : f32 to i32
    %iota3A_152 = tpu.iota {dimensions = array<i32: 0>} : vector<32x1xi32>
    %lt3A_153 = vector.broadcast %convert_element_type3A_151 : i32 to vector<32x1xi32>
    %lt3A_154 = arith.cmpi slt, %iota3A_152, %lt3A_153 : vector<32x1xi32>
    %jit3A_155 = arith.constant 1 : i32
    %jit3A_156 = arith.constant 0 : i32
    %broadcast_in_dim3A_157 = vector.broadcast %jit3A_155 : i32 to vector<32x1xi32>
    %broadcast_in_dim3A_158 = vector.broadcast %jit3A_156 : i32 to vector<32x1xi32>
    %select_n3A_159 = arith.select %lt3A_154, %broadcast_in_dim3A_157, %broadcast_in_dim3A_158 : vector<32x1xi1>, vector<32x1xi32>
    %swap3A_160 = arith.constant 0 : index
    %swap3A_161 = arith.constant 0 : index
    %swap3A_162 = vector.load %arg9[%swap3A_160, %swap3A_161] : memref<32x1xi32, #tpu.memory_space<vmem>>, vector<32x1xi32>
    tpu.vector_store %arg9[%swap3A_160, %swap3A_161], %select_n3A_159 {strides = array<i32>} : memref<32x1xi32, #tpu.memory_space<vmem>>, vector<32x1xi32>,
    %broadcast_in_dim3A_163 = arith.constant 256 : i32
    %broadcast_in_dim3A_164 = vector.broadcast %broadcast_in_dim3A_163 : i32 to vector<1x16xi32>
    %mul3A_165 = vector.broadcast %convert_element_type3A_151 : i32 to vector<1x16xi32>
    %mul3A_166 = arith.muli %broadcast_in_dim3A_164, %mul3A_165 : vector<1x16xi32>
    %swap3A_167 = arith.constant 0 : index
    %swap3A_168 = arith.constant 0 : index
    %swap3A_169 = vector.load %arg10[%swap3A_167, %swap3A_168] : memref<1x16xi32, #tpu.memory_space<vmem>>, vector<1x16xi32>
    tpu.vector_store %arg10[%swap3A_167, %swap3A_168], %mul3A_166 {strides = array<i32>} : memref<1x16xi32, #tpu.memory_space<vmem>>, vector<1x16xi32>,
    %get3A_170 = arith.constant 0 : index
    %get3A_171 = arith.constant 0 : index
    %get3A_172 = vector.load %arg2[%get3A_170, %get3A_171] : memref<2048x1xf32, #tpu.memory_space<vmem>>, vector<2048x1xf32>
    %dot_general3A_173 = arith.constant dense<0.000000e+00> : vector<2048x1xf32>
    %dot_general3A_174 = tpu.matmul %get3A_1, %get3A_172, %dot_general3A_173 {dimension_numbers = #tpu.dot_dimension_numbers<[1], [0], [0], [1], [0, 0, 1, 1], [], []>, transpose_lhs_hint = false} : vector<2048x2048xf32>, vector<2048x1xf32>, vector<2048x1xf32> -> vector<2048x1xf32>
    %logistic3A = arith.negf %dot_general3A_174 : vector<2048x1xf32>
    %logistic3A_175 = math.exp %logistic3A : vector<2048x1xf32>
    %logistic3A_176 = arith.constant 1.000000e+00 : f32
    %logistic3A_177 = vector.broadcast %logistic3A_176 : f32 to vector<2048x1xf32>
    %logistic3A_178 = arith.addf %logistic3A_177, %logistic3A_175 : vector<2048x1xf32>
    %logistic3A_179 = arith.divf %logistic3A_177, %logistic3A_178 : vector<2048x1xf32>
    %swap3A_180 = arith.constant 0 : index
    %swap3A_181 = arith.constant 0 : index
    %swap3A_182 = vector.load %arg7[%swap3A_180, %swap3A_181] : memref<2048x1xf32, #tpu.memory_space<vmem>>, vector<2048x1xf32>
    tpu.vector_store %arg7[%swap3A_180, %swap3A_181], %logistic3A_179 {strides = array<i32>} : memref<2048x1xf32, #tpu.memory_space<vmem>>, vector<2048x1xf32>,
    return
  }
}

module attributes {stable_mosaic.version = 14 : i64} {
  func.func @_shared_h_body(%arg0: i32, %arg1: memref<2048x2048xf32, #tpu.memory_space<vmem>>, %arg2: memref<2048x512xf32, #tpu.memory_space<vmem>>, %arg3: memref<2048x512xf32, #tpu.memory_space<vmem>>, %arg4: memref<2048x512xbf16, #tpu.memory_space<vmem>>) attributes {dimension_semantics = [#tpu.dimension_semantics<arbitrary>], iteration_bounds = array<i64: 11>, scalar_prefetch = 0 : i64, scratch_operands = 0 : i64, tpu.core_type = #tpu.core_type<tc>, window_params = [{pipeline_mode = #tpu.pipeline_mode<synchronous>, transform_indices = @transform_0, window_bounds = array<i64: 2048, 2048>}, {transform_indices = @transform_1, window_bounds = array<i64: 2048, 512>}, {transform_indices = @transform_2, window_bounds = array<i64: 2048, 512>}, {transform_indices = @transform_3, window_bounds = array<i64: 2048, 512>}]} {
    %get3A = arith.constant 0 : index
    %get3A_0 = arith.constant 0 : index
    %get3A_1 = vector.load %arg1[%get3A, %get3A_0] : memref<2048x2048xf32, #tpu.memory_space<vmem>>, vector<2048x2048xf32>
    %convert_element_type3A = arith.truncf %get3A_1 : vector<2048x2048xf32> to vector<2048x2048xbf16>
    %get3A_2 = arith.constant 0 : index
    %get3A_3 = arith.constant 0 : index
    %get3A_4 = vector.load %arg2[%get3A_2, %get3A_3] : memref<2048x512xf32, #tpu.memory_space<vmem>>, vector<2048x512xf32>
    %convert_element_type3A_5 = arith.truncf %get3A_4 : vector<2048x512xf32> to vector<2048x512xbf16>
    %dot_general3A = arith.constant dense<0.000000e+00> : vector<2048x512xf32>
    %dot_general3A_6 = tpu.matmul %convert_element_type3A, %convert_element_type3A_5, %dot_general3A {dimension_numbers = #tpu.dot_dimension_numbers<[1], [0], [0], [1], [0, 0, 1, 1], [], []>, transpose_lhs_hint = false} : vector<2048x2048xbf16>, vector<2048x512xbf16>, vector<2048x512xf32> -> vector<2048x512xf32>
    %get3A_7 = arith.constant 0 : index
    %get3A_8 = arith.constant 0 : index
    %get3A_9 = vector.load %arg3[%get3A_7, %get3A_8] : memref<2048x512xf32, #tpu.memory_space<vmem>>, vector<2048x512xf32>
    %convert_element_type3A_10 = arith.truncf %get3A_9 : vector<2048x512xf32> to vector<2048x512xbf16>
    %dot_general3A_11 = arith.constant dense<0.000000e+00> : vector<2048x512xf32>
    %dot_general3A_12 = tpu.matmul %convert_element_type3A, %convert_element_type3A_10, %dot_general3A_11 {dimension_numbers = #tpu.dot_dimension_numbers<[1], [0], [0], [1], [0, 0, 1, 1], [], []>, transpose_lhs_hint = false} : vector<2048x2048xbf16>, vector<2048x512xbf16>, vector<2048x512xf32> -> vector<2048x512xf32>
    %logistic3A = arith.negf %dot_general3A_6 : vector<2048x512xf32>
    %logistic3A_13 = math.exp %logistic3A : vector<2048x512xf32>
    %logistic3A_14 = arith.constant 1.000000e+00 : f32
    %logistic3A_15 = vector.broadcast %logistic3A_14 : f32 to vector<2048x512xf32>
    %logistic3A_16 = arith.addf %logistic3A_15, %logistic3A_13 : vector<2048x512xf32>
    %logistic3A_17 = arith.divf %logistic3A_15, %logistic3A_16 : vector<2048x512xf32>
    %mul3A = arith.mulf %dot_general3A_6, %logistic3A_17 : vector<2048x512xf32>
    %mul3A_18 = arith.mulf %mul3A, %dot_general3A_12 : vector<2048x512xf32>
    %convert_element_type3A_19 = arith.truncf %mul3A_18 : vector<2048x512xf32> to vector<2048x512xbf16>
    %swap3A = arith.constant 0 : index
    %swap3A_20 = arith.constant 0 : index
    %swap3A_21 = vector.load %arg4[%swap3A, %swap3A_20] : memref<2048x512xbf16, #tpu.memory_space<vmem>>, vector<2048x512xbf16>
    tpu.vector_store %arg4[%swap3A, %swap3A_20], %convert_element_type3A_19 {strides = array<i32>} : memref<2048x512xbf16, #tpu.memory_space<vmem>>, vector<2048x512xbf16>,
    return
  }
  func.func @transform_0(%arg0: i32) -> (i32, i32) {
    %c0_i32 = arith.constant 0 : i32
    %c0_i32_0 = arith.constant 0 : i32
    %c0_i32_1 = arith.constant 0 : i32
    return %c0_i32, %c0_i32_0 : i32, i32
  }
  func.func @transform_1(%arg0: i32) -> (i32, i32) {
    %add3A = arith.constant 0 : i32
    %add3A_0 = arith.addi %arg0, %add3A : i32
    %c0_i32 = arith.constant 0 : i32
    %c0_i32_1 = arith.constant 0 : i32
    return %c0_i32, %add3A_0 : i32, i32
  }
  func.func @transform_2(%arg0: i32) -> (i32, i32) {
    %add3A = arith.constant 0 : i32
    %add3A_0 = arith.addi %arg0, %add3A : i32
    %c0_i32 = arith.constant 0 : i32
    %c0_i32_1 = arith.constant 0 : i32
    return %c0_i32, %add3A_0 : i32, i32
  }
  func.func @transform_3(%arg0: i32) -> (i32, i32) {
    %c0_i32 = arith.constant 0 : i32
    %c0_i32_0 = arith.constant 0 : i32
    return %c0_i32, %arg0 : i32, i32
  }
}

module attributes {stable_mosaic.version = 14 : i64} {
  func.func @_moe_h_body(%arg0: i32, %arg1: memref<32xi32, #tpu.memory_space<smem>>, %arg2: memref<32xi32, #tpu.memory_space<smem>>, %arg3: memref<16x128xbf16, #tpu.memory_space<vmem>>, %arg4: memref<256x2048xf32, #tpu.memory_space<vmem>>, %arg5: memref<1x2048x1408xf32, #tpu.memory_space<vmem>>, %arg6: memref<1x2048x1408xf32, #tpu.memory_space<vmem>>, %arg7: memref<256x1408xbf16, #tpu.memory_space<vmem>>) attributes {dimension_semantics = [#tpu.dimension_semantics<arbitrary>], iteration_bounds = array<i64: 32>, scalar_prefetch = 2 : i64, scratch_operands = 0 : i64, tpu.core_type = #tpu.core_type<tc>, window_params = [{transform_indices = @transform_0, window_bounds = array<i64: 16, 128>}, {transform_indices = @transform_1, window_bounds = array<i64: 256, 2048>}, {transform_indices = @transform_2, window_bounds = array<i64: 1, 2048, 1408>}, {transform_indices = @transform_3, window_bounds = array<i64: 1, 2048, 1408>}, {transform_indices = @transform_4, window_bounds = array<i64: 256, 1408>}]} {
    %get3A = arith.index_cast %arg0 : i32 to index
    %get3A_0 = memref.load %arg2[%get3A] : memref<32xi32, #tpu.memory_space<smem>>
    %eq3A = arith.constant 1 : i32
    %eq3A_1 = arith.cmpi eq, %get3A_0, %eq3A : i32
    %convert_element_type3A = arith.extui %eq3A_1 : i1 to i32
    %cond3A = arith.constant 0 : i32
    %cond3A_2 = arith.cmpi ne, %convert_element_type3A, %cond3A : i32
    scf.if %cond3A_2 {
      %get3A_3 = arith.constant 0 : index
      %get3A_4 = arith.constant 0 : index
      %get3A_5 = vector.load %arg4[%get3A_3, %get3A_4] : memref<256x2048xf32, #tpu.memory_space<vmem>>, vector<256x2048xf32>
      %convert_element_type3A_6 = arith.truncf %get3A_5 : vector<256x2048xf32> to vector<256x2048xbf16>
      %get3A_7 = arith.constant 0 : index
      %get3A_8 = arith.constant 0 : index
      %get3A_9 = arith.constant 0 : index
      %get3A_10 = vector.load %arg5[%get3A_7, %get3A_8, %get3A_9] : memref<1x2048x1408xf32, #tpu.memory_space<vmem>>, vector<1x2048x1408xf32>
      %get3A_11 = vector.shape_cast %get3A_10 : vector<1x2048x1408xf32> to vector<2048x1408xf32>
      %convert_element_type3A_12 = arith.truncf %get3A_11 : vector<2048x1408xf32> to vector<2048x1408xbf16>
      %dot_general3A = arith.constant dense<0.000000e+00> : vector<256x1408xf32>
      %dot_general3A_13 = tpu.matmul %convert_element_type3A_6, %convert_element_type3A_12, %dot_general3A {dimension_numbers = #tpu.dot_dimension_numbers<[1], [0], [0], [1], [0, 0, 1, 1], [], []>, transpose_lhs_hint = false} : vector<256x2048xbf16>, vector<2048x1408xbf16>, vector<256x1408xf32> -> vector<256x1408xf32>
      %get3A_14 = arith.constant 0 : index
      %get3A_15 = arith.constant 0 : index
      %get3A_16 = arith.constant 0 : index
      %get3A_17 = vector.load %arg6[%get3A_14, %get3A_15, %get3A_16] : memref<1x2048x1408xf32, #tpu.memory_space<vmem>>, vector<1x2048x1408xf32>
      %get3A_18 = vector.shape_cast %get3A_17 : vector<1x2048x1408xf32> to vector<2048x1408xf32>
      %convert_element_type3A_19 = arith.truncf %get3A_18 : vector<2048x1408xf32> to vector<2048x1408xbf16>
      %dot_general3A_20 = arith.constant dense<0.000000e+00> : vector<256x1408xf32>
      %dot_general3A_21 = tpu.matmul %convert_element_type3A_6, %convert_element_type3A_19, %dot_general3A_20 {dimension_numbers = #tpu.dot_dimension_numbers<[1], [0], [0], [1], [0, 0, 1, 1], [], []>, transpose_lhs_hint = false} : vector<256x2048xbf16>, vector<2048x1408xbf16>, vector<256x1408xf32> -> vector<256x1408xf32>
      %logistic3A = arith.negf %dot_general3A_13 : vector<256x1408xf32>
      %logistic3A_22 = math.exp %logistic3A : vector<256x1408xf32>
      %logistic3A_23 = arith.constant 1.000000e+00 : f32
      %logistic3A_24 = vector.broadcast %logistic3A_23 : f32 to vector<256x1408xf32>
      %logistic3A_25 = arith.addf %logistic3A_24, %logistic3A_22 : vector<256x1408xf32>
      %logistic3A_26 = arith.divf %logistic3A_24, %logistic3A_25 : vector<256x1408xf32>
      %mul3A = arith.mulf %dot_general3A_13, %logistic3A_26 : vector<256x1408xf32>
      %mul3A_27 = arith.mulf %mul3A, %dot_general3A_21 : vector<256x1408xf32>
      %convert_element_type3A_28 = arith.truncf %mul3A_27 : vector<256x1408xf32> to vector<256x1408xbf16>
      %swap3A = arith.constant 0 : index
      %swap3A_29 = arith.constant 0 : index
      %swap3A_30 = vector.load %arg7[%swap3A, %swap3A_29] : memref<256x1408xbf16, #tpu.memory_space<vmem>>, vector<256x1408xbf16>
      tpu.vector_store %arg7[%swap3A, %swap3A_29], %convert_element_type3A_28 {strides = array<i32>} : memref<256x1408xbf16, #tpu.memory_space<vmem>>, vector<256x1408xbf16>,
    } else {
    }
    return
  }
  func.func @transform_0(%arg0: i32, %arg1: memref<32xi32, #tpu.memory_space<smem>>, %arg2: memref<32xi32, #tpu.memory_space<smem>>) -> (i32, i32) {
    %c0_i32 = arith.constant 0 : i32
    %c0_i32_0 = arith.constant 0 : i32
    %c0_i32_1 = arith.constant 0 : i32
    return %c0_i32, %c0_i32_0 : i32, i32
  }
  func.func @transform_1(%arg0: i32, %arg1: memref<32xi32, #tpu.memory_space<smem>>, %arg2: memref<32xi32, #tpu.memory_space<smem>>) -> (i32, i32) {
    %c0_i32 = arith.constant 0 : i32
    %c0_i32_0 = arith.constant 0 : i32
    return %arg0, %c0_i32 : i32, i32
  }
  func.func @transform_2(%arg0: i32, %arg1: memref<32xi32, #tpu.memory_space<smem>>, %arg2: memref<32xi32, #tpu.memory_space<smem>>) -> (i32, i32, i32) {
    %get3A = arith.index_cast %arg0 : i32 to index
    %get3A_0 = memref.load %arg1[%get3A] : memref<32xi32, #tpu.memory_space<smem>>
    %c0_i32 = arith.constant 0 : i32
    %c0_i32_1 = arith.constant 0 : i32
    %c0_i32_2 = arith.constant 0 : i32
    return %get3A_0, %c0_i32, %c0_i32_1 : i32, i32, i32
  }
  func.func @transform_3(%arg0: i32, %arg1: memref<32xi32, #tpu.memory_space<smem>>, %arg2: memref<32xi32, #tpu.memory_space<smem>>) -> (i32, i32, i32) {
    %get3A = arith.index_cast %arg0 : i32 to index
    %get3A_0 = memref.load %arg1[%get3A] : memref<32xi32, #tpu.memory_space<smem>>
    %c0_i32 = arith.constant 0 : i32
    %c0_i32_1 = arith.constant 0 : i32
    %c0_i32_2 = arith.constant 0 : i32
    return %get3A_0, %c0_i32, %c0_i32_1 : i32, i32, i32
  }
  func.func @transform_4(%arg0: i32, %arg1: memref<32xi32, #tpu.memory_space<smem>>, %arg2: memref<32xi32, #tpu.memory_space<smem>>) -> (i32, i32) {
    %c0_i32 = arith.constant 0 : i32
    %c0_i32_0 = arith.constant 0 : i32
    return %arg0, %c0_i32 : i32, i32
  }
}

module attributes {stable_mosaic.version = 14 : i64} {
  func.func @_moe_y_body(%arg0: i32, %arg1: memref<32xi32, #tpu.memory_space<smem>>, %arg2: memref<32xi32, #tpu.memory_space<smem>>, %arg3: memref<256x1408xbf16, #tpu.memory_space<vmem>>, %arg4: memref<1x1408x2048xf32, #tpu.memory_space<vmem>>, %arg5: memref<256x2048xf32, #tpu.memory_space<vmem>>) attributes {dimension_semantics = [#tpu.dimension_semantics<arbitrary>], iteration_bounds = array<i64: 32>, scalar_prefetch = 2 : i64, scratch_operands = 0 : i64, tpu.core_type = #tpu.core_type<tc>, window_params = [{transform_indices = @transform_0, window_bounds = array<i64: 256, 1408>}, {transform_indices = @transform_1, window_bounds = array<i64: 1, 1408, 2048>}, {transform_indices = @transform_2, window_bounds = array<i64: 256, 2048>}]} {
    %get3A = arith.index_cast %arg0 : i32 to index
    %get3A_0 = memref.load %arg2[%get3A] : memref<32xi32, #tpu.memory_space<smem>>
    %eq3A = arith.constant 1 : i32
    %eq3A_1 = arith.cmpi eq, %get3A_0, %eq3A : i32
    %convert_element_type3A = arith.extui %eq3A_1 : i1 to i32
    %cond3A = arith.constant 0 : i32
    %cond3A_2 = arith.cmpi ne, %convert_element_type3A, %cond3A : i32
    scf.if %cond3A_2 {
      %get3A_3 = arith.constant 0 : index
      %get3A_4 = arith.constant 0 : index
      %get3A_5 = vector.load %arg3[%get3A_3, %get3A_4] : memref<256x1408xbf16, #tpu.memory_space<vmem>>, vector<256x1408xbf16>
      %get3A_6 = arith.constant 0 : index
      %get3A_7 = arith.constant 0 : index
      %get3A_8 = arith.constant 0 : index
      %get3A_9 = vector.load %arg4[%get3A_6, %get3A_7, %get3A_8] : memref<1x1408x2048xf32, #tpu.memory_space<vmem>>, vector<1x1408x2048xf32>
      %get3A_10 = vector.shape_cast %get3A_9 : vector<1x1408x2048xf32> to vector<1408x2048xf32>
      %convert_element_type3A_11 = arith.truncf %get3A_10 : vector<1408x2048xf32> to vector<1408x2048xbf16>
      %dot_general3A = arith.constant dense<0.000000e+00> : vector<256x2048xf32>
      %dot_general3A_12 = tpu.matmul %get3A_5, %convert_element_type3A_11, %dot_general3A {dimension_numbers = #tpu.dot_dimension_numbers<[1], [0], [0], [1], [0, 0, 1, 1], [], []>, transpose_lhs_hint = false} : vector<256x1408xbf16>, vector<1408x2048xbf16>, vector<256x2048xf32> -> vector<256x2048xf32>
      %swap3A = arith.constant 0 : index
      %swap3A_13 = arith.constant 0 : index
      %swap3A_14 = vector.load %arg5[%swap3A, %swap3A_13] : memref<256x2048xf32, #tpu.memory_space<vmem>>, vector<256x2048xf32>
      tpu.vector_store %arg5[%swap3A, %swap3A_13], %dot_general3A_12 {strides = array<i32>} : memref<256x2048xf32, #tpu.memory_space<vmem>>, vector<256x2048xf32>,
    } else {
    }
    return
  }
  func.func @transform_0(%arg0: i32, %arg1: memref<32xi32, #tpu.memory_space<smem>>, %arg2: memref<32xi32, #tpu.memory_space<smem>>) -> (i32, i32) {
    %c0_i32 = arith.constant 0 : i32
    %c0_i32_0 = arith.constant 0 : i32
    return %arg0, %c0_i32 : i32, i32
  }
  func.func @transform_1(%arg0: i32, %arg1: memref<32xi32, #tpu.memory_space<smem>>, %arg2: memref<32xi32, #tpu.memory_space<smem>>) -> (i32, i32, i32) {
    %get3A = arith.index_cast %arg0 : i32 to index
    %get3A_0 = memref.load %arg1[%get3A] : memref<32xi32, #tpu.memory_space<smem>>
    %c0_i32 = arith.constant 0 : i32
    %c0_i32_1 = arith.constant 0 : i32
    %c0_i32_2 = arith.constant 0 : i32
    return %get3A_0, %c0_i32, %c0_i32_1 : i32, i32, i32
  }
  func.func @transform_2(%arg0: i32, %arg1: memref<32xi32, #tpu.memory_space<smem>>, %arg2: memref<32xi32, #tpu.memory_space<smem>>) -> (i32, i32) {
    %c0_i32 = arith.constant 0 : i32
    %c0_i32_0 = arith.constant 0 : i32
    return %arg0, %c0_i32 : i32, i32
  }
}

module attributes {stable_mosaic.version = 14 : i64} {
  func.func @_shared_acc_body(%arg0: i32, %arg1: i32, %arg2: memref<1024x512xbf16, #tpu.memory_space<vmem>>, %arg3: memref<512x2048xf32, #tpu.memory_space<vmem>>, %arg4: memref<1024x2048xf32, #tpu.memory_space<vmem>>) attributes {dimension_semantics = [#tpu.dimension_semantics<arbitrary>, #tpu.dimension_semantics<arbitrary>], iteration_bounds = array<i64: 2, 11>, scalar_prefetch = 0 : i64, scratch_operands = 0 : i64, tpu.core_type = #tpu.core_type<tc>, window_params = [{transform_indices = @transform_0, window_bounds = array<i64: 1024, 512>}, {transform_indices = @transform_1, window_bounds = array<i64: 512, 2048>}, {transform_indices = @transform_2, window_bounds = array<i64: 1024, 2048>}]} {
    %get3A = arith.constant 0 : index
    %get3A_0 = arith.constant 0 : index
    %get3A_1 = vector.load %arg2[%get3A, %get3A_0] : memref<1024x512xbf16, #tpu.memory_space<vmem>>, vector<1024x512xbf16>
    %get3A_2 = arith.constant 0 : index
    %get3A_3 = arith.constant 0 : index
    %get3A_4 = vector.load %arg3[%get3A_2, %get3A_3] : memref<512x2048xf32, #tpu.memory_space<vmem>>, vector<512x2048xf32>
    %convert_element_type3A = arith.truncf %get3A_4 : vector<512x2048xf32> to vector<512x2048xbf16>
    %dot_general3A = arith.constant dense<0.000000e+00> : vector<1024x2048xf32>
    %dot_general3A_5 = tpu.matmul %get3A_1, %convert_element_type3A, %dot_general3A {dimension_numbers = #tpu.dot_dimension_numbers<[1], [0], [0], [1], [0, 0, 1, 1], [], []>, transpose_lhs_hint = false} : vector<1024x512xbf16>, vector<512x2048xbf16>, vector<1024x2048xf32> -> vector<1024x2048xf32>
    %eq3A = arith.constant 0 : i32
    %eq3A_6 = arith.cmpi eq, %arg1, %eq3A : i32
    %convert_element_type3A_7 = arith.extui %eq3A_6 : i1 to i32
    %cond3A = arith.constant 0 : i32
    %cond3A_8 = arith.cmpi ne, %convert_element_type3A_7, %cond3A : i32
    scf.if %cond3A_8 {
      %swap3A = arith.constant 0 : index
      %swap3A_13 = arith.constant 0 : index
      %swap3A_14 = vector.load %arg4[%swap3A, %swap3A_13] : memref<1024x2048xf32, #tpu.memory_space<vmem>>, vector<1024x2048xf32>
      tpu.vector_store %arg4[%swap3A, %swap3A_13], %dot_general3A_5 {strides = array<i32>} : memref<1024x2048xf32, #tpu.memory_space<vmem>>, vector<1024x2048xf32>,
    } else {
    }
    %ne3A = arith.constant 0 : i32
    %ne3A_9 = arith.cmpi ne, %arg1, %ne3A : i32
    %convert_element_type3A_10 = arith.extui %ne3A_9 : i1 to i32
    %cond3A_11 = arith.constant 0 : i32
    %cond3A_12 = arith.cmpi ne, %convert_element_type3A_10, %cond3A_11 : i32
    scf.if %cond3A_12 {
      %get3A_13 = arith.constant 0 : index
      %get3A_14 = arith.constant 0 : index
      %get3A_15 = vector.load %arg4[%get3A_13, %get3A_14] : memref<1024x2048xf32, #tpu.memory_space<vmem>>, vector<1024x2048xf32>
      %add3A = arith.addf %get3A_15, %dot_general3A_5 : vector<1024x2048xf32>
      %swap3A = arith.constant 0 : index
      %swap3A_16 = arith.constant 0 : index
      %swap3A_17 = vector.load %arg4[%swap3A, %swap3A_16] : memref<1024x2048xf32, #tpu.memory_space<vmem>>, vector<1024x2048xf32>
      tpu.vector_store %arg4[%swap3A, %swap3A_16], %add3A {strides = array<i32>} : memref<1024x2048xf32, #tpu.memory_space<vmem>>, vector<1024x2048xf32>,
    } else {
    }
    return
  }
  func.func @transform_0(%arg0: i32, %arg1: i32) -> (i32, i32) {
    %c0_i32 = arith.constant 0 : i32
    return %arg0, %arg1 : i32, i32
  }
  func.func @transform_1(%arg0: i32, %arg1: i32) -> (i32, i32) {
    %c0_i32 = arith.constant 0 : i32
    %c0_i32_0 = arith.constant 0 : i32
    return %arg1, %c0_i32 : i32, i32
  }
  func.func @transform_2(%arg0: i32, %arg1: i32) -> (i32, i32) {
    %c0_i32 = arith.constant 0 : i32
    %c0_i32_0 = arith.constant 0 : i32
    return %arg0, %c0_i32 : i32, i32
  }
}

module attributes {stable_mosaic.version = 14 : i64} {
  func.func @_final_body(%arg0: i32, %arg1: memref<512x2048xf32, #tpu.memory_space<vmem>>, %arg2: memref<512x1xf32, #tpu.memory_space<vmem>>, %arg3: memref<512x1xf32, #tpu.memory_space<vmem>>, %arg4: memref<512x1xf32, #tpu.memory_space<vmem>>, %arg5: memref<512x2048xf32, #tpu.memory_space<vmem>>, %arg6: memref<512x2048xf32, #tpu.memory_space<vmem>>, %arg7: memref<512x2048xf32, #tpu.memory_space<vmem>>) attributes {dimension_semantics = [#tpu.dimension_semantics<arbitrary>], iteration_bounds = array<i64: 4>, scalar_prefetch = 0 : i64, scratch_operands = 0 : i64, tpu.core_type = #tpu.core_type<tc>, window_params = [{transform_indices = @transform_0, window_bounds = array<i64: 512, 2048>}, {transform_indices = @transform_1, window_bounds = array<i64: 512, 1>}, {transform_indices = @transform_2, window_bounds = array<i64: 512, 1>}, {transform_indices = @transform_3, window_bounds = array<i64: 512, 1>}, {transform_indices = @transform_4, window_bounds = array<i64: 512, 2048>}, {transform_indices = @transform_5, window_bounds = array<i64: 512, 2048>}, {transform_indices = @transform_6, window_bounds = array<i64: 512, 2048>}]} {
    %get3A = arith.constant 0 : index
    %get3A_0 = arith.constant 0 : index
    %get3A_1 = vector.load %arg2[%get3A, %get3A_0] : memref<512x1xf32, #tpu.memory_space<vmem>>, vector<512x1xf32>
    %get3A_2 = arith.constant 0 : index
    %get3A_3 = arith.constant 0 : index
    %get3A_4 = vector.load %arg1[%get3A_2, %get3A_3] : memref<512x2048xf32, #tpu.memory_space<vmem>>, vector<512x2048xf32>
    %mul3A = vector.broadcast %get3A_1 : vector<512x1xf32> to vector<512x2048xf32>
    %mul3A_5 = arith.mulf %mul3A, %get3A_4 : vector<512x2048xf32>
    %get3A_6 = arith.constant 0 : index
    %get3A_7 = arith.constant 0 : index
    %get3A_8 = vector.load %arg3[%get3A_6, %get3A_7] : memref<512x1xf32, #tpu.memory_space<vmem>>, vector<512x1xf32>
    %get3A_9 = arith.constant 0 : index
    %get3A_10 = arith.constant 0 : index
    %get3A_11 = vector.load %arg5[%get3A_9, %get3A_10] : memref<512x2048xf32, #tpu.memory_space<vmem>>, vector<512x2048xf32>
    %mul3A_12 = vector.broadcast %get3A_8 : vector<512x1xf32> to vector<512x2048xf32>
    %mul3A_13 = arith.mulf %mul3A_12, %get3A_11 : vector<512x2048xf32>
    %add3A = arith.addf %mul3A_5, %mul3A_13 : vector<512x2048xf32>
    %get3A_14 = arith.constant 0 : index
    %get3A_15 = arith.constant 0 : index
    %get3A_16 = vector.load %arg4[%get3A_14, %get3A_15] : memref<512x1xf32, #tpu.memory_space<vmem>>, vector<512x1xf32>
    %get3A_17 = arith.constant 0 : index
    %get3A_18 = arith.constant 0 : index
    %get3A_19 = vector.load %arg6[%get3A_17, %get3A_18] : memref<512x2048xf32, #tpu.memory_space<vmem>>, vector<512x2048xf32>
    %mul3A_20 = vector.broadcast %get3A_16 : vector<512x1xf32> to vector<512x2048xf32>
    %mul3A_21 = arith.mulf %mul3A_20, %get3A_19 : vector<512x2048xf32>
    %add3A_22 = arith.addf %add3A, %mul3A_21 : vector<512x2048xf32>
    %swap3A = arith.constant 0 : index
    %swap3A_23 = arith.constant 0 : index
    %swap3A_24 = vector.load %arg7[%swap3A, %swap3A_23] : memref<512x2048xf32, #tpu.memory_space<vmem>>, vector<512x2048xf32>
    tpu.vector_store %arg7[%swap3A, %swap3A_23], %add3A_22 {strides = array<i32>} : memref<512x2048xf32, #tpu.memory_space<vmem>>, vector<512x2048xf32>,
    return
  }
  func.func @transform_0(%arg0: i32) -> (i32, i32) {
    %c0_i32 = arith.constant 0 : i32
    %c0_i32_0 = arith.constant 0 : i32
    return %arg0, %c0_i32 : i32, i32
  }
  func.func @transform_1(%arg0: i32) -> (i32, i32) {
    %c0_i32 = arith.constant 0 : i32
    %c0_i32_0 = arith.constant 0 : i32
    return %arg0, %c0_i32 : i32, i32
  }
  func.func @transform_2(%arg0: i32) -> (i32, i32) {
    %c0_i32 = arith.constant 0 : i32
    %c0_i32_0 = arith.constant 0 : i32
    return %arg0, %c0_i32 : i32, i32
  }
  func.func @transform_3(%arg0: i32) -> (i32, i32) {
    %c0_i32 = arith.constant 0 : i32
    %c0_i32_0 = arith.constant 0 : i32
    return %arg0, %c0_i32 : i32, i32
  }
  func.func @transform_4(%arg0: i32) -> (i32, i32) {
    %c0_i32 = arith.constant 0 : i32
    %c0_i32_0 = arith.constant 0 : i32
    return %arg0, %c0_i32 : i32, i32
  }
  func.func @transform_5(%arg0: i32) -> (i32, i32) {
    %c0_i32 = arith.constant 0 : i32
    %c0_i32_0 = arith.constant 0 : i32
    return %arg0, %c0_i32 : i32, i32
  }
  func.func @transform_6(%arg0: i32) -> (i32, i32) {
    %c0_i32 = arith.constant 0 : i32
    %c0_i32_0 = arith.constant 0 : i32
    return %arg0, %c0_i32 : i32, i32
  }
}

</mosaic_0001>

<sc_bundles>
// kernel: kernel.10.cloned.1.call-start
scs
__scs_entry_jumppad:
0x0: {  	(pc) =	sbr.rel $0x88, $3  }
0x1: {  	(tag) =	ssettag $0x0;
	lr =	simm.s32 $0x1  }
0x2: {  	[smem:$0x3F98] =	sst lr;
	_ =	strace $0xD0000000  }
0x3: {  	_ = 	snop  }
0x4: {  	_ = 	snop  }
0x5: {  	_ = 	snop  }
0x6: {  	_ = 	snop  }
0x7: {  	_ = 	snop  }
__scs_overlays_trampoline_lowered:
0x8: {  	[smem:$0x3FA7] =	sst s0  }
0x9: {  	[smem:$0x3FA8] =	sst s1  }
0xa: {  	[smem:$0x3FA9] =	sst s2  }
0xb: {  	[smem:$0x3FAA] =	sst s3  }
0xc: {  	[smem:$0x3FAB] =	sst s4  }
0xd: {  	[smem:$0x3FAC] =	sst s5  }
0xe: {  	[smem:$0x3FAD] =	sst s6  }
0xf: {  	[smem:$0x3FAE] =	sst s7  }
0x10: {  	[smem:$0x3FAF] =	sst s8  }
0x11: {  	[smem:$0x3FB0] =	sst s9;
	s0 =	simm.s32 @!p0 $0x0  }
0x12: {  	s1 =	sld [smem:$0x3F96];
	s0 =	simm.s32 @p0 $0x1  }
0x13: {  	[smem:$0x3FB1] =	sst s0;
	s0 =	simm.s32 @!p1 $0x0  }
0x14: {  	s2 =	sld [smem:$0x3F95];
	s0 =	simm.s32 @p1 $0x1  }
0x15: {  	[smem:$0x3FB2] =	sst s0;
	s0 =	simm.s32 @!p2 $0x0  }
0x16: {  	s3 =	sld [smem:$0x3FDB];
	s0 =	simm.s32 @p2 $0x1  }
0x17: {  	s4 =	simm.s32 $0x1BF5;
	[smem:$0x3FB4] =	sst s0  }
0x18: {  	s0 =	sld [smem:$0x3F97];
	_ =	swait.ge [sflag:s4], $0x0  }
0x19: {  	s7 =	sld [smem:$0x3F98]  }
0x1a: {  	s8 =	sadd.s32 $0xFFFFE003, lr  }
0x1b: {  	s9 =	sadd.s32 $0xFFFFFEF7, lr;
	s5 =	simm.s32 $0xFFFFFFFF;
	p2 =	slt.u32 s8, $0xFFFFF086  }
0x1c: {  	p1 =	slt.u32 s9, $0xF7A;
	s5 =	simm.s32 @!p2 $0x0  }
0x1d: {  	s5 =	simm.s32 @p1 $0x1;
	p0 =	seq.s32 s7, s2  }
0x1e: {  	s7 =	smul.u32 @!p0 $0xF7A, s2;
	p2 =	seq.s32 @!p0 s5, $0x0  }
0x1f: {  	s9 =	smul.u32 $0xF7A, s1;
	s8 =	simm.s32 @!p0 $0x1BF5;
	p2 =	por !p2, p0  }
0x20: {  	[sflag:s8] =	ssyncset.s32 @!p0 $0xFFFFF086;
	s6 =	sadd.s32 @!p0 s3, s7;
	s7 =	simm.s32 @!p0 $0x108  }
0x21: {  	s3 =	sadd.s32 s3, s9;
	s6 =	sadd.s32 @!p0 $0x88, s6;
	s7 =	simm.s32 @p2 $0x1082  }
0x22: {  	[simem:s7], [sflag:s8] =	dma.local @!p0 [hbm:s6], $0xF7A  }
0x23: {  	s9 =	sor.u32 $0xD0000000, s2;
	s6 =	simm.s32 $0x108;
	_ =	swait.ge @!p0 [sflag:s8], $0x0  }
0x24: {  	s3 =	sadd.s32 $0x88, s3;
	s6 =	simm.s32 @!p1 $0x1082;
	[sflag:s4] =	ssyncset.s32 $0xFFFFF086  }
0x25: {  	[simem:s6], [sflag:s4] =	dma.local [hbm:s3], $0xF7A  }
0x26: {  	[smem:$0x3F98] =	sst s1;
	(tag) =	ssettag s2;
	_ =	strace s9  }
0x27: {  	s1 =	sld [smem:$0x3FA8]  }
0x28: {  	s2 =	sld [smem:$0x3FA9]  }
0x29: {  	s4 =	sld [smem:$0x3FAB]  }
0x2a: {  	p0 =	seq.s32 s5, $0x0;
	s5 =	sld [smem:$0x3FAC]  }
0x2b: {  	s6 =	sld [smem:$0x3FAD]  }
0x2c: {  	s7 =	sld [smem:$0x3FAE]  }
0x2d: {  	s3 =	simm.s32 $0x108;
	s8 =	sld [smem:$0x3FAF]  }
0x2e: {  	s3 =	simm.s32 @!p0 $0x1082;
	s9 =	sld [smem:$0x3FB0]  }
0x2f: {  	lr =	sadd.s32 s0, s3;
	s0 =	sld [smem:$0x3FA7]  }
0x30: {  	s3 =	sld [smem:$0x3FAA]  }
0x31: {  	[smem:$0x3FB3] =	sst s10  }
0x32: {  	s10 =	sld [smem:$0x3FB1];
	_ =	sdelay $0x3  }
0x33: {  	p0 =	seq.s32 s10, $0x1;
	s10 =	sld [smem:$0x3FB3];
	_ =	sdelay $0x3  }
0x34: {  	[smem:$0x3FB3] =	sst s10  }
0x35: {  	s10 =	sld [smem:$0x3FB2];
	_ =	sdelay $0x3  }
0x36: {  	p1 =	seq.s32 s10, $0x1;
	s10 =	sld [smem:$0x3FB3];
	_ =	sdelay $0x3  }
0x37: {  	[smem:$0x3FB3] =	sst s10  }
0x38: {  	s10 =	sld [smem:$0x3FB4]  }
0x39: {  	_ = 	snop;
	(pc) =	sbr.ind lr, $3  }
0x3a: {  	_ = 	snop  }
0x3b: {  	_ = 	snop  }
0x3c: {  	p2 =	seq.s32 s10, $0x1;
	s10 =	sld [smem:$0x3FB3]  }
0x3d: {  	_ =	shalt  }
0x3e: {  	_ =	shalt  }
0x3f: {  	_ =	shalt  }
0x40: {  	_ =	shalt  }
0x41: {  	_ =	shalt  }
0x42: {  	_ =	shalt  }
0x43: {  	_ =	shalt  }
0x44: {  	_ =	shalt  }
0x45: {  	_ =	shalt  }
0x46: {  	_ =	shalt  }
0x47: {  	_ =	shalt  }
0x48: {  	_ =	shalt  }
0x49: {  	_ =	shalt  }
0x4a: {  	_ =	shalt  }
0x4b: {  	_ =	shalt  }
0x4c: {  	_ =	shalt  }
0x4d: {  	_ =	shalt  }
0x4e: {  	_ =	shalt  }
0x4f: {  	_ =	shalt  }
0x50: {  	_ =	shalt  }
0x51: {  	_ =	shalt  }
0x52: {  	_ =	shalt  }
0x53: {  	_ =	shalt  }
0x54: {  	_ =	shalt  }
0x55: {  	_ =	shalt  }
0x56: {  	_ =	shalt  }
0x57: {  	_ =	shalt  }
0x58: {  	_ =	shalt  }
0x59: {  	_ =	shalt  }
0x5a: {  	_ =	shalt  }
0x5b: {  	_ =	shalt  }
0x5c: {  	_ =	shalt  }
0x5d: {  	_ =	shalt  }
0x5e: {  	_ =	shalt  }
0x5f: {  	_ =	shalt  }
0x60: {  	_ =	shalt  }
0x61: {  	_ =	shalt  }
0x62: {  	_ =	shalt  }
0x63: {  	_ =	shalt  }
0x64: {  	_ =	shalt  }
0x65: {  	_ =	shalt  }
0x66: {  	_ =	shalt  }
0x67: {  	_ =	shalt  }
0x68: {  	_ =	shalt  }
0x69: {  	_ =	shalt  }
0x6a: {  	_ =	shalt  }
0x6b: {  	_ =	shalt  }
0x6c: {  	_ =	shalt  }
0x6d: {  	_ =	shalt  }
0x6e: {  	_ =	shalt  }
0x6f: {  	_ =	shalt  }
0x70: {  	_ =	shalt  }
0x71: {  	_ =	shalt  }
0x72: {  	_ =	shalt  }
0x73: {  	_ =	shalt  }
0x74: {  	_ =	shalt  }
0x75: {  	_ =	shalt  }
0x76: {  	_ =	shalt  }
0x77: {  	_ =	shalt  }
0x78: {  	_ =	shalt  }
0x79: {  	_ =	shalt  }
0x7a: {  	_ =	shalt  }
0x7b: {  	_ =	shalt  }
0x7c: {  	_ =	shalt  }
0x7d: {  	_ =	shalt  }
0x7e: {  	_ =	shalt  }
0x7f: {  	_ =	shalt  }
0x80: {  	_ =	shalt  }
0x81: {  	_ =	shalt  }
0x82: {  	_ =	shalt  }
0x83: {  	_ =	shalt  }
0x84: {  	_ =	shalt  }
0x85: {  	_ =	shalt  }
0x86: {  	_ =	shalt  }
0x87: {  	_ =	shalt  }
.Lfunc_end0:
.L_simem_size_0:
called_computation_lowered:
.L_overlay_start_0:
0x88: {  	s2 =	sld [smem:$0x3FD9]  }
0x89: {  	s3 =	sld [smem:$0x3FFE];
	_ =	sdelay $0x1  }
0x8a: {  	s1 =	srdreg.scid  }
0x8b: {  	s0 =	sand.u32 $0x1, s1  }
0x8c: {  	s17 =	sshll.u32 s0, $0xA;
	s2 =	sadd.s32 s3, s2  }
0x8d: {  	s2 =	sadd.s32 s2, s17  }
0x8e: {  	[smem:$0x3FBF] =	sst s2  }
0x8f: {  	_ = 	snop  }
0x90: {  	s2 =	sld [smem:$0x3FC9];
	(tm) =	ssettm $0x1  }
0x91: {  	s18 =	sld [smem:$0x3FFB];
	_ =	sdelay $0x3  }
0x92: {  	_ =	strace s18  }
0x93: {  	s3 =	sld [smem:$0x3FFC];
	_ =	sdelay $0x3  }
0x94: {  	_ =	strace s3  }
0x95: {  	s3 =	sld [smem:$0x3FFD];
	_ =	sdelay $0x3  }
0x96: {  	_ =	strace s3  }
0x97: {  	_ =	strace $0x8FFFFFFF  }
0x98: {  	s19 =	sld [smem:$0x3FDB];
	_ =	sdelay $0x1  }
0x99: {  	s4 =	simm.s32 $_scs_section_size  }
0x9a: {  	s5 =	simm.s32 $_size__tile_overlayer_lowered;
	s6 =	simm.s32 $_tile_overlayer_lowered  }
0x9b: {  	s22 =	simm.s32 $0x1BFF;
	s21 =	sshll.u32 s6, $0x1;
	s3 =	sadd.s32 s4, s19  }
0x9c: {  	s7 =	simm.s32 $0x0;
	s20 =	sshll.u32 s5, $0x1;
	s5 =	sadd.s32 s21, s3  }
0x9d: {  	[timem:s7], [sflag:s22] =	dma.local [hbm:s5], s20  }
0x9e: {  	_ =	swait.ge [sflag:s22], s20  }
0x9f: {  	s4 =	ssub.s32 $0x0, s20;
	[sflag:s22] =	ssyncset.done $0x0  }
0xa0: {  	[sflag:s22] =	ssyncadd.s32 s4;
	_ =	sdelay $0x1  }
0xa1: {  	s23 =	simm.s32 $0x1B8B  }
0xa2: {  	_ =	swait.ge [sflag:s23], $0x1  }
0xa3: {  	[sflag:s23] =	ssyncset.done $0x0  }
0xa4: {  	s25 =	simm.s32 $0x1B8E;
	s24 =	sld [smem:$0x3FFE];
	[sflag:s23] =	ssyncadd.s32 $0xFFFFFFFF  }
0xa5: {  	s26 =	simm.s32 $execute0_lowered;
	[smem:$0x3FD2] =	sst s25  }
0xa6: {  	s5 =	sshll.u32 s26, $0x1;
	_ =	strace $0x80000046;
	[dreg:$0x1] =	wrdreg $0xFFFFFFFF  }
0xa7: {  	s28 =	simm.s32 $_size_execute0_lowered;
	s3 =	sadd.s32 s3, s5;
	[dreg:$0x0] =	wrdreg $0x0  }
0xa8: {  	s5 =	sshll.u32 s28, $0x1;
	[dreg:$0x2] =	wrdreg s3  }
0xa9: {  	[dreg:$0x3] =	wrdreg s5  }
0xaa: {  	[dreg:$0x4] =	wrdreg $0xC0  }
0xab: {  	_ =	task [dreg:s7], $0x5FFFF  }
0xac: {  	[dreg:$0x1] =	wrdreg $0xFFFFFFFF  }
0xad: {  	[dreg:$0x0] =	wrdreg $0x60  }
0xae: {  	[dreg:$0x2] =	wrdreg s24  }
0xaf: {  	[dreg:$0x3] =	wrdreg s2  }
0xb0: {  	[dreg:$0x4] =	wrdreg $0x9  }
0xb1: {  	_ =	task.clear_ibuf [dreg:s7], $0x5FFFF;
	_ =	strace $0x90000046  }
0xb2: {  	s29 =	simm.s32 $0x9;
	_ =	strace $0x80000048  }
0xb3: {  	_ =	swait.ge [sflag:s29], $0x1  }
0xb4: {  	[sflag:s29] =	ssyncadd.s32 $0xFFFFFFFF  }
0xb5: {  	_ =	strace $0x90000048  }
0xb6: {  	_ =	sfence  }
0xb7: {  	s30 =	sld [smem:$0x0];
	_ =	sdelay $0x2  }
0xb8: {  	s31 =	sshll.u32 s1, $0xD;
	s1 =	sshrl.u32 s1, $0x2  }
0xb9: {  	s3 =	sand.u32 $0x4000, s31;
	s1 =	sadd.s32 s1, s30  }
0xba: {  	s0 =	sor.u32 s3, s0;
	s1 =	sshll.u32 s1, $0x11  }
0xbb: {  	s0 =	sor.u32 s1, s0  }
0xbc: {  	s0 =	sadd.s32 $0x8F2B, s0  }
0xbd: {  	[sflag:s0] =	ssyncadd.remote.s32 $0x1  }
0xbe: {  	_ =	sfence.sel $0xFFFF  }
0xbf: {  	[dreg:$0x0] =	wrdreg $0xFFFFFFFF;
	(pc) =	sbr.abs _section_cstart, $3  }
0xc0: {  	[dreg:$0x1] =	wrdreg $0xFFFFFFFF  }
0xc1: {  	_ =	task.clear_ibuf [dreg:s7], $0x2FFFF;
	_ =	strace $0x9FFFFFFF  }
0xc2: {  	(tm) =	ssettm $0x7FFFFFFF  }
0xc3: {  	_ =	shalt  }
tec
execute0_lowered:
.L_overlay_start_1:
0x0: {  	(tag) =	ssettag $0x1  }
0x1: {  	s0 =	srdreg.scid;
	s3 =	rddreg [dreg:$0x0]  }
0x2: {  	s1 =	simm.s32 $0x0;
	s5 =	stileid.u32;
	s0 =	sand.u32 $0x1, s0  }
0x3: {  	s29 =	simm.s32 $0x1000;
	[smem:$0x7FF] =	sst s1;
	s2 =	ssub.s32 $0x2, s0  }
0x4: {  	s5 =	sshll.u32 s5, $0x9;
	s0 =	sshll.u32 s0, $0x8;
	s4 =	sshrl.u32 s2, $0x1  }
0x5: {  	s6 =	sadd.s32 $0x10C00, s3;
	s4 =	ssub.s32 s2, s4;
	s2 =	sor.u32 s0, s5  }
0x6: {  	s5 =	sor.u32 $0x10, s2;
	s7 =	sor.u32 $0x20, s2;
	s0 =	sshll.u32 s2, $0x8  }
0x7: {  	s8 =	sor.u32 $0x30, s2;
	s21 =	sor.u32 $0x40, s2;
	[dreg:$0x3] =	wrdreg s5  }
0x8: {  	s23 =	sor.u32 $0x50, s2;
	s25 =	sor.u32 $0x60, s2;
	[dreg:$0x4] =	wrdreg s7  }
0x9: {  	s31 =	sor.u32 $0x70, s2;
	s16 =	sor.u32 $0x80, s2;
	[dreg:$0x6] =	wrdreg s8  }
0xa: {  	s18 =	sor.u32 $0x90, s2;
	s30 =	sor.u32 $0xE0, s2;
	[dreg:$0x8] =	wrdreg s21  }
0xb: {  	s0 =	sadd.s32 s6, s0;
	s20 =	sshll.u32 s5, $0x8;
	[dreg:$0xa] =	wrdreg s23  }
0xc: {  	s22 =	sshll.u32 s7, $0x8;
	s24 =	sshll.u32 s8, $0x8;
	[dreg:$0xc] =	wrdreg s25  }
0xd: {  	s26 =	sshll.u32 s21, $0x8;
	s7 =	sshll.u32 s23, $0x8;
	[dreg:$0xe] =	wrdreg s31  }
0xe: {  	s8 =	sshll.u32 s25, $0x8;
	[dreg:$0x5] =	wrdreg s0;
	s0 =	sadd.s32 s6, s20  }
0xf: {  	s20 =	sor.u32 $0xA0, s2;
	[dreg:$0x7] =	wrdreg s0;
	s0 =	sadd.s32 s6, s22  }
0x10: {  	s12 =	sshll.u32 s20, $0x8;
	[dreg:$0x9] =	wrdreg s0;
	s0 =	sadd.s32 s6, s24  }
0x11: {  	s9 =	sshll.u32 s31, $0x8;
	s13 =	sadd.s32 s6, s12;
	[dreg:$0xb] =	wrdreg s0  }
0x12: {  	s10 =	sshll.u32 s16, $0x8;
	s0 =	sadd.s32 s6, s26;
	[dreg:$0x14] =	wrdreg s13  }
0x13: {  	s21 =	sshll.u32 s30, $0x8;
	[dreg:$0xd] =	wrdreg s0;
	s0 =	sadd.s32 s6, s7  }
0x14: {  	s26 =	sor.u32 $0xD0, s2;
	s7 =	sadd.s32 s6, s21;
	[dreg:$0xf] =	wrdreg s0  }
0x15: {  	s17 =	sshll.u32 s26, $0x8;
	s0 =	sadd.s32 s6, s8;
	[dreg:$0x18] =	wrdreg s7  }
0x16: {  	s11 =	sshll.u32 s18, $0x8;
	s19 =	sadd.s32 s6, s17;
	[dreg:$0x10] =	wrdreg s0  }
0x17: {  	s25 =	sor.u32 $0xC0, s2;
	s0 =	sadd.s32 s6, s9;
	[dreg:$0x17] =	wrdreg s19  }
0x18: {  	s24 =	sor.u32 $0xB0, s2;
	[dreg:$0x11] =	wrdreg s0;
	s0 =	sadd.s32 s6, s10  }
0x19: {  	s14 =	sshll.u32 s24, $0x8;
	[dreg:$0x12] =	wrdreg s0;
	s0 =	sadd.s32 s6, s11  }
0x1a: {  	s15 =	sshll.u32 s25, $0x8;
	[dreg:$0x13] =	wrdreg s0;
	s0 =	sadd.s32 s6, s14  }
0x1b: {  	s5 =	sor.u32 $0xF0, s2;
	[dreg:$0x15] =	wrdreg s0;
	s0 =	sadd.s32 s6, s15  }
0x1c: {  	s23 =	sadd.s32 $0x10800, s3;
	s22 =	sshll.u32 s5, $0x8;
	[dreg:$0x16] =	wrdreg s0  }
0x1d: {  	s31 =	sadd.s32 $0x10A00, s3;
	s6 =	sadd.s32 s6, s22;
	s0 =	rddreg [dreg:$0x1]  }
0x1e: {  	s17 =	smax.u32 s4, $0x1;
	s8 =	simm.s32 $0x0;
	[dreg:$0x19] =	wrdreg s6  }
0x1f: {  	s15 =	sadd.s32 $0x600, s3;
	_ =	strace $0x80000047;
	[dreg:$0x1a] =	wrdreg s23  }
0x20: {  	s6 =	simm.s32 $0x7;
	[dreg:$0x1b] =	wrdreg s31;
	s19 =	sadd.s32 $0x100, s0  }
0x21: {  	s21 =	sadd.s32 $0x200, s0;
	s22 =	sadd.s32 $0x300, s0;
	s23 =	sadd.s32 $0x400, s0  }
0x22: {  	v0 =	vimm.s32 $0x0;
	v1 =	vlaneseq.u32;
	s3 =	sadd.s32 $0x500, s0;
	s4 =	sadd.s32 $0x600, s0;
	s28 =	sadd.s32 $0x700, s0  }
.LBB2_1:
0x23: {  	s7 =	rddreg [dreg:$0x1a]  }
0x24: {  	[tilespmem:s1], [sflag:$0x7] =	stream.linear.gather [hbm4b:s7+s1], $0x800, $0x38;
	[tilespmem:$0x1B080] =	vst v63  }
0x25: {  	_ =	swait.ge [sflag:s6], $0x800  }
0x26: {  	[sflag:s6] =	ssyncset.done $0x0  }
0x27: {  	s9 =	simm.s32 $0x800;
	s14 =	rddreg [dreg:$0x1b];
	[sflag:s6] =	ssyncadd.s32 $0xFFFFF800  }
0x28: {  	[tilespmem:s9], [sflag:$0x7] =	stream.linear.gather [hbm4b:s14+s1], $0x800, $0x38;
	[tilespmem:$0x1B080] =	vst v63  }
0x29: {  	_ =	swait.ge [sflag:s6], $0x800  }
0x2a: {  	[sflag:s6] =	ssyncset.done $0x0  }
0x2b: {  	s31 =	simm.s32 $0x3000;
	[sflag:s6] =	ssyncadd.s32 $0xFFFFF800  }
0x2c: {  	[tilespmem:s31], [sflag:$0x7] =	stream.linear.gather [hbm4b:s15+s1], $0x80, $0x38;
	[tilespmem:$0x1B080] =	vst v63  }
0x2d: {  	_ =	swait.ge [sflag:s6], $0x80  }
0x2e: {  	[sflag:s6] =	ssyncset.done $0x0  }
0x2f: {  	[sflag:s6] =	ssyncadd.s32 $0xFFFFFF80  }
0x30: {  	s7 =	simm.s32 $0x40;
	s9 =	simm.s32 $0x0;
	v2 =	vld [tilespmem:$0x3000]  }
.LBB2_2:
0x31: {  	p0 =	sne.s32 s7, $0x7FC0;
	[tilespmem:s9+$0x1000] =	vst v0;
	s9 =	smov.u32 s7;
	s7 =	sadd.s32 $0x40, s7  }
.Ltmp0:
0x32: {  	(pc) =	sbr.rel @p0 .LBB2_2-.Ltmp0, $2  }
0x33: {  	_ =	sdelay $0x2  }
0x34: {  	s9 =	sshra.s32 s9, $0x2  }
0x35: {  	[tilespmem:s9+$0x1000] =	vst v0;
	s7 =	simm.s32 $0x0;
	s9 =	simm.s32 $0x0;
	s10 =	simm.s32 $0x0  }
.LBB2_4:
0x36: {  	v3 =	vld [tilespmem:s9+$0x0];
	_ =	sdelay $0x2  }
0x37: {  	p0 =	sne.s32 s10, $0x7F0  }
.Ltmp1:
0x38: {  	_ = 	snop;
	(pc) =	sbr.rel @p0 .LBB2_4-.Ltmp1, $3  }
0x39: {  	_ =	sdelay $0x1  }
0x3a: {  	v4 =	vor.u32 s10, v1  }
0x3b: {  	s9 =	sadd.s32 $0x10, s9;
	s10 =	sadd.s32 $0x10, s10;
	[tilespmem:v3+s29+$0x0] =	vst.idx.msk $0xffff, v4  }
0x3c: {  	s9 =	simm.s32 $0x800  }
0x3d: {  	s10 =	simm.s32 $0x10;
	v3 =	vld [tilespmem:s9+$0x0]  }
.LBB2_6:
0x3e: {  	p0 =	sne.s32 s10, $0x7F0;
	_ =	sdelay $0x3  }
.Ltmp2:
0x3f: {  	(pc) =	sbr.rel @p0 .LBB2_6-.Ltmp2, $4  }
0x40: {  	_ = 	snop  }
0x41: {  	v4 =	vor.u32 s7, v1;
	s7 =	smov.u32 s10  }
0x42: {  	s9 =	sadd.s32 $0x10, s9;
	[tilespmem:v3+s29+$0x0] =	vst.idx.msk $0xffff, v4  }
0x43: {  	s10 =	sadd.s32 $0x10, s10;
	v3 =	vld [tilespmem:s9+$0x0]  }
0x44: {  	v2 =	vxor.u32 $0x80000000, v2  }
0x45: {  	(xrf0) =	vmax.scan.msk.u32 $0xffff, v2;
	_ =	sdelay $0x5  }
0x46: {  	v2, _, _ =	vpop (xrf0)  }
0x47: {  	(v2sf) =	vpush v2, $0xF;
	_ =	sdelay $0xe  }
0x48: {  	s9 =	spop (v2sf)  }
0x49: {  	v2 =	vor.u32 s7, v1;
	s31 =	sxor.u32 $0x80000000, s9  }
0x4a: {  	[tilespmem:v3+s29+$0x0] =	vst.idx.msk $0xffff, v2;
	p1 =	sge.s32 s2, s31  }
0x4b: {  	v2 =	vld @!p1 [tilespmem:s2+$0x1000];
	_ =	sdelay $0x4  }
0x4c: {  	v3 =	vshll.u32 @!p1 v2, $0x4  }
0x4d: {  	v4 =	vlaneseq.u32 @!p1;
	v2 =	vand.u32 @!p1 $0x7, v2;
	v3 =	vand.u32 @!p1 $0xFFFFFF80, v3  }
0x4e: {  	v5 =	vshrl.u32 @!p1 v4, $0x3;
	v2 =	vor.u32 @!p1 v2, v3;
	v3 =	vand.u32 @!p1 $0x7, v4  }
0x4f: {  	v5 =	vmul.u32 @!p1 $0x8, v5;
	v3 =	vperm.xlane @!p1 v2, v3;
	_ =	sdelay $0x1  }
0x50: {  	v3 =	vadd.s32 @!p1 v5, v3;
	_ =	sdelay $0x3  }
0x51: {  	vm0 =	vmmov @!p1 $0xffff;
	s9 =	simm.s32 @!p1 $0x0;
	s12 =	simm.s32 @!p1 $0x3080  }
0x52: {  	[tilespmem:s12], [sflag:$0x1] =	stream.indirect_vreg.gather @!p1 [hbm4b:s0+s9], $0x80, v3, vm0, $0xb8;
	[tilespmem:$0x1B080] =	vst v63  }
0x53: {  	s7 =	simm.s32 @!p1 $0x3880  }
0x54: {  	[tilespmem:s7], [sflag:$0x1] =	stream.indirect_vreg.gather @!p1 [hbm4b:s19+s9], $0x80, v3, vm0, $0xb8;
	[tilespmem:$0x1B080] =	vst v63  }
0x55: {  	s7 =	simm.s32 @!p1 $0x4080  }
0x56: {  	[tilespmem:s7], [sflag:$0x1] =	stream.indirect_vreg.gather @!p1 [hbm4b:s21+s9], $0x80, v3, vm0, $0xb8;
	[tilespmem:$0x1B080] =	vst v63  }
0x57: {  	s7 =	simm.s32 @!p1 $0x4880  }
0x58: {  	[tilespmem:s7], [sflag:$0x1] =	stream.indirect_vreg.gather @!p1 [hbm4b:s22+s9], $0x80, v3, vm0, $0xb8;
	[tilespmem:$0x1B080] =	vst v63  }
0x59: {  	s7 =	simm.s32 @!p1 $0x5080  }
0x5a: {  	v4 =	vor.u32 @!p1 $0x8, v4;
	[tilespmem:s7], [sflag:$0x1] =	stream.indirect_vreg.gather @!p1 [hbm4b:s23+s9], $0x80, v3, vm0, $0xb8;
	[tilespmem:$0x1B080] =	vst v63  }
0x5b: {  	v2 =	vperm.xlane @!p1 v2, v4;
	s7 =	simm.s32 @!p1 $0x5880  }
0x5c: {  	[tilespmem:s7], [sflag:$0x1] =	stream.indirect_vreg.gather @!p1 [hbm4b:s3+s9], $0x80, v3, vm0, $0xb8;
	[tilespmem:$0x1B080] =	vst v63  }
0x5d: {  	v2 =	vadd.s32 @!p1 v5, v2;
	s7 =	simm.s32 @!p1 $0x6080  }
0x5e: {  	[tilespmem:s7], [sflag:$0x1] =	stream.indirect_vreg.gather @!p1 [hbm4b:s4+s9], $0x80, v3, vm0, $0xb8;
	[tilespmem:$0x1B080] =	vst v63  }
0x5f: {  	s7 =	simm.s32 @!p1 $0x6880  }
0x60: {  	[tilespmem:s7], [sflag:$0x1] =	stream.indirect_vreg.gather @!p1 [hbm4b:s28+s9], $0x80, v3, vm0, $0xb8;
	[tilespmem:$0x1B080] =	vst v63  }
0x61: {  	s7 =	simm.s32 @!p1 $0x7080  }
0x62: {  	[tilespmem:s7], [sflag:$0x1] =	stream.indirect_vreg.gather @!p1 [hbm4b:s0+s9], $0x80, v2, vm0, $0xb8;
	[tilespmem:$0x1B080] =	vst v63  }
0x63: {  	s7 =	simm.s32 @!p1 $0x7880  }
0x64: {  	[tilespmem:s7], [sflag:$0x1] =	stream.indirect_vreg.gather @!p1 [hbm4b:s19+s9], $0x80, v2, vm0, $0xb8;
	[tilespmem:$0x1B080] =	vst v63  }
0x65: {  	s7 =	simm.s32 @!p1 $0x8080  }
0x66: {  	[tilespmem:s7], [sflag:$0x1] =	stream.indirect_vreg.gather @!p1 [hbm4b:s21+s9], $0x80, v2, vm0, $0xb8;
	[tilespmem:$0x1B080] =	vst v63  }
0x67: {  	s7 =	simm.s32 @!p1 $0x8880  }
0x68: {  	[tilespmem:s7], [sflag:$0x1] =	stream.indirect_vreg.gather @!p1 [hbm4b:s22+s9], $0x80, v2, vm0, $0xb8;
	[tilespmem:$0x1B080] =	vst v63  }
0x69: {  	s7 =	simm.s32 @!p1 $0x9080  }
0x6a: {  	[tilespmem:s7], [sflag:$0x1] =	stream.indirect_vreg.gather @!p1 [hbm4b:s23+s9], $0x80, v2, vm0, $0xb8;
	[tilespmem:$0x1B080] =	vst v63  }
0x6b: {  	s7 =	simm.s32 @!p1 $0x9880  }
0x6c: {  	[tilespmem:s7], [sflag:$0x1] =	stream.indirect_vreg.gather @!p1 [hbm4b:s3+s9], $0x80, v2, vm0, $0xb8;
	[tilespmem:$0x1B080] =	vst v63  }
0x6d: {  	s13 =	rddreg [dreg:$0x3];
	s7 =	simm.s32 @!p1 $0xA080  }
0x6e: {  	[tilespmem:s7], [sflag:$0x1] =	stream.indirect_vreg.gather @!p1 [hbm4b:s4+s9], $0x80, v2, vm0, $0xb8;
	[tilespmem:$0x1B080] =	vst v63  }
0x6f: {  	p2 =	sge.s32 s13, s31;
	s7 =	simm.s32 @!p1 $0xA880  }
0x70: {  	[tilespmem:s7], [sflag:$0x1] =	stream.indirect_vreg.gather @!p1 [hbm4b:s28+s9], $0x80, v2, vm0, $0xb8;
	[tilespmem:$0x1B080] =	vst v63  }
0x71: {  	v2 =	vld @!p2 [tilespmem:s2+$0x1010];
	_ =	sdelay $0x4  }
0x72: {  	v3 =	vshll.u32 @!p2 v2, $0x4  }
0x73: {  	v4 =	vlaneseq.u32 @!p2;
	v2 =	vand.u32 @!p2 $0x7, v2;
	v3 =	vand.u32 @!p2 $0xFFFFFF80, v3  }
0x74: {  	v5 =	vshrl.u32 @!p2 v4, $0x3;
	v2 =	vor.u32 @!p2 v2, v3;
	v3 =	vand.u32 @!p2 $0x7, v4  }
0x75: {  	v5 =	vmul.u32 @!p2 $0x8, v5;
	v3 =	vperm.xlane @!p2 v2, v3;
	_ =	sdelay $0x1  }
0x76: {  	v3 =	vadd.s32 @!p2 v5, v3;
	_ =	sdelay $0x3  }
0x77: {  	s11 =	simm.s32 @!p2 $0xB080;
	vm0 =	vmmov @!p2 $0xffff;
	s7 =	simm.s32 @!p2 $0x0  }
0x78: {  	[tilespmem:s11], [sflag:$0x2] =	stream.indirect_vreg.gather @!p2 [hbm4b:s0+s7], $0x80, v3, vm0, $0xb8;
	[tilespmem:$0x1B080] =	vst v63  }
0x79: {  	s10 =	simm.s32 @!p2 $0xB880  }
0x7a: {  	[tilespmem:s10], [sflag:$0x2] =	stream.indirect_vreg.gather @!p2 [hbm4b:s19+s7], $0x80, v3, vm0, $0xb8;
	[tilespmem:$0x1B080] =	vst v63  }
0x7b: {  	s10 =	simm.s32 @!p2 $0xC080  }
0x7c: {  	[tilespmem:s10], [sflag:$0x2] =	stream.indirect_vreg.gather @!p2 [hbm4b:s21+s7], $0x80, v3, vm0, $0xb8;
	[tilespmem:$0x1B080] =	vst v63  }
0x7d: {  	s10 =	simm.s32 @!p2 $0xC880  }
0x7e: {  	[tilespmem:s10], [sflag:$0x2] =	stream.indirect_vreg.gather @!p2 [hbm4b:s22+s7], $0x80, v3, vm0, $0xb8;
	[tilespmem:$0x1B080] =	vst v63  }
0x7f: {  	s10 =	simm.s32 @!p2 $0xD080  }
0x80: {  	v4 =	vor.u32 @!p2 $0x8, v4;
	[tilespmem:s10], [sflag:$0x2] =	stream.indirect_vreg.gather @!p2 [hbm4b:s23+s7], $0x80, v3, vm0, $0xb8;
	[tilespmem:$0x1B080] =	vst v63  }
0x81: {  	v2 =	vperm.xlane @!p2 v2, v4;
	s10 =	simm.s32 @!p2 $0xD880  }
0x82: {  	[tilespmem:s10], [sflag:$0x2] =	stream.indirect_vreg.gather @!p2 [hbm4b:s3+s7], $0x80, v3, vm0, $0xb8;
	[tilespmem:$0x1B080] =	vst v63  }
0x83: {  	v2 =	vadd.s32 @!p2 v5, v2;
	s10 =	simm.s32 @!p2 $0xE080  }
0x84: {  	[tilespmem:s10], [sflag:$0x2] =	stream.indirect_vreg.gather @!p2 [hbm4b:s4+s7], $0x80, v3, vm0, $0xb8;
	[tilespmem:$0x1B080] =	vst v63  }
0x85: {  	s10 =	simm.s32 @!p2 $0xE880  }
0x86: {  	[tilespmem:s10], [sflag:$0x2] =	stream.indirect_vreg.gather @!p2 [hbm4b:s28+s7], $0x80, v3, vm0, $0xb8;
	[tilespmem:$0x1B080] =	vst v63  }
0x87: {  	s10 =	simm.s32 @!p2 $0xF080  }
0x88: {  	[tilespmem:s10], [sflag:$0x2] =	stream.indirect_vreg.gather @!p2 [hbm4b:s0+s7], $0x80, v2, vm0, $0xb8;
	[tilespmem:$0x1B080] =	vst v63  }
0x89: {  	s10 =	simm.s32 @!p2 $0xF880  }
0x8a: {  	[tilespmem:s10], [sflag:$0x2] =	stream.indirect_vreg.gather @!p2 [hbm4b:s19+s7], $0x80, v2, vm0, $0xb8;
	[tilespmem:$0x1B080] =	vst v63  }
0x8b: {  	s10 =	simm.s32 @!p2 $0x10080  }
0x8c: {  	[tilespmem:s10], [sflag:$0x2] =	stream.indirect_vreg.gather @!p2 [hbm4b:s21+s7], $0x80, v2, vm0, $0xb8;
	[tilespmem:$0x1B080] =	vst v63  }
0x8d: {  	s10 =	simm.s32 @!p2 $0x10880  }
0x8e: {  	[tilespmem:s10], [sflag:$0x2] =	stream.indirect_vreg.gather @!p2 [hbm4b:s22+s7], $0x80, v2, vm0, $0xb8;
	[tilespmem:$0x1B080] =	vst v63  }
0x8f: {  	s10 =	simm.s32 @!p2 $0x11080  }
0x90: {  	[tilespmem:s10], [sflag:$0x2] =	stream.indirect_vreg.gather @!p2 [hbm4b:s23+s7], $0x80, v2, vm0, $0xb8;
	[tilespmem:$0x1B080] =	vst v63  }
0x91: {  	s10 =	simm.s32 @!p2 $0x11880  }
0x92: {  	[tilespmem:s10], [sflag:$0x2] =	stream.indirect_vreg.gather @!p2 [hbm4b:s3+s7], $0x80, v2, vm0, $0xb8;
	[tilespmem:$0x1B080] =	vst v63  }
0x93: {  	s14 =	rddreg [dreg:$0x4];
	s10 =	simm.s32 @!p2 $0x12080  }
0x94: {  	[tilespmem:s10], [sflag:$0x2] =	stream.indirect_vreg.gather @!p2 [hbm4b:s4+s7], $0x80, v2, vm0, $0xb8;
	[tilespmem:$0x1B080] =	vst v63  }
0x95: {  	p0 =	sge.s32 s14, s31;
	s10 =	simm.s32 @!p2 $0x12880  }
0x96: {  	[tilespmem:s10], [sflag:$0x2] =	stream.indirect_vreg.gather @!p2 [hbm4b:s28+s7], $0x80, v2, vm0, $0xb8;
	[tilespmem:$0x1B080] =	vst v63  }
0x97: {  	v2 =	vld @!p0 [tilespmem:s2+$0x1020];
	_ =	sdelay $0x4  }
0x98: {  	v3 =	vshll.u32 @!p0 v2, $0x4  }
0x99: {  	v4 =	vlaneseq.u32 @!p0;
	v2 =	vand.u32 @!p0 $0x7, v2;
	v3 =	vand.u32 @!p0 $0xFFFFFF80, v3  }
0x9a: {  	v5 =	vshrl.u32 @!p0 v4, $0x3;
	v2 =	vor.u32 @!p0 v2, v3;
	v3 =	vand.u32 @!p0 $0x7, v4  }
0x9b: {  	v5 =	vmul.u32 @!p0 $0x8, v5;
	v3 =	vperm.xlane @!p0 v2, v3;
	_ =	sdelay $0x1  }
0x9c: {  	v3 =	vadd.s32 @!p0 v5, v3;
	_ =	sdelay $0x3  }
0x9d: {  	s14 =	simm.s32 @!p0 $0x13080;
	vm0 =	vmmov @!p0 $0xffff;
	s10 =	simm.s32 @!p0 $0x0  }
0x9e: {  	[tilespmem:s14], [sflag:$0x3] =	stream.indirect_vreg.gather @!p0 [hbm4b:s0+s10], $0x80, v3, vm0, $0xb8;
	[tilespmem:$0x1B080] =	vst v63  }
0x9f: {  	s13 =	simm.s32 @!p0 $0x13880  }
0xa0: {  	[tilespmem:s13], [sflag:$0x3] =	stream.indirect_vreg.gather @!p0 [hbm4b:s19+s10], $0x80, v3, vm0, $0xb8;
	[tilespmem:$0x1B080] =	vst v63  }
0xa1: {  	s13 =	simm.s32 @!p0 $0x14080  }
0xa2: {  	[tilespmem:s13], [sflag:$0x3] =	stream.indirect_vreg.gather @!p0 [hbm4b:s21+s10], $0x80, v3, vm0, $0xb8;
	[tilespmem:$0x1B080] =	vst v63  }
0xa3: {  	s13 =	simm.s32 @!p0 $0x14880  }
0xa4: {  	[tilespmem:s13], [sflag:$0x3] =	stream.indirect_vreg.gather @!p0 [hbm4b:s22+s10], $0x80, v3, vm0, $0xb8;
	[tilespmem:$0x1B080] =	vst v63  }
0xa5: {  	s13 =	simm.s32 @!p0 $0x15080  }
0xa6: {  	v4 =	vor.u32 @!p0 $0x8, v4;
	[tilespmem:s13], [sflag:$0x3] =	stream.indirect_vreg.gather @!p0 [hbm4b:s23+s10], $0x80, v3, vm0, $0xb8;
	[tilespmem:$0x1B080] =	vst v63  }
0xa7: {  	v2 =	vperm.xlane @!p0 v2, v4;
	s13 =	simm.s32 @!p0 $0x15880  }
0xa8: {  	[tilespmem:s13], [sflag:$0x3] =	stream.indirect_vreg.gather @!p0 [hbm4b:s3+s10], $0x80, v3, vm0, $0xb8;
	[tilespmem:$0x1B080] =	vst v63  }
0xa9: {  	v2 =	vadd.s32 @!p0 v5, v2;
	s13 =	simm.s32 @!p0 $0x16080  }
0xaa: {  	[tilespmem:s13], [sflag:$0x3] =	stream.indirect_vreg.gather @!p0 [hbm4b:s4+s10], $0x80, v3, vm0, $0xb8;
	[tilespmem:$0x1B080] =	vst v63  }
0xab: {  	s13 =	simm.s32 @!p0 $0x16880  }
0xac: {  	[tilespmem:s13], [sflag:$0x3] =	stream.indirect_vreg.gather @!p0 [hbm4b:s28+s10], $0x80, v3, vm0, $0xb8;
	[tilespmem:$0x1B080] =	vst v63  }
0xad: {  	s13 =	simm.s32 @!p0 $0x17080  }
0xae: {  	[tilespmem:s13], [sflag:$0x3] =	stream.indirect_vreg.gather @!p0 [hbm4b:s0+s10], $0x80, v2, vm0, $0xb8;
	[tilespmem:$0x1B080] =	vst v63  }
0xaf: {  	s13 =	simm.s32 @!p0 $0x17880  }
0xb0: {  	[tilespmem:s13], [sflag:$0x3] =	stream.indirect_vreg.gather @!p0 [hbm4b:s19+s10], $0x80, v2, vm0, $0xb8;
	[tilespmem:$0x1B080] =	vst v63  }
0xb1: {  	s13 =	simm.s32 @!p0 $0x18080  }
0xb2: {  	[tilespmem:s13], [sflag:$0x3] =	stream.indirect_vreg.gather @!p0 [hbm4b:s21+s10], $0x80, v2, vm0, $0xb8;
	[tilespmem:$0x1B080] =	vst v63  }
0xb3: {  	s13 =	simm.s32 @!p0 $0x18880  }
0xb4: {  	[tilespmem:s13], [sflag:$0x3] =	stream.indirect_vreg.gather @!p0 [hbm4b:s22+s10], $0x80, v2, vm0, $0xb8;
	[tilespmem:$0x1B080] =	vst v63  }
0xb5: {  	s13 =	simm.s32 @!p0 $0x19080  }
0xb6: {  	[tilespmem:s13], [sflag:$0x3] =	stream.indirect_vreg.gather @!p0 [hbm4b:s23+s10], $0x80, v2, vm0, $0xb8;
	[tilespmem:$0x1B080] =	vst v63  }
0xb7: {  	s13 =	simm.s32 @!p0 $0x19880  }
0xb8: {  	[tilespmem:s13], [sflag:$0x3] =	stream.indirect_vreg.gather @!p0 [hbm4b:s3+s10], $0x80, v2, vm0, $0xb8;
	[tilespmem:$0x1B080] =	vst v63  }
0xb9: {  	s13 =	simm.s32 @!p0 $0x1A080  }
0xba: {  	[tilespmem:s13], [sflag:$0x3] =	stream.indirect_vreg.gather @!p0 [hbm4b:s4+s10], $0x80, v2, vm0, $0xb8;
	[tilespmem:$0x1B080] =	vst v63  }
0xbb: {  	s13 =	simm.s32 @!p0 $0x1A880  }
0xbc: {  	[tilespmem:s13], [sflag:$0x3] =	stream.indirect_vreg.gather @!p0 [hbm4b:s28+s10], $0x80, v2, vm0, $0xb8;
	[tilespmem:$0x1B080] =	vst v63  }
0xbd: {  	s13 =	simm.s32 @!p1 $0x1  }
0xbe: {  	_ =	swait.ge @!p1 [sflag:s13], $0x8000  }
0xbf: {  	[sflag:s13] =	ssyncset.done @!p1 $0x0  }
0xc0: {  	[sflag:s13] =	ssyncadd.s32 @!p1 $0xFFFF8000;
	s13 =	rddreg [dreg:$0x5]  }
0xc1: {  	[hbm4b:s13+s9] =	stream.linear.scatter @!p1 [tilespmem:s12], [sflag:$0x4], $0x8000, $0x38;
	[tilespmem:$0x1B080] =	vst v63  }
0xc2: {  	s9 =	simm.s32 @!p1 $0x4  }
0xc3: {  	_ =	swait.ge @!p1 [sflag:s9], $0x8000  }
0xc4: {  	[sflag:s9] =	ssyncset.done @!p1 $0x0;
	s12 =	rddreg [dreg:$0x6]  }
0xc5: {  	[sflag:s9] =	ssyncadd.s32 @!p1 $0xFFFF8000;
	p1 =	sge.s32 s12, s31  }
0xc6: {  	v2 =	vld @!p1 [tilespmem:s2+$0x1030];
	_ =	sdelay $0x4  }
0xc7: {  	v3 =	vshll.u32 @!p1 v2, $0x4  }
0xc8: {  	v4 =	vlaneseq.u32 @!p1;
	v2 =	vand.u32 @!p1 $0x7, v2;
	v3 =	vand.u32 @!p1 $0xFFFFFF80, v3  }
0xc9: {  	v5 =	vshrl.u32 @!p1 v4, $0x3;
	v2 =	vor.u32 @!p1 v2, v3;
	v3 =	vand.u32 @!p1 $0x7, v4  }
0xca: {  	v5 =	vmul.u32 @!p1 $0x8, v5;
	v3 =	vperm.xlane @!p1 v2, v3;
	_ =	sdelay $0x1  }
0xcb: {  	v3 =	vadd.s32 @!p1 v5, v3;
	_ =	sdelay $0x3  }
0xcc: {  	vm0 =	vmmov @!p1 $0xffff;
	s12 =	simm.s32 @!p1 $0x0;
	s9 =	simm.s32 @!p1 $0x3080  }
0xcd: {  	[tilespmem:s9], [sflag:$0x1] =	stream.indirect_vreg.gather @!p1 [hbm4b:s0+s12], $0x80, v3, vm0, $0xb8;
	[tilespmem:$0x1B080] =	vst v63  }
0xce: {  	s13 =	simm.s32 @!p1 $0x3880  }
0xcf: {  	[tilespmem:s13], [sflag:$0x1] =	stream.indirect_vreg.gather @!p1 [hbm4b:s19+s12], $0x80, v3, vm0, $0xb8;
	[tilespmem:$0x1B080] =	vst v63  }
0xd0: {  	s13 =	simm.s32 @!p1 $0x4080  }
0xd1: {  	[tilespmem:s13], [sflag:$0x1] =	stream.indirect_vreg.gather @!p1 [hbm4b:s21+s12], $0x80, v3, vm0, $0xb8;
	[tilespmem:$0x1B080] =	vst v63  }
0xd2: {  	s13 =	simm.s32 @!p1 $0x4880  }
0xd3: {  	[tilespmem:s13], [sflag:$0x1] =	stream.indirect_vreg.gather @!p1 [hbm4b:s22+s12], $0x80, v3, vm0, $0xb8;
	[tilespmem:$0x1B080] =	vst v63  }
0xd4: {  	s13 =	simm.s32 @!p1 $0x5080  }
0xd5: {  	v4 =	vor.u32 @!p1 $0x8, v4;
	[tilespmem:s13], [sflag:$0x1] =	stream.indirect_vreg.gather @!p1 [hbm4b:s23+s12], $0x80, v3, vm0, $0xb8;
	[tilespmem:$0x1B080] =	vst v63  }
0xd6: {  	v2 =	vperm.xlane @!p1 v2, v4;
	s13 =	simm.s32 @!p1 $0x5880  }
0xd7: {  	[tilespmem:s13], [sflag:$0x1] =	stream.indirect_vreg.gather @!p1 [hbm4b:s3+s12], $0x80, v3, vm0, $0xb8;
	[tilespmem:$0x1B080] =	vst v63  }
0xd8: {  	v2 =	vadd.s32 @!p1 v5, v2;
	s13 =	simm.s32 @!p1 $0x6080  }
0xd9: {  	[tilespmem:s13], [sflag:$0x1] =	stream.indirect_vreg.gather @!p1 [hbm4b:s4+s12], $0x80, v3, vm0, $0xb8;
	[tilespmem:$0x1B080] =	vst v63  }
0xda: {  	s13 =	simm.s32 @!p1 $0x6880  }
0xdb: {  	[tilespmem:s13], [sflag:$0x1] =	stream.indirect_vreg.gather @!p1 [hbm4b:s28+s12], $0x80, v3, vm0, $0xb8;
	[tilespmem:$0x1B080] =	vst v63  }
0xdc: {  	s13 =	simm.s32 @!p1 $0x7080  }
0xdd: {  	[tilespmem:s13], [sflag:$0x1] =	stream.indirect_vreg.gather @!p1 [hbm4b:s0+s12], $0x80, v2, vm0, $0xb8;
	[tilespmem:$0x1B080] =	vst v63  }
0xde: {  	s13 =	simm.s32 @!p1 $0x7880  }
0xdf: {  	[tilespmem:s13], [sflag:$0x1] =	stream.indirect_vreg.gather @!p1 [hbm4b:s19+s12], $0x80, v2, vm0, $0xb8;
	[tilespmem:$0x1B080] =	vst v63  }
0xe0: {  	s13 =	simm.s32 @!p1 $0x8080  }
0xe1: {  	[tilespmem:s13], [sflag:$0x1] =	stream.indirect_vreg.gather @!p1 [hbm4b:s21+s12], $0x80, v2, vm0, $0xb8;
	[tilespmem:$0x1B080] =	vst v63  }
0xe2: {  	s13 =	simm.s32 @!p1 $0x8880  }
0xe3: {  	[tilespmem:s13], [sflag:$0x1] =	stream.indirect_vreg.gather @!p1 [hbm4b:s22+s12], $0x80, v2, vm0, $0xb8;
	[tilespmem:$0x1B080] =	vst v63  }
0xe4: {  	s13 =	simm.s32 @!p1 $0x9080  }
0xe5: {  	[tilespmem:s13], [sflag:$0x1] =	stream.indirect_vreg.gather @!p1 [hbm4b:s23+s12], $0x80, v2, vm0, $0xb8;
	[tilespmem:$0x1B080] =	vst v63  }
0xe6: {  	s13 =	simm.s32 @!p1 $0x9880  }
0xe7: {  	[tilespmem:s13], [sflag:$0x1] =	stream.indirect_vreg.gather @!p1 [hbm4b:s3+s12], $0x80, v2, vm0, $0xb8;
	[tilespmem:$0x1B080] =	vst v63  }
0xe8: {  	s13 =	simm.s32 @!p1 $0xA080  }
0xe9: {  	[tilespmem:s13], [sflag:$0x1] =	stream.indirect_vreg.gather @!p1 [hbm4b:s4+s12], $0x80, v2, vm0, $0xb8;
	[tilespmem:$0x1B080] =	vst v63  }
0xea: {  	s13 =	simm.s32 @!p1 $0xA880  }
0xeb: {  	[tilespmem:s13], [sflag:$0x1] =	stream.indirect_vreg.gather @!p1 [hbm4b:s28+s12], $0x80, v2, vm0, $0xb8;
	[tilespmem:$0x1B080] =	vst v63  }
0xec: {  	s13 =	simm.s32 @!p2 $0x2  }
0xed: {  	_ =	swait.ge @!p2 [sflag:s13], $0x8000  }
0xee: {  	[sflag:s13] =	ssyncset.done @!p2 $0x0  }
0xef: {  	[sflag:s13] =	ssyncadd.s32 @!p2 $0xFFFF8000;
	s13 =	rddreg [dreg:$0x7]  }
0xf0: {  	[hbm4b:s13+s7] =	stream.linear.scatter @!p2 [tilespmem:s11], [sflag:$0x5], $0x8000, $0x38;
	[tilespmem:$0x1B080] =	vst v63  }
0xf1: {  	s7 =	simm.s32 @!p2 $0x5  }
0xf2: {  	_ =	swait.ge @!p2 [sflag:s7], $0x8000  }
0xf3: {  	[sflag:s7] =	ssyncset.done @!p2 $0x0;
	s13 =	rddreg [dreg:$0x8]  }
0xf4: {  	[sflag:s7] =	ssyncadd.s32 @!p2 $0xFFFF8000;
	p2 =	sge.s32 s13, s31  }
0xf5: {  	v2 =	vld @!p2 [tilespmem:s2+$0x1040];
	_ =	sdelay $0x4  }
0xf6: {  	v3 =	vshll.u32 @!p2 v2, $0x4  }
0xf7: {  	v4 =	vlaneseq.u32 @!p2;
	v2 =	vand.u32 @!p2 $0x7, v2;
	v3 =	vand.u32 @!p2 $0xFFFFFF80, v3  }
0xf8: {  	v5 =	vshrl.u32 @!p2 v4, $0x3;
	v2 =	vor.u32 @!p2 v2, v3;
	v3 =	vand.u32 @!p2 $0x7, v4  }
0xf9: {  	v5 =	vmul.u32 @!p2 $0x8, v5;
	v3 =	vperm.xlane @!p2 v2, v3;
	_ =	sdelay $0x1  }
0xfa: {  	v3 =	vadd.s32 @!p2 v5, v3;
	_ =	sdelay $0x3  }
0xfb: {  	vm0 =	vmmov @!p2 $0xffff;
	s7 =	simm.s32 @!p2 $0x0;
	s11 =	simm.s32 @!p2 $0xB080  }
0xfc: {  	[tilespmem:s11], [sflag:$0x2] =	stream.indirect_vreg.gather @!p2 [hbm4b:s0+s7], $0x80, v3, vm0, $0xb8;
	[tilespmem:$0x1B080] =	vst v63  }
0xfd: {  	s13 =	simm.s32 @!p2 $0xB880  }
0xfe: {  	[tilespmem:s13], [sflag:$0x2] =	stream.indirect_vreg.gather @!p2 [hbm4b:s19+s7], $0x80, v3, vm0, $0xb8;
	[tilespmem:$0x1B080] =	vst v63  }
0xff: {  	s13 =	simm.s32 @!p2 $0xC080  }
0x100: {  	[tilespmem:s13], [sflag:$0x2] =	stream.indirect_vreg.gather @!p2 [hbm4b:s21+s7], $0x80, v3, vm0, $0xb8;
	[tilespmem:$0x1B080] =	vst v63  }
0x101: {  	s13 =	simm.s32 @!p2 $0xC880  }
0x102: {  	[tilespmem:s13], [sflag:$0x2] =	stream.indirect_vreg.gather @!p2 [hbm4b:s22+s7], $0x80, v3, vm0, $0xb8;
	[tilespmem:$0x1B080] =	vst v63  }
0x103: {  	s13 =	simm.s32 @!p2 $0xD080  }
0x104: {  	v4 =	vor.u32 @!p2 $0x8, v4;
	[tilespmem:s13], [sflag:$0x2] =	stream.indirect_vreg.gather @!p2 [hbm4b:s23+s7], $0x80, v3, vm0, $0xb8;
	[tilespmem:$0x1B080] =	vst v63  }
0x105: {  	v2 =	vperm.xlane @!p2 v2, v4;
	s13 =	simm.s32 @!p2 $0xD880  }
0x106: {  	[tilespmem:s13], [sflag:$0x2] =	stream.indirect_vreg.gather @!p2 [hbm4b:s3+s7], $0x80, v3, vm0, $0xb8;
	[tilespmem:$0x1B080] =	vst v63  }
0x107: {  	v2 =	vadd.s32 @!p2 v5, v2;
	s13 =	simm.s32 @!p2 $0xE080  }
0x108: {  	[tilespmem:s13], [sflag:$0x2] =	stream.indirect_vreg.gather @!p2 [hbm4b:s4+s7], $0x80, v3, vm0, $0xb8;
	[tilespmem:$0x1B080] =	vst v63  }
0x109: {  	s13 =	simm.s32 @!p2 $0xE880  }
0x10a: {  	[tilespmem:s13], [sflag:$0x2] =	stream.indirect_vreg.gather @!p2 [hbm4b:s28+s7], $0x80, v3, vm0, $0xb8;
	[tilespmem:$0x1B080] =	vst v63  }
0x10b: {  	s13 =	simm.s32 @!p2 $0xF080  }
0x10c: {  	[tilespmem:s13], [sflag:$0x2] =	stream.indirect_vreg.gather @!p2 [hbm4b:s0+s7], $0x80, v2, vm0, $0xb8;
	[tilespmem:$0x1B080] =	vst v63  }
0x10d: {  	s13 =	simm.s32 @!p2 $0xF880  }
0x10e: {  	[tilespmem:s13], [sflag:$0x2] =	stream.indirect_vreg.gather @!p2 [hbm4b:s19+s7], $0x80, v2, vm0, $0xb8;
	[tilespmem:$0x1B080] =	vst v63  }
0x10f: {  	s13 =	simm.s32 @!p2 $0x10080  }
0x110: {  	[tilespmem:s13], [sflag:$0x2] =	stream.indirect_vreg.gather @!p2 [hbm4b:s21+s7], $0x80, v2, vm0, $0xb8;
	[tilespmem:$0x1B080] =	vst v63  }
0x111: {  	s13 =	simm.s32 @!p2 $0x10880  }
0x112: {  	[tilespmem:s13], [sflag:$0x2] =	stream.indirect_vreg.gather @!p2 [hbm4b:s22+s7], $0x80, v2, vm0, $0xb8;
	[tilespmem:$0x1B080] =	vst v63  }
0x113: {  	s13 =	simm.s32 @!p2 $0x11080  }
0x114: {  	[tilespmem:s13], [sflag:$0x2] =	stream.indirect_vreg.gather @!p2 [hbm4b:s23+s7], $0x80, v2, vm0, $0xb8;
	[tilespmem:$0x1B080] =	vst v63  }
0x115: {  	s13 =	simm.s32 @!p2 $0x11880  }
0x116: {  	[tilespmem:s13], [sflag:$0x2] =	stream.indirect_vreg.gather @!p2 [hbm4b:s3+s7], $0x80, v2, vm0, $0xb8;
	[tilespmem:$0x1B080] =	vst v63  }
0x117: {  	s13 =	simm.s32 @!p2 $0x12080  }
0x118: {  	[tilespmem:s13], [sflag:$0x2] =	stream.indirect_vreg.gather @!p2 [hbm4b:s4+s7], $0x80, v2, vm0, $0xb8;
	[tilespmem:$0x1B080] =	vst v63  }
0x119: {  	s13 =	simm.s32 @!p2 $0x12880  }
0x11a: {  	[tilespmem:s13], [sflag:$0x2] =	stream.indirect_vreg.gather @!p2 [hbm4b:s28+s7], $0x80, v2, vm0, $0xb8;
	[tilespmem:$0x1B080] =	vst v63  }
0x11b: {  	s13 =	simm.s32 @!p0 $0x3  }
0x11c: {  	_ =	swait.ge @!p0 [sflag:s13], $0x8000  }
0x11d: {  	[sflag:s13] =	ssyncset.done @!p0 $0x0  }
0x11e: {  	[sflag:s13] =	ssyncadd.s32 @!p0 $0xFFFF8000;
	s13 =	rddreg [dreg:$0x9]  }
0x11f: {  	[hbm4b:s13+s10] =	stream.linear.scatter @!p0 [tilespmem:s14], [sflag:$0x6], $0x8000, $0x38;
	[tilespmem:$0x1B080] =	vst v63  }
0x120: {  	s10 =	simm.s32 @!p0 $0x6  }
0x121: {  	_ =	swait.ge @!p0 [sflag:s10], $0x8000  }
0x122: {  	[sflag:s10] =	ssyncset.done @!p0 $0x0;
	s14 =	rddreg [dreg:$0xa]  }
0x123: {  	[sflag:s10] =	ssyncadd.s32 @!p0 $0xFFFF8000;
	p0 =	sge.s32 s14, s31  }
0x124: {  	v2 =	vld @!p0 [tilespmem:s2+$0x1050];
	_ =	sdelay $0x4  }
0x125: {  	v3 =	vshll.u32 @!p0 v2, $0x4  }
0x126: {  	v4 =	vlaneseq.u32 @!p0;
	v2 =	vand.u32 @!p0 $0x7, v2;
	v3 =	vand.u32 @!p0 $0xFFFFFF80, v3  }
0x127: {  	v5 =	vshrl.u32 @!p0 v4, $0x3;
	v2 =	vor.u32 @!p0 v2, v3;
	v3 =	vand.u32 @!p0 $0x7, v4  }
0x128: {  	v5 =	vmul.u32 @!p0 $0x8, v5;
	v3 =	vperm.xlane @!p0 v2, v3;
	_ =	sdelay $0x1  }
0x129: {  	v3 =	vadd.s32 @!p0 v5, v3;
	_ =	sdelay $0x3  }
0x12a: {  	vm0 =	vmmov @!p0 $0xffff;
	s10 =	simm.s32 @!p0 $0x0;
	s14 =	simm.s32 @!p0 $0x13080  }
0x12b: {  	[tilespmem:s14], [sflag:$0x3] =	stream.indirect_vreg.gather @!p0 [hbm4b:s0+s10], $0x80, v3, vm0, $0xb8;
	[tilespmem:$0x1B080] =	vst v63  }
0x12c: {  	s13 =	simm.s32 @!p0 $0x13880  }
0x12d: {  	[tilespmem:s13], [sflag:$0x3] =	stream.indirect_vreg.gather @!p0 [hbm4b:s19+s10], $0x80, v3, vm0, $0xb8;
	[tilespmem:$0x1B080] =	vst v63  }
0x12e: {  	s13 =	simm.s32 @!p0 $0x14080  }
0x12f: {  	[tilespmem:s13], [sflag:$0x3] =	stream.indirect_vreg.gather @!p0 [hbm4b:s21+s10], $0x80, v3, vm0, $0xb8;
	[tilespmem:$0x1B080] =	vst v63  }
0x130: {  	s13 =	simm.s32 @!p0 $0x14880  }
0x131: {  	[tilespmem:s13], [sflag:$0x3] =	stream.indirect_vreg.gather @!p0 [hbm4b:s22+s10], $0x80, v3, vm0, $0xb8;
	[tilespmem:$0x1B080] =	vst v63  }
0x132: {  	s13 =	simm.s32 @!p0 $0x15080  }
0x133: {  	v4 =	vor.u32 @!p0 $0x8, v4;
	[tilespmem:s13], [sflag:$0x3] =	stream.indirect_vreg.gather @!p0 [hbm4b:s23+s10], $0x80, v3, vm0, $0xb8;
	[tilespmem:$0x1B080] =	vst v63  }
0x134: {  	v2 =	vperm.xlane @!p0 v2, v4;
	s13 =	simm.s32 @!p0 $0x15880  }
0x135: {  	[tilespmem:s13], [sflag:$0x3] =	stream.indirect_vreg.gather @!p0 [hbm4b:s3+s10], $0x80, v3, vm0, $0xb8;
	[tilespmem:$0x1B080] =	vst v63  }
0x136: {  	v2 =	vadd.s32 @!p0 v5, v2;
	s13 =	simm.s32 @!p0 $0x16080  }
0x137: {  	[tilespmem:s13], [sflag:$0x3] =	stream.indirect_vreg.gather @!p0 [hbm4b:s4+s10], $0x80, v3, vm0, $0xb8;
	[tilespmem:$0x1B080] =	vst v63  }
0x138: {  	s13 =	simm.s32 @!p0 $0x16880  }
0x139: {  	[tilespmem:s13], [sflag:$0x3] =	stream.indirect_vreg.gather @!p0 [hbm4b:s28+s10], $0x80, v3, vm0, $0xb8;
	[tilespmem:$0x1B080] =	vst v63  }
0x13a: {  	s13 =	simm.s32 @!p0 $0x17080  }
0x13b: {  	[tilespmem:s13], [sflag:$0x3] =	stream.indirect_vreg.gather @!p0 [hbm4b:s0+s10], $0x80, v2, vm0, $0xb8;
	[tilespmem:$0x1B080] =	vst v63  }
0x13c: {  	s13 =	simm.s32 @!p0 $0x17880  }
0x13d: {  	[tilespmem:s13], [sflag:$0x3] =	stream.indirect_vreg.gather @!p0 [hbm4b:s19+s10], $0x80, v2, vm0, $0xb8;
	[tilespmem:$0x1B080] =	vst v63  }
0x13e: {  	s13 =	simm.s32 @!p0 $0x18080  }
0x13f: {  	[tilespmem:s13], [sflag:$0x3] =	stream.indirect_vreg.gather @!p0 [hbm4b:s21+s10], $0x80, v2, vm0, $0xb8;
	[tilespmem:$0x1B080] =	vst v63  }
0x140: {  	s13 =	simm.s32 @!p0 $0x18880  }
0x141: {  	[tilespmem:s13], [sflag:$0x3] =	stream.indirect_vreg.gather @!p0 [hbm4b:s22+s10], $0x80, v2, vm0, $0xb8;
	[tilespmem:$0x1B080] =	vst v63  }
0x142: {  	s13 =	simm.s32 @!p0 $0x19080  }
0x143: {  	[tilespmem:s13], [sflag:$0x3] =	stream.indirect_vreg.gather @!p0 [hbm4b:s23+s10], $0x80, v2, vm0, $0xb8;
	[tilespmem:$0x1B080] =	vst v63  }
0x144: {  	s13 =	simm.s32 @!p0 $0x19880  }
0x145: {  	[tilespmem:s13], [sflag:$0x3] =	stream.indirect_vreg.gather @!p0 [hbm4b:s3+s10], $0x80, v2, vm0, $0xb8;
	[tilespmem:$0x1B080] =	vst v63  }
0x146: {  	s13 =	simm.s32 @!p0 $0x1A080  }
0x147: {  	[tilespmem:s13], [sflag:$0x3] =	stream.indirect_vreg.gather @!p0 [hbm4b:s4+s10], $0x80, v2, vm0, $0xb8;
	[tilespmem:$0x1B080] =	vst v63  }
0x148: {  	s13 =	simm.s32 @!p0 $0x1A880  }
0x149: {  	[tilespmem:s13], [sflag:$0x3] =	stream.indirect_vreg.gather @!p0 [hbm4b:s28+s10], $0x80, v2, vm0, $0xb8;
	[tilespmem:$0x1B080] =	vst v63  }
0x14a: {  	s13 =	simm.s32 @!p1 $0x1  }
0x14b: {  	_ =	swait.ge @!p1 [sflag:s13], $0x8000  }
0x14c: {  	[sflag:s13] =	ssyncset.done @!p1 $0x0  }
0x14d: {  	[sflag:s13] =	ssyncadd.s32 @!p1 $0xFFFF8000;
	s13 =	rddreg [dreg:$0xb]  }
0x14e: {  	[hbm4b:s13+s12] =	stream.linear.scatter @!p1 [tilespmem:s9], [sflag:$0x4], $0x8000, $0x38;
	[tilespmem:$0x1B080] =	vst v63  }
0x14f: {  	s9 =	simm.s32 @!p1 $0x4  }
0x150: {  	_ =	swait.ge @!p1 [sflag:s9], $0x8000  }
0x151: {  	[sflag:s9] =	ssyncset.done @!p1 $0x0;
	s12 =	rddreg [dreg:$0xc]  }
0x152: {  	[sflag:s9] =	ssyncadd.s32 @!p1 $0xFFFF8000;
	p1 =	sge.s32 s12, s31  }
0x153: {  	v2 =	vld @!p1 [tilespmem:s2+$0x1060];
	_ =	sdelay $0x4  }
0x154: {  	v3 =	vshll.u32 @!p1 v2, $0x4  }
0x155: {  	v4 =	vlaneseq.u32 @!p1;
	v2 =	vand.u32 @!p1 $0x7, v2;
	v3 =	vand.u32 @!p1 $0xFFFFFF80, v3  }
0x156: {  	v5 =	vshrl.u32 @!p1 v4, $0x3;
	v2 =	vor.u32 @!p1 v2, v3;
	v3 =	vand.u32 @!p1 $0x7, v4  }
0x157: {  	v5 =	vmul.u32 @!p1 $0x8, v5;
	v3 =	vperm.xlane @!p1 v2, v3;
	_ =	sdelay $0x1  }
0x158: {  	v3 =	vadd.s32 @!p1 v5, v3;
	_ =	sdelay $0x3  }
0x159: {  	vm0 =	vmmov @!p1 $0xffff;
	s12 =	simm.s32 @!p1 $0x0;
	s9 =	simm.s32 @!p1 $0x3080  }
0x15a: {  	[tilespmem:s9], [sflag:$0x1] =	stream.indirect_vreg.gather @!p1 [hbm4b:s0+s12], $0x80, v3, vm0, $0xb8;
	[tilespmem:$0x1B080] =	vst v63  }
0x15b: {  	s13 =	simm.s32 @!p1 $0x3880  }
0x15c: {  	[tilespmem:s13], [sflag:$0x1] =	stream.indirect_vreg.gather @!p1 [hbm4b:s19+s12], $0x80, v3, vm0, $0xb8;
	[tilespmem:$0x1B080] =	vst v63  }
0x15d: {  	s13 =	simm.s32 @!p1 $0x4080  }
0x15e: {  	[tilespmem:s13], [sflag:$0x1] =	stream.indirect_vreg.gather @!p1 [hbm4b:s21+s12], $0x80, v3, vm0, $0xb8;
	[tilespmem:$0x1B080] =	vst v63  }
0x15f: {  	s13 =	simm.s32 @!p1 $0x4880  }
0x160: {  	[tilespmem:s13], [sflag:$0x1] =	stream.indirect_vreg.gather @!p1 [hbm4b:s22+s12], $0x80, v3, vm0, $0xb8;
	[tilespmem:$0x1B080] =	vst v63  }
0x161: {  	s13 =	simm.s32 @!p1 $0x5080  }
0x162: {  	v4 =	vor.u32 @!p1 $0x8, v4;
	[tilespmem:s13], [sflag:$0x1] =	stream.indirect_vreg.gather @!p1 [hbm4b:s23+s12], $0x80, v3, vm0, $0xb8;
	[tilespmem:$0x1B080] =	vst v63  }
0x163: {  	v2 =	vperm.xlane @!p1 v2, v4;
	s13 =	simm.s32 @!p1 $0x5880  }
0x164: {  	[tilespmem:s13], [sflag:$0x1] =	stream.indirect_vreg.gather @!p1 [hbm4b:s3+s12], $0x80, v3, vm0, $0xb8;
	[tilespmem:$0x1B080] =	vst v63  }
0x165: {  	v2 =	vadd.s32 @!p1 v5, v2;
	s13 =	simm.s32 @!p1 $0x6080  }
0x166: {  	[tilespmem:s13], [sflag:$0x1] =	stream.indirect_vreg.gather @!p1 [hbm4b:s4+s12], $0x80, v3, vm0, $0xb8;
	[tilespmem:$0x1B080] =	vst v63  }
0x167: {  	s13 =	simm.s32 @!p1 $0x6880  }
0x168: {  	[tilespmem:s13], [sflag:$0x1] =	stream.indirect_vreg.gather @!p1 [hbm4b:s28+s12], $0x80, v3, vm0, $0xb8;
	[tilespmem:$0x1B080] =	vst v63  }
0x169: {  	s13 =	simm.s32 @!p1 $0x7080  }
0x16a: {  	[tilespmem:s13], [sflag:$0x1] =	stream.indirect_vreg.gather @!p1 [hbm4b:s0+s12], $0x80, v2, vm0, $0xb8;
	[tilespmem:$0x1B080] =	vst v63  }
0x16b: {  	s13 =	simm.s32 @!p1 $0x7880  }
0x16c: {  	[tilespmem:s13], [sflag:$0x1] =	stream.indirect_vreg.gather @!p1 [hbm4b:s19+s12], $0x80, v2, vm0, $0xb8;
	[tilespmem:$0x1B080] =	vst v63  }
0x16d: {  	s13 =	simm.s32 @!p1 $0x8080  }
0x16e: {  	[tilespmem:s13], [sflag:$0x1] =	stream.indirect_vreg.gather @!p1 [hbm4b:s21+s12], $0x80, v2, vm0, $0xb8;
	[tilespmem:$0x1B080] =	vst v63  }
0x16f: {  	s13 =	simm.s32 @!p1 $0x8880  }
0x170: {  	[tilespmem:s13], [sflag:$0x1] =	stream.indirect_vreg.gather @!p1 [hbm4b:s22+s12], $0x80, v2, vm0, $0xb8;
	[tilespmem:$0x1B080] =	vst v63  }
0x171: {  	s13 =	simm.s32 @!p1 $0x9080  }
0x172: {  	[tilespmem:s13], [sflag:$0x1] =	stream.indirect_vreg.gather @!p1 [hbm4b:s23+s12], $0x80, v2, vm0, $0xb8;
	[tilespmem:$0x1B080] =	vst v63  }
0x173: {  	s13 =	simm.s32 @!p1 $0x9880  }
0x174: {  	[tilespmem:s13], [sflag:$0x1] =	stream.indirect_vreg.gather @!p1 [hbm4b:s3+s12], $0x80, v2, vm0, $0xb8;
	[tilespmem:$0x1B080] =	vst v63  }
0x175: {  	s13 =	simm.s32 @!p1 $0xA080  }
0x176: {  	[tilespmem:s13], [sflag:$0x1] =	stream.indirect_vreg.gather @!p1 [hbm4b:s4+s12], $0x80, v2, vm0, $0xb8;
	[tilespmem:$0x1B080] =	vst v63  }
0x177: {  	s13 =	simm.s32 @!p1 $0xA880  }
0x178: {  	[tilespmem:s13], [sflag:$0x1] =	stream.indirect_vreg.gather @!p1 [hbm4b:s28+s12], $0x80, v2, vm0, $0xb8;
	[tilespmem:$0x1B080] =	vst v63  }
0x179: {  	s13 =	simm.s32 @!p2 $0x2  }
0x17a: {  	_ =	swait.ge @!p2 [sflag:s13], $0x8000  }
0x17b: {  	[sflag:s13] =	ssyncset.done @!p2 $0x0  }
0x17c: {  	[sflag:s13] =	ssyncadd.s32 @!p2 $0xFFFF8000;
	s13 =	rddreg [dreg:$0xd]  }
0x17d: {  	[hbm4b:s13+s7] =	stream.linear.scatter @!p2 [tilespmem:s11], [sflag:$0x5], $0x8000, $0x38;
	[tilespmem:$0x1B080] =	vst v63  }
0x17e: {  	s7 =	simm.s32 @!p2 $0x5  }
0x17f: {  	_ =	swait.ge @!p2 [sflag:s7], $0x8000  }
0x180: {  	[sflag:s7] =	ssyncset.done @!p2 $0x0;
	s13 =	rddreg [dreg:$0xe]  }
0x181: {  	[sflag:s7] =	ssyncadd.s32 @!p2 $0xFFFF8000;
	p2 =	sge.s32 s13, s31  }
0x182: {  	v2 =	vld @!p2 [tilespmem:s2+$0x1070];
	_ =	sdelay $0x4  }
0x183: {  	v3 =	vshll.u32 @!p2 v2, $0x4  }
0x184: {  	v4 =	vlaneseq.u32 @!p2;
	v2 =	vand.u32 @!p2 $0x7, v2;
	v3 =	vand.u32 @!p2 $0xFFFFFF80, v3  }
0x185: {  	v5 =	vshrl.u32 @!p2 v4, $0x3;
	v2 =	vor.u32 @!p2 v2, v3;
	v3 =	vand.u32 @!p2 $0x7, v4  }
0x186: {  	v5 =	vmul.u32 @!p2 $0x8, v5;
	v3 =	vperm.xlane @!p2 v2, v3;
	_ =	sdelay $0x1  }
0x187: {  	v3 =	vadd.s32 @!p2 v5, v3;
	_ =	sdelay $0x3  }
0x188: {  	vm0 =	vmmov @!p2 $0xffff;
	s7 =	simm.s32 @!p2 $0x0;
	s11 =	simm.s32 @!p2 $0xB080  }
0x189: {  	[tilespmem:s11], [sflag:$0x2] =	stream.indirect_vreg.gather @!p2 [hbm4b:s0+s7], $0x80, v3, vm0, $0xb8;
	[tilespmem:$0x1B080] =	vst v63  }
0x18a: {  	s13 =	simm.s32 @!p2 $0xB880  }
0x18b: {  	[tilespmem:s13], [sflag:$0x2] =	stream.indirect_vreg.gather @!p2 [hbm4b:s19+s7], $0x80, v3, vm0, $0xb8;
	[tilespmem:$0x1B080] =	vst v63  }
0x18c: {  	s13 =	simm.s32 @!p2 $0xC080  }
0x18d: {  	[tilespmem:s13], [sflag:$0x2] =	stream.indirect_vreg.gather @!p2 [hbm4b:s21+s7], $0x80, v3, vm0, $0xb8;
	[tilespmem:$0x1B080] =	vst v63  }
0x18e: {  	s13 =	simm.s32 @!p2 $0xC880  }
0x18f: {  	[tilespmem:s13], [sflag:$0x2] =	stream.indirect_vreg.gather @!p2 [hbm4b:s22+s7], $0x80, v3, vm0, $0xb8;
	[tilespmem:$0x1B080] =	vst v63  }
0x190: {  	s13 =	simm.s32 @!p2 $0xD080  }
0x191: {  	v4 =	vor.u32 @!p2 $0x8, v4;
	[tilespmem:s13], [sflag:$0x2] =	stream.indirect_vreg.gather @!p2 [hbm4b:s23+s7], $0x80, v3, vm0, $0xb8;
	[tilespmem:$0x1B080] =	vst v63  }
0x192: {  	v2 =	vperm.xlane @!p2 v2, v4;
	s13 =	simm.s32 @!p2 $0xD880  }
0x193: {  	[tilespmem:s13], [sflag:$0x2] =	stream.indirect_vreg.gather @!p2 [hbm4b:s3+s7], $0x80, v3, vm0, $0xb8;
	[tilespmem:$0x1B080] =	vst v63  }
0x194: {  	v2 =	vadd.s32 @!p2 v5, v2;
	s13 =	simm.s32 @!p2 $0xE080  }
0x195: {  	[tilespmem:s13], [sflag:$0x2] =	stream.indirect_vreg.gather @!p2 [hbm4b:s4+s7], $0x80, v3, vm0, $0xb8;
	[tilespmem:$0x1B080] =	vst v63  }
0x196: {  	s13 =	simm.s32 @!p2 $0xE880  }
0x197: {  	[tilespmem:s13], [sflag:$0x2] =	stream.indirect_vreg.gather @!p2 [hbm4b:s28+s7], $0x80, v3, vm0, $0xb8;
	[tilespmem:$0x1B080] =	vst v63  }
0x198: {  	s13 =	simm.s32 @!p2 $0xF080  }
0x199: {  	[tilespmem:s13], [sflag:$0x2] =	stream.indirect_vreg.gather @!p2 [hbm4b:s0+s7], $0x80, v2, vm0, $0xb8;
	[tilespmem:$0x1B080] =	vst v63  }
0x19a: {  	s13 =	simm.s32 @!p2 $0xF880  }
0x19b: {  	[tilespmem:s13], [sflag:$0x2] =	stream.indirect_vreg.gather @!p2 [hbm4b:s19+s7], $0x80, v2, vm0, $0xb8;
	[tilespmem:$0x1B080] =	vst v63  }
0x19c: {  	s13 =	simm.s32 @!p2 $0x10080  }
0x19d: {  	[tilespmem:s13], [sflag:$0x2] =	stream.indirect_vreg.gather @!p2 [hbm4b:s21+s7], $0x80, v2, vm0, $0xb8;
	[tilespmem:$0x1B080] =	vst v63  }
0x19e: {  	s13 =	simm.s32 @!p2 $0x10880  }
0x19f: {  	[tilespmem:s13], [sflag:$0x2] =	stream.indirect_vreg.gather @!p2 [hbm4b:s22+s7], $0x80, v2, vm0, $0xb8;
	[tilespmem:$0x1B080] =	vst v63  }
0x1a0: {  	s13 =	simm.s32 @!p2 $0x11080  }
0x1a1: {  	[tilespmem:s13], [sflag:$0x2] =	stream.indirect_vreg.gather @!p2 [hbm4b:s23+s7], $0x80, v2, vm0, $0xb8;
	[tilespmem:$0x1B080] =	vst v63  }
0x1a2: {  	s13 =	simm.s32 @!p2 $0x11880  }
0x1a3: {  	[tilespmem:s13], [sflag:$0x2] =	stream.indirect_vreg.gather @!p2 [hbm4b:s3+s7], $0x80, v2, vm0, $0xb8;
	[tilespmem:$0x1B080] =	vst v63  }
0x1a4: {  	s13 =	simm.s32 @!p2 $0x12080  }
0x1a5: {  	[tilespmem:s13], [sflag:$0x2] =	stream.indirect_vreg.gather @!p2 [hbm4b:s4+s7], $0x80, v2, vm0, $0xb8;
	[tilespmem:$0x1B080] =	vst v63  }
0x1a6: {  	s13 =	simm.s32 @!p2 $0x12880  }
0x1a7: {  	[tilespmem:s13], [sflag:$0x2] =	stream.indirect_vreg.gather @!p2 [hbm4b:s28+s7], $0x80, v2, vm0, $0xb8;
	[tilespmem:$0x1B080] =	vst v63  }
0x1a8: {  	s13 =	simm.s32 @!p0 $0x3  }
0x1a9: {  	_ =	swait.ge @!p0 [sflag:s13], $0x8000  }
0x1aa: {  	[sflag:s13] =	ssyncset.done @!p0 $0x0  }
0x1ab: {  	[sflag:s13] =	ssyncadd.s32 @!p0 $0xFFFF8000;
	s13 =	rddreg [dreg:$0xf]  }
0x1ac: {  	[hbm4b:s13+s10] =	stream.linear.scatter @!p0 [tilespmem:s14], [sflag:$0x6], $0x8000, $0x38;
	[tilespmem:$0x1B080] =	vst v63  }
0x1ad: {  	s10 =	simm.s32 @!p0 $0x6  }
0x1ae: {  	_ =	swait.ge @!p0 [sflag:s10], $0x8000  }
0x1af: {  	[sflag:s10] =	ssyncset.done @!p0 $0x0  }
0x1b0: {  	[sflag:s10] =	ssyncadd.s32 @!p0 $0xFFFF8000;
	p0 =	sge.s32 s16, s31  }
0x1b1: {  	v2 =	vld @!p0 [tilespmem:s16+$0x1000];
	_ =	sdelay $0x4  }
0x1b2: {  	v3 =	vshll.u32 @!p0 v2, $0x4  }
0x1b3: {  	v4 =	vlaneseq.u32 @!p0;
	v2 =	vand.u32 @!p0 $0x7, v2;
	v3 =	vand.u32 @!p0 $0xFFFFFF80, v3  }
0x1b4: {  	v5 =	vshrl.u32 @!p0 v4, $0x3;
	v2 =	vor.u32 @!p0 v2, v3;
	v3 =	vand.u32 @!p0 $0x7, v4  }
0x1b5: {  	v5 =	vmul.u32 @!p0 $0x8, v5;
	v3 =	vperm.xlane @!p0 v2, v3;
	_ =	sdelay $0x1  }
0x1b6: {  	v3 =	vadd.s32 @!p0 v5, v3;
	_ =	sdelay $0x3  }
0x1b7: {  	vm0 =	vmmov @!p0 $0xffff;
	s10 =	simm.s32 @!p0 $0x0;
	s14 =	simm.s32 @!p0 $0x13080  }
0x1b8: {  	[tilespmem:s14], [sflag:$0x3] =	stream.indirect_vreg.gather @!p0 [hbm4b:s0+s10], $0x80, v3, vm0, $0xb8;
	[tilespmem:$0x1B080] =	vst v63  }
0x1b9: {  	s13 =	simm.s32 @!p0 $0x13880  }
0x1ba: {  	[tilespmem:s13], [sflag:$0x3] =	stream.indirect_vreg.gather @!p0 [hbm4b:s19+s10], $0x80, v3, vm0, $0xb8;
	[tilespmem:$0x1B080] =	vst v63  }
0x1bb: {  	s13 =	simm.s32 @!p0 $0x14080  }
0x1bc: {  	[tilespmem:s13], [sflag:$0x3] =	stream.indirect_vreg.gather @!p0 [hbm4b:s21+s10], $0x80, v3, vm0, $0xb8;
	[tilespmem:$0x1B080] =	vst v63  }
0x1bd: {  	s13 =	simm.s32 @!p0 $0x14880  }
0x1be: {  	[tilespmem:s13], [sflag:$0x3] =	stream.indirect_vreg.gather @!p0 [hbm4b:s22+s10], $0x80, v3, vm0, $0xb8;
	[tilespmem:$0x1B080] =	vst v63  }
0x1bf: {  	s13 =	simm.s32 @!p0 $0x15080  }
0x1c0: {  	v4 =	vor.u32 @!p0 $0x8, v4;
	[tilespmem:s13], [sflag:$0x3] =	stream.indirect_vreg.gather @!p0 [hbm4b:s23+s10], $0x80, v3, vm0, $0xb8;
	[tilespmem:$0x1B080] =	vst v63  }
0x1c1: {  	v2 =	vperm.xlane @!p0 v2, v4;
	s13 =	simm.s32 @!p0 $0x15880  }
0x1c2: {  	[tilespmem:s13], [sflag:$0x3] =	stream.indirect_vreg.gather @!p0 [hbm4b:s3+s10], $0x80, v3, vm0, $0xb8;
	[tilespmem:$0x1B080] =	vst v63  }
0x1c3: {  	v2 =	vadd.s32 @!p0 v5, v2;
	s13 =	simm.s32 @!p0 $0x16080  }
0x1c4: {  	[tilespmem:s13], [sflag:$0x3] =	stream.indirect_vreg.gather @!p0 [hbm4b:s4+s10], $0x80, v3, vm0, $0xb8;
	[tilespmem:$0x1B080] =	vst v63  }
0x1c5: {  	s13 =	simm.s32 @!p0 $0x16880  }
0x1c6: {  	[tilespmem:s13], [sflag:$0x3] =	stream.indirect_vreg.gather @!p0 [hbm4b:s28+s10], $0x80, v3, vm0, $0xb8;
	[tilespmem:$0x1B080] =	vst v63  }
0x1c7: {  	s13 =	simm.s32 @!p0 $0x17080  }
0x1c8: {  	[tilespmem:s13], [sflag:$0x3] =	stream.indirect_vreg.gather @!p0 [hbm4b:s0+s10], $0x80, v2, vm0, $0xb8;
	[tilespmem:$0x1B080] =	vst v63  }
0x1c9: {  	s13 =	simm.s32 @!p0 $0x17880  }
0x1ca: {  	[tilespmem:s13], [sflag:$0x3] =	stream.indirect_vreg.gather @!p0 [hbm4b:s19+s10], $0x80, v2, vm0, $0xb8;
	[tilespmem:$0x1B080] =	vst v63  }
0x1cb: {  	s13 =	simm.s32 @!p0 $0x18080  }
0x1cc: {  	[tilespmem:s13], [sflag:$0x3] =	stream.indirect_vreg.gather @!p0 [hbm4b:s21+s10], $0x80, v2, vm0, $0xb8;
	[tilespmem:$0x1B080] =	vst v63  }
0x1cd: {  	s13 =	simm.s32 @!p0 $0x18880  }
0x1ce: {  	[tilespmem:s13], [sflag:$0x3] =	stream.indirect_vreg.gather @!p0 [hbm4b:s22+s10], $0x80, v2, vm0, $0xb8;
	[tilespmem:$0x1B080] =	vst v63  }
0x1cf: {  	s13 =	simm.s32 @!p0 $0x19080  }
0x1d0: {  	[tilespmem:s13], [sflag:$0x3] =	stream.indirect_vreg.gather @!p0 [hbm4b:s23+s10], $0x80, v2, vm0, $0xb8;
	[tilespmem:$0x1B080] =	vst v63  }
0x1d1: {  	s13 =	simm.s32 @!p0 $0x19880  }
0x1d2: {  	[tilespmem:s13], [sflag:$0x3] =	stream.indirect_vreg.gather @!p0 [hbm4b:s3+s10], $0x80, v2, vm0, $0xb8;
	[tilespmem:$0x1B080] =	vst v63  }
0x1d3: {  	s13 =	simm.s32 @!p0 $0x1A080  }
0x1d4: {  	[tilespmem:s13], [sflag:$0x3] =	stream.indirect_vreg.gather @!p0 [hbm4b:s4+s10], $0x80, v2, vm0, $0xb8;
	[tilespmem:$0x1B080] =	vst v63  }
0x1d5: {  	s13 =	simm.s32 @!p0 $0x1A880  }
0x1d6: {  	[tilespmem:s13], [sflag:$0x3] =	stream.indirect_vreg.gather @!p0 [hbm4b:s28+s10], $0x80, v2, vm0, $0xb8;
	[tilespmem:$0x1B080] =	vst v63  }
0x1d7: {  	s13 =	simm.s32 @!p1 $0x1  }
0x1d8: {  	_ =	swait.ge @!p1 [sflag:s13], $0x8000  }
0x1d9: {  	[sflag:s13] =	ssyncset.done @!p1 $0x0  }
0x1da: {  	[sflag:s13] =	ssyncadd.s32 @!p1 $0xFFFF8000;
	s13 =	rddreg [dreg:$0x10]  }
0x1db: {  	[hbm4b:s13+s12] =	stream.linear.scatter @!p1 [tilespmem:s9], [sflag:$0x4], $0x8000, $0x38;
	[tilespmem:$0x1B080] =	vst v63  }
0x1dc: {  	s9 =	simm.s32 @!p1 $0x4  }
0x1dd: {  	_ =	swait.ge @!p1 [sflag:s9], $0x8000  }
0x1de: {  	[sflag:s9] =	ssyncset.done @!p1 $0x0  }
0x1df: {  	[sflag:s9] =	ssyncadd.s32 @!p1 $0xFFFF8000;
	p1 =	sge.s32 s18, s31  }
0x1e0: {  	v2 =	vld @!p1 [tilespmem:s18+$0x1000];
	_ =	sdelay $0x4  }
0x1e1: {  	v3 =	vshll.u32 @!p1 v2, $0x4  }
0x1e2: {  	v4 =	vlaneseq.u32 @!p1;
	v2 =	vand.u32 @!p1 $0x7, v2;
	v3 =	vand.u32 @!p1 $0xFFFFFF80, v3  }
0x1e3: {  	v5 =	vshrl.u32 @!p1 v4, $0x3;
	v2 =	vor.u32 @!p1 v2, v3;
	v3 =	vand.u32 @!p1 $0x7, v4  }
0x1e4: {  	v5 =	vmul.u32 @!p1 $0x8, v5;
	v3 =	vperm.xlane @!p1 v2, v3;
	_ =	sdelay $0x1  }
0x1e5: {  	v3 =	vadd.s32 @!p1 v5, v3;
	_ =	sdelay $0x3  }
0x1e6: {  	vm0 =	vmmov @!p1 $0xffff;
	s12 =	simm.s32 @!p1 $0x0;
	s9 =	simm.s32 @!p1 $0x3080  }
0x1e7: {  	[tilespmem:s9], [sflag:$0x1] =	stream.indirect_vreg.gather @!p1 [hbm4b:s0+s12], $0x80, v3, vm0, $0xb8;
	[tilespmem:$0x1B080] =	vst v63  }
0x1e8: {  	s13 =	simm.s32 @!p1 $0x3880  }
0x1e9: {  	[tilespmem:s13], [sflag:$0x1] =	stream.indirect_vreg.gather @!p1 [hbm4b:s19+s12], $0x80, v3, vm0, $0xb8;
	[tilespmem:$0x1B080] =	vst v63  }
0x1ea: {  	s13 =	simm.s32 @!p1 $0x4080  }
0x1eb: {  	[tilespmem:s13], [sflag:$0x1] =	stream.indirect_vreg.gather @!p1 [hbm4b:s21+s12], $0x80, v3, vm0, $0xb8;
	[tilespmem:$0x1B080] =	vst v63  }
0x1ec: {  	s13 =	simm.s32 @!p1 $0x4880  }
0x1ed: {  	[tilespmem:s13], [sflag:$0x1] =	stream.indirect_vreg.gather @!p1 [hbm4b:s22+s12], $0x80, v3, vm0, $0xb8;
	[tilespmem:$0x1B080] =	vst v63  }
0x1ee: {  	s13 =	simm.s32 @!p1 $0x5080  }
0x1ef: {  	v4 =	vor.u32 @!p1 $0x8, v4;
	[tilespmem:s13], [sflag:$0x1] =	stream.indirect_vreg.gather @!p1 [hbm4b:s23+s12], $0x80, v3, vm0, $0xb8;
	[tilespmem:$0x1B080] =	vst v63  }
0x1f0: {  	v2 =	vperm.xlane @!p1 v2, v4;
	s13 =	simm.s32 @!p1 $0x5880  }
0x1f1: {  	[tilespmem:s13], [sflag:$0x1] =	stream.indirect_vreg.gather @!p1 [hbm4b:s3+s12], $0x80, v3, vm0, $0xb8;
	[tilespmem:$0x1B080] =	vst v63  }
0x1f2: {  	v2 =	vadd.s32 @!p1 v5, v2;
	s13 =	simm.s32 @!p1 $0x6080  }
0x1f3: {  	[tilespmem:s13], [sflag:$0x1] =	stream.indirect_vreg.gather @!p1 [hbm4b:s4+s12], $0x80, v3, vm0, $0xb8;
	[tilespmem:$0x1B080] =	vst v63  }
0x1f4: {  	s13 =	simm.s32 @!p1 $0x6880  }
0x1f5: {  	[tilespmem:s13], [sflag:$0x1] =	stream.indirect_vreg.gather @!p1 [hbm4b:s28+s12], $0x80, v3, vm0, $0xb8;
	[tilespmem:$0x1B080] =	vst v63  }
0x1f6: {  	s13 =	simm.s32 @!p1 $0x7080  }
0x1f7: {  	[tilespmem:s13], [sflag:$0x1] =	stream.indirect_vreg.gather @!p1 [hbm4b:s0+s12], $0x80, v2, vm0, $0xb8;
	[tilespmem:$0x1B080] =	vst v63  }
0x1f8: {  	s13 =	simm.s32 @!p1 $0x7880  }
0x1f9: {  	[tilespmem:s13], [sflag:$0x1] =	stream.indirect_vreg.gather @!p1 [hbm4b:s19+s12], $0x80, v2, vm0, $0xb8;
	[tilespmem:$0x1B080] =	vst v63  }
0x1fa: {  	s13 =	simm.s32 @!p1 $0x8080  }
0x1fb: {  	[tilespmem:s13], [sflag:$0x1] =	stream.indirect_vreg.gather @!p1 [hbm4b:s21+s12], $0x80, v2, vm0, $0xb8;
	[tilespmem:$0x1B080] =	vst v63  }
0x1fc: {  	s13 =	simm.s32 @!p1 $0x8880  }
0x1fd: {  	[tilespmem:s13], [sflag:$0x1] =	stream.indirect_vreg.gather @!p1 [hbm4b:s22+s12], $0x80, v2, vm0, $0xb8;
	[tilespmem:$0x1B080] =	vst v63  }
0x1fe: {  	s13 =	simm.s32 @!p1 $0x9080  }
0x1ff: {  	[tilespmem:s13], [sflag:$0x1] =	stream.indirect_vreg.gather @!p1 [hbm4b:s23+s12], $0x80, v2, vm0, $0xb8;
	[tilespmem:$0x1B080] =	vst v63  }
0x200: {  	s13 =	simm.s32 @!p1 $0x9880  }
0x201: {  	[tilespmem:s13], [sflag:$0x1] =	stream.indirect_vreg.gather @!p1 [hbm4b:s3+s12], $0x80, v2, vm0, $0xb8;
	[tilespmem:$0x1B080] =	vst v63  }
0x202: {  	s13 =	simm.s32 @!p1 $0xA080  }
0x203: {  	[tilespmem:s13], [sflag:$0x1] =	stream.indirect_vreg.gather @!p1 [hbm4b:s4+s12], $0x80, v2, vm0, $0xb8;
	[tilespmem:$0x1B080] =	vst v63  }
0x204: {  	s13 =	simm.s32 @!p1 $0xA880  }
0x205: {  	[tilespmem:s13], [sflag:$0x1] =	stream.indirect_vreg.gather @!p1 [hbm4b:s28+s12], $0x80, v2, vm0, $0xb8;
	[tilespmem:$0x1B080] =	vst v63  }
0x206: {  	s13 =	simm.s32 @!p2 $0x2  }
0x207: {  	_ =	swait.ge @!p2 [sflag:s13], $0x8000  }
0x208: {  	[sflag:s13] =	ssyncset.done @!p2 $0x0  }
0x209: {  	[sflag:s13] =	ssyncadd.s32 @!p2 $0xFFFF8000;
	s13 =	rddreg [dreg:$0x11]  }
0x20a: {  	[hbm4b:s13+s7] =	stream.linear.scatter @!p2 [tilespmem:s11], [sflag:$0x5], $0x8000, $0x38;
	[tilespmem:$0x1B080] =	vst v63  }
0x20b: {  	s7 =	simm.s32 @!p2 $0x5  }
0x20c: {  	_ =	swait.ge @!p2 [sflag:s7], $0x8000  }
0x20d: {  	[sflag:s7] =	ssyncset.done @!p2 $0x0  }
0x20e: {  	[sflag:s7] =	ssyncadd.s32 @!p2 $0xFFFF8000;
	p2 =	sge.s32 s20, s31  }
0x20f: {  	v2 =	vld @!p2 [tilespmem:s20+$0x1000];
	_ =	sdelay $0x4  }
0x210: {  	v3 =	vshll.u32 @!p2 v2, $0x4  }
0x211: {  	v4 =	vlaneseq.u32 @!p2;
	v2 =	vand.u32 @!p2 $0x7, v2;
	v3 =	vand.u32 @!p2 $0xFFFFFF80, v3  }
0x212: {  	v5 =	vshrl.u32 @!p2 v4, $0x3;
	v2 =	vor.u32 @!p2 v2, v3;
	v3 =	vand.u32 @!p2 $0x7, v4  }
0x213: {  	v5 =	vmul.u32 @!p2 $0x8, v5;
	v3 =	vperm.xlane @!p2 v2, v3;
	_ =	sdelay $0x1  }
0x214: {  	v3 =	vadd.s32 @!p2 v5, v3;
	_ =	sdelay $0x3  }
0x215: {  	vm0 =	vmmov @!p2 $0xffff;
	s7 =	simm.s32 @!p2 $0x0;
	s11 =	simm.s32 @!p2 $0xB080  }
0x216: {  	[tilespmem:s11], [sflag:$0x2] =	stream.indirect_vreg.gather @!p2 [hbm4b:s0+s7], $0x80, v3, vm0, $0xb8;
	[tilespmem:$0x1B080] =	vst v63  }
0x217: {  	s13 =	simm.s32 @!p2 $0xB880  }
0x218: {  	[tilespmem:s13], [sflag:$0x2] =	stream.indirect_vreg.gather @!p2 [hbm4b:s19+s7], $0x80, v3, vm0, $0xb8;
	[tilespmem:$0x1B080] =	vst v63  }
0x219: {  	s13 =	simm.s32 @!p2 $0xC080  }
0x21a: {  	[tilespmem:s13], [sflag:$0x2] =	stream.indirect_vreg.gather @!p2 [hbm4b:s21+s7], $0x80, v3, vm0, $0xb8;
	[tilespmem:$0x1B080] =	vst v63  }
0x21b: {  	s13 =	simm.s32 @!p2 $0xC880  }
0x21c: {  	[tilespmem:s13], [sflag:$0x2] =	stream.indirect_vreg.gather @!p2 [hbm4b:s22+s7], $0x80, v3, vm0, $0xb8;
	[tilespmem:$0x1B080] =	vst v63  }
0x21d: {  	s13 =	simm.s32 @!p2 $0xD080  }
0x21e: {  	v4 =	vor.u32 @!p2 $0x8, v4;
	[tilespmem:s13], [sflag:$0x2] =	stream.indirect_vreg.gather @!p2 [hbm4b:s23+s7], $0x80, v3, vm0, $0xb8;
	[tilespmem:$0x1B080] =	vst v63  }
0x21f: {  	v2 =	vperm.xlane @!p2 v2, v4;
	s13 =	simm.s32 @!p2 $0xD880  }
0x220: {  	[tilespmem:s13], [sflag:$0x2] =	stream.indirect_vreg.gather @!p2 [hbm4b:s3+s7], $0x80, v3, vm0, $0xb8;
	[tilespmem:$0x1B080] =	vst v63  }
0x221: {  	v2 =	vadd.s32 @!p2 v5, v2;
	s13 =	simm.s32 @!p2 $0xE080  }
0x222: {  	[tilespmem:s13], [sflag:$0x2] =	stream.indirect_vreg.gather @!p2 [hbm4b:s4+s7], $0x80, v3, vm0, $0xb8;
	[tilespmem:$0x1B080] =	vst v63  }
0x223: {  	s13 =	simm.s32 @!p2 $0xE880  }
0x224: {  	[tilespmem:s13], [sflag:$0x2] =	stream.indirect_vreg.gather @!p2 [hbm4b:s28+s7], $0x80, v3, vm0, $0xb8;
	[tilespmem:$0x1B080] =	vst v63  }
0x225: {  	s13 =	simm.s32 @!p2 $0xF080  }
0x226: {  	[tilespmem:s13], [sflag:$0x2] =	stream.indirect_vreg.gather @!p2 [hbm4b:s0+s7], $0x80, v2, vm0, $0xb8;
	[tilespmem:$0x1B080] =	vst v63  }
0x227: {  	s13 =	simm.s32 @!p2 $0xF880  }
0x228: {  	[tilespmem:s13], [sflag:$0x2] =	stream.indirect_vreg.gather @!p2 [hbm4b:s19+s7], $0x80, v2, vm0, $0xb8;
	[tilespmem:$0x1B080] =	vst v63  }
0x229: {  	s13 =	simm.s32 @!p2 $0x10080  }
0x22a: {  	[tilespmem:s13], [sflag:$0x2] =	stream.indirect_vreg.gather @!p2 [hbm4b:s21+s7], $0x80, v2, vm0, $0xb8;
	[tilespmem:$0x1B080] =	vst v63  }
0x22b: {  	s13 =	simm.s32 @!p2 $0x10880  }
0x22c: {  	[tilespmem:s13], [sflag:$0x2] =	stream.indirect_vreg.gather @!p2 [hbm4b:s22+s7], $0x80, v2, vm0, $0xb8;
	[tilespmem:$0x1B080] =	vst v63  }
0x22d: {  	s13 =	simm.s32 @!p2 $0x11080  }
0x22e: {  	[tilespmem:s13], [sflag:$0x2] =	stream.indirect_vreg.gather @!p2 [hbm4b:s23+s7], $0x80, v2, vm0, $0xb8;
	[tilespmem:$0x1B080] =	vst v63  }
0x22f: {  	s13 =	simm.s32 @!p2 $0x11880  }
0x230: {  	[tilespmem:s13], [sflag:$0x2] =	stream.indirect_vreg.gather @!p2 [hbm4b:s3+s7], $0x80, v2, vm0, $0xb8;
	[tilespmem:$0x1B080] =	vst v63  }
0x231: {  	s13 =	simm.s32 @!p2 $0x12080  }
0x232: {  	[tilespmem:s13], [sflag:$0x2] =	stream.indirect_vreg.gather @!p2 [hbm4b:s4+s7], $0x80, v2, vm0, $0xb8;
	[tilespmem:$0x1B080] =	vst v63  }
0x233: {  	s13 =	simm.s32 @!p2 $0x12880  }
0x234: {  	[tilespmem:s13], [sflag:$0x2] =	stream.indirect_vreg.gather @!p2 [hbm4b:s28+s7], $0x80, v2, vm0, $0xb8;
	[tilespmem:$0x1B080] =	vst v63  }
0x235: {  	s13 =	simm.s32 @!p0 $0x3  }
0x236: {  	_ =	swait.ge @!p0 [sflag:s13], $0x8000  }
0x237: {  	[sflag:s13] =	ssyncset.done @!p0 $0x0  }
0x238: {  	[sflag:s13] =	ssyncadd.s32 @!p0 $0xFFFF8000;
	s13 =	rddreg [dreg:$0x12]  }
0x239: {  	[hbm4b:s13+s10] =	stream.linear.scatter @!p0 [tilespmem:s14], [sflag:$0x6], $0x8000, $0x38;
	[tilespmem:$0x1B080] =	vst v63  }
0x23a: {  	s10 =	simm.s32 @!p0 $0x6  }
0x23b: {  	_ =	swait.ge @!p0 [sflag:s10], $0x8000  }
0x23c: {  	[sflag:s10] =	ssyncset.done @!p0 $0x0  }
0x23d: {  	p3 =	sge.s32 s24, s31;
	[sflag:s10] =	ssyncadd.s32 @!p0 $0xFFFF8000  }
0x23e: {  	v2 =	vld @!p3 [tilespmem:s24+$0x1000];
	_ =	sdelay $0x4  }
0x23f: {  	v3 =	vshll.u32 @!p3 v2, $0x4  }
0x240: {  	v4 =	vlaneseq.u32 @!p3;
	v2 =	vand.u32 @!p3 $0x7, v2;
	v3 =	vand.u32 @!p3 $0xFFFFFF80, v3  }
0x241: {  	v5 =	vshrl.u32 @!p3 v4, $0x3;
	v2 =	vor.u32 @!p3 v2, v3;
	v3 =	vand.u32 @!p3 $0x7, v4  }
0x242: {  	v5 =	vmul.u32 @!p3 $0x8, v5;
	v3 =	vperm.xlane @!p3 v2, v3;
	_ =	sdelay $0x1  }
0x243: {  	v3 =	vadd.s32 @!p3 v5, v3;
	_ =	sdelay $0x3  }
0x244: {  	vm0 =	vmmov @!p3 $0xffff;
	s14 =	simm.s32 @!p3 $0x13080;
	s10 =	simm.s32 @!p3 $0x0  }
0x245: {  	[tilespmem:s14], [sflag:$0x3] =	stream.indirect_vreg.gather @!p3 [hbm4b:s0+s10], $0x80, v3, vm0, $0xb8;
	[tilespmem:$0x1B080] =	vst v63  }
0x246: {  	s13 =	simm.s32 @!p3 $0x13880  }
0x247: {  	[tilespmem:s13], [sflag:$0x3] =	stream.indirect_vreg.gather @!p3 [hbm4b:s19+s10], $0x80, v3, vm0, $0xb8;
	[tilespmem:$0x1B080] =	vst v63  }
0x248: {  	s13 =	simm.s32 @!p3 $0x14080  }
0x249: {  	[tilespmem:s13], [sflag:$0x3] =	stream.indirect_vreg.gather @!p3 [hbm4b:s21+s10], $0x80, v3, vm0, $0xb8;
	[tilespmem:$0x1B080] =	vst v63  }
0x24a: {  	s13 =	simm.s32 @!p3 $0x14880  }
0x24b: {  	[tilespmem:s13], [sflag:$0x3] =	stream.indirect_vreg.gather @!p3 [hbm4b:s22+s10], $0x80, v3, vm0, $0xb8;
	[tilespmem:$0x1B080] =	vst v63  }
0x24c: {  	s13 =	simm.s32 @!p3 $0x15080  }
0x24d: {  	v4 =	vor.u32 @!p3 $0x8, v4;
	[tilespmem:s13], [sflag:$0x3] =	stream.indirect_vreg.gather @!p3 [hbm4b:s23+s10], $0x80, v3, vm0, $0xb8;
	[tilespmem:$0x1B080] =	vst v63  }
0x24e: {  	v2 =	vperm.xlane @!p3 v2, v4;
	s13 =	simm.s32 @!p3 $0x15880  }
0x24f: {  	[tilespmem:s13], [sflag:$0x3] =	stream.indirect_vreg.gather @!p3 [hbm4b:s3+s10], $0x80, v3, vm0, $0xb8;
	[tilespmem:$0x1B080] =	vst v63  }
0x250: {  	v2 =	vadd.s32 @!p3 v5, v2;
	s13 =	simm.s32 @!p3 $0x16080  }
0x251: {  	[tilespmem:s13], [sflag:$0x3] =	stream.indirect_vreg.gather @!p3 [hbm4b:s4+s10], $0x80, v3, vm0, $0xb8;
	[tilespmem:$0x1B080] =	vst v63  }
0x252: {  	s13 =	simm.s32 @!p3 $0x16880  }
0x253: {  	[tilespmem:s13], [sflag:$0x3] =	stream.indirect_vreg.gather @!p3 [hbm4b:s28+s10], $0x80, v3, vm0, $0xb8;
	[tilespmem:$0x1B080] =	vst v63  }
0x254: {  	s13 =	simm.s32 @!p3 $0x17080  }
0x255: {  	[tilespmem:s13], [sflag:$0x3] =	stream.indirect_vreg.gather @!p3 [hbm4b:s0+s10], $0x80, v2, vm0, $0xb8;
	[tilespmem:$0x1B080] =	vst v63  }
0x256: {  	s13 =	simm.s32 @!p3 $0x17880  }
0x257: {  	[tilespmem:s13], [sflag:$0x3] =	stream.indirect_vreg.gather @!p3 [hbm4b:s19+s10], $0x80, v2, vm0, $0xb8;
	[tilespmem:$0x1B080] =	vst v63  }
0x258: {  	s13 =	simm.s32 @!p3 $0x18080  }
0x259: {  	[tilespmem:s13], [sflag:$0x3] =	stream.indirect_vreg.gather @!p3 [hbm4b:s21+s10], $0x80, v2, vm0, $0xb8;
	[tilespmem:$0x1B080] =	vst v63  }
0x25a: {  	s13 =	simm.s32 @!p3 $0x18880  }
0x25b: {  	[tilespmem:s13], [sflag:$0x3] =	stream.indirect_vreg.gather @!p3 [hbm4b:s22+s10], $0x80, v2, vm0, $0xb8;
	[tilespmem:$0x1B080] =	vst v63  }
0x25c: {  	s13 =	simm.s32 @!p3 $0x19080  }
0x25d: {  	[tilespmem:s13], [sflag:$0x3] =	stream.indirect_vreg.gather @!p3 [hbm4b:s23+s10], $0x80, v2, vm0, $0xb8;
	[tilespmem:$0x1B080] =	vst v63  }
0x25e: {  	s13 =	simm.s32 @!p3 $0x19880  }
0x25f: {  	[tilespmem:s13], [sflag:$0x3] =	stream.indirect_vreg.gather @!p3 [hbm4b:s3+s10], $0x80, v2, vm0, $0xb8;
	[tilespmem:$0x1B080] =	vst v63  }
0x260: {  	s13 =	simm.s32 @!p3 $0x1A080  }
0x261: {  	[tilespmem:s13], [sflag:$0x3] =	stream.indirect_vreg.gather @!p3 [hbm4b:s4+s10], $0x80, v2, vm0, $0xb8;
	[tilespmem:$0x1B080] =	vst v63  }
0x262: {  	s13 =	simm.s32 @!p3 $0x1A880  }
0x263: {  	[tilespmem:s13], [sflag:$0x3] =	stream.indirect_vreg.gather @!p3 [hbm4b:s28+s10], $0x80, v2, vm0, $0xb8;
	[tilespmem:$0x1B080] =	vst v63  }
0x264: {  	s13 =	simm.s32 @!p1 $0x1  }
0x265: {  	_ =	swait.ge @!p1 [sflag:s13], $0x8000  }
0x266: {  	[sflag:s13] =	ssyncset.done @!p1 $0x0  }
0x267: {  	[sflag:s13] =	ssyncadd.s32 @!p1 $0xFFFF8000;
	s13 =	rddreg [dreg:$0x13]  }
0x268: {  	[hbm4b:s13+s12] =	stream.linear.scatter @!p1 [tilespmem:s9], [sflag:$0x4], $0x8000, $0x38;
	[tilespmem:$0x1B080] =	vst v63  }
0x269: {  	s9 =	simm.s32 @!p1 $0x4  }
0x26a: {  	_ =	swait.ge @!p1 [sflag:s9], $0x8000  }
0x26b: {  	[sflag:s9] =	ssyncset.done @!p1 $0x0  }
0x26c: {  	[sflag:s9] =	ssyncadd.s32 @!p1 $0xFFFF8000;
	p1 =	sge.s32 s25, s31  }
0x26d: {  	v2 =	vld @!p1 [tilespmem:s25+$0x1000];
	_ =	sdelay $0x4  }
0x26e: {  	v3 =	vshll.u32 @!p1 v2, $0x4  }
0x26f: {  	v4 =	vlaneseq.u32 @!p1;
	v2 =	vand.u32 @!p1 $0x7, v2;
	v3 =	vand.u32 @!p1 $0xFFFFFF80, v3  }
0x270: {  	v5 =	vshrl.u32 @!p1 v4, $0x3;
	v2 =	vor.u32 @!p1 v2, v3;
	v3 =	vand.u32 @!p1 $0x7, v4  }
0x271: {  	v5 =	vmul.u32 @!p1 $0x8, v5;
	v3 =	vperm.xlane @!p1 v2, v3;
	_ =	sdelay $0x1  }
0x272: {  	v3 =	vadd.s32 @!p1 v5, v3;
	_ =	sdelay $0x3  }
0x273: {  	vm0 =	vmmov @!p1 $0xffff;
	s12 =	simm.s32 @!p1 $0x0;
	s9 =	simm.s32 @!p1 $0x3080  }
0x274: {  	[tilespmem:s9], [sflag:$0x1] =	stream.indirect_vreg.gather @!p1 [hbm4b:s0+s12], $0x80, v3, vm0, $0xb8;
	[tilespmem:$0x1B080] =	vst v63  }
0x275: {  	s13 =	simm.s32 @!p1 $0x3880  }
0x276: {  	[tilespmem:s13], [sflag:$0x1] =	stream.indirect_vreg.gather @!p1 [hbm4b:s19+s12], $0x80, v3, vm0, $0xb8;
	[tilespmem:$0x1B080] =	vst v63  }
0x277: {  	s13 =	simm.s32 @!p1 $0x4080  }
0x278: {  	[tilespmem:s13], [sflag:$0x1] =	stream.indirect_vreg.gather @!p1 [hbm4b:s21+s12], $0x80, v3, vm0, $0xb8;
	[tilespmem:$0x1B080] =	vst v63  }
0x279: {  	s13 =	simm.s32 @!p1 $0x4880  }
0x27a: {  	[tilespmem:s13], [sflag:$0x1] =	stream.indirect_vreg.gather @!p1 [hbm4b:s22+s12], $0x80, v3, vm0, $0xb8;
	[tilespmem:$0x1B080] =	vst v63  }
0x27b: {  	s13 =	simm.s32 @!p1 $0x5080  }
0x27c: {  	v4 =	vor.u32 @!p1 $0x8, v4;
	[tilespmem:s13], [sflag:$0x1] =	stream.indirect_vreg.gather @!p1 [hbm4b:s23+s12], $0x80, v3, vm0, $0xb8;
	[tilespmem:$0x1B080] =	vst v63  }
0x27d: {  	v2 =	vperm.xlane @!p1 v2, v4;
	s13 =	simm.s32 @!p1 $0x5880  }
0x27e: {  	[tilespmem:s13], [sflag:$0x1] =	stream.indirect_vreg.gather @!p1 [hbm4b:s3+s12], $0x80, v3, vm0, $0xb8;
	[tilespmem:$0x1B080] =	vst v63  }
0x27f: {  	v2 =	vadd.s32 @!p1 v5, v2;
	s13 =	simm.s32 @!p1 $0x6080  }
0x280: {  	[tilespmem:s13], [sflag:$0x1] =	stream.indirect_vreg.gather @!p1 [hbm4b:s4+s12], $0x80, v3, vm0, $0xb8;
	[tilespmem:$0x1B080] =	vst v63  }
0x281: {  	s13 =	simm.s32 @!p1 $0x6880  }
0x282: {  	[tilespmem:s13], [sflag:$0x1] =	stream.indirect_vreg.gather @!p1 [hbm4b:s28+s12], $0x80, v3, vm0, $0xb8;
	[tilespmem:$0x1B080] =	vst v63  }
0x283: {  	s13 =	simm.s32 @!p1 $0x7080  }
0x284: {  	[tilespmem:s13], [sflag:$0x1] =	stream.indirect_vreg.gather @!p1 [hbm4b:s0+s12], $0x80, v2, vm0, $0xb8;
	[tilespmem:$0x1B080] =	vst v63  }
0x285: {  	s13 =	simm.s32 @!p1 $0x7880  }
0x286: {  	[tilespmem:s13], [sflag:$0x1] =	stream.indirect_vreg.gather @!p1 [hbm4b:s19+s12], $0x80, v2, vm0, $0xb8;
	[tilespmem:$0x1B080] =	vst v63  }
0x287: {  	s13 =	simm.s32 @!p1 $0x8080  }
0x288: {  	[tilespmem:s13], [sflag:$0x1] =	stream.indirect_vreg.gather @!p1 [hbm4b:s21+s12], $0x80, v2, vm0, $0xb8;
	[tilespmem:$0x1B080] =	vst v63  }
0x289: {  	s13 =	simm.s32 @!p1 $0x8880  }
0x28a: {  	[tilespmem:s13], [sflag:$0x1] =	stream.indirect_vreg.gather @!p1 [hbm4b:s22+s12], $0x80, v2, vm0, $0xb8;
	[tilespmem:$0x1B080] =	vst v63  }
0x28b: {  	s13 =	simm.s32 @!p1 $0x9080  }
0x28c: {  	[tilespmem:s13], [sflag:$0x1] =	stream.indirect_vreg.gather @!p1 [hbm4b:s23+s12], $0x80, v2, vm0, $0xb8;
	[tilespmem:$0x1B080] =	vst v63  }
0x28d: {  	s13 =	simm.s32 @!p1 $0x9880  }
0x28e: {  	[tilespmem:s13], [sflag:$0x1] =	stream.indirect_vreg.gather @!p1 [hbm4b:s3+s12], $0x80, v2, vm0, $0xb8;
	[tilespmem:$0x1B080] =	vst v63  }
0x28f: {  	s13 =	simm.s32 @!p1 $0xA080  }
0x290: {  	[tilespmem:s13], [sflag:$0x1] =	stream.indirect_vreg.gather @!p1 [hbm4b:s4+s12], $0x80, v2, vm0, $0xb8;
	[tilespmem:$0x1B080] =	vst v63  }
0x291: {  	s13 =	simm.s32 @!p1 $0xA880  }
0x292: {  	[tilespmem:s13], [sflag:$0x1] =	stream.indirect_vreg.gather @!p1 [hbm4b:s28+s12], $0x80, v2, vm0, $0xb8;
	[tilespmem:$0x1B080] =	vst v63  }
0x293: {  	s13 =	simm.s32 @!p2 $0x2  }
0x294: {  	_ =	swait.ge @!p2 [sflag:s13], $0x8000  }
0x295: {  	[sflag:s13] =	ssyncset.done @!p2 $0x0  }
0x296: {  	[sflag:s13] =	ssyncadd.s32 @!p2 $0xFFFF8000;
	s13 =	rddreg [dreg:$0x14]  }
0x297: {  	[hbm4b:s13+s7] =	stream.linear.scatter @!p2 [tilespmem:s11], [sflag:$0x5], $0x8000, $0x38;
	[tilespmem:$0x1B080] =	vst v63  }
0x298: {  	s7 =	simm.s32 @!p2 $0x5  }
0x299: {  	_ =	swait.ge @!p2 [sflag:s7], $0x8000  }
0x29a: {  	[sflag:s7] =	ssyncset.done @!p2 $0x0  }
0x29b: {  	p0 =	sge.s32 s26, s31;
	[sflag:s7] =	ssyncadd.s32 @!p2 $0xFFFF8000  }
0x29c: {  	v2 =	vld @!p0 [tilespmem:s26+$0x1000];
	_ =	sdelay $0x4  }
0x29d: {  	v3 =	vshll.u32 @!p0 v2, $0x4  }
0x29e: {  	v4 =	vlaneseq.u32 @!p0;
	v2 =	vand.u32 @!p0 $0x7, v2;
	v3 =	vand.u32 @!p0 $0xFFFFFF80, v3  }
0x29f: {  	v5 =	vshrl.u32 @!p0 v4, $0x3;
	v2 =	vor.u32 @!p0 v2, v3;
	v3 =	vand.u32 @!p0 $0x7, v4  }
0x2a0: {  	v5 =	vmul.u32 @!p0 $0x8, v5;
	v3 =	vperm.xlane @!p0 v2, v3;
	_ =	sdelay $0x1  }
0x2a1: {  	v3 =	vadd.s32 @!p0 v5, v3;
	_ =	sdelay $0x3  }
0x2a2: {  	vm0 =	vmmov @!p0 $0xffff;
	s11 =	simm.s32 @!p0 $0xB080;
	s7 =	simm.s32 @!p0 $0x0  }
0x2a3: {  	[tilespmem:s11], [sflag:$0x2] =	stream.indirect_vreg.gather @!p0 [hbm4b:s0+s7], $0x80, v3, vm0, $0xb8;
	[tilespmem:$0x1B080] =	vst v63  }
0x2a4: {  	s13 =	simm.s32 @!p0 $0xB880  }
0x2a5: {  	[tilespmem:s13], [sflag:$0x2] =	stream.indirect_vreg.gather @!p0 [hbm4b:s19+s7], $0x80, v3, vm0, $0xb8;
	[tilespmem:$0x1B080] =	vst v63  }
0x2a6: {  	s13 =	simm.s32 @!p0 $0xC080  }
0x2a7: {  	[tilespmem:s13], [sflag:$0x2] =	stream.indirect_vreg.gather @!p0 [hbm4b:s21+s7], $0x80, v3, vm0, $0xb8;
	[tilespmem:$0x1B080] =	vst v63  }
0x2a8: {  	s13 =	simm.s32 @!p0 $0xC880  }
0x2a9: {  	[tilespmem:s13], [sflag:$0x2] =	stream.indirect_vreg.gather @!p0 [hbm4b:s22+s7], $0x80, v3, vm0, $0xb8;
	[tilespmem:$0x1B080] =	vst v63  }
0x2aa: {  	s13 =	simm.s32 @!p0 $0xD080  }
0x2ab: {  	v4 =	vor.u32 @!p0 $0x8, v4;
	[tilespmem:s13], [sflag:$0x2] =	stream.indirect_vreg.gather @!p0 [hbm4b:s23+s7], $0x80, v3, vm0, $0xb8;
	[tilespmem:$0x1B080] =	vst v63  }
0x2ac: {  	v2 =	vperm.xlane @!p0 v2, v4;
	s13 =	simm.s32 @!p0 $0xD880  }
0x2ad: {  	[tilespmem:s13], [sflag:$0x2] =	stream.indirect_vreg.gather @!p0 [hbm4b:s3+s7], $0x80, v3, vm0, $0xb8;
	[tilespmem:$0x1B080] =	vst v63  }
0x2ae: {  	v2 =	vadd.s32 @!p0 v5, v2;
	s13 =	simm.s32 @!p0 $0xE080  }
0x2af: {  	[tilespmem:s13], [sflag:$0x2] =	stream.indirect_vreg.gather @!p0 [hbm4b:s4+s7], $0x80, v3, vm0, $0xb8;
	[tilespmem:$0x1B080] =	vst v63  }
0x2b0: {  	s13 =	simm.s32 @!p0 $0xE880  }
0x2b1: {  	[tilespmem:s13], [sflag:$0x2] =	stream.indirect_vreg.gather @!p0 [hbm4b:s28+s7], $0x80, v3, vm0, $0xb8;
	[tilespmem:$0x1B080] =	vst v63  }
0x2b2: {  	s13 =	simm.s32 @!p0 $0xF080  }
0x2b3: {  	[tilespmem:s13], [sflag:$0x2] =	stream.indirect_vreg.gather @!p0 [hbm4b:s0+s7], $0x80, v2, vm0, $0xb8;
	[tilespmem:$0x1B080] =	vst v63  }
0x2b4: {  	s13 =	simm.s32 @!p0 $0xF880  }
0x2b5: {  	[tilespmem:s13], [sflag:$0x2] =	stream.indirect_vreg.gather @!p0 [hbm4b:s19+s7], $0x80, v2, vm0, $0xb8;
	[tilespmem:$0x1B080] =	vst v63  }
0x2b6: {  	s13 =	simm.s32 @!p0 $0x10080  }
0x2b7: {  	[tilespmem:s13], [sflag:$0x2] =	stream.indirect_vreg.gather @!p0 [hbm4b:s21+s7], $0x80, v2, vm0, $0xb8;
	[tilespmem:$0x1B080] =	vst v63  }
0x2b8: {  	s13 =	simm.s32 @!p0 $0x10880  }
0x2b9: {  	[tilespmem:s13], [sflag:$0x2] =	stream.indirect_vreg.gather @!p0 [hbm4b:s22+s7], $0x80, v2, vm0, $0xb8;
	[tilespmem:$0x1B080] =	vst v63  }
0x2ba: {  	s13 =	simm.s32 @!p0 $0x11080  }
0x2bb: {  	[tilespmem:s13], [sflag:$0x2] =	stream.indirect_vreg.gather @!p0 [hbm4b:s23+s7], $0x80, v2, vm0, $0xb8;
	[tilespmem:$0x1B080] =	vst v63  }
0x2bc: {  	s13 =	simm.s32 @!p0 $0x11880  }
0x2bd: {  	[tilespmem:s13], [sflag:$0x2] =	stream.indirect_vreg.gather @!p0 [hbm4b:s3+s7], $0x80, v2, vm0, $0xb8;
	[tilespmem:$0x1B080] =	vst v63  }
0x2be: {  	s13 =	simm.s32 @!p0 $0x12080  }
0x2bf: {  	[tilespmem:s13], [sflag:$0x2] =	stream.indirect_vreg.gather @!p0 [hbm4b:s4+s7], $0x80, v2, vm0, $0xb8;
	[tilespmem:$0x1B080] =	vst v63  }
0x2c0: {  	s13 =	simm.s32 @!p0 $0x12880  }
0x2c1: {  	[tilespmem:s13], [sflag:$0x2] =	stream.indirect_vreg.gather @!p0 [hbm4b:s28+s7], $0x80, v2, vm0, $0xb8;
	[tilespmem:$0x1B080] =	vst v63  }
0x2c2: {  	s13 =	simm.s32 @!p3 $0x3  }
0x2c3: {  	_ =	swait.ge @!p3 [sflag:s13], $0x8000  }
0x2c4: {  	[sflag:s13] =	ssyncset.done @!p3 $0x0  }
0x2c5: {  	[sflag:s13] =	ssyncadd.s32 @!p3 $0xFFFF8000;
	s13 =	rddreg [dreg:$0x15]  }
0x2c6: {  	[hbm4b:s13+s10] =	stream.linear.scatter @!p3 [tilespmem:s14], [sflag:$0x6], $0x8000, $0x38;
	[tilespmem:$0x1B080] =	vst v63  }
0x2c7: {  	s10 =	simm.s32 @!p3 $0x6  }
0x2c8: {  	_ =	swait.ge @!p3 [sflag:s10], $0x8000  }
0x2c9: {  	[sflag:s10] =	ssyncset.done @!p3 $0x0  }
0x2ca: {  	p2 =	sge.s32 s30, s31;
	[sflag:s10] =	ssyncadd.s32 @!p3 $0xFFFF8000  }
0x2cb: {  	v2 =	vld @!p2 [tilespmem:s30+$0x1000];
	_ =	sdelay $0x4  }
0x2cc: {  	v3 =	vshll.u32 @!p2 v2, $0x4  }
0x2cd: {  	v4 =	vlaneseq.u32 @!p2;
	v2 =	vand.u32 @!p2 $0x7, v2;
	v3 =	vand.u32 @!p2 $0xFFFFFF80, v3  }
0x2ce: {  	v5 =	vshrl.u32 @!p2 v4, $0x3;
	v2 =	vor.u32 @!p2 v2, v3;
	v3 =	vand.u32 @!p2 $0x7, v4  }
0x2cf: {  	v5 =	vmul.u32 @!p2 $0x8, v5;
	v3 =	vperm.xlane @!p2 v2, v3;
	_ =	sdelay $0x1  }
0x2d0: {  	v3 =	vadd.s32 @!p2 v5, v3;
	_ =	sdelay $0x3  }
0x2d1: {  	vm0 =	vmmov @!p2 $0xffff;
	s14 =	simm.s32 @!p2 $0x13080;
	s10 =	simm.s32 @!p2 $0x0  }
0x2d2: {  	[tilespmem:s14], [sflag:$0x3] =	stream.indirect_vreg.gather @!p2 [hbm4b:s0+s10], $0x80, v3, vm0, $0xb8;
	[tilespmem:$0x1B080] =	vst v63  }
0x2d3: {  	s13 =	simm.s32 @!p2 $0x13880  }
0x2d4: {  	[tilespmem:s13], [sflag:$0x3] =	stream.indirect_vreg.gather @!p2 [hbm4b:s19+s10], $0x80, v3, vm0, $0xb8;
	[tilespmem:$0x1B080] =	vst v63  }
0x2d5: {  	s13 =	simm.s32 @!p2 $0x14080  }
0x2d6: {  	[tilespmem:s13], [sflag:$0x3] =	stream.indirect_vreg.gather @!p2 [hbm4b:s21+s10], $0x80, v3, vm0, $0xb8;
	[tilespmem:$0x1B080] =	vst v63  }
0x2d7: {  	s13 =	simm.s32 @!p2 $0x14880  }
0x2d8: {  	[tilespmem:s13], [sflag:$0x3] =	stream.indirect_vreg.gather @!p2 [hbm4b:s22+s10], $0x80, v3, vm0, $0xb8;
	[tilespmem:$0x1B080] =	vst v63  }
0x2d9: {  	s13 =	simm.s32 @!p2 $0x15080  }
0x2da: {  	v4 =	vor.u32 @!p2 $0x8, v4;
	[tilespmem:s13], [sflag:$0x3] =	stream.indirect_vreg.gather @!p2 [hbm4b:s23+s10], $0x80, v3, vm0, $0xb8;
	[tilespmem:$0x1B080] =	vst v63  }
0x2db: {  	v2 =	vperm.xlane @!p2 v2, v4;
	s13 =	simm.s32 @!p2 $0x15880  }
0x2dc: {  	[tilespmem:s13], [sflag:$0x3] =	stream.indirect_vreg.gather @!p2 [hbm4b:s3+s10], $0x80, v3, vm0, $0xb8;
	[tilespmem:$0x1B080] =	vst v63  }
0x2dd: {  	v2 =	vadd.s32 @!p2 v5, v2;
	s13 =	simm.s32 @!p2 $0x16080  }
0x2de: {  	[tilespmem:s13], [sflag:$0x3] =	stream.indirect_vreg.gather @!p2 [hbm4b:s4+s10], $0x80, v3, vm0, $0xb8;
	[tilespmem:$0x1B080] =	vst v63  }
0x2df: {  	s13 =	simm.s32 @!p2 $0x16880  }
0x2e0: {  	[tilespmem:s13], [sflag:$0x3] =	stream.indirect_vreg.gather @!p2 [hbm4b:s28+s10], $0x80, v3, vm0, $0xb8;
	[tilespmem:$0x1B080] =	vst v63  }
0x2e1: {  	s13 =	simm.s32 @!p2 $0x17080  }
0x2e2: {  	[tilespmem:s13], [sflag:$0x3] =	stream.indirect_vreg.gather @!p2 [hbm4b:s0+s10], $0x80, v2, vm0, $0xb8;
	[tilespmem:$0x1B080] =	vst v63  }
0x2e3: {  	s13 =	simm.s32 @!p2 $0x17880  }
0x2e4: {  	[tilespmem:s13], [sflag:$0x3] =	stream.indirect_vreg.gather @!p2 [hbm4b:s19+s10], $0x80, v2, vm0, $0xb8;
	[tilespmem:$0x1B080] =	vst v63  }
0x2e5: {  	s13 =	simm.s32 @!p2 $0x18080  }
0x2e6: {  	[tilespmem:s13], [sflag:$0x3] =	stream.indirect_vreg.gather @!p2 [hbm4b:s21+s10], $0x80, v2, vm0, $0xb8;
	[tilespmem:$0x1B080] =	vst v63  }
0x2e7: {  	s13 =	simm.s32 @!p2 $0x18880  }
0x2e8: {  	[tilespmem:s13], [sflag:$0x3] =	stream.indirect_vreg.gather @!p2 [hbm4b:s22+s10], $0x80, v2, vm0, $0xb8;
	[tilespmem:$0x1B080] =	vst v63  }
0x2e9: {  	s13 =	simm.s32 @!p2 $0x19080  }
0x2ea: {  	[tilespmem:s13], [sflag:$0x3] =	stream.indirect_vreg.gather @!p2 [hbm4b:s23+s10], $0x80, v2, vm0, $0xb8;
	[tilespmem:$0x1B080] =	vst v63  }
0x2eb: {  	s13 =	simm.s32 @!p2 $0x19880  }
0x2ec: {  	[tilespmem:s13], [sflag:$0x3] =	stream.indirect_vreg.gather @!p2 [hbm4b:s3+s10], $0x80, v2, vm0, $0xb8;
	[tilespmem:$0x1B080] =	vst v63  }
0x2ed: {  	s13 =	simm.s32 @!p2 $0x1A080  }
0x2ee: {  	[tilespmem:s13], [sflag:$0x3] =	stream.indirect_vreg.gather @!p2 [hbm4b:s4+s10], $0x80, v2, vm0, $0xb8;
	[tilespmem:$0x1B080] =	vst v63  }
0x2ef: {  	s13 =	simm.s32 @!p2 $0x1A880  }
0x2f0: {  	[tilespmem:s13], [sflag:$0x3] =	stream.indirect_vreg.gather @!p2 [hbm4b:s28+s10], $0x80, v2, vm0, $0xb8;
	[tilespmem:$0x1B080] =	vst v63  }
0x2f1: {  	s13 =	simm.s32 @!p1 $0x1  }
0x2f2: {  	_ =	swait.ge @!p1 [sflag:s13], $0x8000  }
0x2f3: {  	[sflag:s13] =	ssyncset.done @!p1 $0x0  }
0x2f4: {  	[sflag:s13] =	ssyncadd.s32 @!p1 $0xFFFF8000;
	s13 =	rddreg [dreg:$0x16]  }
0x2f5: {  	[hbm4b:s13+s12] =	stream.linear.scatter @!p1 [tilespmem:s9], [sflag:$0x4], $0x8000, $0x38;
	[tilespmem:$0x1B080] =	vst v63  }
0x2f6: {  	s9 =	simm.s32 @!p1 $0x4  }
0x2f7: {  	_ =	swait.ge @!p1 [sflag:s9], $0x8000  }
0x2f8: {  	[sflag:s9] =	ssyncset.done @!p1 $0x0  }
0x2f9: {  	[sflag:s9] =	ssyncadd.s32 @!p1 $0xFFFF8000;
	p1 =	sge.s32 s5, s31  }
0x2fa: {  	v2 =	vld @!p1 [tilespmem:s5+$0x1000];
	_ =	sdelay $0x4  }
0x2fb: {  	v3 =	vshll.u32 @!p1 v2, $0x4  }
0x2fc: {  	v4 =	vlaneseq.u32 @!p1;
	v2 =	vand.u32 @!p1 $0x7, v2;
	v3 =	vand.u32 @!p1 $0xFFFFFF80, v3  }
0x2fd: {  	v5 =	vshrl.u32 @!p1 v4, $0x3;
	v2 =	vor.u32 @!p1 v2, v3;
	v3 =	vand.u32 @!p1 $0x7, v4  }
0x2fe: {  	v5 =	vmul.u32 @!p1 $0x8, v5;
	v3 =	vperm.xlane @!p1 v2, v3;
	_ =	sdelay $0x1  }
0x2ff: {  	v3 =	vadd.s32 @!p1 v5, v3;
	_ =	sdelay $0x3  }
0x300: {  	vm0 =	vmmov @!p1 $0xffff;
	s9 =	simm.s32 @!p1 $0x0;
	s12 =	simm.s32 @!p1 $0x3080  }
0x301: {  	[tilespmem:s12], [sflag:$0x1] =	stream.indirect_vreg.gather @!p1 [hbm4b:s0+s9], $0x80, v3, vm0, $0xb8;
	[tilespmem:$0x1B080] =	vst v63  }
0x302: {  	s13 =	simm.s32 @!p1 $0x3880  }
0x303: {  	[tilespmem:s13], [sflag:$0x1] =	stream.indirect_vreg.gather @!p1 [hbm4b:s19+s9], $0x80, v3, vm0, $0xb8;
	[tilespmem:$0x1B080] =	vst v63  }
0x304: {  	s13 =	simm.s32 @!p1 $0x4080  }
0x305: {  	[tilespmem:s13], [sflag:$0x1] =	stream.indirect_vreg.gather @!p1 [hbm4b:s21+s9], $0x80, v3, vm0, $0xb8;
	[tilespmem:$0x1B080] =	vst v63  }
0x306: {  	s13 =	simm.s32 @!p1 $0x4880  }
0x307: {  	[tilespmem:s13], [sflag:$0x1] =	stream.indirect_vreg.gather @!p1 [hbm4b:s22+s9], $0x80, v3, vm0, $0xb8;
	[tilespmem:$0x1B080] =	vst v63  }
0x308: {  	s13 =	simm.s32 @!p1 $0x5080  }
0x309: {  	v4 =	vor.u32 @!p1 $0x8, v4;
	[tilespmem:s13], [sflag:$0x1] =	stream.indirect_vreg.gather @!p1 [hbm4b:s23+s9], $0x80, v3, vm0, $0xb8;
	[tilespmem:$0x1B080] =	vst v63  }
0x30a: {  	v2 =	vperm.xlane @!p1 v2, v4;
	s13 =	simm.s32 @!p1 $0x5880  }
0x30b: {  	[tilespmem:s13], [sflag:$0x1] =	stream.indirect_vreg.gather @!p1 [hbm4b:s3+s9], $0x80, v3, vm0, $0xb8;
	[tilespmem:$0x1B080] =	vst v63  }
0x30c: {  	v2 =	vadd.s32 @!p1 v5, v2;
	s13 =	simm.s32 @!p1 $0x6080  }
0x30d: {  	[tilespmem:s13], [sflag:$0x1] =	stream.indirect_vreg.gather @!p1 [hbm4b:s4+s9], $0x80, v3, vm0, $0xb8;
	[tilespmem:$0x1B080] =	vst v63  }
0x30e: {  	s13 =	simm.s32 @!p1 $0x6880  }
0x30f: {  	[tilespmem:s13], [sflag:$0x1] =	stream.indirect_vreg.gather @!p1 [hbm4b:s28+s9], $0x80, v3, vm0, $0xb8;
	[tilespmem:$0x1B080] =	vst v63  }
0x310: {  	s13 =	simm.s32 @!p1 $0x7080  }
0x311: {  	[tilespmem:s13], [sflag:$0x1] =	stream.indirect_vreg.gather @!p1 [hbm4b:s0+s9], $0x80, v2, vm0, $0xb8;
	[tilespmem:$0x1B080] =	vst v63  }
0x312: {  	s13 =	simm.s32 @!p1 $0x7880  }
0x313: {  	[tilespmem:s13], [sflag:$0x1] =	stream.indirect_vreg.gather @!p1 [hbm4b:s19+s9], $0x80, v2, vm0, $0xb8;
	[tilespmem:$0x1B080] =	vst v63  }
0x314: {  	s13 =	simm.s32 @!p1 $0x8080  }
0x315: {  	[tilespmem:s13], [sflag:$0x1] =	stream.indirect_vreg.gather @!p1 [hbm4b:s21+s9], $0x80, v2, vm0, $0xb8;
	[tilespmem:$0x1B080] =	vst v63  }
0x316: {  	s13 =	simm.s32 @!p1 $0x8880  }
0x317: {  	[tilespmem:s13], [sflag:$0x1] =	stream.indirect_vreg.gather @!p1 [hbm4b:s22+s9], $0x80, v2, vm0, $0xb8;
	[tilespmem:$0x1B080] =	vst v63  }
0x318: {  	s13 =	simm.s32 @!p1 $0x9080  }
0x319: {  	[tilespmem:s13], [sflag:$0x1] =	stream.indirect_vreg.gather @!p1 [hbm4b:s23+s9], $0x80, v2, vm0, $0xb8;
	[tilespmem:$0x1B080] =	vst v63  }
0x31a: {  	s13 =	simm.s32 @!p1 $0x9880  }
0x31b: {  	[tilespmem:s13], [sflag:$0x1] =	stream.indirect_vreg.gather @!p1 [hbm4b:s3+s9], $0x80, v2, vm0, $0xb8;
	[tilespmem:$0x1B080] =	vst v63  }
0x31c: {  	s13 =	simm.s32 @!p1 $0xA080  }
0x31d: {  	[tilespmem:s13], [sflag:$0x1] =	stream.indirect_vreg.gather @!p1 [hbm4b:s4+s9], $0x80, v2, vm0, $0xb8;
	[tilespmem:$0x1B080] =	vst v63  }
0x31e: {  	s13 =	simm.s32 @!p1 $0xA880  }
0x31f: {  	[tilespmem:s13], [sflag:$0x1] =	stream.indirect_vreg.gather @!p1 [hbm4b:s28+s9], $0x80, v2, vm0, $0xb8;
	[tilespmem:$0x1B080] =	vst v63  }
0x320: {  	s13 =	simm.s32 @!p0 $0x2  }
0x321: {  	_ =	swait.ge @!p0 [sflag:s13], $0x8000  }
0x322: {  	[sflag:s13] =	ssyncset.done @!p0 $0x0  }
0x323: {  	[sflag:s13] =	ssyncadd.s32 @!p0 $0xFFFF8000;
	s13 =	rddreg [dreg:$0x17]  }
0x324: {  	[hbm4b:s13+s7] =	stream.linear.scatter @!p0 [tilespmem:s11], [sflag:$0x5], $0x8000, $0x38;
	[tilespmem:$0x1B080] =	vst v63  }
0x325: {  	s7 =	simm.s32 @!p2 $0x3  }
0x326: {  	_ =	swait.ge @!p2 [sflag:s7], $0x8000  }
0x327: {  	[sflag:s7] =	ssyncset.done @!p2 $0x0  }
0x328: {  	[sflag:s7] =	ssyncadd.s32 @!p2 $0xFFFF8000;
	s7 =	rddreg [dreg:$0x18]  }
0x329: {  	[hbm4b:s7+s10] =	stream.linear.scatter @!p2 [tilespmem:s14], [sflag:$0x6], $0x8000, $0x38;
	[tilespmem:$0x1B080] =	vst v63  }
0x32a: {  	s7 =	simm.s32 @!p1 $0x1  }
0x32b: {  	_ =	swait.ge @!p1 [sflag:s7], $0x8000  }
0x32c: {  	[sflag:s7] =	ssyncset.done @!p1 $0x0  }
0x32d: {  	[sflag:s7] =	ssyncadd.s32 @!p1 $0xFFFF8000;
	s7 =	rddreg [dreg:$0x19]  }
0x32e: {  	[hbm4b:s7+s9] =	stream.linear.scatter @!p1 [tilespmem:s12], [sflag:$0x4], $0x8000, $0x38;
	[tilespmem:$0x1B080] =	vst v63  }
0x32f: {  	s7 =	simm.s32 @!p0 $0x5  }
0x330: {  	_ =	swait.ge @!p0 [sflag:s7], $0x8000  }
0x331: {  	[sflag:s7] =	ssyncset.done @!p0 $0x0  }
0x332: {  	s8 =	sadd.s32 $0x1, s8;
	[sflag:s7] =	ssyncadd.s32 @!p0 $0xFFFF8000;
	s7 =	simm.s32 @!p2 $0x6  }
0x333: {  	p0 =	sne.s32 s8, s17;
	_ =	swait.ge @!p2 [sflag:s7], $0x8000  }
.Ltmp3:
0x334: {  	[sflag:s7] =	ssyncset.done @!p2 $0x0;
	(pc) =	sbr.rel @p0 .LBB2_1-.Ltmp3, $4  }
0x335: {  	[sflag:s7] =	ssyncadd.s32 @!p2 $0xFFFF8000;
	s7 =	simm.s32 @!p1 $0x4  }
0x336: {  	_ =	swait.ge @!p1 [sflag:s7], $0x8000  }
0x337: {  	[sflag:s7] =	ssyncset.done @!p1 $0x0  }
0x338: {  	[sflag:s7] =	ssyncadd.s32 @!p1 $0xFFFF8000  }
0x339: {  	_ =	sfence.sel $0x180000  }
0x33a: {  	[bflag:$0x0] =	sbarrier.arrive $0xFFFF  }
0x33b: {  	_ =	strace $0x90000047  }
0x33c: {  	s0 =	stileid.u32;
	[bflag:$0x2] =	sbarrier.arrive $0xFFFF  }
0x33d: {  	p0 =	sne.s32 s0, $0x0;
	s0 =	rddreg [dreg:$0x2]  }
0x33e: {  	s0 =	sadd.s32 @!p0 $0x100000, s0  }
0x33f: {  	[sflag:s0] =	ssyncadd.tile.s32 @!p0 $0x1;
	_ =	shalt  }
.Lfunc_end2:
_tile_overlayer_lowered:
.L_overlay_start_2:
0x340: {  	(tag) =	ssettag $0x2  }
0x341: {  	s0 =	rddreg [dreg:$0x0];
	s2 =	stileid.u32  }
0x342: {  	s1 =	rddreg [dreg:$0x1];
	p0 =	sne.s32 s2, $0x0  }
0x343: {  	s3 =	rddreg [dreg:$0x2];
	[bflag:$0x3] =	sbarrier.arrive $0xFFFF;
	s2 =	simm.s32 @!p0 $0x1C07  }
0x344: {  	[timem:s3], [sflag:s2] =	dma.local @!p0 [hbm:s0], s1  }
0x345: {  	s0 =	simm.s32 @!p0 $0x7  }
0x346: {  	_ =	swait.ge @!p0 [sflag:s0], s1  }
0x347: {  	s1 =	ssub.s32 @!p0 $0x0, s1;
	[sflag:s0] =	ssyncset.done @!p0 $0x0  }
0x348: {  	[sflag:s0] =	ssyncadd.s32 @!p0 s1  }
0x349: {  	[bflag:$0x3] =	sbarrier.arrive $0xFFFF  }
0x34a: {  	_ =	shalt  }

// kernel: kernel.13.cloned.1.call-start
scs
__scs_entry_jumppad:
0x0: {  	(pc) =	sbr.rel $0x88, $3  }
0x1: {  	(tag) =	ssettag $0x0;
	lr =	simm.s32 $0x1  }
0x2: {  	[smem:$0x3F98] =	sst lr;
	_ =	strace $0xD0000000  }
0x3: {  	_ = 	snop  }
0x4: {  	_ = 	snop  }
0x5: {  	_ = 	snop  }
0x6: {  	_ = 	snop  }
0x7: {  	_ = 	snop  }
__scs_overlays_trampoline_lowered:
0x8: {  	[smem:$0x3FA7] =	sst s0  }
0x9: {  	[smem:$0x3FA8] =	sst s1  }
0xa: {  	[smem:$0x3FA9] =	sst s2  }
0xb: {  	[smem:$0x3FAA] =	sst s3  }
0xc: {  	[smem:$0x3FAB] =	sst s4  }
0xd: {  	[smem:$0x3FAC] =	sst s5  }
0xe: {  	[smem:$0x3FAD] =	sst s6  }
0xf: {  	[smem:$0x3FAE] =	sst s7  }
0x10: {  	[smem:$0x3FAF] =	sst s8  }
0x11: {  	[smem:$0x3FB0] =	sst s9;
	s0 =	simm.s32 @!p0 $0x0  }
0x12: {  	s1 =	sld [smem:$0x3F96];
	s0 =	simm.s32 @p0 $0x1  }
0x13: {  	[smem:$0x3FB1] =	sst s0;
	s0 =	simm.s32 @!p1 $0x0  }
0x14: {  	s2 =	sld [smem:$0x3F95];
	s0 =	simm.s32 @p1 $0x1  }
0x15: {  	[smem:$0x3FB2] =	sst s0;
	s0 =	simm.s32 @!p2 $0x0  }
0x16: {  	s3 =	sld [smem:$0x3FDB];
	s0 =	simm.s32 @p2 $0x1  }
0x17: {  	s4 =	simm.s32 $0x1BF5;
	[smem:$0x3FB4] =	sst s0  }
0x18: {  	s0 =	sld [smem:$0x3F97];
	_ =	swait.ge [sflag:s4], $0x0  }
0x19: {  	s7 =	sld [smem:$0x3F98]  }
0x1a: {  	s8 =	sadd.s32 $0xFFFFE003, lr  }
0x1b: {  	s9 =	sadd.s32 $0xFFFFFEF7, lr;
	s5 =	simm.s32 $0xFFFFFFFF;
	p2 =	slt.u32 s8, $0xFFFFF086  }
0x1c: {  	p1 =	slt.u32 s9, $0xF7A;
	s5 =	simm.s32 @!p2 $0x0  }
0x1d: {  	s5 =	simm.s32 @p1 $0x1;
	p0 =	seq.s32 s7, s2  }
0x1e: {  	s7 =	smul.u32 @!p0 $0xF7A, s2;
	p2 =	seq.s32 @!p0 s5, $0x0  }
0x1f: {  	s9 =	smul.u32 $0xF7A, s1;
	s8 =	simm.s32 @!p0 $0x1BF5;
	p2 =	por !p2, p0  }
0x20: {  	[sflag:s8] =	ssyncset.s32 @!p0 $0xFFFFF086;
	s6 =	sadd.s32 @!p0 s3, s7;
	s7 =	simm.s32 @!p0 $0x108  }
0x21: {  	s3 =	sadd.s32 s3, s9;
	s6 =	sadd.s32 @!p0 $0x88, s6;
	s7 =	simm.s32 @p2 $0x1082  }
0x22: {  	[simem:s7], [sflag:s8] =	dma.local @!p0 [hbm:s6], $0xF7A  }
0x23: {  	s9 =	sor.u32 $0xD0000000, s2;
	s6 =	simm.s32 $0x108;
	_ =	swait.ge @!p0 [sflag:s8], $0x0  }
0x24: {  	s3 =	sadd.s32 $0x88, s3;
	s6 =	simm.s32 @!p1 $0x1082;
	[sflag:s4] =	ssyncset.s32 $0xFFFFF086  }
0x25: {  	[simem:s6], [sflag:s4] =	dma.local [hbm:s3], $0xF7A  }
0x26: {  	[smem:$0x3F98] =	sst s1;
	(tag) =	ssettag s2;
	_ =	strace s9  }
0x27: {  	s1 =	sld [smem:$0x3FA8]  }
0x28: {  	s2 =	sld [smem:$0x3FA9]  }
0x29: {  	s4 =	sld [smem:$0x3FAB]  }
0x2a: {  	p0 =	seq.s32 s5, $0x0;
	s5 =	sld [smem:$0x3FAC]  }
0x2b: {  	s6 =	sld [smem:$0x3FAD]  }
0x2c: {  	s7 =	sld [smem:$0x3FAE]  }
0x2d: {  	s3 =	simm.s32 $0x108;
	s8 =	sld [smem:$0x3FAF]  }
0x2e: {  	s3 =	simm.s32 @!p0 $0x1082;
	s9 =	sld [smem:$0x3FB0]  }
0x2f: {  	lr =	sadd.s32 s0, s3;
	s0 =	sld [smem:$0x3FA7]  }
0x30: {  	s3 =	sld [smem:$0x3FAA]  }
0x31: {  	[smem:$0x3FB3] =	sst s10  }
0x32: {  	s10 =	sld [smem:$0x3FB1];
	_ =	sdelay $0x3  }
0x33: {  	p0 =	seq.s32 s10, $0x1;
	s10 =	sld [smem:$0x3FB3];
	_ =	sdelay $0x3  }
0x34: {  	[smem:$0x3FB3] =	sst s10  }
0x35: {  	s10 =	sld [smem:$0x3FB2];
	_ =	sdelay $0x3  }
0x36: {  	p1 =	seq.s32 s10, $0x1;
	s10 =	sld [smem:$0x3FB3];
	_ =	sdelay $0x3  }
0x37: {  	[smem:$0x3FB3] =	sst s10  }
0x38: {  	s10 =	sld [smem:$0x3FB4]  }
0x39: {  	_ = 	snop;
	(pc) =	sbr.ind lr, $3  }
0x3a: {  	_ = 	snop  }
0x3b: {  	_ = 	snop  }
0x3c: {  	p2 =	seq.s32 s10, $0x1;
	s10 =	sld [smem:$0x3FB3]  }
0x3d: {  	_ =	shalt  }
0x3e: {  	_ =	shalt  }
0x3f: {  	_ =	shalt  }
0x40: {  	_ =	shalt  }
0x41: {  	_ =	shalt  }
0x42: {  	_ =	shalt  }
0x43: {  	_ =	shalt  }
0x44: {  	_ =	shalt  }
0x45: {  	_ =	shalt  }
0x46: {  	_ =	shalt  }
0x47: {  	_ =	shalt  }
0x48: {  	_ =	shalt  }
0x49: {  	_ =	shalt  }
0x4a: {  	_ =	shalt  }
0x4b: {  	_ =	shalt  }
0x4c: {  	_ =	shalt  }
0x4d: {  	_ =	shalt  }
0x4e: {  	_ =	shalt  }
0x4f: {  	_ =	shalt  }
0x50: {  	_ =	shalt  }
0x51: {  	_ =	shalt  }
0x52: {  	_ =	shalt  }
0x53: {  	_ =	shalt  }
0x54: {  	_ =	shalt  }
0x55: {  	_ =	shalt  }
0x56: {  	_ =	shalt  }
0x57: {  	_ =	shalt  }
0x58: {  	_ =	shalt  }
0x59: {  	_ =	shalt  }
0x5a: {  	_ =	shalt  }
0x5b: {  	_ =	shalt  }
0x5c: {  	_ =	shalt  }
0x5d: {  	_ =	shalt  }
0x5e: {  	_ =	shalt  }
0x5f: {  	_ =	shalt  }
0x60: {  	_ =	shalt  }
0x61: {  	_ =	shalt  }
0x62: {  	_ =	shalt  }
0x63: {  	_ =	shalt  }
0x64: {  	_ =	shalt  }
0x65: {  	_ =	shalt  }
0x66: {  	_ =	shalt  }
0x67: {  	_ =	shalt  }
0x68: {  	_ =	shalt  }
0x69: {  	_ =	shalt  }
0x6a: {  	_ =	shalt  }
0x6b: {  	_ =	shalt  }
0x6c: {  	_ =	shalt  }
0x6d: {  	_ =	shalt  }
0x6e: {  	_ =	shalt  }
0x6f: {  	_ =	shalt  }
0x70: {  	_ =	shalt  }
0x71: {  	_ =	shalt  }
0x72: {  	_ =	shalt  }
0x73: {  	_ =	shalt  }
0x74: {  	_ =	shalt  }
0x75: {  	_ =	shalt  }
0x76: {  	_ =	shalt  }
0x77: {  	_ =	shalt  }
0x78: {  	_ =	shalt  }
0x79: {  	_ =	shalt  }
0x7a: {  	_ =	shalt  }
0x7b: {  	_ =	shalt  }
0x7c: {  	_ =	shalt  }
0x7d: {  	_ =	shalt  }
0x7e: {  	_ =	shalt  }
0x7f: {  	_ =	shalt  }
0x80: {  	_ =	shalt  }
0x81: {  	_ =	shalt  }
0x82: {  	_ =	shalt  }
0x83: {  	_ =	shalt  }
0x84: {  	_ =	shalt  }
0x85: {  	_ =	shalt  }
0x86: {  	_ =	shalt  }
0x87: {  	_ =	shalt  }
.Lfunc_end0:
.L_simem_size_0:
called_computation.1_lowered:
.L_overlay_start_0:
0x88: {  	s2 =	sld [smem:$0x3FD9]  }
0x89: {  	s3 =	sld [smem:$0x3FFE];
	_ =	sdelay $0x1  }
0x8a: {  	s1 =	srdreg.scid  }
0x8b: {  	s0 =	sand.u32 $0x1, s1  }
0x8c: {  	s16 =	sshll.u32 s0, $0xA;
	s2 =	sadd.s32 s3, s2  }
0x8d: {  	s2 =	sadd.s32 s2, s16  }
0x8e: {  	[smem:$0x3FBF] =	sst s2  }
0x8f: {  	_ = 	snop  }
0x90: {  	(tm) =	ssettm $0x1  }
0x91: {  	s17 =	sld [smem:$0x3FFB];
	_ =	sdelay $0x3  }
0x92: {  	_ =	strace s17  }
0x93: {  	s2 =	sld [smem:$0x3FFC];
	_ =	sdelay $0x3  }
0x94: {  	_ =	strace s2  }
0x95: {  	s2 =	sld [smem:$0x3FFD];
	_ =	sdelay $0x3  }
0x96: {  	_ =	strace s2  }
0x97: {  	_ =	strace $0x8FFFFFFF  }
0x98: {  	s18 =	sld [smem:$0x3FDB];
	_ =	sdelay $0x1  }
0x99: {  	s19 =	simm.s32 $_scs_section_size  }
0x9a: {  	s4 =	simm.s32 $_size__tile_overlayer_lowered;
	s5 =	simm.s32 $_tile_overlayer_lowered  }
0x9b: {  	s22 =	simm.s32 $0x1BFF;
	s21 =	sshll.u32 s5, $0x1;
	s2 =	sadd.s32 s19, s18  }
0x9c: {  	s6 =	simm.s32 $0x0;
	s20 =	sshll.u32 s4, $0x1;
	s4 =	sadd.s32 s21, s2  }
0x9d: {  	[timem:s6], [sflag:s22] =	dma.local [hbm:s4], s20  }
0x9e: {  	_ =	swait.ge [sflag:s22], s20  }
0x9f: {  	s3 =	ssub.s32 $0x0, s20;
	[sflag:s22] =	ssyncset.done $0x0  }
0xa0: {  	[sflag:s22] =	ssyncadd.s32 s3;
	_ =	sdelay $0x1  }
0xa1: {  	s23 =	simm.s32 $0x1B8B  }
0xa2: {  	_ =	swait.ge [sflag:s23], $0x1  }
0xa3: {  	[sflag:s23] =	ssyncset.done $0x0  }
0xa4: {  	s25 =	simm.s32 $0x1B8E;
	s24 =	sld [smem:$0x3FFE];
	[sflag:s23] =	ssyncadd.s32 $0xFFFFFFFF  }
0xa5: {  	s26 =	simm.s32 $execute0_lowered;
	[smem:$0x3FD2] =	sst s25  }
0xa6: {  	s4 =	sshll.u32 s26, $0x1;
	_ =	strace $0x80000049;
	[dreg:$0x1] =	wrdreg $0xFFFFFFFF  }
0xa7: {  	s28 =	simm.s32 $_size_execute0_lowered;
	s2 =	sadd.s32 s2, s4;
	[dreg:$0x0] =	wrdreg $0x0  }
0xa8: {  	s4 =	sshll.u32 s28, $0x1;
	[dreg:$0x2] =	wrdreg s2  }
0xa9: {  	[dreg:$0x3] =	wrdreg s4  }
0xaa: {  	[dreg:$0x4] =	wrdreg $0xC0  }
0xab: {  	_ =	task [dreg:s6], $0x5FFFF  }
0xac: {  	[dreg:$0x1] =	wrdreg $0xFFFFFFFF  }
0xad: {  	[dreg:$0x0] =	wrdreg $0x60  }
0xae: {  	[dreg:$0x2] =	wrdreg s24  }
0xaf: {  	[dreg:$0x3] =	wrdreg $0x9  }
0xb0: {  	_ =	task.clear_ibuf [dreg:s6], $0x4FFFF;
	_ =	strace $0x90000049  }
0xb1: {  	s29 =	simm.s32 $0x9;
	_ =	strace $0x8000004B  }
0xb2: {  	_ =	swait.ge [sflag:s29], $0x1  }
0xb3: {  	[sflag:s29] =	ssyncadd.s32 $0xFFFFFFFF  }
0xb4: {  	_ =	strace $0x9000004B  }
0xb5: {  	_ =	sfence  }
0xb6: {  	s30 =	sld [smem:$0x0];
	_ =	sdelay $0x2  }
0xb7: {  	s31 =	sshll.u32 s1, $0xD;
	s1 =	sshrl.u32 s1, $0x2  }
0xb8: {  	s3 =	sand.u32 $0x4000, s31;
	s1 =	sadd.s32 s1, s30  }
0xb9: {  	s0 =	sor.u32 s3, s0;
	s1 =	sshll.u32 s1, $0x11  }
0xba: {  	s0 =	sor.u32 s1, s0  }
0xbb: {  	s0 =	sadd.s32 $0x8F2B, s0  }
0xbc: {  	[sflag:s0] =	ssyncadd.remote.s32 $0x1  }
0xbd: {  	_ =	sfence.sel $0xFFFF  }
0xbe: {  	[dreg:$0x0] =	wrdreg $0xFFFFFFFF;
	(pc) =	sbr.abs _section_cstart, $3  }
0xbf: {  	[dreg:$0x1] =	wrdreg $0xFFFFFFFF  }
0xc0: {  	_ =	task.clear_ibuf [dreg:s6], $0x2FFFF;
	_ =	strace $0x9FFFFFFF  }
0xc1: {  	(tm) =	ssettm $0x7FFFFFFF  }
tec
execute0_lowered:
.L_overlay_start_1:
0x0: {  	(tag) =	ssettag $0x1  }
0x1: {  	s0 =	rddreg [dreg:$0x0]  }
0x2: {  	s1 =	srdreg.scid;
	s3 =	stileid.u32  }
0x3: {  	s2 =	simm.s32 $0x0;
	s26 =	simm.s32 $0x80;
	s30 =	simm.s32 $0x8100  }
0x4: {  	s28 =	simm.s32 $0x3;
	s29 =	simm.s32 $0x2;
	s31 =	simm.s32 $0x4  }
0x5: {  	s1 =	sand.u32 $0x1, s1;
	s3 =	sshll.u32 s3, $0x7;
	[smem:$0x7FF] =	sst s2  }
0x6: {  	s6 =	sadd.s32 $0x2C1000, s0;
	s10 =	sadd.s32 $0x341000, s0;
	s4 =	sshll.u32 s1, $0x6  }
0x7: {  	_ =	strace $0x8000004A;
	s1 =	ssub.s32 $0x2, s1;
	[dreg:$0xc] =	wrdreg s26  }
0x8: {  	s26 =	simm.s32 $0x1;
	s4 =	sor.u32 s4, s3;
	s8 =	sshrl.u32 s1, $0x1  }
0x9: {  	s3 =	sshrl.u32 s4, $0x3;
	s1 =	ssub.s32 s1, s8;
	s17 =	sshll.u32 s4, $0x8  }
0xa: {  	s4 =	sadd.s32 $0x10D00, s0;
	s8 =	sadd.s32 $0x11100, s0;
	s18 =	sadd.s32 s6, s17  }
0xb: {  	s5 =	sadd.s32 s3, s0;
	s22 =	sadd.s32 s10, s17;
	[dreg:$0x4] =	wrdreg s18  }
0xc: {  	s3 =	sadd.s32 $0x10C00, s0;
	s7 =	sadd.s32 $0x10800, s5;
	[dreg:$0x8] =	wrdreg s22  }
0xd: {  	s19 =	sor.u32 $0x1000, s17;
	s5 =	sadd.s32 $0x10A00, s5;
	[dreg:$0x2] =	wrdreg s7  }
0xe: {  	s9 =	sor.u32 $0x2000, s17;
	s20 =	sadd.s32 s6, s19;
	[dreg:$0x3] =	wrdreg s5  }
0xf: {  	s12 =	sor.u32 $0x3000, s17;
	s11 =	sadd.s32 s6, s9;
	[dreg:$0x5] =	wrdreg s20  }
0x10: {  	s21 =	sadd.s32 s6, s12;
	s6 =	sadd.s32 $0x10F00, s0;
	[dreg:$0x6] =	wrdreg s11  }
0x11: {  	s23 =	sadd.s32 s10, s19;
	s24 =	sadd.s32 s10, s9;
	[dreg:$0x7] =	wrdreg s21  }
0x12: {  	v2 =	vlaneseq.u32;
	s9 =	sadd.s32 $0x11200, s0;
	s25 =	sadd.s32 s10, s12;
	[dreg:$0x9] =	wrdreg s23  }
0x13: {  	vm0 =	vmmov $0xffff;
	v1 =	vshrl.u32 v2, $0x3;
	s10 =	sadd.s32 $0x11300, s0;
	s5 =	sadd.s32 $0x10E00, s0;
	[dreg:$0xa] =	wrdreg s24  }
0x14: {  	v0 =	vand.u32 $0x7, v2;
	v2 =	vor.u32 $0x8, v2;
	v1 =	vmul.u32 $0x8, v1;
	s7 =	sadd.s32 $0x11000, s0;
	[dreg:$0xb] =	wrdreg s25;
	s11 =	smax.u32 s1, $0x1  }
.LBB2_1:
0x15: {  	s0 =	rddreg [dreg:$0x2];
	s12 =	simm.s32 $0x5  }
0x16: {  	[tilespmem:s2], [sflag:$0x5] =	stream.linear.gather [hbm4b:s0+s2], $0x40, $0x38;
	[tilespmem:$0x10100] =	vst v63  }
0x17: {  	_ =	swait.ge [sflag:s12], $0x40  }
0x18: {  	s24 =	rddreg [dreg:$0x3];
	[sflag:s12] =	ssyncset.done $0x0  }
0x19: {  	s1 =	rddreg [dreg:$0xc];
	[sflag:s12] =	ssyncadd.s32 $0xFFFFFFC0  }
0x1a: {  	[tilespmem:s1], [sflag:$0x5] =	stream.linear.gather [hbm4b:s24+s2], $0x40, $0x38;
	[tilespmem:$0x10100] =	vst v63  }
0x1b: {  	_ =	swait.ge [sflag:s12], $0x40  }
0x1c: {  	[sflag:s12] =	ssyncset.done $0x0  }
0x1d: {  	[sflag:s12] =	ssyncadd.s32 $0xFFFFFFC0  }
0x1e: {  	v3 =	vld [tilespmem:$0x0];
	_ =	sdelay $0x4  }
0x1f: {  	v4 =	vshll.u32 v3, $0x4  }
0x20: {  	v3 =	vand.u32 $0x7, v3;
	v4 =	vand.u32 $0xFFFFFF80, v4  }
0x21: {  	v3 =	vor.u32 v3, v4  }
0x22: {  	v4 =	vperm.xlane v3, v0;
	_ =	sdelay $0x1  }
0x23: {  	v4 =	vadd.s32 v1, v4;
	_ =	sdelay $0x3  }
0x24: {  	s1 =	simm.s32 $0x100  }
0x25: {  	[tilespmem:s1], [sflag:$0x1] =	stream.indirect_vreg.gather [hbm4b:s3+s2], $0x80, v4, vm0, $0xb8;
	[tilespmem:$0x10100] =	vst v63  }
0x26: {  	s25 =	simm.s32 $0x900  }
0x27: {  	[tilespmem:s25], [sflag:$0x1] =	stream.indirect_vreg.gather [hbm4b:s4+s2], $0x80, v4, vm0, $0xb8;
	[tilespmem:$0x10100] =	vst v63  }
0x28: {  	s12 =	simm.s32 $0x1100  }
0x29: {  	[tilespmem:s12], [sflag:$0x1] =	stream.indirect_vreg.gather [hbm4b:s5+s2], $0x80, v4, vm0, $0xb8;
	[tilespmem:$0x10100] =	vst v63  }
0x2a: {  	s13 =	simm.s32 $0x1900  }
0x2b: {  	[tilespmem:s13], [sflag:$0x1] =	stream.indirect_vreg.gather [hbm4b:s6+s2], $0x80, v4, vm0, $0xb8;
	[tilespmem:$0x10100] =	vst v63  }
0x2c: {  	s14 =	simm.s32 $0x2100  }
0x2d: {  	[tilespmem:s14], [sflag:$0x1] =	stream.indirect_vreg.gather [hbm4b:s7+s2], $0x80, v4, vm0, $0xb8;
	[tilespmem:$0x10100] =	vst v63  }
0x2e: {  	s17 =	simm.s32 $0x2900;
	v3 =	vperm.xlane v3, v2  }
0x2f: {  	[tilespmem:s17], [sflag:$0x1] =	stream.indirect_vreg.gather [hbm4b:s8+s2], $0x80, v4, vm0, $0xb8;
	[tilespmem:$0x10100] =	vst v63  }
0x30: {  	s19 =	simm.s32 $0x3100;
	v3 =	vadd.s32 v1, v3  }
0x31: {  	[tilespmem:s19], [sflag:$0x1] =	stream.indirect_vreg.gather [hbm4b:s9+s2], $0x80, v4, vm0, $0xb8;
	[tilespmem:$0x10100] =	vst v63  }
0x32: {  	s20 =	simm.s32 $0x3900  }
0x33: {  	[tilespmem:s20], [sflag:$0x1] =	stream.indirect_vreg.gather [hbm4b:s10+s2], $0x80, v4, vm0, $0xb8;
	[tilespmem:$0x10100] =	vst v63  }
0x34: {  	s21 =	simm.s32 $0x4100  }
0x35: {  	[tilespmem:s21], [sflag:$0x1] =	stream.indirect_vreg.gather [hbm4b:s3+s2], $0x80, v3, vm0, $0xb8;
	[tilespmem:$0x10100] =	vst v63  }
0x36: {  	s22 =	simm.s32 $0x4900  }
0x37: {  	[tilespmem:s22], [sflag:$0x1] =	stream.indirect_vreg.gather [hbm4b:s4+s2], $0x80, v3, vm0, $0xb8;
	[tilespmem:$0x10100] =	vst v63  }
0x38: {  	s23 =	simm.s32 $0x5100  }
0x39: {  	[tilespmem:s23], [sflag:$0x1] =	stream.indirect_vreg.gather [hbm4b:s5+s2], $0x80, v3, vm0, $0xb8;
	[tilespmem:$0x10100] =	vst v63  }
0x3a: {  	s24 =	simm.s32 $0x5900  }
0x3b: {  	[tilespmem:s24], [sflag:$0x1] =	stream.indirect_vreg.gather [hbm4b:s6+s2], $0x80, v3, vm0, $0xb8;
	[tilespmem:$0x10100] =	vst v63  }
0x3c: {  	s25 =	simm.s32 $0x6100  }
0x3d: {  	[tilespmem:s25], [sflag:$0x1] =	stream.indirect_vreg.gather [hbm4b:s7+s2], $0x80, v3, vm0, $0xb8;
	[tilespmem:$0x10100] =	vst v63  }
0x3e: {  	s12 =	simm.s32 $0x6900  }
0x3f: {  	[tilespmem:s12], [sflag:$0x1] =	stream.indirect_vreg.gather [hbm4b:s8+s2], $0x80, v3, vm0, $0xb8;
	[tilespmem:$0x10100] =	vst v63  }
0x40: {  	s17 =	simm.s32 $0x7100  }
0x41: {  	[tilespmem:s17], [sflag:$0x1] =	stream.indirect_vreg.gather [hbm4b:s9+s2], $0x80, v3, vm0, $0xb8;
	[tilespmem:$0x10100] =	vst v63  }
0x42: {  	s12 =	simm.s32 $0x7900  }
0x43: {  	[tilespmem:s12], [sflag:$0x1] =	stream.indirect_vreg.gather [hbm4b:s10+s2], $0x80, v3, vm0, $0xb8;
	[tilespmem:$0x10100] =	vst v63  }
0x44: {  	v3 =	vld [tilespmem:$0x10];
	_ =	sdelay $0x4  }
0x45: {  	v57 =	vshll.u32 v3, $0x4  }
0x46: {  	v3 =	vand.u32 $0x7, v3;
	v4 =	vand.u32 $0xFFFFFF80, v57  }
0x47: {  	v3 =	vor.u32 v3, v4  }
0x48: {  	v4 =	vperm.xlane v3, v0;
	_ =	sdelay $0x1  }
0x49: {  	v4 =	vadd.s32 v1, v4;
	_ =	sdelay $0x4  }
0x4a: {  	[tilespmem:s30], [sflag:$0x2] =	stream.indirect_vreg.gather [hbm4b:s3+s2], $0x80, v4, vm0, $0xb8;
	[tilespmem:$0x10100] =	vst v63  }
0x4b: {  	s0 =	simm.s32 $0x8900  }
0x4c: {  	[tilespmem:s0], [sflag:$0x2] =	stream.indirect_vreg.gather [hbm4b:s4+s2], $0x80, v4, vm0, $0xb8;
	[tilespmem:$0x10100] =	vst v63  }
0x4d: {  	s0 =	simm.s32 $0x9100  }
0x4e: {  	[tilespmem:s0], [sflag:$0x2] =	stream.indirect_vreg.gather [hbm4b:s5+s2], $0x80, v4, vm0, $0xb8;
	[tilespmem:$0x10100] =	vst v63  }
0x4f: {  	s0 =	simm.s32 $0x9900  }
0x50: {  	[tilespmem:s0], [sflag:$0x2] =	stream.indirect_vreg.gather [hbm4b:s6+s2], $0x80, v4, vm0, $0xb8;
	[tilespmem:$0x10100] =	vst v63  }
0x51: {  	s0 =	simm.s32 $0xA100  }
0x52: {  	[tilespmem:s0], [sflag:$0x2] =	stream.indirect_vreg.gather [hbm4b:s7+s2], $0x80, v4, vm0, $0xb8;
	[tilespmem:$0x10100] =	vst v63  }
0x53: {  	v3 =	vperm.xlane v3, v2;
	s0 =	simm.s32 $0xA900  }
0x54: {  	[tilespmem:s0], [sflag:$0x2] =	stream.indirect_vreg.gather [hbm4b:s8+s2], $0x80, v4, vm0, $0xb8;
	[tilespmem:$0x10100] =	vst v63  }
0x55: {  	v3 =	vadd.s32 v1, v3;
	s0 =	simm.s32 $0xB100  }
0x56: {  	[tilespmem:s0], [sflag:$0x2] =	stream.indirect_vreg.gather [hbm4b:s9+s2], $0x80, v4, vm0, $0xb8;
	[tilespmem:$0x10100] =	vst v63  }
0x57: {  	s0 =	simm.s32 $0xB900  }
0x58: {  	[tilespmem:s0], [sflag:$0x2] =	stream.indirect_vreg.gather [hbm4b:s10+s2], $0x80, v4, vm0, $0xb8;
	[tilespmem:$0x10100] =	vst v63  }
0x59: {  	s0 =	simm.s32 $0xC100  }
0x5a: {  	[tilespmem:s0], [sflag:$0x2] =	stream.indirect_vreg.gather [hbm4b:s3+s2], $0x80, v3, vm0, $0xb8;
	[tilespmem:$0x10100] =	vst v63  }
0x5b: {  	s0 =	simm.s32 $0xC900  }
0x5c: {  	[tilespmem:s0], [sflag:$0x2] =	stream.indirect_vreg.gather [hbm4b:s4+s2], $0x80, v3, vm0, $0xb8;
	[tilespmem:$0x10100] =	vst v63  }
0x5d: {  	s0 =	simm.s32 $0xD100  }
0x5e: {  	[tilespmem:s0], [sflag:$0x2] =	stream.indirect_vreg.gather [hbm4b:s5+s2], $0x80, v3, vm0, $0xb8;
	[tilespmem:$0x10100] =	vst v63  }
0x5f: {  	s0 =	simm.s32 $0xD900  }
0x60: {  	[tilespmem:s0], [sflag:$0x2] =	stream.indirect_vreg.gather [hbm4b:s6+s2], $0x80, v3, vm0, $0xb8;
	[tilespmem:$0x10100] =	vst v63  }
0x61: {  	s0 =	simm.s32 $0xE100  }
0x62: {  	[tilespmem:s0], [sflag:$0x2] =	stream.indirect_vreg.gather [hbm4b:s7+s2], $0x80, v3, vm0, $0xb8;
	[tilespmem:$0x10100] =	vst v63  }
0x63: {  	s0 =	simm.s32 $0xE900  }
0x64: {  	[tilespmem:s0], [sflag:$0x2] =	stream.indirect_vreg.gather [hbm4b:s8+s2], $0x80, v3, vm0, $0xb8;
	[tilespmem:$0x10100] =	vst v63  }
0x65: {  	s0 =	simm.s32 $0xF100  }
0x66: {  	[tilespmem:s0], [sflag:$0x2] =	stream.indirect_vreg.gather [hbm4b:s9+s2], $0x80, v3, vm0, $0xb8;
	[tilespmem:$0x10100] =	vst v63  }
0x67: {  	s0 =	simm.s32 $0xF900  }
0x68: {  	[tilespmem:s0], [sflag:$0x2] =	stream.indirect_vreg.gather [hbm4b:s10+s2], $0x80, v3, vm0, $0xb8;
	[tilespmem:$0x10100] =	vst v63  }
0x69: {  	_ =	swait.ge [sflag:s26], $0x8000  }
0x6a: {  	[sflag:s26] =	ssyncset.done $0x0  }
0x6b: {  	s0 =	rddreg [dreg:$0x4];
	[sflag:s26] =	ssyncadd.s32 $0xFFFF8000  }
0x6c: {  	[hbm4b:s0+s2] =	stream.linear.scatter [tilespmem:s1], [sflag:$0x3], $0x8000, $0x38;
	[tilespmem:$0x10100] =	vst v63  }
0x6d: {  	_ =	swait.ge [sflag:s28], $0x8000  }
0x6e: {  	[sflag:s28] =	ssyncset.done $0x0  }
0x6f: {  	[sflag:s28] =	ssyncadd.s32 $0xFFFF8000  }
0x70: {  	v3 =	vld [tilespmem:$0x20];
	_ =	sdelay $0x4  }
0x71: {  	v58 =	vshll.u32 v3, $0x4  }
0x72: {  	v3 =	vand.u32 $0x7, v3;
	v4 =	vand.u32 $0xFFFFFF80, v58  }
0x73: {  	v3 =	vor.u32 v3, v4  }
0x74: {  	v4 =	vperm.xlane v3, v0;
	_ =	sdelay $0x1  }
0x75: {  	v4 =	vadd.s32 v1, v4;
	_ =	sdelay $0x4  }
0x76: {  	[tilespmem:s1], [sflag:$0x1] =	stream.indirect_vreg.gather [hbm4b:s3+s2], $0x80, v4, vm0, $0xb8;
	[tilespmem:$0x10100] =	vst v63  }
0x77: {  	s18 =	simm.s32 $0x900  }
0x78: {  	[tilespmem:s18], [sflag:$0x1] =	stream.indirect_vreg.gather [hbm4b:s4+s2], $0x80, v4, vm0, $0xb8;
	[tilespmem:$0x10100] =	vst v63  }
0x79: {  	s15 =	simm.s32 $0x1100  }
0x7a: {  	[tilespmem:s15], [sflag:$0x1] =	stream.indirect_vreg.gather [hbm4b:s5+s2], $0x80, v4, vm0, $0xb8;
	[tilespmem:$0x10100] =	vst v63  }
0x7b: {  	s16 =	simm.s32 $0x1900  }
0x7c: {  	[tilespmem:s16], [sflag:$0x1] =	stream.indirect_vreg.gather [hbm4b:s6+s2], $0x80, v4, vm0, $0xb8;
	[tilespmem:$0x10100] =	vst v63  }
0x7d: {  	s13 =	simm.s32 $0x2100  }
0x7e: {  	[tilespmem:s13], [sflag:$0x1] =	stream.indirect_vreg.gather [hbm4b:s7+s2], $0x80, v4, vm0, $0xb8;
	[tilespmem:$0x10100] =	vst v63  }
0x7f: {  	s14 =	simm.s32 $0x2900;
	v3 =	vperm.xlane v3, v2  }
0x80: {  	[tilespmem:s14], [sflag:$0x1] =	stream.indirect_vreg.gather [hbm4b:s8+s2], $0x80, v4, vm0, $0xb8;
	[tilespmem:$0x10100] =	vst v63  }
0x81: {  	s19 =	simm.s32 $0x3100;
	v3 =	vadd.s32 v1, v3  }
0x82: {  	[tilespmem:s19], [sflag:$0x1] =	stream.indirect_vreg.gather [hbm4b:s9+s2], $0x80, v4, vm0, $0xb8;
	[tilespmem:$0x10100] =	vst v63  }
0x83: {  	s20 =	simm.s32 $0x3900  }
0x84: {  	[tilespmem:s20], [sflag:$0x1] =	stream.indirect_vreg.gather [hbm4b:s10+s2], $0x80, v4, vm0, $0xb8;
	[tilespmem:$0x10100] =	vst v63  }
0x85: {  	s21 =	simm.s32 $0x4100  }
0x86: {  	[tilespmem:s21], [sflag:$0x1] =	stream.indirect_vreg.gather [hbm4b:s3+s2], $0x80, v3, vm0, $0xb8;
	[tilespmem:$0x10100] =	vst v63  }
0x87: {  	s22 =	simm.s32 $0x4900  }
0x88: {  	[tilespmem:s22], [sflag:$0x1] =	stream.indirect_vreg.gather [hbm4b:s4+s2], $0x80, v3, vm0, $0xb8;
	[tilespmem:$0x10100] =	vst v63  }
0x89: {  	s23 =	simm.s32 $0x5100  }
0x8a: {  	[tilespmem:s23], [sflag:$0x1] =	stream.indirect_vreg.gather [hbm4b:s5+s2], $0x80, v3, vm0, $0xb8;
	[tilespmem:$0x10100] =	vst v63  }
0x8b: {  	s24 =	simm.s32 $0x5900  }
0x8c: {  	[tilespmem:s24], [sflag:$0x1] =	stream.indirect_vreg.gather [hbm4b:s6+s2], $0x80, v3, vm0, $0xb8;
	[tilespmem:$0x10100] =	vst v63  }
0x8d: {  	s25 =	simm.s32 $0x6100  }
0x8e: {  	[tilespmem:s25], [sflag:$0x1] =	stream.indirect_vreg.gather [hbm4b:s7+s2], $0x80, v3, vm0, $0xb8;
	[tilespmem:$0x10100] =	vst v63  }
0x8f: {  	s19 =	simm.s32 $0x6900  }
0x90: {  	[tilespmem:s19], [sflag:$0x1] =	stream.indirect_vreg.gather [hbm4b:s8+s2], $0x80, v3, vm0, $0xb8;
	[tilespmem:$0x10100] =	vst v63  }
0x91: {  	s17 =	simm.s32 $0x7100  }
0x92: {  	[tilespmem:s17], [sflag:$0x1] =	stream.indirect_vreg.gather [hbm4b:s9+s2], $0x80, v3, vm0, $0xb8;
	[tilespmem:$0x10100] =	vst v63  }
0x93: {  	s12 =	simm.s32 $0x7900  }
0x94: {  	[tilespmem:s12], [sflag:$0x1] =	stream.indirect_vreg.gather [hbm4b:s10+s2], $0x80, v3, vm0, $0xb8;
	[tilespmem:$0x10100] =	vst v63  }
0x95: {  	_ =	swait.ge [sflag:s29], $0x8000  }
0x96: {  	[sflag:s29] =	ssyncset.done $0x0  }
0x97: {  	s20 =	rddreg [dreg:$0x5];
	[sflag:s29] =	ssyncadd.s32 $0xFFFF8000  }
0x98: {  	[hbm4b:s20+s2] =	stream.linear.scatter [tilespmem:s30], [sflag:$0x4], $0x8000, $0x38;
	[tilespmem:$0x10100] =	vst v63  }
0x99: {  	_ =	swait.ge [sflag:s31], $0x8000  }
0x9a: {  	[sflag:s31] =	ssyncset.done $0x0  }
0x9b: {  	[sflag:s31] =	ssyncadd.s32 $0xFFFF8000  }
0x9c: {  	v3 =	vld [tilespmem:$0x30];
	_ =	sdelay $0x4  }
0x9d: {  	v59 =	vshll.u32 v3, $0x4  }
0x9e: {  	v3 =	vand.u32 $0x7, v3;
	v4 =	vand.u32 $0xFFFFFF80, v59  }
0x9f: {  	v3 =	vor.u32 v3, v4  }
0xa0: {  	v4 =	vperm.xlane v3, v0;
	_ =	sdelay $0x1  }
0xa1: {  	v4 =	vadd.s32 v1, v4;
	_ =	sdelay $0x4  }
0xa2: {  	[tilespmem:s30], [sflag:$0x2] =	stream.indirect_vreg.gather [hbm4b:s3+s2], $0x80, v4, vm0, $0xb8;
	[tilespmem:$0x10100] =	vst v63  }
0xa3: {  	s21 =	simm.s32 $0x8900  }
0xa4: {  	[tilespmem:s21], [sflag:$0x2] =	stream.indirect_vreg.gather [hbm4b:s4+s2], $0x80, v4, vm0, $0xb8;
	[tilespmem:$0x10100] =	vst v63  }
0xa5: {  	s22 =	simm.s32 $0x9100  }
0xa6: {  	[tilespmem:s22], [sflag:$0x2] =	stream.indirect_vreg.gather [hbm4b:s5+s2], $0x80, v4, vm0, $0xb8;
	[tilespmem:$0x10100] =	vst v63  }
0xa7: {  	s23 =	simm.s32 $0x9900  }
0xa8: {  	[tilespmem:s23], [sflag:$0x2] =	stream.indirect_vreg.gather [hbm4b:s6+s2], $0x80, v4, vm0, $0xb8;
	[tilespmem:$0x10100] =	vst v63  }
0xa9: {  	s24 =	simm.s32 $0xA100  }
0xaa: {  	[tilespmem:s24], [sflag:$0x2] =	stream.indirect_vreg.gather [hbm4b:s7+s2], $0x80, v4, vm0, $0xb8;
	[tilespmem:$0x10100] =	vst v63  }
0xab: {  	s25 =	simm.s32 $0xA900;
	v3 =	vperm.xlane v3, v2  }
0xac: {  	[tilespmem:s25], [sflag:$0x2] =	stream.indirect_vreg.gather [hbm4b:s8+s2], $0x80, v4, vm0, $0xb8;
	[tilespmem:$0x10100] =	vst v63  }
0xad: {  	s12 =	simm.s32 $0xB100;
	v3 =	vadd.s32 v1, v3  }
0xae: {  	[tilespmem:s12], [sflag:$0x2] =	stream.indirect_vreg.gather [hbm4b:s9+s2], $0x80, v4, vm0, $0xb8;
	[tilespmem:$0x10100] =	vst v63  }
0xaf: {  	s14 =	simm.s32 $0xB900  }
0xb0: {  	[tilespmem:s14], [sflag:$0x2] =	stream.indirect_vreg.gather [hbm4b:s10+s2], $0x80, v4, vm0, $0xb8;
	[tilespmem:$0x10100] =	vst v63  }
0xb1: {  	s15 =	simm.s32 $0xC100  }
0xb2: {  	[tilespmem:s15], [sflag:$0x2] =	stream.indirect_vreg.gather [hbm4b:s3+s2], $0x80, v3, vm0, $0xb8;
	[tilespmem:$0x10100] =	vst v63  }
0xb3: {  	s16 =	simm.s32 $0xC900  }
0xb4: {  	[tilespmem:s16], [sflag:$0x2] =	stream.indirect_vreg.gather [hbm4b:s4+s2], $0x80, v3, vm0, $0xb8;
	[tilespmem:$0x10100] =	vst v63  }
0xb5: {  	s17 =	simm.s32 $0xD100  }
0xb6: {  	[tilespmem:s17], [sflag:$0x2] =	stream.indirect_vreg.gather [hbm4b:s5+s2], $0x80, v3, vm0, $0xb8;
	[tilespmem:$0x10100] =	vst v63  }
0xb7: {  	s19 =	simm.s32 $0xD900  }
0xb8: {  	[tilespmem:s19], [sflag:$0x2] =	stream.indirect_vreg.gather [hbm4b:s6+s2], $0x80, v3, vm0, $0xb8;
	[tilespmem:$0x10100] =	vst v63  }
0xb9: {  	s20 =	simm.s32 $0xE100  }
0xba: {  	[tilespmem:s20], [sflag:$0x2] =	stream.indirect_vreg.gather [hbm4b:s7+s2], $0x80, v3, vm0, $0xb8;
	[tilespmem:$0x10100] =	vst v63  }
0xbb: {  	s21 =	simm.s32 $0xE900  }
0xbc: {  	[tilespmem:s21], [sflag:$0x2] =	stream.indirect_vreg.gather [hbm4b:s8+s2], $0x80, v3, vm0, $0xb8;
	[tilespmem:$0x10100] =	vst v63  }
0xbd: {  	s22 =	simm.s32 $0xF100  }
0xbe: {  	[tilespmem:s22], [sflag:$0x2] =	stream.indirect_vreg.gather [hbm4b:s9+s2], $0x80, v3, vm0, $0xb8;
	[tilespmem:$0x10100] =	vst v63  }
0xbf: {  	s25 =	simm.s32 $0xF900  }
0xc0: {  	[tilespmem:s25], [sflag:$0x2] =	stream.indirect_vreg.gather [hbm4b:s10+s2], $0x80, v3, vm0, $0xb8;
	[tilespmem:$0x10100] =	vst v63  }
0xc1: {  	_ =	swait.ge [sflag:s26], $0x8000  }
0xc2: {  	[sflag:s26] =	ssyncset.done $0x0  }
0xc3: {  	s0 =	rddreg [dreg:$0x6];
	[sflag:s26] =	ssyncadd.s32 $0xFFFF8000  }
0xc4: {  	[hbm4b:s0+s2] =	stream.linear.scatter [tilespmem:s1], [sflag:$0x3], $0x8000, $0x38;
	[tilespmem:$0x10100] =	vst v63  }
0xc5: {  	_ =	swait.ge [sflag:s28], $0x8000  }
0xc6: {  	[sflag:s28] =	ssyncset.done $0x0  }
0xc7: {  	[sflag:s28] =	ssyncadd.s32 $0xFFFF8000  }
0xc8: {  	v3 =	vld [tilespmem:$0x80];
	_ =	sdelay $0x4  }
0xc9: {  	v60 =	vshll.u32 v3, $0x4  }
0xca: {  	v3 =	vand.u32 $0x7, v3;
	v4 =	vand.u32 $0xFFFFFF80, v60  }
0xcb: {  	v3 =	vor.u32 v3, v4  }
0xcc: {  	v4 =	vperm.xlane v3, v0;
	_ =	sdelay $0x1  }
0xcd: {  	v4 =	vadd.s32 v1, v4;
	_ =	sdelay $0x4  }
0xce: {  	[tilespmem:s1], [sflag:$0x1] =	stream.indirect_vreg.gather [hbm4b:s3+s2], $0x80, v4, vm0, $0xb8;
	[tilespmem:$0x10100] =	vst v63  }
0xcf: {  	s0 =	simm.s32 $0x900  }
0xd0: {  	[tilespmem:s0], [sflag:$0x1] =	stream.indirect_vreg.gather [hbm4b:s4+s2], $0x80, v4, vm0, $0xb8;
	[tilespmem:$0x10100] =	vst v63  }
0xd1: {  	s0 =	simm.s32 $0x1100  }
0xd2: {  	[tilespmem:s0], [sflag:$0x1] =	stream.indirect_vreg.gather [hbm4b:s5+s2], $0x80, v4, vm0, $0xb8;
	[tilespmem:$0x10100] =	vst v63  }
0xd3: {  	s0 =	simm.s32 $0x1900  }
0xd4: {  	[tilespmem:s0], [sflag:$0x1] =	stream.indirect_vreg.gather [hbm4b:s6+s2], $0x80, v4, vm0, $0xb8;
	[tilespmem:$0x10100] =	vst v63  }
0xd5: {  	s0 =	simm.s32 $0x2100  }
0xd6: {  	[tilespmem:s0], [sflag:$0x1] =	stream.indirect_vreg.gather [hbm4b:s7+s2], $0x80, v4, vm0, $0xb8;
	[tilespmem:$0x10100] =	vst v63  }
0xd7: {  	v3 =	vperm.xlane v3, v2;
	s0 =	simm.s32 $0x2900  }
0xd8: {  	[tilespmem:s0], [sflag:$0x1] =	stream.indirect_vreg.gather [hbm4b:s8+s2], $0x80, v4, vm0, $0xb8;
	[tilespmem:$0x10100] =	vst v63  }
0xd9: {  	v3 =	vadd.s32 v1, v3;
	s0 =	simm.s32 $0x3100  }
0xda: {  	[tilespmem:s0], [sflag:$0x1] =	stream.indirect_vreg.gather [hbm4b:s9+s2], $0x80, v4, vm0, $0xb8;
	[tilespmem:$0x10100] =	vst v63  }
0xdb: {  	s0 =	simm.s32 $0x3900  }
0xdc: {  	[tilespmem:s0], [sflag:$0x1] =	stream.indirect_vreg.gather [hbm4b:s10+s2], $0x80, v4, vm0, $0xb8;
	[tilespmem:$0x10100] =	vst v63  }
0xdd: {  	s0 =	simm.s32 $0x4100  }
0xde: {  	[tilespmem:s0], [sflag:$0x1] =	stream.indirect_vreg.gather [hbm4b:s3+s2], $0x80, v3, vm0, $0xb8;
	[tilespmem:$0x10100] =	vst v63  }
0xdf: {  	s0 =	simm.s32 $0x4900  }
0xe0: {  	[tilespmem:s0], [sflag:$0x1] =	stream.indirect_vreg.gather [hbm4b:s4+s2], $0x80, v3, vm0, $0xb8;
	[tilespmem:$0x10100] =	vst v63  }
0xe1: {  	s0 =	simm.s32 $0x5100  }
0xe2: {  	[tilespmem:s0], [sflag:$0x1] =	stream.indirect_vreg.gather [hbm4b:s5+s2], $0x80, v3, vm0, $0xb8;
	[tilespmem:$0x10100] =	vst v63  }
0xe3: {  	s0 =	simm.s32 $0x5900  }
0xe4: {  	[tilespmem:s0], [sflag:$0x1] =	stream.indirect_vreg.gather [hbm4b:s6+s2], $0x80, v3, vm0, $0xb8;
	[tilespmem:$0x10100] =	vst v63  }
0xe5: {  	s0 =	simm.s32 $0x6100  }
0xe6: {  	[tilespmem:s0], [sflag:$0x1] =	stream.indirect_vreg.gather [hbm4b:s7+s2], $0x80, v3, vm0, $0xb8;
	[tilespmem:$0x10100] =	vst v63  }
0xe7: {  	s0 =	simm.s32 $0x6900  }
0xe8: {  	[tilespmem:s0], [sflag:$0x1] =	stream.indirect_vreg.gather [hbm4b:s8+s2], $0x80, v3, vm0, $0xb8;
	[tilespmem:$0x10100] =	vst v63  }
0xe9: {  	s0 =	simm.s32 $0x7100  }
0xea: {  	[tilespmem:s0], [sflag:$0x1] =	stream.indirect_vreg.gather [hbm4b:s9+s2], $0x80, v3, vm0, $0xb8;
	[tilespmem:$0x10100] =	vst v63  }
0xeb: {  	s0 =	simm.s32 $0x7900  }
0xec: {  	[tilespmem:s0], [sflag:$0x1] =	stream.indirect_vreg.gather [hbm4b:s10+s2], $0x80, v3, vm0, $0xb8;
	[tilespmem:$0x10100] =	vst v63  }
0xed: {  	_ =	swait.ge [sflag:s29], $0x8000  }
0xee: {  	[sflag:s29] =	ssyncset.done $0x0  }
0xef: {  	s0 =	rddreg [dreg:$0x7];
	[sflag:s29] =	ssyncadd.s32 $0xFFFF8000  }
0xf0: {  	[hbm4b:s0+s2] =	stream.linear.scatter [tilespmem:s30], [sflag:$0x4], $0x8000, $0x38;
	[tilespmem:$0x10100] =	vst v63  }
0xf1: {  	_ =	swait.ge [sflag:s31], $0x8000  }
0xf2: {  	[sflag:s31] =	ssyncset.done $0x0  }
0xf3: {  	[sflag:s31] =	ssyncadd.s32 $0xFFFF8000  }
0xf4: {  	v3 =	vld [tilespmem:$0x90];
	_ =	sdelay $0x4  }
0xf5: {  	v61 =	vshll.u32 v3, $0x4  }
0xf6: {  	v3 =	vand.u32 $0x7, v3;
	v4 =	vand.u32 $0xFFFFFF80, v61  }
0xf7: {  	v3 =	vor.u32 v3, v4  }
0xf8: {  	v4 =	vperm.xlane v3, v0;
	_ =	sdelay $0x1  }
0xf9: {  	v4 =	vadd.s32 v1, v4;
	_ =	sdelay $0x4  }
0xfa: {  	[tilespmem:s30], [sflag:$0x2] =	stream.indirect_vreg.gather [hbm4b:s3+s2], $0x80, v4, vm0, $0xb8;
	[tilespmem:$0x10100] =	vst v63  }
0xfb: {  	s13 =	simm.s32 $0x8900  }
0xfc: {  	[tilespmem:s13], [sflag:$0x2] =	stream.indirect_vreg.gather [hbm4b:s4+s2], $0x80, v4, vm0, $0xb8;
	[tilespmem:$0x10100] =	vst v63  }
0xfd: {  	s18 =	simm.s32 $0x9100  }
0xfe: {  	[tilespmem:s18], [sflag:$0x2] =	stream.indirect_vreg.gather [hbm4b:s5+s2], $0x80, v4, vm0, $0xb8;
	[tilespmem:$0x10100] =	vst v63  }
0xff: {  	s0 =	simm.s32 $0x9900  }
0x100: {  	[tilespmem:s0], [sflag:$0x2] =	stream.indirect_vreg.gather [hbm4b:s6+s2], $0x80, v4, vm0, $0xb8;
	[tilespmem:$0x10100] =	vst v63  }
0x101: {  	s23 =	simm.s32 $0xA100  }
0x102: {  	[tilespmem:s23], [sflag:$0x2] =	stream.indirect_vreg.gather [hbm4b:s7+s2], $0x80, v4, vm0, $0xb8;
	[tilespmem:$0x10100] =	vst v63  }
0x103: {  	s24 =	simm.s32 $0xA900;
	v3 =	vperm.xlane v3, v2  }
0x104: {  	[tilespmem:s24], [sflag:$0x2] =	stream.indirect_vreg.gather [hbm4b:s8+s2], $0x80, v4, vm0, $0xb8;
	[tilespmem:$0x10100] =	vst v63  }
0x105: {  	s12 =	simm.s32 $0xB100;
	v3 =	vadd.s32 v1, v3  }
0x106: {  	[tilespmem:s12], [sflag:$0x2] =	stream.indirect_vreg.gather [hbm4b:s9+s2], $0x80, v4, vm0, $0xb8;
	[tilespmem:$0x10100] =	vst v63  }
0x107: {  	s14 =	simm.s32 $0xB900  }
0x108: {  	[tilespmem:s14], [sflag:$0x2] =	stream.indirect_vreg.gather [hbm4b:s10+s2], $0x80, v4, vm0, $0xb8;
	[tilespmem:$0x10100] =	vst v63  }
0x109: {  	s15 =	simm.s32 $0xC100  }
0x10a: {  	[tilespmem:s15], [sflag:$0x2] =	stream.indirect_vreg.gather [hbm4b:s3+s2], $0x80, v3, vm0, $0xb8;
	[tilespmem:$0x10100] =	vst v63  }
0x10b: {  	s16 =	simm.s32 $0xC900  }
0x10c: {  	[tilespmem:s16], [sflag:$0x2] =	stream.indirect_vreg.gather [hbm4b:s4+s2], $0x80, v3, vm0, $0xb8;
	[tilespmem:$0x10100] =	vst v63  }
0x10d: {  	s17 =	simm.s32 $0xD100  }
0x10e: {  	[tilespmem:s17], [sflag:$0x2] =	stream.indirect_vreg.gather [hbm4b:s5+s2], $0x80, v3, vm0, $0xb8;
	[tilespmem:$0x10100] =	vst v63  }
0x10f: {  	s19 =	simm.s32 $0xD900  }
0x110: {  	[tilespmem:s19], [sflag:$0x2] =	stream.indirect_vreg.gather [hbm4b:s6+s2], $0x80, v3, vm0, $0xb8;
	[tilespmem:$0x10100] =	vst v63  }
0x111: {  	s20 =	simm.s32 $0xE100  }
0x112: {  	[tilespmem:s20], [sflag:$0x2] =	stream.indirect_vreg.gather [hbm4b:s7+s2], $0x80, v3, vm0, $0xb8;
	[tilespmem:$0x10100] =	vst v63  }
0x113: {  	s21 =	simm.s32 $0xE900  }
0x114: {  	[tilespmem:s21], [sflag:$0x2] =	stream.indirect_vreg.gather [hbm4b:s8+s2], $0x80, v3, vm0, $0xb8;
	[tilespmem:$0x10100] =	vst v63  }
0x115: {  	s22 =	simm.s32 $0xF100  }
0x116: {  	[tilespmem:s22], [sflag:$0x2] =	stream.indirect_vreg.gather [hbm4b:s9+s2], $0x80, v3, vm0, $0xb8;
	[tilespmem:$0x10100] =	vst v63  }
0x117: {  	s25 =	simm.s32 $0xF900  }
0x118: {  	[tilespmem:s25], [sflag:$0x2] =	stream.indirect_vreg.gather [hbm4b:s10+s2], $0x80, v3, vm0, $0xb8;
	[tilespmem:$0x10100] =	vst v63  }
0x119: {  	_ =	swait.ge [sflag:s26], $0x8000  }
0x11a: {  	[sflag:s26] =	ssyncset.done $0x0  }
0x11b: {  	s0 =	rddreg [dreg:$0x8];
	[sflag:s26] =	ssyncadd.s32 $0xFFFF8000  }
0x11c: {  	[hbm4b:s0+s2] =	stream.linear.scatter [tilespmem:s1], [sflag:$0x3], $0x8000, $0x38;
	[tilespmem:$0x10100] =	vst v63  }
0x11d: {  	_ =	swait.ge [sflag:s28], $0x8000  }
0x11e: {  	[sflag:s28] =	ssyncset.done $0x0  }
0x11f: {  	[sflag:s28] =	ssyncadd.s32 $0xFFFF8000  }
0x120: {  	v3 =	vld [tilespmem:$0xA0];
	_ =	sdelay $0x4  }
0x121: {  	v62 =	vshll.u32 v3, $0x4  }
0x122: {  	v3 =	vand.u32 $0x7, v3;
	v4 =	vand.u32 $0xFFFFFF80, v62  }
0x123: {  	v3 =	vor.u32 v3, v4  }
0x124: {  	v4 =	vperm.xlane v3, v0;
	_ =	sdelay $0x1  }
0x125: {  	v4 =	vadd.s32 v1, v4;
	_ =	sdelay $0x4  }
0x126: {  	[tilespmem:s1], [sflag:$0x1] =	stream.indirect_vreg.gather [hbm4b:s3+s2], $0x80, v4, vm0, $0xb8;
	[tilespmem:$0x10100] =	vst v63  }
0x127: {  	s0 =	simm.s32 $0x900  }
0x128: {  	[tilespmem:s0], [sflag:$0x1] =	stream.indirect_vreg.gather [hbm4b:s4+s2], $0x80, v4, vm0, $0xb8;
	[tilespmem:$0x10100] =	vst v63  }
0x129: {  	s0 =	simm.s32 $0x1100  }
0x12a: {  	[tilespmem:s0], [sflag:$0x1] =	stream.indirect_vreg.gather [hbm4b:s5+s2], $0x80, v4, vm0, $0xb8;
	[tilespmem:$0x10100] =	vst v63  }
0x12b: {  	s0 =	simm.s32 $0x1900  }
0x12c: {  	[tilespmem:s0], [sflag:$0x1] =	stream.indirect_vreg.gather [hbm4b:s6+s2], $0x80, v4, vm0, $0xb8;
	[tilespmem:$0x10100] =	vst v63  }
0x12d: {  	s0 =	simm.s32 $0x2100  }
0x12e: {  	[tilespmem:s0], [sflag:$0x1] =	stream.indirect_vreg.gather [hbm4b:s7+s2], $0x80, v4, vm0, $0xb8;
	[tilespmem:$0x10100] =	vst v63  }
0x12f: {  	v3 =	vperm.xlane v3, v2;
	s0 =	simm.s32 $0x2900  }
0x130: {  	[tilespmem:s0], [sflag:$0x1] =	stream.indirect_vreg.gather [hbm4b:s8+s2], $0x80, v4, vm0, $0xb8;
	[tilespmem:$0x10100] =	vst v63  }
0x131: {  	v3 =	vadd.s32 v1, v3;
	s0 =	simm.s32 $0x3100  }
0x132: {  	[tilespmem:s0], [sflag:$0x1] =	stream.indirect_vreg.gather [hbm4b:s9+s2], $0x80, v4, vm0, $0xb8;
	[tilespmem:$0x10100] =	vst v63  }
0x133: {  	s0 =	simm.s32 $0x3900  }
0x134: {  	[tilespmem:s0], [sflag:$0x1] =	stream.indirect_vreg.gather [hbm4b:s10+s2], $0x80, v4, vm0, $0xb8;
	[tilespmem:$0x10100] =	vst v63  }
0x135: {  	s0 =	simm.s32 $0x4100  }
0x136: {  	[tilespmem:s0], [sflag:$0x1] =	stream.indirect_vreg.gather [hbm4b:s3+s2], $0x80, v3, vm0, $0xb8;
	[tilespmem:$0x10100] =	vst v63  }
0x137: {  	s0 =	simm.s32 $0x4900  }
0x138: {  	[tilespmem:s0], [sflag:$0x1] =	stream.indirect_vreg.gather [hbm4b:s4+s2], $0x80, v3, vm0, $0xb8;
	[tilespmem:$0x10100] =	vst v63  }
0x139: {  	s0 =	simm.s32 $0x5100  }
0x13a: {  	[tilespmem:s0], [sflag:$0x1] =	stream.indirect_vreg.gather [hbm4b:s5+s2], $0x80, v3, vm0, $0xb8;
	[tilespmem:$0x10100] =	vst v63  }
0x13b: {  	s0 =	simm.s32 $0x5900  }
0x13c: {  	[tilespmem:s0], [sflag:$0x1] =	stream.indirect_vreg.gather [hbm4b:s6+s2], $0x80, v3, vm0, $0xb8;
	[tilespmem:$0x10100] =	vst v63  }
0x13d: {  	s0 =	simm.s32 $0x6100  }
0x13e: {  	[tilespmem:s0], [sflag:$0x1] =	stream.indirect_vreg.gather [hbm4b:s7+s2], $0x80, v3, vm0, $0xb8;
	[tilespmem:$0x10100] =	vst v63  }
0x13f: {  	s0 =	simm.s32 $0x6900  }
0x140: {  	[tilespmem:s0], [sflag:$0x1] =	stream.indirect_vreg.gather [hbm4b:s8+s2], $0x80, v3, vm0, $0xb8;
	[tilespmem:$0x10100] =	vst v63  }
0x141: {  	s0 =	simm.s32 $0x7100  }
0x142: {  	[tilespmem:s0], [sflag:$0x1] =	stream.indirect_vreg.gather [hbm4b:s9+s2], $0x80, v3, vm0, $0xb8;
	[tilespmem:$0x10100] =	vst v63  }
0x143: {  	s0 =	simm.s32 $0x7900  }
0x144: {  	[tilespmem:s0], [sflag:$0x1] =	stream.indirect_vreg.gather [hbm4b:s10+s2], $0x80, v3, vm0, $0xb8;
	[tilespmem:$0x10100] =	vst v63  }
0x145: {  	_ =	swait.ge [sflag:s29], $0x8000  }
0x146: {  	[sflag:s29] =	ssyncset.done $0x0  }
0x147: {  	s0 =	rddreg [dreg:$0x9];
	[sflag:s29] =	ssyncadd.s32 $0xFFFF8000  }
0x148: {  	[hbm4b:s0+s2] =	stream.linear.scatter [tilespmem:s30], [sflag:$0x4], $0x8000, $0x38;
	[tilespmem:$0x10100] =	vst v63  }
0x149: {  	_ =	swait.ge [sflag:s31], $0x8000  }
0x14a: {  	[sflag:s31] =	ssyncset.done $0x0  }
0x14b: {  	[sflag:s31] =	ssyncadd.s32 $0xFFFF8000  }
0x14c: {  	v3 =	vld [tilespmem:$0xB0];
	_ =	sdelay $0x4  }
0x14d: {  	v63 =	vshll.u32 v3, $0x4  }
0x14e: {  	v3 =	vand.u32 $0x7, v3;
	v4 =	vand.u32 $0xFFFFFF80, v63  }
0x14f: {  	v3 =	vor.u32 v3, v4  }
0x150: {  	v4 =	vperm.xlane v3, v0;
	_ =	sdelay $0x1  }
0x151: {  	v4 =	vadd.s32 v1, v4;
	_ =	sdelay $0x4  }
0x152: {  	[tilespmem:s30], [sflag:$0x2] =	stream.indirect_vreg.gather [hbm4b:s3+s2], $0x80, v4, vm0, $0xb8;
	[tilespmem:$0x10100] =	vst v63  }
0x153: {  	s13 =	simm.s32 $0x8900  }
0x154: {  	[tilespmem:s13], [sflag:$0x2] =	stream.indirect_vreg.gather [hbm4b:s4+s2], $0x80, v4, vm0, $0xb8;
	[tilespmem:$0x10100] =	vst v63  }
0x155: {  	s18 =	simm.s32 $0x9100  }
0x156: {  	[tilespmem:s18], [sflag:$0x2] =	stream.indirect_vreg.gather [hbm4b:s5+s2], $0x80, v4, vm0, $0xb8;
	[tilespmem:$0x10100] =	vst v63  }
0x157: {  	s18 =	simm.s32 $0x9900  }
0x158: {  	[tilespmem:s18], [sflag:$0x2] =	stream.indirect_vreg.gather [hbm4b:s6+s2], $0x80, v4, vm0, $0xb8;
	[tilespmem:$0x10100] =	vst v63  }
0x159: {  	s23 =	simm.s32 $0xA100  }
0x15a: {  	[tilespmem:s23], [sflag:$0x2] =	stream.indirect_vreg.gather [hbm4b:s7+s2], $0x80, v4, vm0, $0xb8;
	[tilespmem:$0x10100] =	vst v63  }
0x15b: {  	s24 =	simm.s32 $0xA900;
	v3 =	vperm.xlane v3, v2  }
0x15c: {  	[tilespmem:s24], [sflag:$0x2] =	stream.indirect_vreg.gather [hbm4b:s8+s2], $0x80, v4, vm0, $0xb8;
	[tilespmem:$0x10100] =	vst v63  }
0x15d: {  	s12 =	simm.s32 $0xB100;
	v3 =	vadd.s32 v1, v3  }
0x15e: {  	[tilespmem:s12], [sflag:$0x2] =	stream.indirect_vreg.gather [hbm4b:s9+s2], $0x80, v4, vm0, $0xb8;
	[tilespmem:$0x10100] =	vst v63  }
0x15f: {  	s14 =	simm.s32 $0xB900  }
0x160: {  	[tilespmem:s14], [sflag:$0x2] =	stream.indirect_vreg.gather [hbm4b:s10+s2], $0x80, v4, vm0, $0xb8;
	[tilespmem:$0x10100] =	vst v63  }
0x161: {  	s15 =	simm.s32 $0xC100  }
0x162: {  	[tilespmem:s15], [sflag:$0x2] =	stream.indirect_vreg.gather [hbm4b:s3+s2], $0x80, v3, vm0, $0xb8;
	[tilespmem:$0x10100] =	vst v63  }
0x163: {  	s16 =	simm.s32 $0xC900  }
0x164: {  	[tilespmem:s16], [sflag:$0x2] =	stream.indirect_vreg.gather [hbm4b:s4+s2], $0x80, v3, vm0, $0xb8;
	[tilespmem:$0x10100] =	vst v63  }
0x165: {  	s17 =	simm.s32 $0xD100  }
0x166: {  	[tilespmem:s17], [sflag:$0x2] =	stream.indirect_vreg.gather [hbm4b:s5+s2], $0x80, v3, vm0, $0xb8;
	[tilespmem:$0x10100] =	vst v63  }
0x167: {  	s19 =	simm.s32 $0xD900  }
0x168: {  	[tilespmem:s19], [sflag:$0x2] =	stream.indirect_vreg.gather [hbm4b:s6+s2], $0x80, v3, vm0, $0xb8;
	[tilespmem:$0x10100] =	vst v63  }
0x169: {  	s20 =	simm.s32 $0xE100  }
0x16a: {  	[tilespmem:s20], [sflag:$0x2] =	stream.indirect_vreg.gather [hbm4b:s7+s2], $0x80, v3, vm0, $0xb8;
	[tilespmem:$0x10100] =	vst v63  }
0x16b: {  	s21 =	simm.s32 $0xE900  }
0x16c: {  	[tilespmem:s21], [sflag:$0x2] =	stream.indirect_vreg.gather [hbm4b:s8+s2], $0x80, v3, vm0, $0xb8;
	[tilespmem:$0x10100] =	vst v63  }
0x16d: {  	s22 =	simm.s32 $0xF100  }
0x16e: {  	[tilespmem:s22], [sflag:$0x2] =	stream.indirect_vreg.gather [hbm4b:s9+s2], $0x80, v3, vm0, $0xb8;
	[tilespmem:$0x10100] =	vst v63  }
0x16f: {  	s25 =	simm.s32 $0xF900  }
0x170: {  	[tilespmem:s25], [sflag:$0x2] =	stream.indirect_vreg.gather [hbm4b:s10+s2], $0x80, v3, vm0, $0xb8;
	[tilespmem:$0x10100] =	vst v63  }
0x171: {  	_ =	swait.ge [sflag:s26], $0x8000  }
0x172: {  	[sflag:s26] =	ssyncset.done $0x0  }
0x173: {  	s24 =	rddreg [dreg:$0xa];
	[sflag:s26] =	ssyncadd.s32 $0xFFFF8000  }
0x174: {  	[hbm4b:s24+s2] =	stream.linear.scatter [tilespmem:s1], [sflag:$0x3], $0x8000, $0x38;
	[tilespmem:$0x10100] =	vst v63  }
0x175: {  	_ =	swait.ge [sflag:s28], $0x8000  }
0x176: {  	[sflag:s28] =	ssyncset.done $0x0  }
0x177: {  	[sflag:s28] =	ssyncadd.s32 $0xFFFF8000  }
0x178: {  	_ =	swait.ge [sflag:s29], $0x8000  }
0x179: {  	p0 =	sne.s32 s11, $0x1;
	[sflag:s29] =	ssyncset.done $0x0  }
.Ltmp0:
0x17a: {  	s25 =	rddreg [dreg:$0xb];
	[sflag:s29] =	ssyncadd.s32 $0xFFFF8000;
	(pc) =	sbr.rel @p0 .LBB2_1-.Ltmp0, $4  }
0x17b: {  	[hbm4b:s25+s2] =	stream.linear.scatter [tilespmem:s30], [sflag:$0x4], $0x8000, $0x38;
	[tilespmem:$0x10100] =	vst v63  }
0x17c: {  	_ =	swait.ge [sflag:s31], $0x8000  }
0x17d: {  	[sflag:s31] =	ssyncset.done $0x0  }
0x17e: {  	s11 =	sadd.s32 $0xFFFFFFFF, s11;
	[sflag:s31] =	ssyncadd.s32 $0xFFFF8000  }
0x17f: {  	_ =	sfence.sel $0x180000  }
0x180: {  	[bflag:$0x0] =	sbarrier.arrive $0xFFFF  }
0x181: {  	_ =	strace $0x9000004A  }
0x182: {  	s0 =	stileid.u32;
	[bflag:$0x2] =	sbarrier.arrive $0xFFFF  }
0x183: {  	p0 =	sne.s32 s0, $0x0;
	s0 =	rddreg [dreg:$0x1]  }
0x184: {  	s0 =	sadd.s32 @!p0 $0x100000, s0  }
0x185: {  	[sflag:s0] =	ssyncadd.tile.s32 @!p0 $0x1;
	_ =	shalt  }
.Lfunc_end2:
_tile_overlayer_lowered:
.L_overlay_start_2:
0x186: {  	(tag) =	ssettag $0x2  }
0x187: {  	s0 =	rddreg [dreg:$0x0];
	s2 =	stileid.u32  }
0x188: {  	s1 =	rddreg [dreg:$0x1];
	p0 =	sne.s32 s2, $0x0  }
0x189: {  	s3 =	rddreg [dreg:$0x2];
	[bflag:$0x3] =	sbarrier.arrive $0xFFFF;
	s2 =	simm.s32 @!p0 $0x1C05  }
0x18a: {  	[timem:s3], [sflag:s2] =	dma.local @!p0 [hbm:s0], s1  }
0x18b: {  	s0 =	simm.s32 @!p0 $0x5  }
0x18c: {  	_ =	swait.ge @!p0 [sflag:s0], s1  }
0x18d: {  	s1 =	ssub.s32 @!p0 $0x0, s1;
	[sflag:s0] =	ssyncset.done @!p0 $0x0  }
0x18e: {  	[sflag:s0] =	ssyncadd.s32 @!p0 s1  }
0x18f: {  	[bflag:$0x3] =	sbarrier.arrive $0xFFFF  }
0x190: {  	_ =	shalt  }

</sc_bundles>
